<compile_context>
chip_gen: v7x
topology: tpu7x:2x2x1
jax: 0.10.2.dev20260603
libtpu: 0.0.44.dev20260713+nightly
codegen_flags: <defaults>
</compile_context>

<pallas_src>
import functools

import jax
import jax.numpy as jnp
from jax import lax
from jax.experimental import pallas as pl
from jax.experimental.pallas import tpu as pltpu
from jax.experimental.pallas import tpu_sc as plsc

D = 32
L = 16
TW = 128
DH = D // 2


@functools.lru_cache(maxsize=None)
def _build(B):
    info = plsc.get_sparse_core_info()
    NC, NS = info.num_cores, info.num_subcores
    NW = NC * NS
    bpw = B // NW
    NG = bpw // L

    mesh = plsc.VectorSubcoreMesh(core_axis_name="c", subcore_axis_name="s")

    @functools.partial(
        pl.kernel,
        mesh=mesh,
        out_type=jax.ShapeDtypeStruct((NC, B), jnp.float32),
        compiler_params=pltpu.CompilerParams(
            needs_layout_passes=False, disable_bounds_checks=True),
        scratch_types=[
            pltpu.VMEM((bpw,), jnp.int32),
            pltpu.VMEM((bpw,), jnp.int32),
            pltpu.VMEM((NG, L), jnp.int32),
            pltpu.VMEM((L, DH, TW), jnp.float32),
            pltpu.VMEM((L, D, TW), jnp.float32),
            pltpu.VMEM((D, L), jnp.float32),
            pltpu.VMEM((D,), jnp.float32),
            pltpu.VMEM((L,), jnp.float32),
            pltpu.VMEM((L,), jnp.float32),
            pltpu.VMEM((B // NS,), jnp.float32),
            pltpu.VMEM_SHARED((B,), jnp.float32),
            pltpu.SemaphoreType.DMA,
            pltpu.SemaphoreType.DMA,
        ],
    )
    def sc_kernel(uidx_h, iidx_h, perm_h, utabT_h, itabT_h, w_h, b_h, out_h,
                  uixv, iixv, rowv, ublk, iblk, stage, wv, bv, accv, winv,
                  slab, semu, semi):
        cid = lax.axis_index("c")
        sid = lax.axis_index("s")
        wid = sid * NC + cid
        base = wid * bpw
        win = B // NS

        pltpu.sync_copy(uidx_h.at[pl.ds(base, bpw)], uixv)
        pltpu.sync_copy(iidx_h.at[pl.ds(base, bpw)], iixv)
        pltpu.sync_copy(perm_h.at[wid], rowv)
        pltpu.sync_copy(w_h, wv)
        pltpu.sync_copy(b_h, bv)

        def zfill(k, carry):
            winv[pl.ds(k * L, L)] = jnp.zeros((L,), jnp.float32)
            return carry
        lax.fori_loop(0, win // L, zfill, 0)
        pltpu.sync_copy(winv, slab.at[pl.ds(sid * win, win)])
        plsc.subcore_barrier()

        w_lo = wv[pl.ds(0, L)]
        w_hi = wv[pl.ds(L, L)]
        bvec = bv[...]
        lane = lax.iota(jnp.int32, L)
        zero = jnp.zeros((), jnp.int32)

        def user_slots(g):
            uvec = uixv[pl.ds(g * L, L)]
            cs = uvec & -TW
            uph = uvec & (TW - 1)
            slots = jnp.zeros((L,), jnp.int32)
            isnew = jnp.zeros((L,), jnp.int32)
            slot = zero
            nfetch = zero
            for j in range(L):
                if j == 0:
                    is_new = jnp.bool_(True)
                else:
                    is_new = cs[j] != cs[j - 1]
                slot = jnp.where(is_new, nfetch, slot)
                nfetch = nfetch + jnp.where(is_new, 1, 0)
                isnew = jnp.where(lane == j, jnp.where(is_new, 1, 0), isnew)
                slots = jnp.where(lane == j, slot, slots)
            return cs, uph, slots, isnew, nfetch

        def issue_user(cs, slots, isnew, h, cond):
            for j in range(L):
                off = pl.multiple_of(cs[j], TW)

                @pl.when((isnew[j] == 1) & cond)
                def _(off=off, j=j):
                    pltpu.async_copy(
                        utabT_h.at[pl.ds(h * DH, DH), pl.ds(off, TW)],
                        ublk.at[slots[j]], semu)

        def wait_user(nfetch):
            def wait_one(k, carry):
                pltpu.make_async_copy(
                    utabT_h.at[pl.ds(0, DH), pl.ds(0, TW)],
                    ublk.at[0], semu).wait()
                return carry
            lax.fori_loop(0, nfetch, wait_one, 0)

        true_ = jnp.bool_(True)

        def group(g, carry):
            ucs, uph, slots, isnew, nfetch = carry

            ivec = iixv[pl.ds(g * L, L)]
            ics = ivec & -TW
            for j in range(L):
                off = pl.multiple_of(ics[j], TW)
                pltpu.async_copy(
                    itabT_h.at[:, pl.ds(off, TW)], iblk.at[j], semi)

            for h in range(2):
                if h == 1:
                    issue_user(ucs, slots, isnew, 1, true_)
                wait_user(nfetch)
                for d in range(DH):
                    dv = jnp.full((L,), d, dtype=jnp.int32)
                    w_d = w_lo[d] if h == 0 else w_hi[d]
                    stage[h * DH + d, :] = (
                        plsc.load_gather(ublk, [slots, dv, uph]) * w_d)

            gn = jnp.minimum(g + 1, NG - 1)
            nxt = user_slots(gn)
            issue_user(nxt[0], nxt[2], nxt[3], 0, g + 1 < NG)

            for j in range(L):
                pltpu.make_async_copy(
                    itabT_h.at[:, pl.ds(0, TW)], iblk.at[j], semi).wait()

            iph = ivec & (TW - 1)
            acc = bvec
            for d in range(D):
                dv = jnp.full((L,), d, dtype=jnp.int32)
                acc = acc + stage[d, :] * plsc.load_gather(iblk, [lane, dv, iph])
            accv[...] = acc
            pltpu.sync_copy(accv, slab.at[rowv.at[g]])
            return nxt

        first = user_slots(0)
        issue_user(first[0], first[2], first[3], 0, true_)
        lax.fori_loop(0, NG, group, first)

        plsc.subcore_barrier()
        pltpu.sync_copy(slab.at[pl.ds(sid * win, win)],
                        out_h.at[cid, pl.ds(sid * win, win)])

    return sc_kernel


def kernel(user_idx, item_idx, user_table, item_table, W, b):
    B = user_idx.shape[0]
    info = plsc.get_sparse_core_info()
    NW = info.num_cores * info.num_subcores
    rows = lax.iota(jnp.int32, B)
    su, perm = lax.sort_key_val(user_idx, rows)
    si = jnp.take(item_idx, perm)
    out2 = _build(B)(
        su, si, perm.reshape(NW, (B // NW) // L, L), user_table.T,
        item_table.T, W.reshape(-1), jnp.broadcast_to(b, (L,)))
    return out2.sum(axis=0)

# --- scband reference (transcript-rebuilt; emitter-appended) ---
"""Pipeline reference for scband-module-72954314490462 (READ-ONLY COPY).

The authoritative reference and input builder live on the scoring server;
editing this copy changes nothing except your own understanding.
"""

import jax, jax.numpy as jnp
import numpy as np

N_USERS = 1000000
N_ITEMS = 1000000
D = 32
B = 16384


def setup_inputs(seed: int = 0) -> dict:
    key = jax.random.key(seed)
    k0, k1, k2, k3, k4 = jax.random.split(key, 5)
    user_idx = jax.random.randint(k0, (B,), 0, N_USERS, dtype=jnp.int32)
    item_idx = jax.random.randint(k1, (B,), 0, N_ITEMS, dtype=jnp.int32)
    # embedding tables with an extra padding row (index N_USERS / N_ITEMS), zeroed like nn.Embedding padding_idx
    user_table = jax.random.normal(k2, (N_USERS + 1, D), dtype=jnp.float32)
    user_table = user_table.at[N_USERS].set(0.0)
    item_table = jax.random.normal(k3, (N_ITEMS + 1, D), dtype=jnp.float32)
    item_table = item_table.at[N_ITEMS].set(0.0)
    # logit layer: Linear(D -> 1)
    kw, kb = jax.random.split(k4)
    bound = 1.0 / np.sqrt(D)
    W = jax.random.uniform(kw, (1, D), dtype=jnp.float32, minval=-bound, maxval=bound)
    b = jax.random.uniform(kb, (1,), dtype=jnp.float32, minval=-bound, maxval=bound)
    return {"user_idx": user_idx, "item_idx": item_idx, "user_table": user_table, "item_table": item_table, "W": W, "b": b}


def reference(user_idx, item_idx, user_table, item_table, W, b):
    # GMF: gather user/item embeddings, elementwise product, linear to scalar logit
    user_slice = jnp.take(user_table, user_idx, axis=0)  # (B, D)
    item_slice = jnp.take(item_table, item_idx, axis=0)  # (B, D)
    pred_vector = user_slice * item_slice                 # (B, D)
    logit = (pred_vector @ W.T + b).squeeze(-1)           # (B,)
    return logit

if __name__ == "__main__":
    import jax
    _d = setup_inputs()
    print(jax.jit(kernel)(*tuple(_d.values())))

</pallas_src>

<mosaic_0001>
#map = affine_map<(d0, d1) -> (0)>
#map1 = affine_map<(d0, d1) -> (0, 0, 0)>
#map2 = affine_map<(d0, d1) -> (0, 0)>
module attributes {stable_mosaic.version = 14 : i64} {
  func.func @sc_kernel(%arg0: i32, %arg1: i32, %arg2: memref<16384xi32, #tpu.memory_space<hbm>>, %arg3: memref<16384xi32, #tpu.memory_space<hbm>>, %arg4: memref<32x32x16xi32, #tpu.memory_space<hbm>>, %arg5: memref<32x1000001xf32, #tpu.memory_space<hbm>>, %arg6: memref<32x1000001xf32, #tpu.memory_space<hbm>>, %arg7: memref<32xf32, #tpu.memory_space<hbm>>, %arg8: memref<16xf32, #tpu.memory_space<hbm>>, %arg9: memref<2x16384xf32, #tpu.memory_space<hbm>>, %arg10: memref<512xi32, #tpu.memory_space<vmem>>, %arg11: memref<512xi32, #tpu.memory_space<vmem>>, %arg12: memref<32x16xi32, #tpu.memory_space<vmem>>, %arg13: memref<16x16x128xf32, #tpu.memory_space<vmem>>, %arg14: memref<16x32x128xf32, #tpu.memory_space<vmem>>, %arg15: memref<32x16xf32, #tpu.memory_space<vmem>>, %arg16: memref<32xf32, #tpu.memory_space<vmem>>, %arg17: memref<16xf32, #tpu.memory_space<vmem>>, %arg18: memref<16xf32, #tpu.memory_space<vmem>>, %arg19: memref<1024xf32, #tpu.memory_space<vmem>>, %arg20: memref<16384xf32, #tpu.memory_space<vmem_shared>>, %arg21: memref<!tpu.dma_semaphore, #tpu.memory_space<semaphore_mem>>, %arg22: memref<!tpu.dma_semaphore, #tpu.memory_space<semaphore_mem>>) attributes {dimension_semantics = [#tpu.dimension_semantics<core_parallel>, #tpu.dimension_semantics<subcore_parallel>], iteration_bounds = array<i64: 2, 16>, scalar_prefetch = 0 : i64, scratch_operands = 13 : i64, tpu.core_type = #tpu.core_type<sc_vector_subcore>, window_params = [{transform_indices = #map}, {transform_indices = #map}, {transform_indices = #map1}, {transform_indices = #map2}, {transform_indices = #map2}, {transform_indices = #map}, {transform_indices = #map}, {transform_indices = #map2}]} {
    %mul3A = arith.constant 2 : i32
    %mul3A_0 = arith.muli %arg1, %mul3A : i32
    %add3A = arith.addi %mul3A_0, %arg0 : i32
    %mul3A_1 = arith.constant 512 : i32
    %mul3A_2 = arith.muli %add3A, %mul3A_1 : i32
    "tpu.region"() ({
      %run_scoped3A = tpu.sem_alloc : memref<!tpu.dma_semaphore, #tpu.memory_space<semaphore_mem>>
      %dma_start3A = tpu.memref_slice %arg2[%mul3A_2] : memref<16384xi32, #tpu.memory_space<hbm>> -> memref<512xi32, #tpu.memory_space<hbm>>
      %dma_start3A_590 = tpu.memref_slice %arg2[%mul3A_2] : memref<16384xi32, #tpu.memory_space<hbm>> -> memref<512xi32, #tpu.memory_space<hbm>>
      tpu.enqueue_dma source(%dma_start3A_590 : memref<512xi32, #tpu.memory_space<hbm>>) target(%arg10 : memref<512xi32, #tpu.memory_space<vmem>>) target_semaphore(%run_scoped3A : memref<!tpu.dma_semaphore, #tpu.memory_space<semaphore_mem>>)
      %dma_wait3A = tpu.memref_slice %arg2[%mul3A_2] : memref<16384xi32, #tpu.memory_space<hbm>> -> memref<512xi32, #tpu.memory_space<hbm>>
      %dma_wait3A_591 = tpu.memref_slice %arg2[%mul3A_2] : memref<16384xi32, #tpu.memory_space<hbm>> -> memref<512xi32, #tpu.memory_space<hbm>>
      tpu.wait_dma2 semaphore(%run_scoped3A : memref<!tpu.dma_semaphore, #tpu.memory_space<semaphore_mem>>) src(%dma_wait3A_591 : memref<512xi32, #tpu.memory_space<hbm>>) dst(%arg10 : memref<512xi32, #tpu.memory_space<vmem>>)
      tpu.yield
    }) : () -> ()
    "tpu.region"() ({
      %run_scoped3A = tpu.sem_alloc : memref<!tpu.dma_semaphore, #tpu.memory_space<semaphore_mem>>
      %dma_start3A = tpu.memref_slice %arg3[%mul3A_2] : memref<16384xi32, #tpu.memory_space<hbm>> -> memref<512xi32, #tpu.memory_space<hbm>>
      %dma_start3A_590 = tpu.memref_slice %arg3[%mul3A_2] : memref<16384xi32, #tpu.memory_space<hbm>> -> memref<512xi32, #tpu.memory_space<hbm>>
      tpu.enqueue_dma source(%dma_start3A_590 : memref<512xi32, #tpu.memory_space<hbm>>) target(%arg11 : memref<512xi32, #tpu.memory_space<vmem>>) target_semaphore(%run_scoped3A : memref<!tpu.dma_semaphore, #tpu.memory_space<semaphore_mem>>)
      %dma_wait3A = tpu.memref_slice %arg3[%mul3A_2] : memref<16384xi32, #tpu.memory_space<hbm>> -> memref<512xi32, #tpu.memory_space<hbm>>
      %dma_wait3A_591 = tpu.memref_slice %arg3[%mul3A_2] : memref<16384xi32, #tpu.memory_space<hbm>> -> memref<512xi32, #tpu.memory_space<hbm>>
      tpu.wait_dma2 semaphore(%run_scoped3A : memref<!tpu.dma_semaphore, #tpu.memory_space<semaphore_mem>>) src(%dma_wait3A_591 : memref<512xi32, #tpu.memory_space<hbm>>) dst(%arg11 : memref<512xi32, #tpu.memory_space<vmem>>)
      tpu.yield
    }) : () -> ()
    "tpu.region"() ({
      %run_scoped3A = tpu.sem_alloc : memref<!tpu.dma_semaphore, #tpu.memory_space<semaphore_mem>>
      %dma_start3A = arith.constant 0 : i32
      %dma_start3A_590 = arith.constant 0 : i32
      %dma_start3A_591 = tpu.memref_slice %arg4[%add3A, %dma_start3A, %dma_start3A_590] : memref<32x32x16xi32, #tpu.memory_space<hbm>> -> memref<1x32x16xi32, #tpu.memory_space<hbm>>
      %dma_start3A_592 = tpu.memref_squeeze %dma_start3A_591 : memref<1x32x16xi32, #tpu.memory_space<hbm>> -> memref<32x16xi32, #tpu.memory_space<hbm>>
      %dma_start3A_593 = arith.constant 0 : i32
      %dma_start3A_594 = arith.constant 0 : i32
      %dma_start3A_595 = tpu.memref_slice %arg4[%add3A, %dma_start3A_593, %dma_start3A_594] : memref<32x32x16xi32, #tpu.memory_space<hbm>> -> memref<1x32x16xi32, #tpu.memory_space<hbm>>
      %dma_start3A_596 = tpu.memref_squeeze %dma_start3A_595 : memref<1x32x16xi32, #tpu.memory_space<hbm>> -> memref<32x16xi32, #tpu.memory_space<hbm>>
      tpu.enqueue_dma source(%dma_start3A_596 : memref<32x16xi32, #tpu.memory_space<hbm>>) target(%arg12 : memref<32x16xi32, #tpu.memory_space<vmem>>) target_semaphore(%run_scoped3A : memref<!tpu.dma_semaphore, #tpu.memory_space<semaphore_mem>>)
      %dma_wait3A = arith.constant 0 : i32
      %dma_wait3A_597 = arith.constant 0 : i32
      %dma_wait3A_598 = tpu.memref_slice %arg4[%add3A, %dma_wait3A, %dma_wait3A_597] : memref<32x32x16xi32, #tpu.memory_space<hbm>> -> memref<1x32x16xi32, #tpu.memory_space<hbm>>
      %dma_wait3A_599 = tpu.memref_squeeze %dma_wait3A_598 : memref<1x32x16xi32, #tpu.memory_space<hbm>> -> memref<32x16xi32, #tpu.memory_space<hbm>>
      %dma_wait3A_600 = arith.constant 0 : i32
      %dma_wait3A_601 = arith.constant 0 : i32
      %dma_wait3A_602 = tpu.memref_slice %arg4[%add3A, %dma_wait3A_600, %dma_wait3A_601] : memref<32x32x16xi32, #tpu.memory_space<hbm>> -> memref<1x32x16xi32, #tpu.memory_space<hbm>>
      %dma_wait3A_603 = tpu.memref_squeeze %dma_wait3A_602 : memref<1x32x16xi32, #tpu.memory_space<hbm>> -> memref<32x16xi32, #tpu.memory_space<hbm>>
      tpu.wait_dma2 semaphore(%run_scoped3A : memref<!tpu.dma_semaphore, #tpu.memory_space<semaphore_mem>>) src(%dma_wait3A_603 : memref<32x16xi32, #tpu.memory_space<hbm>>) dst(%arg12 : memref<32x16xi32, #tpu.memory_space<vmem>>)
      tpu.yield
    }) : () -> ()
    "tpu.region"() ({
      %run_scoped3A = tpu.sem_alloc : memref<!tpu.dma_semaphore, #tpu.memory_space<semaphore_mem>>
      tpu.enqueue_dma source(%arg7 : memref<32xf32, #tpu.memory_space<hbm>>) target(%arg16 : memref<32xf32, #tpu.memory_space<vmem>>) target_semaphore(%run_scoped3A : memref<!tpu.dma_semaphore, #tpu.memory_space<semaphore_mem>>)
      tpu.wait_dma2 semaphore(%run_scoped3A : memref<!tpu.dma_semaphore, #tpu.memory_space<semaphore_mem>>) src(%arg7 : memref<32xf32, #tpu.memory_space<hbm>>) dst(%arg16 : memref<32xf32, #tpu.memory_space<vmem>>)
      tpu.yield
    }) : () -> ()
    "tpu.region"() ({
      %run_scoped3A = tpu.sem_alloc : memref<!tpu.dma_semaphore, #tpu.memory_space<semaphore_mem>>
      tpu.enqueue_dma source(%arg8 : memref<16xf32, #tpu.memory_space<hbm>>) target(%arg17 : memref<16xf32, #tpu.memory_space<vmem>>) target_semaphore(%run_scoped3A : memref<!tpu.dma_semaphore, #tpu.memory_space<semaphore_mem>>)
      tpu.wait_dma2 semaphore(%run_scoped3A : memref<!tpu.dma_semaphore, #tpu.memory_space<semaphore_mem>>) src(%arg8 : memref<16xf32, #tpu.memory_space<hbm>>) dst(%arg17 : memref<16xf32, #tpu.memory_space<vmem>>)
      tpu.yield
    }) : () -> ()
    %scan3A = arith.constant 0 : i32
    %scan3A_3 = arith.constant 0 : i32
    %scan3A_4 = arith.constant 64 : i32
    %scan3A_5 = arith.addi %scan3A_3, %scan3A_4 : i32
    %scan3A_6 = arith.constant 1 : i32
    scf.for %scan3A_590 = %scan3A_3 to %scan3A_5 step %scan3A_6  : i32 {
      %broadcast_in_dim3A_591 = arith.constant 0.000000e+00 : f32
      %broadcast_in_dim3A_592 = vector.broadcast %broadcast_in_dim3A_591 : f32 to vector<16xf32>
      %mul3A_593 = arith.constant 16 : i32
      %mul3A_594 = arith.muli %scan3A_590, %mul3A_593 : i32
      %swap3A = arith.index_cast %mul3A_594 : i32 to index
      %swap3A_595 = tpu.vector_load %arg19[%swap3A] {strides = array<i32>} : memref<1024xf32, #tpu.memory_space<vmem>>, vector<16xf32>,
      tpu.vector_store %arg19[%swap3A], %broadcast_in_dim3A_592 {strides = array<i32>} : memref<1024xf32, #tpu.memory_space<vmem>>, vector<16xf32>,
    }
    %scan3A_7 = arith.constant 64 : i32
    %mul3A_8 = arith.constant 1024 : i32
    %mul3A_9 = arith.muli %arg1, %mul3A_8 : i32
    "tpu.region"() ({
      %run_scoped3A = tpu.sem_alloc : memref<!tpu.dma_semaphore, #tpu.memory_space<semaphore_mem>>
      %dma_start3A = tpu.memref_slice %arg20[%mul3A_9] : memref<16384xf32, #tpu.memory_space<vmem_shared>> -> memref<1024xf32, #tpu.memory_space<vmem_shared>>
      %dma_start3A_590 = tpu.memref_slice %arg20[%mul3A_9] : memref<16384xf32, #tpu.memory_space<vmem_shared>> -> memref<1024xf32, #tpu.memory_space<vmem_shared>>
      tpu.enqueue_dma source(%arg19 : memref<1024xf32, #tpu.memory_space<vmem>>) target(%dma_start3A_590 : memref<1024xf32, #tpu.memory_space<vmem_shared>>) target_semaphore(%run_scoped3A : memref<!tpu.dma_semaphore, #tpu.memory_space<semaphore_mem>>)
      %dma_wait3A = tpu.memref_slice %arg20[%mul3A_9] : memref<16384xf32, #tpu.memory_space<vmem_shared>> -> memref<1024xf32, #tpu.memory_space<vmem_shared>>
      %dma_wait3A_591 = tpu.memref_slice %arg20[%mul3A_9] : memref<16384xf32, #tpu.memory_space<vmem_shared>> -> memref<1024xf32, #tpu.memory_space<vmem_shared>>
      tpu.wait_dma2 semaphore(%run_scoped3A : memref<!tpu.dma_semaphore, #tpu.memory_space<semaphore_mem>>) src(%arg19 : memref<1024xf32, #tpu.memory_space<vmem>>) dst(%dma_wait3A_591 : memref<1024xf32, #tpu.memory_space<vmem_shared>>)
      tpu.yield
    }) : () -> ()
    %barrier3A = arith.constant 0 : index
    tpu.barrier barrier_id(%barrier3A)
    %get3A = arith.constant 0 : index
    %get3A_10 = tpu.vector_load %arg16[%get3A] {strides = array<i32>} : memref<32xf32, #tpu.memory_space<vmem>>, vector<16xf32>,
    %get3A_11 = arith.constant 16 : index
    %get3A_12 = tpu.vector_load %arg16[%get3A_11] {strides = array<i32>} : memref<32xf32, #tpu.memory_space<vmem>>, vector<16xf32>,
    %get3A_13 = arith.constant 0 : index
    %get3A_14 = tpu.vector_load %arg17[%get3A_13] {strides = array<i32>} : memref<16xf32, #tpu.memory_space<vmem>>, vector<16xf32>,
    %iota3A = tpu.iota {dimensions = array<i32: 0>} : vector<16xi32>
    %get3A_15 = arith.constant 0 : index
    %get3A_16 = tpu.vector_load %arg10[%get3A_15] {strides = array<i32>} : memref<512xi32, #tpu.memory_space<vmem>>, vector<16xi32>,
    %and3A = arith.constant -128 : i32
    %and3A_17 = vector.broadcast %and3A : i32 to vector<16xi32>
    %and3A_18 = arith.andi %get3A_16, %and3A_17 : vector<16xi32>
    %and3A_19 = arith.constant 127 : i32
    %and3A_20 = vector.broadcast %and3A_19 : i32 to vector<16xi32>
    %and3A_21 = arith.andi %get3A_16, %and3A_20 : vector<16xi32>
    %broadcast_in_dim3A = arith.constant 0 : i32
    %broadcast_in_dim3A_22 = vector.broadcast %broadcast_in_dim3A : i32 to vector<16xi32>
    %broadcast_in_dim3A_23 = arith.constant 0 : i32
    %broadcast_in_dim3A_24 = vector.broadcast %broadcast_in_dim3A_23 : i32 to vector<16xi32>
    %jit3A = arith.constant true
    %jit3A_25 = arith.constant 0 : i32
    %jit3A_26 = arith.constant 0 : i32
    %select_n3A = arith.select %jit3A, %jit3A_25, %jit3A_26 : i32
    %jit3A_27 = arith.constant true
    %jit3A_28 = arith.constant 1 : i32
    %jit3A_29 = arith.constant 0 : i32
    %select_n3A_30 = arith.select %jit3A_27, %jit3A_28, %jit3A_29 : i32
    %add3A_31 = arith.constant 0 : i32
    %add3A_32 = arith.addi %add3A_31, %select_n3A_30 : i32
    %eq3A = arith.constant 0 : i32
    %eq3A_33 = vector.broadcast %eq3A : i32 to vector<16xi32>
    %eq3A_34 = arith.cmpi eq, %iota3A, %eq3A_33 : vector<16xi32>
    %jit3A_35 = arith.constant true
    %jit3A_36 = arith.constant 1 : i32
    %jit3A_37 = arith.constant 0 : i32
    %select_n3A_38 = arith.select %jit3A_35, %jit3A_36, %jit3A_37 : i32
    %broadcast_in_dim3A_39 = vector.broadcast %select_n3A_38 : i32 to vector<16xi32>
    %select_n3A_40 = arith.select %eq3A_34, %broadcast_in_dim3A_39, %broadcast_in_dim3A_24 : vector<16xi1>, vector<16xi32>
    %eq3A_41 = arith.constant 0 : i32
    %eq3A_42 = vector.broadcast %eq3A_41 : i32 to vector<16xi32>
    %eq3A_43 = arith.cmpi eq, %iota3A, %eq3A_42 : vector<16xi32>
    %broadcast_in_dim3A_44 = vector.broadcast %select_n3A : i32 to vector<16xi32>
    %select_n3A_45 = arith.select %eq3A_43, %broadcast_in_dim3A_44, %broadcast_in_dim3A_22 : vector<16xi1>, vector<16xi32>
    %slice3A = vector.extract_strided_slice %and3A_18 {offsets = [1], sizes = [1], strides = [1]} : vector<16xi32> to vector<1xi32>
    %squeeze3A = vector.extract %slice3A[0] : i32 from vector<1xi32>
    %slice3A_46 = vector.extract_strided_slice %and3A_18 {offsets = [0], sizes = [1], strides = [1]} : vector<16xi32> to vector<1xi32>
    %squeeze3A_47 = vector.extract %slice3A_46[0] : i32 from vector<1xi32>
    %ne3A = arith.cmpi ne, %squeeze3A, %squeeze3A_47 : i32
    %select_n3A_48 = arith.select %ne3A, %add3A_32, %select_n3A : i32
    %jit3A_49 = arith.constant 1 : i32
    %jit3A_50 = arith.constant 0 : i32
    %select_n3A_51 = arith.select %ne3A, %jit3A_49, %jit3A_50 : i32
    %add3A_52 = arith.addi %add3A_32, %select_n3A_51 : i32
    %eq3A_53 = arith.constant 1 : i32
    %eq3A_54 = vector.broadcast %eq3A_53 : i32 to vector<16xi32>
    %eq3A_55 = arith.cmpi eq, %iota3A, %eq3A_54 : vector<16xi32>
    %jit3A_56 = arith.constant 1 : i32
    %jit3A_57 = arith.constant 0 : i32
    %select_n3A_58 = arith.select %ne3A, %jit3A_56, %jit3A_57 : i32
    %broadcast_in_dim3A_59 = vector.broadcast %select_n3A_58 : i32 to vector<16xi32>
    %select_n3A_60 = arith.select %eq3A_55, %broadcast_in_dim3A_59, %select_n3A_40 : vector<16xi1>, vector<16xi32>
    %eq3A_61 = arith.constant 1 : i32
    %eq3A_62 = vector.broadcast %eq3A_61 : i32 to vector<16xi32>
    %eq3A_63 = arith.cmpi eq, %iota3A, %eq3A_62 : vector<16xi32>
    %broadcast_in_dim3A_64 = vector.broadcast %select_n3A_48 : i32 to vector<16xi32>
    %select_n3A_65 = arith.select %eq3A_63, %broadcast_in_dim3A_64, %select_n3A_45 : vector<16xi1>, vector<16xi32>
    %slice3A_66 = vector.extract_strided_slice %and3A_18 {offsets = [2], sizes = [1], strides = [1]} : vector<16xi32> to vector<1xi32>
    %squeeze3A_67 = vector.extract %slice3A_66[0] : i32 from vector<1xi32>
    %slice3A_68 = vector.extract_strided_slice %and3A_18 {offsets = [1], sizes = [1], strides = [1]} : vector<16xi32> to vector<1xi32>
    %squeeze3A_69 = vector.extract %slice3A_68[0] : i32 from vector<1xi32>
    %ne3A_70 = arith.cmpi ne, %squeeze3A_67, %squeeze3A_69 : i32
    %select_n3A_71 = arith.select %ne3A_70, %add3A_52, %select_n3A_48 : i32
    %jit3A_72 = arith.constant 1 : i32
    %jit3A_73 = arith.constant 0 : i32
    %select_n3A_74 = arith.select %ne3A_70, %jit3A_72, %jit3A_73 : i32
    %add3A_75 = arith.addi %add3A_52, %select_n3A_74 : i32
    %eq3A_76 = arith.constant 2 : i32
    %eq3A_77 = vector.broadcast %eq3A_76 : i32 to vector<16xi32>
    %eq3A_78 = arith.cmpi eq, %iota3A, %eq3A_77 : vector<16xi32>
    %jit3A_79 = arith.constant 1 : i32
    %jit3A_80 = arith.constant 0 : i32
    %select_n3A_81 = arith.select %ne3A_70, %jit3A_79, %jit3A_80 : i32
    %broadcast_in_dim3A_82 = vector.broadcast %select_n3A_81 : i32 to vector<16xi32>
    %select_n3A_83 = arith.select %eq3A_78, %broadcast_in_dim3A_82, %select_n3A_60 : vector<16xi1>, vector<16xi32>
    %eq3A_84 = arith.constant 2 : i32
    %eq3A_85 = vector.broadcast %eq3A_84 : i32 to vector<16xi32>
    %eq3A_86 = arith.cmpi eq, %iota3A, %eq3A_85 : vector<16xi32>
    %broadcast_in_dim3A_87 = vector.broadcast %select_n3A_71 : i32 to vector<16xi32>
    %select_n3A_88 = arith.select %eq3A_86, %broadcast_in_dim3A_87, %select_n3A_65 : vector<16xi1>, vector<16xi32>
    %slice3A_89 = vector.extract_strided_slice %and3A_18 {offsets = [3], sizes = [1], strides = [1]} : vector<16xi32> to vector<1xi32>
    %squeeze3A_90 = vector.extract %slice3A_89[0] : i32 from vector<1xi32>
    %slice3A_91 = vector.extract_strided_slice %and3A_18 {offsets = [2], sizes = [1], strides = [1]} : vector<16xi32> to vector<1xi32>
    %squeeze3A_92 = vector.extract %slice3A_91[0] : i32 from vector<1xi32>
    %ne3A_93 = arith.cmpi ne, %squeeze3A_90, %squeeze3A_92 : i32
    %select_n3A_94 = arith.select %ne3A_93, %add3A_75, %select_n3A_71 : i32
    %jit3A_95 = arith.constant 1 : i32
    %jit3A_96 = arith.constant 0 : i32
    %select_n3A_97 = arith.select %ne3A_93, %jit3A_95, %jit3A_96 : i32
    %add3A_98 = arith.addi %add3A_75, %select_n3A_97 : i32
    %eq3A_99 = arith.constant 3 : i32
    %eq3A_100 = vector.broadcast %eq3A_99 : i32 to vector<16xi32>
    %eq3A_101 = arith.cmpi eq, %iota3A, %eq3A_100 : vector<16xi32>
    %jit3A_102 = arith.constant 1 : i32
    %jit3A_103 = arith.constant 0 : i32
    %select_n3A_104 = arith.select %ne3A_93, %jit3A_102, %jit3A_103 : i32
    %broadcast_in_dim3A_105 = vector.broadcast %select_n3A_104 : i32 to vector<16xi32>
    %select_n3A_106 = arith.select %eq3A_101, %broadcast_in_dim3A_105, %select_n3A_83 : vector<16xi1>, vector<16xi32>
    %eq3A_107 = arith.constant 3 : i32
    %eq3A_108 = vector.broadcast %eq3A_107 : i32 to vector<16xi32>
    %eq3A_109 = arith.cmpi eq, %iota3A, %eq3A_108 : vector<16xi32>
    %broadcast_in_dim3A_110 = vector.broadcast %select_n3A_94 : i32 to vector<16xi32>
    %select_n3A_111 = arith.select %eq3A_109, %broadcast_in_dim3A_110, %select_n3A_88 : vector<16xi1>, vector<16xi32>
    %slice3A_112 = vector.extract_strided_slice %and3A_18 {offsets = [4], sizes = [1], strides = [1]} : vector<16xi32> to vector<1xi32>
    %squeeze3A_113 = vector.extract %slice3A_112[0] : i32 from vector<1xi32>
    %slice3A_114 = vector.extract_strided_slice %and3A_18 {offsets = [3], sizes = [1], strides = [1]} : vector<16xi32> to vector<1xi32>
    %squeeze3A_115 = vector.extract %slice3A_114[0] : i32 from vector<1xi32>
    %ne3A_116 = arith.cmpi ne, %squeeze3A_113, %squeeze3A_115 : i32
    %select_n3A_117 = arith.select %ne3A_116, %add3A_98, %select_n3A_94 : i32
    %jit3A_118 = arith.constant 1 : i32
    %jit3A_119 = arith.constant 0 : i32
    %select_n3A_120 = arith.select %ne3A_116, %jit3A_118, %jit3A_119 : i32
    %add3A_121 = arith.addi %add3A_98, %select_n3A_120 : i32
    %eq3A_122 = arith.constant 4 : i32
    %eq3A_123 = vector.broadcast %eq3A_122 : i32 to vector<16xi32>
    %eq3A_124 = arith.cmpi eq, %iota3A, %eq3A_123 : vector<16xi32>
    %jit3A_125 = arith.constant 1 : i32
    %jit3A_126 = arith.constant 0 : i32
    %select_n3A_127 = arith.select %ne3A_116, %jit3A_125, %jit3A_126 : i32
    %broadcast_in_dim3A_128 = vector.broadcast %select_n3A_127 : i32 to vector<16xi32>
    %select_n3A_129 = arith.select %eq3A_124, %broadcast_in_dim3A_128, %select_n3A_106 : vector<16xi1>, vector<16xi32>
    %eq3A_130 = arith.constant 4 : i32
    %eq3A_131 = vector.broadcast %eq3A_130 : i32 to vector<16xi32>
    %eq3A_132 = arith.cmpi eq, %iota3A, %eq3A_131 : vector<16xi32>
    %broadcast_in_dim3A_133 = vector.broadcast %select_n3A_117 : i32 to vector<16xi32>
    %select_n3A_134 = arith.select %eq3A_132, %broadcast_in_dim3A_133, %select_n3A_111 : vector<16xi1>, vector<16xi32>
    %slice3A_135 = vector.extract_strided_slice %and3A_18 {offsets = [5], sizes = [1], strides = [1]} : vector<16xi32> to vector<1xi32>
    %squeeze3A_136 = vector.extract %slice3A_135[0] : i32 from vector<1xi32>
    %slice3A_137 = vector.extract_strided_slice %and3A_18 {offsets = [4], sizes = [1], strides = [1]} : vector<16xi32> to vector<1xi32>
    %squeeze3A_138 = vector.extract %slice3A_137[0] : i32 from vector<1xi32>
    %ne3A_139 = arith.cmpi ne, %squeeze3A_136, %squeeze3A_138 : i32
    %select_n3A_140 = arith.select %ne3A_139, %add3A_121, %select_n3A_117 : i32
    %jit3A_141 = arith.constant 1 : i32
    %jit3A_142 = arith.constant 0 : i32
    %select_n3A_143 = arith.select %ne3A_139, %jit3A_141, %jit3A_142 : i32
    %add3A_144 = arith.addi %add3A_121, %select_n3A_143 : i32
    %eq3A_145 = arith.constant 5 : i32
    %eq3A_146 = vector.broadcast %eq3A_145 : i32 to vector<16xi32>
    %eq3A_147 = arith.cmpi eq, %iota3A, %eq3A_146 : vector<16xi32>
    %jit3A_148 = arith.constant 1 : i32
    %jit3A_149 = arith.constant 0 : i32
    %select_n3A_150 = arith.select %ne3A_139, %jit3A_148, %jit3A_149 : i32
    %broadcast_in_dim3A_151 = vector.broadcast %select_n3A_150 : i32 to vector<16xi32>
    %select_n3A_152 = arith.select %eq3A_147, %broadcast_in_dim3A_151, %select_n3A_129 : vector<16xi1>, vector<16xi32>
    %eq3A_153 = arith.constant 5 : i32
    %eq3A_154 = vector.broadcast %eq3A_153 : i32 to vector<16xi32>
    %eq3A_155 = arith.cmpi eq, %iota3A, %eq3A_154 : vector<16xi32>
    %broadcast_in_dim3A_156 = vector.broadcast %select_n3A_140 : i32 to vector<16xi32>
    %select_n3A_157 = arith.select %eq3A_155, %broadcast_in_dim3A_156, %select_n3A_134 : vector<16xi1>, vector<16xi32>
    %slice3A_158 = vector.extract_strided_slice %and3A_18 {offsets = [6], sizes = [1], strides = [1]} : vector<16xi32> to vector<1xi32>
    %squeeze3A_159 = vector.extract %slice3A_158[0] : i32 from vector<1xi32>
    %slice3A_160 = vector.extract_strided_slice %and3A_18 {offsets = [5], sizes = [1], strides = [1]} : vector<16xi32> to vector<1xi32>
    %squeeze3A_161 = vector.extract %slice3A_160[0] : i32 from vector<1xi32>
    %ne3A_162 = arith.cmpi ne, %squeeze3A_159, %squeeze3A_161 : i32
    %select_n3A_163 = arith.select %ne3A_162, %add3A_144, %select_n3A_140 : i32
    %jit3A_164 = arith.constant 1 : i32
    %jit3A_165 = arith.constant 0 : i32
    %select_n3A_166 = arith.select %ne3A_162, %jit3A_164, %jit3A_165 : i32
    %add3A_167 = arith.addi %add3A_144, %select_n3A_166 : i32
    %eq3A_168 = arith.constant 6 : i32
    %eq3A_169 = vector.broadcast %eq3A_168 : i32 to vector<16xi32>
    %eq3A_170 = arith.cmpi eq, %iota3A, %eq3A_169 : vector<16xi32>
    %jit3A_171 = arith.constant 1 : i32
    %jit3A_172 = arith.constant 0 : i32
    %select_n3A_173 = arith.select %ne3A_162, %jit3A_171, %jit3A_172 : i32
    %broadcast_in_dim3A_174 = vector.broadcast %select_n3A_173 : i32 to vector<16xi32>
    %select_n3A_175 = arith.select %eq3A_170, %broadcast_in_dim3A_174, %select_n3A_152 : vector<16xi1>, vector<16xi32>
    %eq3A_176 = arith.constant 6 : i32
    %eq3A_177 = vector.broadcast %eq3A_176 : i32 to vector<16xi32>
    %eq3A_178 = arith.cmpi eq, %iota3A, %eq3A_177 : vector<16xi32>
    %broadcast_in_dim3A_179 = vector.broadcast %select_n3A_163 : i32 to vector<16xi32>
    %select_n3A_180 = arith.select %eq3A_178, %broadcast_in_dim3A_179, %select_n3A_157 : vector<16xi1>, vector<16xi32>
    %slice3A_181 = vector.extract_strided_slice %and3A_18 {offsets = [7], sizes = [1], strides = [1]} : vector<16xi32> to vector<1xi32>
    %squeeze3A_182 = vector.extract %slice3A_181[0] : i32 from vector<1xi32>
    %slice3A_183 = vector.extract_strided_slice %and3A_18 {offsets = [6], sizes = [1], strides = [1]} : vector<16xi32> to vector<1xi32>
    %squeeze3A_184 = vector.extract %slice3A_183[0] : i32 from vector<1xi32>
    %ne3A_185 = arith.cmpi ne, %squeeze3A_182, %squeeze3A_184 : i32
    %select_n3A_186 = arith.select %ne3A_185, %add3A_167, %select_n3A_163 : i32
    %jit3A_187 = arith.constant 1 : i32
    %jit3A_188 = arith.constant 0 : i32
    %select_n3A_189 = arith.select %ne3A_185, %jit3A_187, %jit3A_188 : i32
    %add3A_190 = arith.addi %add3A_167, %select_n3A_189 : i32
    %eq3A_191 = arith.constant 7 : i32
    %eq3A_192 = vector.broadcast %eq3A_191 : i32 to vector<16xi32>
    %eq3A_193 = arith.cmpi eq, %iota3A, %eq3A_192 : vector<16xi32>
    %jit3A_194 = arith.constant 1 : i32
    %jit3A_195 = arith.constant 0 : i32
    %select_n3A_196 = arith.select %ne3A_185, %jit3A_194, %jit3A_195 : i32
    %broadcast_in_dim3A_197 = vector.broadcast %select_n3A_196 : i32 to vector<16xi32>
    %select_n3A_198 = arith.select %eq3A_193, %broadcast_in_dim3A_197, %select_n3A_175 : vector<16xi1>, vector<16xi32>
    %eq3A_199 = arith.constant 7 : i32
    %eq3A_200 = vector.broadcast %eq3A_199 : i32 to vector<16xi32>
    %eq3A_201 = arith.cmpi eq, %iota3A, %eq3A_200 : vector<16xi32>
    %broadcast_in_dim3A_202 = vector.broadcast %select_n3A_186 : i32 to vector<16xi32>
    %select_n3A_203 = arith.select %eq3A_201, %broadcast_in_dim3A_202, %select_n3A_180 : vector<16xi1>, vector<16xi32>
    %slice3A_204 = vector.extract_strided_slice %and3A_18 {offsets = [8], sizes = [1], strides = [1]} : vector<16xi32> to vector<1xi32>
    %squeeze3A_205 = vector.extract %slice3A_204[0] : i32 from vector<1xi32>
    %slice3A_206 = vector.extract_strided_slice %and3A_18 {offsets = [7], sizes = [1], strides = [1]} : vector<16xi32> to vector<1xi32>
    %squeeze3A_207 = vector.extract %slice3A_206[0] : i32 from vector<1xi32>
    %ne3A_208 = arith.cmpi ne, %squeeze3A_205, %squeeze3A_207 : i32
    %select_n3A_209 = arith.select %ne3A_208, %add3A_190, %select_n3A_186 : i32
    %jit3A_210 = arith.constant 1 : i32
    %jit3A_211 = arith.constant 0 : i32
    %select_n3A_212 = arith.select %ne3A_208, %jit3A_210, %jit3A_211 : i32
    %add3A_213 = arith.addi %add3A_190, %select_n3A_212 : i32
    %eq3A_214 = arith.constant 8 : i32
    %eq3A_215 = vector.broadcast %eq3A_214 : i32 to vector<16xi32>
    %eq3A_216 = arith.cmpi eq, %iota3A, %eq3A_215 : vector<16xi32>
    %jit3A_217 = arith.constant 1 : i32
    %jit3A_218 = arith.constant 0 : i32
    %select_n3A_219 = arith.select %ne3A_208, %jit3A_217, %jit3A_218 : i32
    %broadcast_in_dim3A_220 = vector.broadcast %select_n3A_219 : i32 to vector<16xi32>
    %select_n3A_221 = arith.select %eq3A_216, %broadcast_in_dim3A_220, %select_n3A_198 : vector<16xi1>, vector<16xi32>
    %eq3A_222 = arith.constant 8 : i32
    %eq3A_223 = vector.broadcast %eq3A_222 : i32 to vector<16xi32>
    %eq3A_224 = arith.cmpi eq, %iota3A, %eq3A_223 : vector<16xi32>
    %broadcast_in_dim3A_225 = vector.broadcast %select_n3A_209 : i32 to vector<16xi32>
    %select_n3A_226 = arith.select %eq3A_224, %broadcast_in_dim3A_225, %select_n3A_203 : vector<16xi1>, vector<16xi32>
    %slice3A_227 = vector.extract_strided_slice %and3A_18 {offsets = [9], sizes = [1], strides = [1]} : vector<16xi32> to vector<1xi32>
    %squeeze3A_228 = vector.extract %slice3A_227[0] : i32 from vector<1xi32>
    %slice3A_229 = vector.extract_strided_slice %and3A_18 {offsets = [8], sizes = [1], strides = [1]} : vector<16xi32> to vector<1xi32>
    %squeeze3A_230 = vector.extract %slice3A_229[0] : i32 from vector<1xi32>
    %ne3A_231 = arith.cmpi ne, %squeeze3A_228, %squeeze3A_230 : i32
    %select_n3A_232 = arith.select %ne3A_231, %add3A_213, %select_n3A_209 : i32
    %jit3A_233 = arith.constant 1 : i32
    %jit3A_234 = arith.constant 0 : i32
    %select_n3A_235 = arith.select %ne3A_231, %jit3A_233, %jit3A_234 : i32
    %add3A_236 = arith.addi %add3A_213, %select_n3A_235 : i32
    %eq3A_237 = arith.constant 9 : i32
    %eq3A_238 = vector.broadcast %eq3A_237 : i32 to vector<16xi32>
    %eq3A_239 = arith.cmpi eq, %iota3A, %eq3A_238 : vector<16xi32>
    %jit3A_240 = arith.constant 1 : i32
    %jit3A_241 = arith.constant 0 : i32
    %select_n3A_242 = arith.select %ne3A_231, %jit3A_240, %jit3A_241 : i32
    %broadcast_in_dim3A_243 = vector.broadcast %select_n3A_242 : i32 to vector<16xi32>
    %select_n3A_244 = arith.select %eq3A_239, %broadcast_in_dim3A_243, %select_n3A_221 : vector<16xi1>, vector<16xi32>
    %eq3A_245 = arith.constant 9 : i32
    %eq3A_246 = vector.broadcast %eq3A_245 : i32 to vector<16xi32>
    %eq3A_247 = arith.cmpi eq, %iota3A, %eq3A_246 : vector<16xi32>
    %broadcast_in_dim3A_248 = vector.broadcast %select_n3A_232 : i32 to vector<16xi32>
    %select_n3A_249 = arith.select %eq3A_247, %broadcast_in_dim3A_248, %select_n3A_226 : vector<16xi1>, vector<16xi32>
    %slice3A_250 = vector.extract_strided_slice %and3A_18 {offsets = [10], sizes = [1], strides = [1]} : vector<16xi32> to vector<1xi32>
    %squeeze3A_251 = vector.extract %slice3A_250[0] : i32 from vector<1xi32>
    %slice3A_252 = vector.extract_strided_slice %and3A_18 {offsets = [9], sizes = [1], strides = [1]} : vector<16xi32> to vector<1xi32>
    %squeeze3A_253 = vector.extract %slice3A_252[0] : i32 from vector<1xi32>
    %ne3A_254 = arith.cmpi ne, %squeeze3A_251, %squeeze3A_253 : i32
    %select_n3A_255 = arith.select %ne3A_254, %add3A_236, %select_n3A_232 : i32
    %jit3A_256 = arith.constant 1 : i32
    %jit3A_257 = arith.constant 0 : i32
    %select_n3A_258 = arith.select %ne3A_254, %jit3A_256, %jit3A_257 : i32
    %add3A_259 = arith.addi %add3A_236, %select_n3A_258 : i32
    %eq3A_260 = arith.constant 10 : i32
    %eq3A_261 = vector.broadcast %eq3A_260 : i32 to vector<16xi32>
    %eq3A_262 = arith.cmpi eq, %iota3A, %eq3A_261 : vector<16xi32>
    %jit3A_263 = arith.constant 1 : i32
    %jit3A_264 = arith.constant 0 : i32
    %select_n3A_265 = arith.select %ne3A_254, %jit3A_263, %jit3A_264 : i32
    %broadcast_in_dim3A_266 = vector.broadcast %select_n3A_265 : i32 to vector<16xi32>
    %select_n3A_267 = arith.select %eq3A_262, %broadcast_in_dim3A_266, %select_n3A_244 : vector<16xi1>, vector<16xi32>
    %eq3A_268 = arith.constant 10 : i32
    %eq3A_269 = vector.broadcast %eq3A_268 : i32 to vector<16xi32>
    %eq3A_270 = arith.cmpi eq, %iota3A, %eq3A_269 : vector<16xi32>
    %broadcast_in_dim3A_271 = vector.broadcast %select_n3A_255 : i32 to vector<16xi32>
    %select_n3A_272 = arith.select %eq3A_270, %broadcast_in_dim3A_271, %select_n3A_249 : vector<16xi1>, vector<16xi32>
    %slice3A_273 = vector.extract_strided_slice %and3A_18 {offsets = [11], sizes = [1], strides = [1]} : vector<16xi32> to vector<1xi32>
    %squeeze3A_274 = vector.extract %slice3A_273[0] : i32 from vector<1xi32>
    %slice3A_275 = vector.extract_strided_slice %and3A_18 {offsets = [10], sizes = [1], strides = [1]} : vector<16xi32> to vector<1xi32>
    %squeeze3A_276 = vector.extract %slice3A_275[0] : i32 from vector<1xi32>
    %ne3A_277 = arith.cmpi ne, %squeeze3A_274, %squeeze3A_276 : i32
    %select_n3A_278 = arith.select %ne3A_277, %add3A_259, %select_n3A_255 : i32
    %jit3A_279 = arith.constant 1 : i32
    %jit3A_280 = arith.constant 0 : i32
    %select_n3A_281 = arith.select %ne3A_277, %jit3A_279, %jit3A_280 : i32
    %add3A_282 = arith.addi %add3A_259, %select_n3A_281 : i32
    %eq3A_283 = arith.constant 11 : i32
    %eq3A_284 = vector.broadcast %eq3A_283 : i32 to vector<16xi32>
    %eq3A_285 = arith.cmpi eq, %iota3A, %eq3A_284 : vector<16xi32>
    %jit3A_286 = arith.constant 1 : i32
    %jit3A_287 = arith.constant 0 : i32
    %select_n3A_288 = arith.select %ne3A_277, %jit3A_286, %jit3A_287 : i32
    %broadcast_in_dim3A_289 = vector.broadcast %select_n3A_288 : i32 to vector<16xi32>
    %select_n3A_290 = arith.select %eq3A_285, %broadcast_in_dim3A_289, %select_n3A_267 : vector<16xi1>, vector<16xi32>
    %eq3A_291 = arith.constant 11 : i32
    %eq3A_292 = vector.broadcast %eq3A_291 : i32 to vector<16xi32>
    %eq3A_293 = arith.cmpi eq, %iota3A, %eq3A_292 : vector<16xi32>
    %broadcast_in_dim3A_294 = vector.broadcast %select_n3A_278 : i32 to vector<16xi32>
    %select_n3A_295 = arith.select %eq3A_293, %broadcast_in_dim3A_294, %select_n3A_272 : vector<16xi1>, vector<16xi32>
    %slice3A_296 = vector.extract_strided_slice %and3A_18 {offsets = [12], sizes = [1], strides = [1]} : vector<16xi32> to vector<1xi32>
    %squeeze3A_297 = vector.extract %slice3A_296[0] : i32 from vector<1xi32>
    %slice3A_298 = vector.extract_strided_slice %and3A_18 {offsets = [11], sizes = [1], strides = [1]} : vector<16xi32> to vector<1xi32>
    %squeeze3A_299 = vector.extract %slice3A_298[0] : i32 from vector<1xi32>
    %ne3A_300 = arith.cmpi ne, %squeeze3A_297, %squeeze3A_299 : i32
    %select_n3A_301 = arith.select %ne3A_300, %add3A_282, %select_n3A_278 : i32
    %jit3A_302 = arith.constant 1 : i32
    %jit3A_303 = arith.constant 0 : i32
    %select_n3A_304 = arith.select %ne3A_300, %jit3A_302, %jit3A_303 : i32
    %add3A_305 = arith.addi %add3A_282, %select_n3A_304 : i32
    %eq3A_306 = arith.constant 12 : i32
    %eq3A_307 = vector.broadcast %eq3A_306 : i32 to vector<16xi32>
    %eq3A_308 = arith.cmpi eq, %iota3A, %eq3A_307 : vector<16xi32>
    %jit3A_309 = arith.constant 1 : i32
    %jit3A_310 = arith.constant 0 : i32
    %select_n3A_311 = arith.select %ne3A_300, %jit3A_309, %jit3A_310 : i32
    %broadcast_in_dim3A_312 = vector.broadcast %select_n3A_311 : i32 to vector<16xi32>
    %select_n3A_313 = arith.select %eq3A_308, %broadcast_in_dim3A_312, %select_n3A_290 : vector<16xi1>, vector<16xi32>
    %eq3A_314 = arith.constant 12 : i32
    %eq3A_315 = vector.broadcast %eq3A_314 : i32 to vector<16xi32>
    %eq3A_316 = arith.cmpi eq, %iota3A, %eq3A_315 : vector<16xi32>
    %broadcast_in_dim3A_317 = vector.broadcast %select_n3A_301 : i32 to vector<16xi32>
    %select_n3A_318 = arith.select %eq3A_316, %broadcast_in_dim3A_317, %select_n3A_295 : vector<16xi1>, vector<16xi32>
    %slice3A_319 = vector.extract_strided_slice %and3A_18 {offsets = [13], sizes = [1], strides = [1]} : vector<16xi32> to vector<1xi32>
    %squeeze3A_320 = vector.extract %slice3A_319[0] : i32 from vector<1xi32>
    %slice3A_321 = vector.extract_strided_slice %and3A_18 {offsets = [12], sizes = [1], strides = [1]} : vector<16xi32> to vector<1xi32>
    %squeeze3A_322 = vector.extract %slice3A_321[0] : i32 from vector<1xi32>
    %ne3A_323 = arith.cmpi ne, %squeeze3A_320, %squeeze3A_322 : i32
    %select_n3A_324 = arith.select %ne3A_323, %add3A_305, %select_n3A_301 : i32
    %jit3A_325 = arith.constant 1 : i32
    %jit3A_326 = arith.constant 0 : i32
    %select_n3A_327 = arith.select %ne3A_323, %jit3A_325, %jit3A_326 : i32
    %add3A_328 = arith.addi %add3A_305, %select_n3A_327 : i32
    %eq3A_329 = arith.constant 13 : i32
    %eq3A_330 = vector.broadcast %eq3A_329 : i32 to vector<16xi32>
    %eq3A_331 = arith.cmpi eq, %iota3A, %eq3A_330 : vector<16xi32>
    %jit3A_332 = arith.constant 1 : i32
    %jit3A_333 = arith.constant 0 : i32
    %select_n3A_334 = arith.select %ne3A_323, %jit3A_332, %jit3A_333 : i32
    %broadcast_in_dim3A_335 = vector.broadcast %select_n3A_334 : i32 to vector<16xi32>
    %select_n3A_336 = arith.select %eq3A_331, %broadcast_in_dim3A_335, %select_n3A_313 : vector<16xi1>, vector<16xi32>
    %eq3A_337 = arith.constant 13 : i32
    %eq3A_338 = vector.broadcast %eq3A_337 : i32 to vector<16xi32>
    %eq3A_339 = arith.cmpi eq, %iota3A, %eq3A_338 : vector<16xi32>
    %broadcast_in_dim3A_340 = vector.broadcast %select_n3A_324 : i32 to vector<16xi32>
    %select_n3A_341 = arith.select %eq3A_339, %broadcast_in_dim3A_340, %select_n3A_318 : vector<16xi1>, vector<16xi32>
    %slice3A_342 = vector.extract_strided_slice %and3A_18 {offsets = [14], sizes = [1], strides = [1]} : vector<16xi32> to vector<1xi32>
    %squeeze3A_343 = vector.extract %slice3A_342[0] : i32 from vector<1xi32>
    %slice3A_344 = vector.extract_strided_slice %and3A_18 {offsets = [13], sizes = [1], strides = [1]} : vector<16xi32> to vector<1xi32>
    %squeeze3A_345 = vector.extract %slice3A_344[0] : i32 from vector<1xi32>
    %ne3A_346 = arith.cmpi ne, %squeeze3A_343, %squeeze3A_345 : i32
    %select_n3A_347 = arith.select %ne3A_346, %add3A_328, %select_n3A_324 : i32
    %jit3A_348 = arith.constant 1 : i32
    %jit3A_349 = arith.constant 0 : i32
    %select_n3A_350 = arith.select %ne3A_346, %jit3A_348, %jit3A_349 : i32
    %add3A_351 = arith.addi %add3A_328, %select_n3A_350 : i32
    %eq3A_352 = arith.constant 14 : i32
    %eq3A_353 = vector.broadcast %eq3A_352 : i32 to vector<16xi32>
    %eq3A_354 = arith.cmpi eq, %iota3A, %eq3A_353 : vector<16xi32>
    %jit3A_355 = arith.constant 1 : i32
    %jit3A_356 = arith.constant 0 : i32
    %select_n3A_357 = arith.select %ne3A_346, %jit3A_355, %jit3A_356 : i32
    %broadcast_in_dim3A_358 = vector.broadcast %select_n3A_357 : i32 to vector<16xi32>
    %select_n3A_359 = arith.select %eq3A_354, %broadcast_in_dim3A_358, %select_n3A_336 : vector<16xi1>, vector<16xi32>
    %eq3A_360 = arith.constant 14 : i32
    %eq3A_361 = vector.broadcast %eq3A_360 : i32 to vector<16xi32>
    %eq3A_362 = arith.cmpi eq, %iota3A, %eq3A_361 : vector<16xi32>
    %broadcast_in_dim3A_363 = vector.broadcast %select_n3A_347 : i32 to vector<16xi32>
    %select_n3A_364 = arith.select %eq3A_362, %broadcast_in_dim3A_363, %select_n3A_341 : vector<16xi1>, vector<16xi32>
    %slice3A_365 = vector.extract_strided_slice %and3A_18 {offsets = [15], sizes = [1], strides = [1]} : vector<16xi32> to vector<1xi32>
    %squeeze3A_366 = vector.extract %slice3A_365[0] : i32 from vector<1xi32>
    %slice3A_367 = vector.extract_strided_slice %and3A_18 {offsets = [14], sizes = [1], strides = [1]} : vector<16xi32> to vector<1xi32>
    %squeeze3A_368 = vector.extract %slice3A_367[0] : i32 from vector<1xi32>
    %ne3A_369 = arith.cmpi ne, %squeeze3A_366, %squeeze3A_368 : i32
    %select_n3A_370 = arith.select %ne3A_369, %add3A_351, %select_n3A_347 : i32
    %jit3A_371 = arith.constant 1 : i32
    %jit3A_372 = arith.constant 0 : i32
    %select_n3A_373 = arith.select %ne3A_369, %jit3A_371, %jit3A_372 : i32
    %add3A_374 = arith.addi %add3A_351, %select_n3A_373 : i32
    %eq3A_375 = arith.constant 15 : i32
    %eq3A_376 = vector.broadcast %eq3A_375 : i32 to vector<16xi32>
    %eq3A_377 = arith.cmpi eq, %iota3A, %eq3A_376 : vector<16xi32>
    %jit3A_378 = arith.constant 1 : i32
    %jit3A_379 = arith.constant 0 : i32
    %select_n3A_380 = arith.select %ne3A_369, %jit3A_378, %jit3A_379 : i32
    %broadcast_in_dim3A_381 = vector.broadcast %select_n3A_380 : i32 to vector<16xi32>
    %select_n3A_382 = arith.select %eq3A_377, %broadcast_in_dim3A_381, %select_n3A_359 : vector<16xi1>, vector<16xi32>
    %eq3A_383 = arith.constant 15 : i32
    %eq3A_384 = vector.broadcast %eq3A_383 : i32 to vector<16xi32>
    %eq3A_385 = arith.cmpi eq, %iota3A, %eq3A_384 : vector<16xi32>
    %broadcast_in_dim3A_386 = vector.broadcast %select_n3A_370 : i32 to vector<16xi32>
    %select_n3A_387 = arith.select %eq3A_385, %broadcast_in_dim3A_386, %select_n3A_364 : vector<16xi1>, vector<16xi32>
    %slice3A_388 = vector.extract_strided_slice %and3A_18 {offsets = [0], sizes = [1], strides = [1]} : vector<16xi32> to vector<1xi32>
    %squeeze3A_389 = vector.extract %slice3A_388[0] : i32 from vector<1xi32>
    %multiple_of3A = tpu.assume_multiple %squeeze3A_389, 128 : i32
    %slice3A_390 = vector.extract_strided_slice %select_n3A_382 {offsets = [0], sizes = [1], strides = [1]} : vector<16xi32> to vector<1xi32>
    %squeeze3A_391 = vector.extract %slice3A_390[0] : i32 from vector<1xi32>
    %eq3A_392 = arith.constant 1 : i32
    %eq3A_393 = arith.cmpi eq, %squeeze3A_391, %eq3A_392 : i32
    %and3A_394 = arith.constant true
    %and3A_395 = arith.andi %eq3A_393, %and3A_394 : i1
    %convert_element_type3A = arith.extui %and3A_395 : i1 to i32
    %cond3A = arith.constant 0 : i32
    %cond3A_396 = arith.cmpi ne, %convert_element_type3A, %cond3A : i32
    scf.if %cond3A_396 {
      %slice3A_590 = vector.extract_strided_slice %select_n3A_387 {offsets = [0], sizes = [1], strides = [1]} : vector<16xi32> to vector<1xi32>
      %squeeze3A_591 = vector.extract %slice3A_590[0] : i32 from vector<1xi32>
      %dma_start3A = arith.constant 0 : i32
      %dma_start3A_592 = arith.constant 0 : i32
      %dma_start3A_593 = tpu.memref_slice %arg13[%squeeze3A_591, %dma_start3A, %dma_start3A_592] : memref<16x16x128xf32, #tpu.memory_space<vmem>> -> memref<1x16x128xf32, #tpu.memory_space<vmem>>
      %dma_start3A_594 = tpu.memref_squeeze %dma_start3A_593 : memref<1x16x128xf32, #tpu.memory_space<vmem>> -> memref<16x128xf32, #tpu.memory_space<vmem>>
      %dma_start3A_595 = arith.constant 0 : i32
      %dma_start3A_596 = tpu.memref_slice %arg5[%dma_start3A_595, %multiple_of3A] : memref<32x1000001xf32, #tpu.memory_space<hbm>> -> memref<16x128xf32, #tpu.memory_space<hbm>>
      %dma_start3A_597 = arith.constant 0 : i32
      %dma_start3A_598 = arith.constant 0 : i32
      %dma_start3A_599 = tpu.memref_slice %arg13[%squeeze3A_591, %dma_start3A_597, %dma_start3A_598] : memref<16x16x128xf32, #tpu.memory_space<vmem>> -> memref<1x16x128xf32, #tpu.memory_space<vmem>>
      %dma_start3A_600 = tpu.memref_squeeze %dma_start3A_599 : memref<1x16x128xf32, #tpu.memory_space<vmem>> -> memref<16x128xf32, #tpu.memory_space<vmem>>
      %dma_start3A_601 = arith.constant 0 : i32
      %dma_start3A_602 = tpu.memref_slice %arg5[%dma_start3A_601, %multiple_of3A] : memref<32x1000001xf32, #tpu.memory_space<hbm>> -> memref<16x128xf32, #tpu.memory_space<hbm>>
      tpu.enqueue_dma source(%dma_start3A_602 : memref<16x128xf32, #tpu.memory_space<hbm>>) target(%dma_start3A_600 : memref<16x128xf32, #tpu.memory_space<vmem>>) target_semaphore(%arg21 : memref<!tpu.dma_semaphore, #tpu.memory_space<semaphore_mem>>)
    } else {
    }
    %slice3A_397 = vector.extract_strided_slice %and3A_18 {offsets = [1], sizes = [1], strides = [1]} : vector<16xi32> to vector<1xi32>
    %squeeze3A_398 = vector.extract %slice3A_397[0] : i32 from vector<1xi32>
    %multiple_of3A_399 = tpu.assume_multiple %squeeze3A_398, 128 : i32
    %slice3A_400 = vector.extract_strided_slice %select_n3A_382 {offsets = [1], sizes = [1], strides = [1]} : vector<16xi32> to vector<1xi32>
    %squeeze3A_401 = vector.extract %slice3A_400[0] : i32 from vector<1xi32>
    %eq3A_402 = arith.constant 1 : i32
    %eq3A_403 = arith.cmpi eq, %squeeze3A_401, %eq3A_402 : i32
    %and3A_404 = arith.constant true
    %and3A_405 = arith.andi %eq3A_403, %and3A_404 : i1
    %convert_element_type3A_406 = arith.extui %and3A_405 : i1 to i32
    %cond3A_407 = arith.constant 0 : i32
    %cond3A_408 = arith.cmpi ne, %convert_element_type3A_406, %cond3A_407 : i32
    scf.if %cond3A_408 {
      %slice3A_590 = vector.extract_strided_slice %select_n3A_387 {offsets = [1], sizes = [1], strides = [1]} : vector<16xi32> to vector<1xi32>
      %squeeze3A_591 = vector.extract %slice3A_590[0] : i32 from vector<1xi32>
      %dma_start3A = arith.constant 0 : i32
      %dma_start3A_592 = arith.constant 0 : i32
      %dma_start3A_593 = tpu.memref_slice %arg13[%squeeze3A_591, %dma_start3A, %dma_start3A_592] : memref<16x16x128xf32, #tpu.memory_space<vmem>> -> memref<1x16x128xf32, #tpu.memory_space<vmem>>
      %dma_start3A_594 = tpu.memref_squeeze %dma_start3A_593 : memref<1x16x128xf32, #tpu.memory_space<vmem>> -> memref<16x128xf32, #tpu.memory_space<vmem>>
      %dma_start3A_595 = arith.constant 0 : i32
      %dma_start3A_596 = tpu.memref_slice %arg5[%dma_start3A_595, %multiple_of3A_399] : memref<32x1000001xf32, #tpu.memory_space<hbm>> -> memref<16x128xf32, #tpu.memory_space<hbm>>
      %dma_start3A_597 = arith.constant 0 : i32
      %dma_start3A_598 = arith.constant 0 : i32
      %dma_start3A_599 = tpu.memref_slice %arg13[%squeeze3A_591, %dma_start3A_597, %dma_start3A_598] : memref<16x16x128xf32, #tpu.memory_space<vmem>> -> memref<1x16x128xf32, #tpu.memory_space<vmem>>
      %dma_start3A_600 = tpu.memref_squeeze %dma_start3A_599 : memref<1x16x128xf32, #tpu.memory_space<vmem>> -> memref<16x128xf32, #tpu.memory_space<vmem>>
      %dma_start3A_601 = arith.constant 0 : i32
      %dma_start3A_602 = tpu.memref_slice %arg5[%dma_start3A_601, %multiple_of3A_399] : memref<32x1000001xf32, #tpu.memory_space<hbm>> -> memref<16x128xf32, #tpu.memory_space<hbm>>
      tpu.enqueue_dma source(%dma_start3A_602 : memref<16x128xf32, #tpu.memory_space<hbm>>) target(%dma_start3A_600 : memref<16x128xf32, #tpu.memory_space<vmem>>) target_semaphore(%arg21 : memref<!tpu.dma_semaphore, #tpu.memory_space<semaphore_mem>>)
    } else {
    }
    %slice3A_409 = vector.extract_strided_slice %and3A_18 {offsets = [2], sizes = [1], strides = [1]} : vector<16xi32> to vector<1xi32>
    %squeeze3A_410 = vector.extract %slice3A_409[0] : i32 from vector<1xi32>
    %multiple_of3A_411 = tpu.assume_multiple %squeeze3A_410, 128 : i32
    %slice3A_412 = vector.extract_strided_slice %select_n3A_382 {offsets = [2], sizes = [1], strides = [1]} : vector<16xi32> to vector<1xi32>
    %squeeze3A_413 = vector.extract %slice3A_412[0] : i32 from vector<1xi32>
    %eq3A_414 = arith.constant 1 : i32
    %eq3A_415 = arith.cmpi eq, %squeeze3A_413, %eq3A_414 : i32
    %and3A_416 = arith.constant true
    %and3A_417 = arith.andi %eq3A_415, %and3A_416 : i1
    %convert_element_type3A_418 = arith.extui %and3A_417 : i1 to i32
    %cond3A_419 = arith.constant 0 : i32
    %cond3A_420 = arith.cmpi ne, %convert_element_type3A_418, %cond3A_419 : i32
    scf.if %cond3A_420 {
      %slice3A_590 = vector.extract_strided_slice %select_n3A_387 {offsets = [2], sizes = [1], strides = [1]} : vector<16xi32> to vector<1xi32>
      %squeeze3A_591 = vector.extract %slice3A_590[0] : i32 from vector<1xi32>
      %dma_start3A = arith.constant 0 : i32
      %dma_start3A_592 = arith.constant 0 : i32
      %dma_start3A_593 = tpu.memref_slice %arg13[%squeeze3A_591, %dma_start3A, %dma_start3A_592] : memref<16x16x128xf32, #tpu.memory_space<vmem>> -> memref<1x16x128xf32, #tpu.memory_space<vmem>>
      %dma_start3A_594 = tpu.memref_squeeze %dma_start3A_593 : memref<1x16x128xf32, #tpu.memory_space<vmem>> -> memref<16x128xf32, #tpu.memory_space<vmem>>
      %dma_start3A_595 = arith.constant 0 : i32
      %dma_start3A_596 = tpu.memref_slice %arg5[%dma_start3A_595, %multiple_of3A_411] : memref<32x1000001xf32, #tpu.memory_space<hbm>> -> memref<16x128xf32, #tpu.memory_space<hbm>>
      %dma_start3A_597 = arith.constant 0 : i32
      %dma_start3A_598 = arith.constant 0 : i32
      %dma_start3A_599 = tpu.memref_slice %arg13[%squeeze3A_591, %dma_start3A_597, %dma_start3A_598] : memref<16x16x128xf32, #tpu.memory_space<vmem>> -> memref<1x16x128xf32, #tpu.memory_space<vmem>>
      %dma_start3A_600 = tpu.memref_squeeze %dma_start3A_599 : memref<1x16x128xf32, #tpu.memory_space<vmem>> -> memref<16x128xf32, #tpu.memory_space<vmem>>
      %dma_start3A_601 = arith.constant 0 : i32
      %dma_start3A_602 = tpu.memref_slice %arg5[%dma_start3A_601, %multiple_of3A_411] : memref<32x1000001xf32, #tpu.memory_space<hbm>> -> memref<16x128xf32, #tpu.memory_space<hbm>>
      tpu.enqueue_dma source(%dma_start3A_602 : memref<16x128xf32, #tpu.memory_space<hbm>>) target(%dma_start3A_600 : memref<16x128xf32, #tpu.memory_space<vmem>>) target_semaphore(%arg21 : memref<!tpu.dma_semaphore, #tpu.memory_space<semaphore_mem>>)
    } else {
    }
    %slice3A_421 = vector.extract_strided_slice %and3A_18 {offsets = [3], sizes = [1], strides = [1]} : vector<16xi32> to vector<1xi32>
    %squeeze3A_422 = vector.extract %slice3A_421[0] : i32 from vector<1xi32>
    %multiple_of3A_423 = tpu.assume_multiple %squeeze3A_422, 128 : i32
    %slice3A_424 = vector.extract_strided_slice %select_n3A_382 {offsets = [3], sizes = [1], strides = [1]} : vector<16xi32> to vector<1xi32>
    %squeeze3A_425 = vector.extract %slice3A_424[0] : i32 from vector<1xi32>
    %eq3A_426 = arith.constant 1 : i32
    %eq3A_427 = arith.cmpi eq, %squeeze3A_425, %eq3A_426 : i32
    %and3A_428 = arith.constant true
    %and3A_429 = arith.andi %eq3A_427, %and3A_428 : i1
    %convert_element_type3A_430 = arith.extui %and3A_429 : i1 to i32
    %cond3A_431 = arith.constant 0 : i32
    %cond3A_432 = arith.cmpi ne, %convert_element_type3A_430, %cond3A_431 : i32
    scf.if %cond3A_432 {
      %slice3A_590 = vector.extract_strided_slice %select_n3A_387 {offsets = [3], sizes = [1], strides = [1]} : vector<16xi32> to vector<1xi32>
      %squeeze3A_591 = vector.extract %slice3A_590[0] : i32 from vector<1xi32>
      %dma_start3A = arith.constant 0 : i32
      %dma_start3A_592 = arith.constant 0 : i32
      %dma_start3A_593 = tpu.memref_slice %arg13[%squeeze3A_591, %dma_start3A, %dma_start3A_592] : memref<16x16x128xf32, #tpu.memory_space<vmem>> -> memref<1x16x128xf32, #tpu.memory_space<vmem>>
      %dma_start3A_594 = tpu.memref_squeeze %dma_start3A_593 : memref<1x16x128xf32, #tpu.memory_space<vmem>> -> memref<16x128xf32, #tpu.memory_space<vmem>>
      %dma_start3A_595 = arith.constant 0 : i32
      %dma_start3A_596 = tpu.memref_slice %arg5[%dma_start3A_595, %multiple_of3A_423] : memref<32x1000001xf32, #tpu.memory_space<hbm>> -> memref<16x128xf32, #tpu.memory_space<hbm>>
      %dma_start3A_597 = arith.constant 0 : i32
      %dma_start3A_598 = arith.constant 0 : i32
      %dma_start3A_599 = tpu.memref_slice %arg13[%squeeze3A_591, %dma_start3A_597, %dma_start3A_598] : memref<16x16x128xf32, #tpu.memory_space<vmem>> -> memref<1x16x128xf32, #tpu.memory_space<vmem>>
      %dma_start3A_600 = tpu.memref_squeeze %dma_start3A_599 : memref<1x16x128xf32, #tpu.memory_space<vmem>> -> memref<16x128xf32, #tpu.memory_space<vmem>>
      %dma_start3A_601 = arith.constant 0 : i32
      %dma_start3A_602 = tpu.memref_slice %arg5[%dma_start3A_601, %multiple_of3A_423] : memref<32x1000001xf32, #tpu.memory_space<hbm>> -> memref<16x128xf32, #tpu.memory_space<hbm>>
      tpu.enqueue_dma source(%dma_start3A_602 : memref<16x128xf32, #tpu.memory_space<hbm>>) target(%dma_start3A_600 : memref<16x128xf32, #tpu.memory_space<vmem>>) target_semaphore(%arg21 : memref<!tpu.dma_semaphore, #tpu.memory_space<semaphore_mem>>)
    } else {
    }
    %slice3A_433 = vector.extract_strided_slice %and3A_18 {offsets = [4], sizes = [1], strides = [1]} : vector<16xi32> to vector<1xi32>
    %squeeze3A_434 = vector.extract %slice3A_433[0] : i32 from vector<1xi32>
    %multiple_of3A_435 = tpu.assume_multiple %squeeze3A_434, 128 : i32
    %slice3A_436 = vector.extract_strided_slice %select_n3A_382 {offsets = [4], sizes = [1], strides = [1]} : vector<16xi32> to vector<1xi32>
    %squeeze3A_437 = vector.extract %slice3A_436[0] : i32 from vector<1xi32>
    %eq3A_438 = arith.constant 1 : i32
    %eq3A_439 = arith.cmpi eq, %squeeze3A_437, %eq3A_438 : i32
    %and3A_440 = arith.constant true
    %and3A_441 = arith.andi %eq3A_439, %and3A_440 : i1
    %convert_element_type3A_442 = arith.extui %and3A_441 : i1 to i32
    %cond3A_443 = arith.constant 0 : i32
    %cond3A_444 = arith.cmpi ne, %convert_element_type3A_442, %cond3A_443 : i32
    scf.if %cond3A_444 {
      %slice3A_590 = vector.extract_strided_slice %select_n3A_387 {offsets = [4], sizes = [1], strides = [1]} : vector<16xi32> to vector<1xi32>
      %squeeze3A_591 = vector.extract %slice3A_590[0] : i32 from vector<1xi32>
      %dma_start3A = arith.constant 0 : i32
      %dma_start3A_592 = arith.constant 0 : i32
      %dma_start3A_593 = tpu.memref_slice %arg13[%squeeze3A_591, %dma_start3A, %dma_start3A_592] : memref<16x16x128xf32, #tpu.memory_space<vmem>> -> memref<1x16x128xf32, #tpu.memory_space<vmem>>
      %dma_start3A_594 = tpu.memref_squeeze %dma_start3A_593 : memref<1x16x128xf32, #tpu.memory_space<vmem>> -> memref<16x128xf32, #tpu.memory_space<vmem>>
      %dma_start3A_595 = arith.constant 0 : i32
      %dma_start3A_596 = tpu.memref_slice %arg5[%dma_start3A_595, %multiple_of3A_435] : memref<32x1000001xf32, #tpu.memory_space<hbm>> -> memref<16x128xf32, #tpu.memory_space<hbm>>
      %dma_start3A_597 = arith.constant 0 : i32
      %dma_start3A_598 = arith.constant 0 : i32
      %dma_start3A_599 = tpu.memref_slice %arg13[%squeeze3A_591, %dma_start3A_597, %dma_start3A_598] : memref<16x16x128xf32, #tpu.memory_space<vmem>> -> memref<1x16x128xf32, #tpu.memory_space<vmem>>
      %dma_start3A_600 = tpu.memref_squeeze %dma_start3A_599 : memref<1x16x128xf32, #tpu.memory_space<vmem>> -> memref<16x128xf32, #tpu.memory_space<vmem>>
      %dma_start3A_601 = arith.constant 0 : i32
      %dma_start3A_602 = tpu.memref_slice %arg5[%dma_start3A_601, %multiple_of3A_435] : memref<32x1000001xf32, #tpu.memory_space<hbm>> -> memref<16x128xf32, #tpu.memory_space<hbm>>
      tpu.enqueue_dma source(%dma_start3A_602 : memref<16x128xf32, #tpu.memory_space<hbm>>) target(%dma_start3A_600 : memref<16x128xf32, #tpu.memory_space<vmem>>) target_semaphore(%arg21 : memref<!tpu.dma_semaphore, #tpu.memory_space<semaphore_mem>>)
    } else {
    }
    %slice3A_445 = vector.extract_strided_slice %and3A_18 {offsets = [5], sizes = [1], strides = [1]} : vector<16xi32> to vector<1xi32>
    %squeeze3A_446 = vector.extract %slice3A_445[0] : i32 from vector<1xi32>
    %multiple_of3A_447 = tpu.assume_multiple %squeeze3A_446, 128 : i32
    %slice3A_448 = vector.extract_strided_slice %select_n3A_382 {offsets = [5], sizes = [1], strides = [1]} : vector<16xi32> to vector<1xi32>
    %squeeze3A_449 = vector.extract %slice3A_448[0] : i32 from vector<1xi32>
    %eq3A_450 = arith.constant 1 : i32
    %eq3A_451 = arith.cmpi eq, %squeeze3A_449, %eq3A_450 : i32
    %and3A_452 = arith.constant true
    %and3A_453 = arith.andi %eq3A_451, %and3A_452 : i1
    %convert_element_type3A_454 = arith.extui %and3A_453 : i1 to i32
    %cond3A_455 = arith.constant 0 : i32
    %cond3A_456 = arith.cmpi ne, %convert_element_type3A_454, %cond3A_455 : i32
    scf.if %cond3A_456 {
      %slice3A_590 = vector.extract_strided_slice %select_n3A_387 {offsets = [5], sizes = [1], strides = [1]} : vector<16xi32> to vector<1xi32>
      %squeeze3A_591 = vector.extract %slice3A_590[0] : i32 from vector<1xi32>
      %dma_start3A = arith.constant 0 : i32
      %dma_start3A_592 = arith.constant 0 : i32
      %dma_start3A_593 = tpu.memref_slice %arg13[%squeeze3A_591, %dma_start3A, %dma_start3A_592] : memref<16x16x128xf32, #tpu.memory_space<vmem>> -> memref<1x16x128xf32, #tpu.memory_space<vmem>>
      %dma_start3A_594 = tpu.memref_squeeze %dma_start3A_593 : memref<1x16x128xf32, #tpu.memory_space<vmem>> -> memref<16x128xf32, #tpu.memory_space<vmem>>
      %dma_start3A_595 = arith.constant 0 : i32
      %dma_start3A_596 = tpu.memref_slice %arg5[%dma_start3A_595, %multiple_of3A_447] : memref<32x1000001xf32, #tpu.memory_space<hbm>> -> memref<16x128xf32, #tpu.memory_space<hbm>>
      %dma_start3A_597 = arith.constant 0 : i32
      %dma_start3A_598 = arith.constant 0 : i32
      %dma_start3A_599 = tpu.memref_slice %arg13[%squeeze3A_591, %dma_start3A_597, %dma_start3A_598] : memref<16x16x128xf32, #tpu.memory_space<vmem>> -> memref<1x16x128xf32, #tpu.memory_space<vmem>>
      %dma_start3A_600 = tpu.memref_squeeze %dma_start3A_599 : memref<1x16x128xf32, #tpu.memory_space<vmem>> -> memref<16x128xf32, #tpu.memory_space<vmem>>
      %dma_start3A_601 = arith.constant 0 : i32
      %dma_start3A_602 = tpu.memref_slice %arg5[%dma_start3A_601, %multiple_of3A_447] : memref<32x1000001xf32, #tpu.memory_space<hbm>> -> memref<16x128xf32, #tpu.memory_space<hbm>>
      tpu.enqueue_dma source(%dma_start3A_602 : memref<16x128xf32, #tpu.memory_space<hbm>>) target(%dma_start3A_600 : memref<16x128xf32, #tpu.memory_space<vmem>>) target_semaphore(%arg21 : memref<!tpu.dma_semaphore, #tpu.memory_space<semaphore_mem>>)
    } else {
    }
    %slice3A_457 = vector.extract_strided_slice %and3A_18 {offsets = [6], sizes = [1], strides = [1]} : vector<16xi32> to vector<1xi32>
    %squeeze3A_458 = vector.extract %slice3A_457[0] : i32 from vector<1xi32>
    %multiple_of3A_459 = tpu.assume_multiple %squeeze3A_458, 128 : i32
    %slice3A_460 = vector.extract_strided_slice %select_n3A_382 {offsets = [6], sizes = [1], strides = [1]} : vector<16xi32> to vector<1xi32>
    %squeeze3A_461 = vector.extract %slice3A_460[0] : i32 from vector<1xi32>
    %eq3A_462 = arith.constant 1 : i32
    %eq3A_463 = arith.cmpi eq, %squeeze3A_461, %eq3A_462 : i32
    %and3A_464 = arith.constant true
    %and3A_465 = arith.andi %eq3A_463, %and3A_464 : i1
    %convert_element_type3A_466 = arith.extui %and3A_465 : i1 to i32
    %cond3A_467 = arith.constant 0 : i32
    %cond3A_468 = arith.cmpi ne, %convert_element_type3A_466, %cond3A_467 : i32
    scf.if %cond3A_468 {
      %slice3A_590 = vector.extract_strided_slice %select_n3A_387 {offsets = [6], sizes = [1], strides = [1]} : vector<16xi32> to vector<1xi32>
      %squeeze3A_591 = vector.extract %slice3A_590[0] : i32 from vector<1xi32>
      %dma_start3A = arith.constant 0 : i32
      %dma_start3A_592 = arith.constant 0 : i32
      %dma_start3A_593 = tpu.memref_slice %arg13[%squeeze3A_591, %dma_start3A, %dma_start3A_592] : memref<16x16x128xf32, #tpu.memory_space<vmem>> -> memref<1x16x128xf32, #tpu.memory_space<vmem>>
      %dma_start3A_594 = tpu.memref_squeeze %dma_start3A_593 : memref<1x16x128xf32, #tpu.memory_space<vmem>> -> memref<16x128xf32, #tpu.memory_space<vmem>>
      %dma_start3A_595 = arith.constant 0 : i32
      %dma_start3A_596 = tpu.memref_slice %arg5[%dma_start3A_595, %multiple_of3A_459] : memref<32x1000001xf32, #tpu.memory_space<hbm>> -> memref<16x128xf32, #tpu.memory_space<hbm>>
      %dma_start3A_597 = arith.constant 0 : i32
      %dma_start3A_598 = arith.constant 0 : i32
      %dma_start3A_599 = tpu.memref_slice %arg13[%squeeze3A_591, %dma_start3A_597, %dma_start3A_598] : memref<16x16x128xf32, #tpu.memory_space<vmem>> -> memref<1x16x128xf32, #tpu.memory_space<vmem>>
      %dma_start3A_600 = tpu.memref_squeeze %dma_start3A_599 : memref<1x16x128xf32, #tpu.memory_space<vmem>> -> memref<16x128xf32, #tpu.memory_space<vmem>>
      %dma_start3A_601 = arith.constant 0 : i32
      %dma_start3A_602 = tpu.memref_slice %arg5[%dma_start3A_601, %multiple_of3A_459] : memref<32x1000001xf32, #tpu.memory_space<hbm>> -> memref<16x128xf32, #tpu.memory_space<hbm>>
      tpu.enqueue_dma source(%dma_start3A_602 : memref<16x128xf32, #tpu.memory_space<hbm>>) target(%dma_start3A_600 : memref<16x128xf32, #tpu.memory_space<vmem>>) target_semaphore(%arg21 : memref<!tpu.dma_semaphore, #tpu.memory_space<semaphore_mem>>)
    } else {
    }
    %slice3A_469 = vector.extract_strided_slice %and3A_18 {offsets = [7], sizes = [1], strides = [1]} : vector<16xi32> to vector<1xi32>
    %squeeze3A_470 = vector.extract %slice3A_469[0] : i32 from vector<1xi32>
    %multiple_of3A_471 = tpu.assume_multiple %squeeze3A_470, 128 : i32
    %slice3A_472 = vector.extract_strided_slice %select_n3A_382 {offsets = [7], sizes = [1], strides = [1]} : vector<16xi32> to vector<1xi32>
    %squeeze3A_473 = vector.extract %slice3A_472[0] : i32 from vector<1xi32>
    %eq3A_474 = arith.constant 1 : i32
    %eq3A_475 = arith.cmpi eq, %squeeze3A_473, %eq3A_474 : i32
    %and3A_476 = arith.constant true
    %and3A_477 = arith.andi %eq3A_475, %and3A_476 : i1
    %convert_element_type3A_478 = arith.extui %and3A_477 : i1 to i32
    %cond3A_479 = arith.constant 0 : i32
    %cond3A_480 = arith.cmpi ne, %convert_element_type3A_478, %cond3A_479 : i32
    scf.if %cond3A_480 {
      %slice3A_590 = vector.extract_strided_slice %select_n3A_387 {offsets = [7], sizes = [1], strides = [1]} : vector<16xi32> to vector<1xi32>
      %squeeze3A_591 = vector.extract %slice3A_590[0] : i32 from vector<1xi32>
      %dma_start3A = arith.constant 0 : i32
      %dma_start3A_592 = arith.constant 0 : i32
      %dma_start3A_593 = tpu.memref_slice %arg13[%squeeze3A_591, %dma_start3A, %dma_start3A_592] : memref<16x16x128xf32, #tpu.memory_space<vmem>> -> memref<1x16x128xf32, #tpu.memory_space<vmem>>
      %dma_start3A_594 = tpu.memref_squeeze %dma_start3A_593 : memref<1x16x128xf32, #tpu.memory_space<vmem>> -> memref<16x128xf32, #tpu.memory_space<vmem>>
      %dma_start3A_595 = arith.constant 0 : i32
      %dma_start3A_596 = tpu.memref_slice %arg5[%dma_start3A_595, %multiple_of3A_471] : memref<32x1000001xf32, #tpu.memory_space<hbm>> -> memref<16x128xf32, #tpu.memory_space<hbm>>
      %dma_start3A_597 = arith.constant 0 : i32
      %dma_start3A_598 = arith.constant 0 : i32
      %dma_start3A_599 = tpu.memref_slice %arg13[%squeeze3A_591, %dma_start3A_597, %dma_start3A_598] : memref<16x16x128xf32, #tpu.memory_space<vmem>> -> memref<1x16x128xf32, #tpu.memory_space<vmem>>
      %dma_start3A_600 = tpu.memref_squeeze %dma_start3A_599 : memref<1x16x128xf32, #tpu.memory_space<vmem>> -> memref<16x128xf32, #tpu.memory_space<vmem>>
      %dma_start3A_601 = arith.constant 0 : i32
      %dma_start3A_602 = tpu.memref_slice %arg5[%dma_start3A_601, %multiple_of3A_471] : memref<32x1000001xf32, #tpu.memory_space<hbm>> -> memref<16x128xf32, #tpu.memory_space<hbm>>
      tpu.enqueue_dma source(%dma_start3A_602 : memref<16x128xf32, #tpu.memory_space<hbm>>) target(%dma_start3A_600 : memref<16x128xf32, #tpu.memory_space<vmem>>) target_semaphore(%arg21 : memref<!tpu.dma_semaphore, #tpu.memory_space<semaphore_mem>>)
    } else {
    }
    %slice3A_481 = vector.extract_strided_slice %and3A_18 {offsets = [8], sizes = [1], strides = [1]} : vector<16xi32> to vector<1xi32>
    %squeeze3A_482 = vector.extract %slice3A_481[0] : i32 from vector<1xi32>
    %multiple_of3A_483 = tpu.assume_multiple %squeeze3A_482, 128 : i32
    %slice3A_484 = vector.extract_strided_slice %select_n3A_382 {offsets = [8], sizes = [1], strides = [1]} : vector<16xi32> to vector<1xi32>
    %squeeze3A_485 = vector.extract %slice3A_484[0] : i32 from vector<1xi32>
    %eq3A_486 = arith.constant 1 : i32
    %eq3A_487 = arith.cmpi eq, %squeeze3A_485, %eq3A_486 : i32
    %and3A_488 = arith.constant true
    %and3A_489 = arith.andi %eq3A_487, %and3A_488 : i1
    %convert_element_type3A_490 = arith.extui %and3A_489 : i1 to i32
    %cond3A_491 = arith.constant 0 : i32
    %cond3A_492 = arith.cmpi ne, %convert_element_type3A_490, %cond3A_491 : i32
    scf.if %cond3A_492 {
      %slice3A_590 = vector.extract_strided_slice %select_n3A_387 {offsets = [8], sizes = [1], strides = [1]} : vector<16xi32> to vector<1xi32>
      %squeeze3A_591 = vector.extract %slice3A_590[0] : i32 from vector<1xi32>
      %dma_start3A = arith.constant 0 : i32
      %dma_start3A_592 = arith.constant 0 : i32
      %dma_start3A_593 = tpu.memref_slice %arg13[%squeeze3A_591, %dma_start3A, %dma_start3A_592] : memref<16x16x128xf32, #tpu.memory_space<vmem>> -> memref<1x16x128xf32, #tpu.memory_space<vmem>>
      %dma_start3A_594 = tpu.memref_squeeze %dma_start3A_593 : memref<1x16x128xf32, #tpu.memory_space<vmem>> -> memref<16x128xf32, #tpu.memory_space<vmem>>
      %dma_start3A_595 = arith.constant 0 : i32
      %dma_start3A_596 = tpu.memref_slice %arg5[%dma_start3A_595, %multiple_of3A_483] : memref<32x1000001xf32, #tpu.memory_space<hbm>> -> memref<16x128xf32, #tpu.memory_space<hbm>>
      %dma_start3A_597 = arith.constant 0 : i32
      %dma_start3A_598 = arith.constant 0 : i32
      %dma_start3A_599 = tpu.memref_slice %arg13[%squeeze3A_591, %dma_start3A_597, %dma_start3A_598] : memref<16x16x128xf32, #tpu.memory_space<vmem>> -> memref<1x16x128xf32, #tpu.memory_space<vmem>>
      %dma_start3A_600 = tpu.memref_squeeze %dma_start3A_599 : memref<1x16x128xf32, #tpu.memory_space<vmem>> -> memref<16x128xf32, #tpu.memory_space<vmem>>
      %dma_start3A_601 = arith.constant 0 : i32
      %dma_start3A_602 = tpu.memref_slice %arg5[%dma_start3A_601, %multiple_of3A_483] : memref<32x1000001xf32, #tpu.memory_space<hbm>> -> memref<16x128xf32, #tpu.memory_space<hbm>>
      tpu.enqueue_dma source(%dma_start3A_602 : memref<16x128xf32, #tpu.memory_space<hbm>>) target(%dma_start3A_600 : memref<16x128xf32, #tpu.memory_space<vmem>>) target_semaphore(%arg21 : memref<!tpu.dma_semaphore, #tpu.memory_space<semaphore_mem>>)
    } else {
    }
    %slice3A_493 = vector.extract_strided_slice %and3A_18 {offsets = [9], sizes = [1], strides = [1]} : vector<16xi32> to vector<1xi32>
    %squeeze3A_494 = vector.extract %slice3A_493[0] : i32 from vector<1xi32>
    %multiple_of3A_495 = tpu.assume_multiple %squeeze3A_494, 128 : i32
    %slice3A_496 = vector.extract_strided_slice %select_n3A_382 {offsets = [9], sizes = [1], strides = [1]} : vector<16xi32> to vector<1xi32>
    %squeeze3A_497 = vector.extract %slice3A_496[0] : i32 from vector<1xi32>
    %eq3A_498 = arith.constant 1 : i32
    %eq3A_499 = arith.cmpi eq, %squeeze3A_497, %eq3A_498 : i32
    %and3A_500 = arith.constant true
    %and3A_501 = arith.andi %eq3A_499, %and3A_500 : i1
    %convert_element_type3A_502 = arith.extui %and3A_501 : i1 to i32
    %cond3A_503 = arith.constant 0 : i32
    %cond3A_504 = arith.cmpi ne, %convert_element_type3A_502, %cond3A_503 : i32
    scf.if %cond3A_504 {
      %slice3A_590 = vector.extract_strided_slice %select_n3A_387 {offsets = [9], sizes = [1], strides = [1]} : vector<16xi32> to vector<1xi32>
      %squeeze3A_591 = vector.extract %slice3A_590[0] : i32 from vector<1xi32>
      %dma_start3A = arith.constant 0 : i32
      %dma_start3A_592 = arith.constant 0 : i32
      %dma_start3A_593 = tpu.memref_slice %arg13[%squeeze3A_591, %dma_start3A, %dma_start3A_592] : memref<16x16x128xf32, #tpu.memory_space<vmem>> -> memref<1x16x128xf32, #tpu.memory_space<vmem>>
      %dma_start3A_594 = tpu.memref_squeeze %dma_start3A_593 : memref<1x16x128xf32, #tpu.memory_space<vmem>> -> memref<16x128xf32, #tpu.memory_space<vmem>>
      %dma_start3A_595 = arith.constant 0 : i32
      %dma_start3A_596 = tpu.memref_slice %arg5[%dma_start3A_595, %multiple_of3A_495] : memref<32x1000001xf32, #tpu.memory_space<hbm>> -> memref<16x128xf32, #tpu.memory_space<hbm>>
      %dma_start3A_597 = arith.constant 0 : i32
      %dma_start3A_598 = arith.constant 0 : i32
      %dma_start3A_599 = tpu.memref_slice %arg13[%squeeze3A_591, %dma_start3A_597, %dma_start3A_598] : memref<16x16x128xf32, #tpu.memory_space<vmem>> -> memref<1x16x128xf32, #tpu.memory_space<vmem>>
      %dma_start3A_600 = tpu.memref_squeeze %dma_start3A_599 : memref<1x16x128xf32, #tpu.memory_space<vmem>> -> memref<16x128xf32, #tpu.memory_space<vmem>>
      %dma_start3A_601 = arith.constant 0 : i32
      %dma_start3A_602 = tpu.memref_slice %arg5[%dma_start3A_601, %multiple_of3A_495] : memref<32x1000001xf32, #tpu.memory_space<hbm>> -> memref<16x128xf32, #tpu.memory_space<hbm>>
      tpu.enqueue_dma source(%dma_start3A_602 : memref<16x128xf32, #tpu.memory_space<hbm>>) target(%dma_start3A_600 : memref<16x128xf32, #tpu.memory_space<vmem>>) target_semaphore(%arg21 : memref<!tpu.dma_semaphore, #tpu.memory_space<semaphore_mem>>)
    } else {
    }
    %slice3A_505 = vector.extract_strided_slice %and3A_18 {offsets = [10], sizes = [1], strides = [1]} : vector<16xi32> to vector<1xi32>
    %squeeze3A_506 = vector.extract %slice3A_505[0] : i32 from vector<1xi32>
    %multiple_of3A_507 = tpu.assume_multiple %squeeze3A_506, 128 : i32
    %slice3A_508 = vector.extract_strided_slice %select_n3A_382 {offsets = [10], sizes = [1], strides = [1]} : vector<16xi32> to vector<1xi32>
    %squeeze3A_509 = vector.extract %slice3A_508[0] : i32 from vector<1xi32>
    %eq3A_510 = arith.constant 1 : i32
    %eq3A_511 = arith.cmpi eq, %squeeze3A_509, %eq3A_510 : i32
    %and3A_512 = arith.constant true
    %and3A_513 = arith.andi %eq3A_511, %and3A_512 : i1
    %convert_element_type3A_514 = arith.extui %and3A_513 : i1 to i32
    %cond3A_515 = arith.constant 0 : i32
    %cond3A_516 = arith.cmpi ne, %convert_element_type3A_514, %cond3A_515 : i32
    scf.if %cond3A_516 {
      %slice3A_590 = vector.extract_strided_slice %select_n3A_387 {offsets = [10], sizes = [1], strides = [1]} : vector<16xi32> to vector<1xi32>
      %squeeze3A_591 = vector.extract %slice3A_590[0] : i32 from vector<1xi32>
      %dma_start3A = arith.constant 0 : i32
      %dma_start3A_592 = arith.constant 0 : i32
      %dma_start3A_593 = tpu.memref_slice %arg13[%squeeze3A_591, %dma_start3A, %dma_start3A_592] : memref<16x16x128xf32, #tpu.memory_space<vmem>> -> memref<1x16x128xf32, #tpu.memory_space<vmem>>
      %dma_start3A_594 = tpu.memref_squeeze %dma_start3A_593 : memref<1x16x128xf32, #tpu.memory_space<vmem>> -> memref<16x128xf32, #tpu.memory_space<vmem>>
      %dma_start3A_595 = arith.constant 0 : i32
      %dma_start3A_596 = tpu.memref_slice %arg5[%dma_start3A_595, %multiple_of3A_507] : memref<32x1000001xf32, #tpu.memory_space<hbm>> -> memref<16x128xf32, #tpu.memory_space<hbm>>
      %dma_start3A_597 = arith.constant 0 : i32
      %dma_start3A_598 = arith.constant 0 : i32
      %dma_start3A_599 = tpu.memref_slice %arg13[%squeeze3A_591, %dma_start3A_597, %dma_start3A_598] : memref<16x16x128xf32, #tpu.memory_space<vmem>> -> memref<1x16x128xf32, #tpu.memory_space<vmem>>
      %dma_start3A_600 = tpu.memref_squeeze %dma_start3A_599 : memref<1x16x128xf32, #tpu.memory_space<vmem>> -> memref<16x128xf32, #tpu.memory_space<vmem>>
      %dma_start3A_601 = arith.constant 0 : i32
      %dma_start3A_602 = tpu.memref_slice %arg5[%dma_start3A_601, %multiple_of3A_507] : memref<32x1000001xf32, #tpu.memory_space<hbm>> -> memref<16x128xf32, #tpu.memory_space<hbm>>
      tpu.enqueue_dma source(%dma_start3A_602 : memref<16x128xf32, #tpu.memory_space<hbm>>) target(%dma_start3A_600 : memref<16x128xf32, #tpu.memory_space<vmem>>) target_semaphore(%arg21 : memref<!tpu.dma_semaphore, #tpu.memory_space<semaphore_mem>>)
    } else {
    }
    %slice3A_517 = vector.extract_strided_slice %and3A_18 {offsets = [11], sizes = [1], strides = [1]} : vector<16xi32> to vector<1xi32>
    %squeeze3A_518 = vector.extract %slice3A_517[0] : i32 from vector<1xi32>
    %multiple_of3A_519 = tpu.assume_multiple %squeeze3A_518, 128 : i32
    %slice3A_520 = vector.extract_strided_slice %select_n3A_382 {offsets = [11], sizes = [1], strides = [1]} : vector<16xi32> to vector<1xi32>
    %squeeze3A_521 = vector.extract %slice3A_520[0] : i32 from vector<1xi32>
    %eq3A_522 = arith.constant 1 : i32
    %eq3A_523 = arith.cmpi eq, %squeeze3A_521, %eq3A_522 : i32
    %and3A_524 = arith.constant true
    %and3A_525 = arith.andi %eq3A_523, %and3A_524 : i1
    %convert_element_type3A_526 = arith.extui %and3A_525 : i1 to i32
    %cond3A_527 = arith.constant 0 : i32
    %cond3A_528 = arith.cmpi ne, %convert_element_type3A_526, %cond3A_527 : i32
    scf.if %cond3A_528 {
      %slice3A_590 = vector.extract_strided_slice %select_n3A_387 {offsets = [11], sizes = [1], strides = [1]} : vector<16xi32> to vector<1xi32>
      %squeeze3A_591 = vector.extract %slice3A_590[0] : i32 from vector<1xi32>
      %dma_start3A = arith.constant 0 : i32
      %dma_start3A_592 = arith.constant 0 : i32
      %dma_start3A_593 = tpu.memref_slice %arg13[%squeeze3A_591, %dma_start3A, %dma_start3A_592] : memref<16x16x128xf32, #tpu.memory_space<vmem>> -> memref<1x16x128xf32, #tpu.memory_space<vmem>>
      %dma_start3A_594 = tpu.memref_squeeze %dma_start3A_593 : memref<1x16x128xf32, #tpu.memory_space<vmem>> -> memref<16x128xf32, #tpu.memory_space<vmem>>
      %dma_start3A_595 = arith.constant 0 : i32
      %dma_start3A_596 = tpu.memref_slice %arg5[%dma_start3A_595, %multiple_of3A_519] : memref<32x1000001xf32, #tpu.memory_space<hbm>> -> memref<16x128xf32, #tpu.memory_space<hbm>>
      %dma_start3A_597 = arith.constant 0 : i32
      %dma_start3A_598 = arith.constant 0 : i32
      %dma_start3A_599 = tpu.memref_slice %arg13[%squeeze3A_591, %dma_start3A_597, %dma_start3A_598] : memref<16x16x128xf32, #tpu.memory_space<vmem>> -> memref<1x16x128xf32, #tpu.memory_space<vmem>>
      %dma_start3A_600 = tpu.memref_squeeze %dma_start3A_599 : memref<1x16x128xf32, #tpu.memory_space<vmem>> -> memref<16x128xf32, #tpu.memory_space<vmem>>
      %dma_start3A_601 = arith.constant 0 : i32
      %dma_start3A_602 = tpu.memref_slice %arg5[%dma_start3A_601, %multiple_of3A_519] : memref<32x1000001xf32, #tpu.memory_space<hbm>> -> memref<16x128xf32, #tpu.memory_space<hbm>>
      tpu.enqueue_dma source(%dma_start3A_602 : memref<16x128xf32, #tpu.memory_space<hbm>>) target(%dma_start3A_600 : memref<16x128xf32, #tpu.memory_space<vmem>>) target_semaphore(%arg21 : memref<!tpu.dma_semaphore, #tpu.memory_space<semaphore_mem>>)
    } else {
    }
    %slice3A_529 = vector.extract_strided_slice %and3A_18 {offsets = [12], sizes = [1], strides = [1]} : vector<16xi32> to vector<1xi32>
    %squeeze3A_530 = vector.extract %slice3A_529[0] : i32 from vector<1xi32>
    %multiple_of3A_531 = tpu.assume_multiple %squeeze3A_530, 128 : i32
    %slice3A_532 = vector.extract_strided_slice %select_n3A_382 {offsets = [12], sizes = [1], strides = [1]} : vector<16xi32> to vector<1xi32>
    %squeeze3A_533 = vector.extract %slice3A_532[0] : i32 from vector<1xi32>
    %eq3A_534 = arith.constant 1 : i32
    %eq3A_535 = arith.cmpi eq, %squeeze3A_533, %eq3A_534 : i32
    %and3A_536 = arith.constant true
    %and3A_537 = arith.andi %eq3A_535, %and3A_536 : i1
    %convert_element_type3A_538 = arith.extui %and3A_537 : i1 to i32
    %cond3A_539 = arith.constant 0 : i32
    %cond3A_540 = arith.cmpi ne, %convert_element_type3A_538, %cond3A_539 : i32
    scf.if %cond3A_540 {
      %slice3A_590 = vector.extract_strided_slice %select_n3A_387 {offsets = [12], sizes = [1], strides = [1]} : vector<16xi32> to vector<1xi32>
      %squeeze3A_591 = vector.extract %slice3A_590[0] : i32 from vector<1xi32>
      %dma_start3A = arith.constant 0 : i32
      %dma_start3A_592 = arith.constant 0 : i32
      %dma_start3A_593 = tpu.memref_slice %arg13[%squeeze3A_591, %dma_start3A, %dma_start3A_592] : memref<16x16x128xf32, #tpu.memory_space<vmem>> -> memref<1x16x128xf32, #tpu.memory_space<vmem>>
      %dma_start3A_594 = tpu.memref_squeeze %dma_start3A_593 : memref<1x16x128xf32, #tpu.memory_space<vmem>> -> memref<16x128xf32, #tpu.memory_space<vmem>>
      %dma_start3A_595 = arith.constant 0 : i32
      %dma_start3A_596 = tpu.memref_slice %arg5[%dma_start3A_595, %multiple_of3A_531] : memref<32x1000001xf32, #tpu.memory_space<hbm>> -> memref<16x128xf32, #tpu.memory_space<hbm>>
      %dma_start3A_597 = arith.constant 0 : i32
      %dma_start3A_598 = arith.constant 0 : i32
      %dma_start3A_599 = tpu.memref_slice %arg13[%squeeze3A_591, %dma_start3A_597, %dma_start3A_598] : memref<16x16x128xf32, #tpu.memory_space<vmem>> -> memref<1x16x128xf32, #tpu.memory_space<vmem>>
      %dma_start3A_600 = tpu.memref_squeeze %dma_start3A_599 : memref<1x16x128xf32, #tpu.memory_space<vmem>> -> memref<16x128xf32, #tpu.memory_space<vmem>>
      %dma_start3A_601 = arith.constant 0 : i32
      %dma_start3A_602 = tpu.memref_slice %arg5[%dma_start3A_601, %multiple_of3A_531] : memref<32x1000001xf32, #tpu.memory_space<hbm>> -> memref<16x128xf32, #tpu.memory_space<hbm>>
      tpu.enqueue_dma source(%dma_start3A_602 : memref<16x128xf32, #tpu.memory_space<hbm>>) target(%dma_start3A_600 : memref<16x128xf32, #tpu.memory_space<vmem>>) target_semaphore(%arg21 : memref<!tpu.dma_semaphore, #tpu.memory_space<semaphore_mem>>)
    } else {
    }
    %slice3A_541 = vector.extract_strided_slice %and3A_18 {offsets = [13], sizes = [1], strides = [1]} : vector<16xi32> to vector<1xi32>
    %squeeze3A_542 = vector.extract %slice3A_541[0] : i32 from vector<1xi32>
    %multiple_of3A_543 = tpu.assume_multiple %squeeze3A_542, 128 : i32
    %slice3A_544 = vector.extract_strided_slice %select_n3A_382 {offsets = [13], sizes = [1], strides = [1]} : vector<16xi32> to vector<1xi32>
    %squeeze3A_545 = vector.extract %slice3A_544[0] : i32 from vector<1xi32>
    %eq3A_546 = arith.constant 1 : i32
    %eq3A_547 = arith.cmpi eq, %squeeze3A_545, %eq3A_546 : i32
    %and3A_548 = arith.constant true
    %and3A_549 = arith.andi %eq3A_547, %and3A_548 : i1
    %convert_element_type3A_550 = arith.extui %and3A_549 : i1 to i32
    %cond3A_551 = arith.constant 0 : i32
    %cond3A_552 = arith.cmpi ne, %convert_element_type3A_550, %cond3A_551 : i32
    scf.if %cond3A_552 {
      %slice3A_590 = vector.extract_strided_slice %select_n3A_387 {offsets = [13], sizes = [1], strides = [1]} : vector<16xi32> to vector<1xi32>
      %squeeze3A_591 = vector.extract %slice3A_590[0] : i32 from vector<1xi32>
      %dma_start3A = arith.constant 0 : i32
      %dma_start3A_592 = arith.constant 0 : i32
      %dma_start3A_593 = tpu.memref_slice %arg13[%squeeze3A_591, %dma_start3A, %dma_start3A_592] : memref<16x16x128xf32, #tpu.memory_space<vmem>> -> memref<1x16x128xf32, #tpu.memory_space<vmem>>
      %dma_start3A_594 = tpu.memref_squeeze %dma_start3A_593 : memref<1x16x128xf32, #tpu.memory_space<vmem>> -> memref<16x128xf32, #tpu.memory_space<vmem>>
      %dma_start3A_595 = arith.constant 0 : i32
      %dma_start3A_596 = tpu.memref_slice %arg5[%dma_start3A_595, %multiple_of3A_543] : memref<32x1000001xf32, #tpu.memory_space<hbm>> -> memref<16x128xf32, #tpu.memory_space<hbm>>
      %dma_start3A_597 = arith.constant 0 : i32
      %dma_start3A_598 = arith.constant 0 : i32
      %dma_start3A_599 = tpu.memref_slice %arg13[%squeeze3A_591, %dma_start3A_597, %dma_start3A_598] : memref<16x16x128xf32, #tpu.memory_space<vmem>> -> memref<1x16x128xf32, #tpu.memory_space<vmem>>
      %dma_start3A_600 = tpu.memref_squeeze %dma_start3A_599 : memref<1x16x128xf32, #tpu.memory_space<vmem>> -> memref<16x128xf32, #tpu.memory_space<vmem>>
      %dma_start3A_601 = arith.constant 0 : i32
      %dma_start3A_602 = tpu.memref_slice %arg5[%dma_start3A_601, %multiple_of3A_543] : memref<32x1000001xf32, #tpu.memory_space<hbm>> -> memref<16x128xf32, #tpu.memory_space<hbm>>
      tpu.enqueue_dma source(%dma_start3A_602 : memref<16x128xf32, #tpu.memory_space<hbm>>) target(%dma_start3A_600 : memref<16x128xf32, #tpu.memory_space<vmem>>) target_semaphore(%arg21 : memref<!tpu.dma_semaphore, #tpu.memory_space<semaphore_mem>>)
    } else {
    }
    %slice3A_553 = vector.extract_strided_slice %and3A_18 {offsets = [14], sizes = [1], strides = [1]} : vector<16xi32> to vector<1xi32>
    %squeeze3A_554 = vector.extract %slice3A_553[0] : i32 from vector<1xi32>
    %multiple_of3A_555 = tpu.assume_multiple %squeeze3A_554, 128 : i32
    %slice3A_556 = vector.extract_strided_slice %select_n3A_382 {offsets = [14], sizes = [1], strides = [1]} : vector<16xi32> to vector<1xi32>
    %squeeze3A_557 = vector.extract %slice3A_556[0] : i32 from vector<1xi32>
    %eq3A_558 = arith.constant 1 : i32
    %eq3A_559 = arith.cmpi eq, %squeeze3A_557, %eq3A_558 : i32
    %and3A_560 = arith.constant true
    %and3A_561 = arith.andi %eq3A_559, %and3A_560 : i1
    %convert_element_type3A_562 = arith.extui %and3A_561 : i1 to i32
    %cond3A_563 = arith.constant 0 : i32
    %cond3A_564 = arith.cmpi ne, %convert_element_type3A_562, %cond3A_563 : i32
    scf.if %cond3A_564 {
      %slice3A_590 = vector.extract_strided_slice %select_n3A_387 {offsets = [14], sizes = [1], strides = [1]} : vector<16xi32> to vector<1xi32>
      %squeeze3A_591 = vector.extract %slice3A_590[0] : i32 from vector<1xi32>
      %dma_start3A = arith.constant 0 : i32
      %dma_start3A_592 = arith.constant 0 : i32
      %dma_start3A_593 = tpu.memref_slice %arg13[%squeeze3A_591, %dma_start3A, %dma_start3A_592] : memref<16x16x128xf32, #tpu.memory_space<vmem>> -> memref<1x16x128xf32, #tpu.memory_space<vmem>>
      %dma_start3A_594 = tpu.memref_squeeze %dma_start3A_593 : memref<1x16x128xf32, #tpu.memory_space<vmem>> -> memref<16x128xf32, #tpu.memory_space<vmem>>
      %dma_start3A_595 = arith.constant 0 : i32
      %dma_start3A_596 = tpu.memref_slice %arg5[%dma_start3A_595, %multiple_of3A_555] : memref<32x1000001xf32, #tpu.memory_space<hbm>> -> memref<16x128xf32, #tpu.memory_space<hbm>>
      %dma_start3A_597 = arith.constant 0 : i32
      %dma_start3A_598 = arith.constant 0 : i32
      %dma_start3A_599 = tpu.memref_slice %arg13[%squeeze3A_591, %dma_start3A_597, %dma_start3A_598] : memref<16x16x128xf32, #tpu.memory_space<vmem>> -> memref<1x16x128xf32, #tpu.memory_space<vmem>>
      %dma_start3A_600 = tpu.memref_squeeze %dma_start3A_599 : memref<1x16x128xf32, #tpu.memory_space<vmem>> -> memref<16x128xf32, #tpu.memory_space<vmem>>
      %dma_start3A_601 = arith.constant 0 : i32
      %dma_start3A_602 = tpu.memref_slice %arg5[%dma_start3A_601, %multiple_of3A_555] : memref<32x1000001xf32, #tpu.memory_space<hbm>> -> memref<16x128xf32, #tpu.memory_space<hbm>>
      tpu.enqueue_dma source(%dma_start3A_602 : memref<16x128xf32, #tpu.memory_space<hbm>>) target(%dma_start3A_600 : memref<16x128xf32, #tpu.memory_space<vmem>>) target_semaphore(%arg21 : memref<!tpu.dma_semaphore, #tpu.memory_space<semaphore_mem>>)
    } else {
    }
    %slice3A_565 = vector.extract_strided_slice %and3A_18 {offsets = [15], sizes = [1], strides = [1]} : vector<16xi32> to vector<1xi32>
    %squeeze3A_566 = vector.extract %slice3A_565[0] : i32 from vector<1xi32>
    %multiple_of3A_567 = tpu.assume_multiple %squeeze3A_566, 128 : i32
    %slice3A_568 = vector.extract_strided_slice %select_n3A_382 {offsets = [15], sizes = [1], strides = [1]} : vector<16xi32> to vector<1xi32>
    %squeeze3A_569 = vector.extract %slice3A_568[0] : i32 from vector<1xi32>
    %eq3A_570 = arith.constant 1 : i32
    %eq3A_571 = arith.cmpi eq, %squeeze3A_569, %eq3A_570 : i32
    %and3A_572 = arith.constant true
    %and3A_573 = arith.andi %eq3A_571, %and3A_572 : i1
    %convert_element_type3A_574 = arith.extui %and3A_573 : i1 to i32
    %cond3A_575 = arith.constant 0 : i32
    %cond3A_576 = arith.cmpi ne, %convert_element_type3A_574, %cond3A_575 : i32
    scf.if %cond3A_576 {
      %slice3A_590 = vector.extract_strided_slice %select_n3A_387 {offsets = [15], sizes = [1], strides = [1]} : vector<16xi32> to vector<1xi32>
      %squeeze3A_591 = vector.extract %slice3A_590[0] : i32 from vector<1xi32>
      %dma_start3A = arith.constant 0 : i32
      %dma_start3A_592 = arith.constant 0 : i32
      %dma_start3A_593 = tpu.memref_slice %arg13[%squeeze3A_591, %dma_start3A, %dma_start3A_592] : memref<16x16x128xf32, #tpu.memory_space<vmem>> -> memref<1x16x128xf32, #tpu.memory_space<vmem>>
      %dma_start3A_594 = tpu.memref_squeeze %dma_start3A_593 : memref<1x16x128xf32, #tpu.memory_space<vmem>> -> memref<16x128xf32, #tpu.memory_space<vmem>>
      %dma_start3A_595 = arith.constant 0 : i32
      %dma_start3A_596 = tpu.memref_slice %arg5[%dma_start3A_595, %multiple_of3A_567] : memref<32x1000001xf32, #tpu.memory_space<hbm>> -> memref<16x128xf32, #tpu.memory_space<hbm>>
      %dma_start3A_597 = arith.constant 0 : i32
      %dma_start3A_598 = arith.constant 0 : i32
      %dma_start3A_599 = tpu.memref_slice %arg13[%squeeze3A_591, %dma_start3A_597, %dma_start3A_598] : memref<16x16x128xf32, #tpu.memory_space<vmem>> -> memref<1x16x128xf32, #tpu.memory_space<vmem>>
      %dma_start3A_600 = tpu.memref_squeeze %dma_start3A_599 : memref<1x16x128xf32, #tpu.memory_space<vmem>> -> memref<16x128xf32, #tpu.memory_space<vmem>>
      %dma_start3A_601 = arith.constant 0 : i32
      %dma_start3A_602 = tpu.memref_slice %arg5[%dma_start3A_601, %multiple_of3A_567] : memref<32x1000001xf32, #tpu.memory_space<hbm>> -> memref<16x128xf32, #tpu.memory_space<hbm>>
      tpu.enqueue_dma source(%dma_start3A_602 : memref<16x128xf32, #tpu.memory_space<hbm>>) target(%dma_start3A_600 : memref<16x128xf32, #tpu.memory_space<vmem>>) target_semaphore(%arg21 : memref<!tpu.dma_semaphore, #tpu.memory_space<semaphore_mem>>)
    } else {
    }
    %scan3A_577 = arith.constant true
    %scan3A_578 = arith.constant 0 : i32
    %scan3A_579 = arith.constant 0 : i32
    %scan3A_580 = arith.constant 32 : i32
    %scan3A_581 = arith.addi %scan3A_579, %scan3A_580 : i32
    %scan3A_582 = arith.constant 1 : i32
    %scan3A_583:5 = scf.for %scan3A_590 = %scan3A_579 to %scan3A_581 step %scan3A_582 iter_args(%scan3A_591 = %and3A_18, %scan3A_592 = %and3A_21, %scan3A_593 = %select_n3A_387, %scan3A_594 = %select_n3A_382, %scan3A_595 = %add3A_374) -> (vector<16xi32>, vector<16xi32>, vector<16xi32>, vector<16xi32>, i32)  : i32 {
      %mul3A_596 = arith.constant 16 : i32
      %mul3A_597 = arith.muli %scan3A_590, %mul3A_596 : i32
      %get3A_598 = arith.index_cast %mul3A_597 : i32 to index
      %get3A_599 = tpu.vector_load %arg11[%get3A_598] {strides = array<i32>} : memref<512xi32, #tpu.memory_space<vmem>>, vector<16xi32>,
      %and3A_600 = arith.constant -128 : i32
      %and3A_601 = vector.broadcast %and3A_600 : i32 to vector<16xi32>
      %and3A_602 = arith.andi %get3A_599, %and3A_601 : vector<16xi32>
      %slice3A_603 = vector.extract_strided_slice %and3A_602 {offsets = [0], sizes = [1], strides = [1]} : vector<16xi32> to vector<1xi32>
      %squeeze3A_604 = vector.extract %slice3A_603[0] : i32 from vector<1xi32>
      %multiple_of3A_605 = tpu.assume_multiple %squeeze3A_604, 128 : i32
      %dma_start3A = arith.constant 0 : i32
      %dma_start3A_606 = arith.constant 0 : i32
      %dma_start3A_607 = arith.constant 0 : i32
      %dma_start3A_608 = tpu.memref_slice %arg14[%dma_start3A, %dma_start3A_606, %dma_start3A_607] : memref<16x32x128xf32, #tpu.memory_space<vmem>> -> memref<1x32x128xf32, #tpu.memory_space<vmem>>
      %dma_start3A_609 = tpu.memref_squeeze %dma_start3A_608 : memref<1x32x128xf32, #tpu.memory_space<vmem>> -> memref<32x128xf32, #tpu.memory_space<vmem>>
      %dma_start3A_610 = arith.constant 0 : i32
      %dma_start3A_611 = tpu.memref_slice %arg6[%dma_start3A_610, %multiple_of3A_605] : memref<32x1000001xf32, #tpu.memory_space<hbm>> -> memref<32x128xf32, #tpu.memory_space<hbm>>
      %dma_start3A_612 = arith.constant 0 : i32
      %dma_start3A_613 = arith.constant 0 : i32
      %dma_start3A_614 = tpu.memref_slice %arg14[%dma_start3A, %dma_start3A_612, %dma_start3A_613] : memref<16x32x128xf32, #tpu.memory_space<vmem>> -> memref<1x32x128xf32, #tpu.memory_space<vmem>>
      %dma_start3A_615 = tpu.memref_squeeze %dma_start3A_614 : memref<1x32x128xf32, #tpu.memory_space<vmem>> -> memref<32x128xf32, #tpu.memory_space<vmem>>
      %dma_start3A_616 = arith.constant 0 : i32
      %dma_start3A_617 = tpu.memref_slice %arg6[%dma_start3A_616, %multiple_of3A_605] : memref<32x1000001xf32, #tpu.memory_space<hbm>> -> memref<32x128xf32, #tpu.memory_space<hbm>>
      tpu.enqueue_dma source(%dma_start3A_617 : memref<32x128xf32, #tpu.memory_space<hbm>>) target(%dma_start3A_615 : memref<32x128xf32, #tpu.memory_space<vmem>>) target_semaphore(%arg22 : memref<!tpu.dma_semaphore, #tpu.memory_space<semaphore_mem>>)
      %slice3A_618 = vector.extract_strided_slice %and3A_602 {offsets = [1], sizes = [1], strides = [1]} : vector<16xi32> to vector<1xi32>
      %squeeze3A_619 = vector.extract %slice3A_618[0] : i32 from vector<1xi32>
      %multiple_of3A_620 = tpu.assume_multiple %squeeze3A_619, 128 : i32
      %dma_start3A_621 = arith.constant 1 : i32
      %dma_start3A_622 = arith.constant 0 : i32
      %dma_start3A_623 = arith.constant 0 : i32
      %dma_start3A_624 = tpu.memref_slice %arg14[%dma_start3A_621, %dma_start3A_622, %dma_start3A_623] : memref<16x32x128xf32, #tpu.memory_space<vmem>> -> memref<1x32x128xf32, #tpu.memory_space<vmem>>
      %dma_start3A_625 = tpu.memref_squeeze %dma_start3A_624 : memref<1x32x128xf32, #tpu.memory_space<vmem>> -> memref<32x128xf32, #tpu.memory_space<vmem>>
      %dma_start3A_626 = arith.constant 0 : i32
      %dma_start3A_627 = tpu.memref_slice %arg6[%dma_start3A_626, %multiple_of3A_620] : memref<32x1000001xf32, #tpu.memory_space<hbm>> -> memref<32x128xf32, #tpu.memory_space<hbm>>
      %dma_start3A_628 = arith.constant 0 : i32
      %dma_start3A_629 = arith.constant 0 : i32
      %dma_start3A_630 = tpu.memref_slice %arg14[%dma_start3A_621, %dma_start3A_628, %dma_start3A_629] : memref<16x32x128xf32, #tpu.memory_space<vmem>> -> memref<1x32x128xf32, #tpu.memory_space<vmem>>
      %dma_start3A_631 = tpu.memref_squeeze %dma_start3A_630 : memref<1x32x128xf32, #tpu.memory_space<vmem>> -> memref<32x128xf32, #tpu.memory_space<vmem>>
      %dma_start3A_632 = arith.constant 0 : i32
      %dma_start3A_633 = tpu.memref_slice %arg6[%dma_start3A_632, %multiple_of3A_620] : memref<32x1000001xf32, #tpu.memory_space<hbm>> -> memref<32x128xf32, #tpu.memory_space<hbm>>
      tpu.enqueue_dma source(%dma_start3A_633 : memref<32x128xf32, #tpu.memory_space<hbm>>) target(%dma_start3A_631 : memref<32x128xf32, #tpu.memory_space<vmem>>) target_semaphore(%arg22 : memref<!tpu.dma_semaphore, #tpu.memory_space<semaphore_mem>>)
      %slice3A_634 = vector.extract_strided_slice %and3A_602 {offsets = [2], sizes = [1], strides = [1]} : vector<16xi32> to vector<1xi32>
      %squeeze3A_635 = vector.extract %slice3A_634[0] : i32 from vector<1xi32>
      %multiple_of3A_636 = tpu.assume_multiple %squeeze3A_635, 128 : i32
      %dma_start3A_637 = arith.constant 2 : i32
      %dma_start3A_638 = arith.constant 0 : i32
      %dma_start3A_639 = arith.constant 0 : i32
      %dma_start3A_640 = tpu.memref_slice %arg14[%dma_start3A_637, %dma_start3A_638, %dma_start3A_639] : memref<16x32x128xf32, #tpu.memory_space<vmem>> -> memref<1x32x128xf32, #tpu.memory_space<vmem>>
      %dma_start3A_641 = tpu.memref_squeeze %dma_start3A_640 : memref<1x32x128xf32, #tpu.memory_space<vmem>> -> memref<32x128xf32, #tpu.memory_space<vmem>>
      %dma_start3A_642 = arith.constant 0 : i32
      %dma_start3A_643 = tpu.memref_slice %arg6[%dma_start3A_642, %multiple_of3A_636] : memref<32x1000001xf32, #tpu.memory_space<hbm>> -> memref<32x128xf32, #tpu.memory_space<hbm>>
      %dma_start3A_644 = arith.constant 0 : i32
      %dma_start3A_645 = arith.constant 0 : i32
      %dma_start3A_646 = tpu.memref_slice %arg14[%dma_start3A_637, %dma_start3A_644, %dma_start3A_645] : memref<16x32x128xf32, #tpu.memory_space<vmem>> -> memref<1x32x128xf32, #tpu.memory_space<vmem>>
      %dma_start3A_647 = tpu.memref_squeeze %dma_start3A_646 : memref<1x32x128xf32, #tpu.memory_space<vmem>> -> memref<32x128xf32, #tpu.memory_space<vmem>>
      %dma_start3A_648 = arith.constant 0 : i32
      %dma_start3A_649 = tpu.memref_slice %arg6[%dma_start3A_648, %multiple_of3A_636] : memref<32x1000001xf32, #tpu.memory_space<hbm>> -> memref<32x128xf32, #tpu.memory_space<hbm>>
      tpu.enqueue_dma source(%dma_start3A_649 : memref<32x128xf32, #tpu.memory_space<hbm>>) target(%dma_start3A_647 : memref<32x128xf32, #tpu.memory_space<vmem>>) target_semaphore(%arg22 : memref<!tpu.dma_semaphore, #tpu.memory_space<semaphore_mem>>)
      %slice3A_650 = vector.extract_strided_slice %and3A_602 {offsets = [3], sizes = [1], strides = [1]} : vector<16xi32> to vector<1xi32>
      %squeeze3A_651 = vector.extract %slice3A_650[0] : i32 from vector<1xi32>
      %multiple_of3A_652 = tpu.assume_multiple %squeeze3A_651, 128 : i32
      %dma_start3A_653 = arith.constant 3 : i32
      %dma_start3A_654 = arith.constant 0 : i32
      %dma_start3A_655 = arith.constant 0 : i32
      %dma_start3A_656 = tpu.memref_slice %arg14[%dma_start3A_653, %dma_start3A_654, %dma_start3A_655] : memref<16x32x128xf32, #tpu.memory_space<vmem>> -> memref<1x32x128xf32, #tpu.memory_space<vmem>>
      %dma_start3A_657 = tpu.memref_squeeze %dma_start3A_656 : memref<1x32x128xf32, #tpu.memory_space<vmem>> -> memref<32x128xf32, #tpu.memory_space<vmem>>
      %dma_start3A_658 = arith.constant 0 : i32
      %dma_start3A_659 = tpu.memref_slice %arg6[%dma_start3A_658, %multiple_of3A_652] : memref<32x1000001xf32, #tpu.memory_space<hbm>> -> memref<32x128xf32, #tpu.memory_space<hbm>>
      %dma_start3A_660 = arith.constant 0 : i32
      %dma_start3A_661 = arith.constant 0 : i32
      %dma_start3A_662 = tpu.memref_slice %arg14[%dma_start3A_653, %dma_start3A_660, %dma_start3A_661] : memref<16x32x128xf32, #tpu.memory_space<vmem>> -> memref<1x32x128xf32, #tpu.memory_space<vmem>>
      %dma_start3A_663 = tpu.memref_squeeze %dma_start3A_662 : memref<1x32x128xf32, #tpu.memory_space<vmem>> -> memref<32x128xf32, #tpu.memory_space<vmem>>
      %dma_start3A_664 = arith.constant 0 : i32
      %dma_start3A_665 = tpu.memref_slice %arg6[%dma_start3A_664, %multiple_of3A_652] : memref<32x1000001xf32, #tpu.memory_space<hbm>> -> memref<32x128xf32, #tpu.memory_space<hbm>>
      tpu.enqueue_dma source(%dma_start3A_665 : memref<32x128xf32, #tpu.memory_space<hbm>>) target(%dma_start3A_663 : memref<32x128xf32, #tpu.memory_space<vmem>>) target_semaphore(%arg22 : memref<!tpu.dma_semaphore, #tpu.memory_space<semaphore_mem>>)
      %slice3A_666 = vector.extract_strided_slice %and3A_602 {offsets = [4], sizes = [1], strides = [1]} : vector<16xi32> to vector<1xi32>
      %squeeze3A_667 = vector.extract %slice3A_666[0] : i32 from vector<1xi32>
      %multiple_of3A_668 = tpu.assume_multiple %squeeze3A_667, 128 : i32
      %dma_start3A_669 = arith.constant 4 : i32
      %dma_start3A_670 = arith.constant 0 : i32
      %dma_start3A_671 = arith.constant 0 : i32
      %dma_start3A_672 = tpu.memref_slice %arg14[%dma_start3A_669, %dma_start3A_670, %dma_start3A_671] : memref<16x32x128xf32, #tpu.memory_space<vmem>> -> memref<1x32x128xf32, #tpu.memory_space<vmem>>
      %dma_start3A_673 = tpu.memref_squeeze %dma_start3A_672 : memref<1x32x128xf32, #tpu.memory_space<vmem>> -> memref<32x128xf32, #tpu.memory_space<vmem>>
      %dma_start3A_674 = arith.constant 0 : i32
      %dma_start3A_675 = tpu.memref_slice %arg6[%dma_start3A_674, %multiple_of3A_668] : memref<32x1000001xf32, #tpu.memory_space<hbm>> -> memref<32x128xf32, #tpu.memory_space<hbm>>
      %dma_start3A_676 = arith.constant 0 : i32
      %dma_start3A_677 = arith.constant 0 : i32
      %dma_start3A_678 = tpu.memref_slice %arg14[%dma_start3A_669, %dma_start3A_676, %dma_start3A_677] : memref<16x32x128xf32, #tpu.memory_space<vmem>> -> memref<1x32x128xf32, #tpu.memory_space<vmem>>
      %dma_start3A_679 = tpu.memref_squeeze %dma_start3A_678 : memref<1x32x128xf32, #tpu.memory_space<vmem>> -> memref<32x128xf32, #tpu.memory_space<vmem>>
      %dma_start3A_680 = arith.constant 0 : i32
      %dma_start3A_681 = tpu.memref_slice %arg6[%dma_start3A_680, %multiple_of3A_668] : memref<32x1000001xf32, #tpu.memory_space<hbm>> -> memref<32x128xf32, #tpu.memory_space<hbm>>
      tpu.enqueue_dma source(%dma_start3A_681 : memref<32x128xf32, #tpu.memory_space<hbm>>) target(%dma_start3A_679 : memref<32x128xf32, #tpu.memory_space<vmem>>) target_semaphore(%arg22 : memref<!tpu.dma_semaphore, #tpu.memory_space<semaphore_mem>>)
      %slice3A_682 = vector.extract_strided_slice %and3A_602 {offsets = [5], sizes = [1], strides = [1]} : vector<16xi32> to vector<1xi32>
      %squeeze3A_683 = vector.extract %slice3A_682[0] : i32 from vector<1xi32>
      %multiple_of3A_684 = tpu.assume_multiple %squeeze3A_683, 128 : i32
      %dma_start3A_685 = arith.constant 5 : i32
      %dma_start3A_686 = arith.constant 0 : i32
      %dma_start3A_687 = arith.constant 0 : i32
      %dma_start3A_688 = tpu.memref_slice %arg14[%dma_start3A_685, %dma_start3A_686, %dma_start3A_687] : memref<16x32x128xf32, #tpu.memory_space<vmem>> -> memref<1x32x128xf32, #tpu.memory_space<vmem>>
      %dma_start3A_689 = tpu.memref_squeeze %dma_start3A_688 : memref<1x32x128xf32, #tpu.memory_space<vmem>> -> memref<32x128xf32, #tpu.memory_space<vmem>>
      %dma_start3A_690 = arith.constant 0 : i32
      %dma_start3A_691 = tpu.memref_slice %arg6[%dma_start3A_690, %multiple_of3A_684] : memref<32x1000001xf32, #tpu.memory_space<hbm>> -> memref<32x128xf32, #tpu.memory_space<hbm>>
      %dma_start3A_692 = arith.constant 0 : i32
      %dma_start3A_693 = arith.constant 0 : i32
      %dma_start3A_694 = tpu.memref_slice %arg14[%dma_start3A_685, %dma_start3A_692, %dma_start3A_693] : memref<16x32x128xf32, #tpu.memory_space<vmem>> -> memref<1x32x128xf32, #tpu.memory_space<vmem>>
      %dma_start3A_695 = tpu.memref_squeeze %dma_start3A_694 : memref<1x32x128xf32, #tpu.memory_space<vmem>> -> memref<32x128xf32, #tpu.memory_space<vmem>>
      %dma_start3A_696 = arith.constant 0 : i32
      %dma_start3A_697 = tpu.memref_slice %arg6[%dma_start3A_696, %multiple_of3A_684] : memref<32x1000001xf32, #tpu.memory_space<hbm>> -> memref<32x128xf32, #tpu.memory_space<hbm>>
      tpu.enqueue_dma source(%dma_start3A_697 : memref<32x128xf32, #tpu.memory_space<hbm>>) target(%dma_start3A_695 : memref<32x128xf32, #tpu.memory_space<vmem>>) target_semaphore(%arg22 : memref<!tpu.dma_semaphore, #tpu.memory_space<semaphore_mem>>)
      %slice3A_698 = vector.extract_strided_slice %and3A_602 {offsets = [6], sizes = [1], strides = [1]} : vector<16xi32> to vector<1xi32>
      %squeeze3A_699 = vector.extract %slice3A_698[0] : i32 from vector<1xi32>
      %multiple_of3A_700 = tpu.assume_multiple %squeeze3A_699, 128 : i32
      %dma_start3A_701 = arith.constant 6 : i32
      %dma_start3A_702 = arith.constant 0 : i32
      %dma_start3A_703 = arith.constant 0 : i32
      %dma_start3A_704 = tpu.memref_slice %arg14[%dma_start3A_701, %dma_start3A_702, %dma_start3A_703] : memref<16x32x128xf32, #tpu.memory_space<vmem>> -> memref<1x32x128xf32, #tpu.memory_space<vmem>>
      %dma_start3A_705 = tpu.memref_squeeze %dma_start3A_704 : memref<1x32x128xf32, #tpu.memory_space<vmem>> -> memref<32x128xf32, #tpu.memory_space<vmem>>
      %dma_start3A_706 = arith.constant 0 : i32
      %dma_start3A_707 = tpu.memref_slice %arg6[%dma_start3A_706, %multiple_of3A_700] : memref<32x1000001xf32, #tpu.memory_space<hbm>> -> memref<32x128xf32, #tpu.memory_space<hbm>>
      %dma_start3A_708 = arith.constant 0 : i32
      %dma_start3A_709 = arith.constant 0 : i32
      %dma_start3A_710 = tpu.memref_slice %arg14[%dma_start3A_701, %dma_start3A_708, %dma_start3A_709] : memref<16x32x128xf32, #tpu.memory_space<vmem>> -> memref<1x32x128xf32, #tpu.memory_space<vmem>>
      %dma_start3A_711 = tpu.memref_squeeze %dma_start3A_710 : memref<1x32x128xf32, #tpu.memory_space<vmem>> -> memref<32x128xf32, #tpu.memory_space<vmem>>
      %dma_start3A_712 = arith.constant 0 : i32
      %dma_start3A_713 = tpu.memref_slice %arg6[%dma_start3A_712, %multiple_of3A_700] : memref<32x1000001xf32, #tpu.memory_space<hbm>> -> memref<32x128xf32, #tpu.memory_space<hbm>>
      tpu.enqueue_dma source(%dma_start3A_713 : memref<32x128xf32, #tpu.memory_space<hbm>>) target(%dma_start3A_711 : memref<32x128xf32, #tpu.memory_space<vmem>>) target_semaphore(%arg22 : memref<!tpu.dma_semaphore, #tpu.memory_space<semaphore_mem>>)
      %slice3A_714 = vector.extract_strided_slice %and3A_602 {offsets = [7], sizes = [1], strides = [1]} : vector<16xi32> to vector<1xi32>
      %squeeze3A_715 = vector.extract %slice3A_714[0] : i32 from vector<1xi32>
      %multiple_of3A_716 = tpu.assume_multiple %squeeze3A_715, 128 : i32
      %dma_start3A_717 = arith.constant 7 : i32
      %dma_start3A_718 = arith.constant 0 : i32
      %dma_start3A_719 = arith.constant 0 : i32
      %dma_start3A_720 = tpu.memref_slice %arg14[%dma_start3A_717, %dma_start3A_718, %dma_start3A_719] : memref<16x32x128xf32, #tpu.memory_space<vmem>> -> memref<1x32x128xf32, #tpu.memory_space<vmem>>
      %dma_start3A_721 = tpu.memref_squeeze %dma_start3A_720 : memref<1x32x128xf32, #tpu.memory_space<vmem>> -> memref<32x128xf32, #tpu.memory_space<vmem>>
      %dma_start3A_722 = arith.constant 0 : i32
      %dma_start3A_723 = tpu.memref_slice %arg6[%dma_start3A_722, %multiple_of3A_716] : memref<32x1000001xf32, #tpu.memory_space<hbm>> -> memref<32x128xf32, #tpu.memory_space<hbm>>
      %dma_start3A_724 = arith.constant 0 : i32
      %dma_start3A_725 = arith.constant 0 : i32
      %dma_start3A_726 = tpu.memref_slice %arg14[%dma_start3A_717, %dma_start3A_724, %dma_start3A_725] : memref<16x32x128xf32, #tpu.memory_space<vmem>> -> memref<1x32x128xf32, #tpu.memory_space<vmem>>
      %dma_start3A_727 = tpu.memref_squeeze %dma_start3A_726 : memref<1x32x128xf32, #tpu.memory_space<vmem>> -> memref<32x128xf32, #tpu.memory_space<vmem>>
      %dma_start3A_728 = arith.constant 0 : i32
      %dma_start3A_729 = tpu.memref_slice %arg6[%dma_start3A_728, %multiple_of3A_716] : memref<32x1000001xf32, #tpu.memory_space<hbm>> -> memref<32x128xf32, #tpu.memory_space<hbm>>
      tpu.enqueue_dma source(%dma_start3A_729 : memref<32x128xf32, #tpu.memory_space<hbm>>) target(%dma_start3A_727 : memref<32x128xf32, #tpu.memory_space<vmem>>) target_semaphore(%arg22 : memref<!tpu.dma_semaphore, #tpu.memory_space<semaphore_mem>>)
      %slice3A_730 = vector.extract_strided_slice %and3A_602 {offsets = [8], sizes = [1], strides = [1]} : vector<16xi32> to vector<1xi32>
      %squeeze3A_731 = vector.extract %slice3A_730[0] : i32 from vector<1xi32>
      %multiple_of3A_732 = tpu.assume_multiple %squeeze3A_731, 128 : i32
      %dma_start3A_733 = arith.constant 8 : i32
      %dma_start3A_734 = arith.constant 0 : i32
      %dma_start3A_735 = arith.constant 0 : i32
      %dma_start3A_736 = tpu.memref_slice %arg14[%dma_start3A_733, %dma_start3A_734, %dma_start3A_735] : memref<16x32x128xf32, #tpu.memory_space<vmem>> -> memref<1x32x128xf32, #tpu.memory_space<vmem>>
      %dma_start3A_737 = tpu.memref_squeeze %dma_start3A_736 : memref<1x32x128xf32, #tpu.memory_space<vmem>> -> memref<32x128xf32, #tpu.memory_space<vmem>>
      %dma_start3A_738 = arith.constant 0 : i32
      %dma_start3A_739 = tpu.memref_slice %arg6[%dma_start3A_738, %multiple_of3A_732] : memref<32x1000001xf32, #tpu.memory_space<hbm>> -> memref<32x128xf32, #tpu.memory_space<hbm>>
      %dma_start3A_740 = arith.constant 0 : i32
      %dma_start3A_741 = arith.constant 0 : i32
      %dma_start3A_742 = tpu.memref_slice %arg14[%dma_start3A_733, %dma_start3A_740, %dma_start3A_741] : memref<16x32x128xf32, #tpu.memory_space<vmem>> -> memref<1x32x128xf32, #tpu.memory_space<vmem>>
      %dma_start3A_743 = tpu.memref_squeeze %dma_start3A_742 : memref<1x32x128xf32, #tpu.memory_space<vmem>> -> memref<32x128xf32, #tpu.memory_space<vmem>>
      %dma_start3A_744 = arith.constant 0 : i32
      %dma_start3A_745 = tpu.memref_slice %arg6[%dma_start3A_744, %multiple_of3A_732] : memref<32x1000001xf32, #tpu.memory_space<hbm>> -> memref<32x128xf32, #tpu.memory_space<hbm>>
      tpu.enqueue_dma source(%dma_start3A_745 : memref<32x128xf32, #tpu.memory_space<hbm>>) target(%dma_start3A_743 : memref<32x128xf32, #tpu.memory_space<vmem>>) target_semaphore(%arg22 : memref<!tpu.dma_semaphore, #tpu.memory_space<semaphore_mem>>)
      %slice3A_746 = vector.extract_strided_slice %and3A_602 {offsets = [9], sizes = [1], strides = [1]} : vector<16xi32> to vector<1xi32>
      %squeeze3A_747 = vector.extract %slice3A_746[0] : i32 from vector<1xi32>
      %multiple_of3A_748 = tpu.assume_multiple %squeeze3A_747, 128 : i32
      %dma_start3A_749 = arith.constant 9 : i32
      %dma_start3A_750 = arith.constant 0 : i32
      %dma_start3A_751 = arith.constant 0 : i32
      %dma_start3A_752 = tpu.memref_slice %arg14[%dma_start3A_749, %dma_start3A_750, %dma_start3A_751] : memref<16x32x128xf32, #tpu.memory_space<vmem>> -> memref<1x32x128xf32, #tpu.memory_space<vmem>>
      %dma_start3A_753 = tpu.memref_squeeze %dma_start3A_752 : memref<1x32x128xf32, #tpu.memory_space<vmem>> -> memref<32x128xf32, #tpu.memory_space<vmem>>
      %dma_start3A_754 = arith.constant 0 : i32
      %dma_start3A_755 = tpu.memref_slice %arg6[%dma_start3A_754, %multiple_of3A_748] : memref<32x1000001xf32, #tpu.memory_space<hbm>> -> memref<32x128xf32, #tpu.memory_space<hbm>>
      %dma_start3A_756 = arith.constant 0 : i32
      %dma_start3A_757 = arith.constant 0 : i32
      %dma_start3A_758 = tpu.memref_slice %arg14[%dma_start3A_749, %dma_start3A_756, %dma_start3A_757] : memref<16x32x128xf32, #tpu.memory_space<vmem>> -> memref<1x32x128xf32, #tpu.memory_space<vmem>>
      %dma_start3A_759 = tpu.memref_squeeze %dma_start3A_758 : memref<1x32x128xf32, #tpu.memory_space<vmem>> -> memref<32x128xf32, #tpu.memory_space<vmem>>
      %dma_start3A_760 = arith.constant 0 : i32
      %dma_start3A_761 = tpu.memref_slice %arg6[%dma_start3A_760, %multiple_of3A_748] : memref<32x1000001xf32, #tpu.memory_space<hbm>> -> memref<32x128xf32, #tpu.memory_space<hbm>>
      tpu.enqueue_dma source(%dma_start3A_761 : memref<32x128xf32, #tpu.memory_space<hbm>>) target(%dma_start3A_759 : memref<32x128xf32, #tpu.memory_space<vmem>>) target_semaphore(%arg22 : memref<!tpu.dma_semaphore, #tpu.memory_space<semaphore_mem>>)
      %slice3A_762 = vector.extract_strided_slice %and3A_602 {offsets = [10], sizes = [1], strides = [1]} : vector<16xi32> to vector<1xi32>
      %squeeze3A_763 = vector.extract %slice3A_762[0] : i32 from vector<1xi32>
      %multiple_of3A_764 = tpu.assume_multiple %squeeze3A_763, 128 : i32
      %dma_start3A_765 = arith.constant 10 : i32
      %dma_start3A_766 = arith.constant 0 : i32
      %dma_start3A_767 = arith.constant 0 : i32
      %dma_start3A_768 = tpu.memref_slice %arg14[%dma_start3A_765, %dma_start3A_766, %dma_start3A_767] : memref<16x32x128xf32, #tpu.memory_space<vmem>> -> memref<1x32x128xf32, #tpu.memory_space<vmem>>
      %dma_start3A_769 = tpu.memref_squeeze %dma_start3A_768 : memref<1x32x128xf32, #tpu.memory_space<vmem>> -> memref<32x128xf32, #tpu.memory_space<vmem>>
      %dma_start3A_770 = arith.constant 0 : i32
      %dma_start3A_771 = tpu.memref_slice %arg6[%dma_start3A_770, %multiple_of3A_764] : memref<32x1000001xf32, #tpu.memory_space<hbm>> -> memref<32x128xf32, #tpu.memory_space<hbm>>
      %dma_start3A_772 = arith.constant 0 : i32
      %dma_start3A_773 = arith.constant 0 : i32
      %dma_start3A_774 = tpu.memref_slice %arg14[%dma_start3A_765, %dma_start3A_772, %dma_start3A_773] : memref<16x32x128xf32, #tpu.memory_space<vmem>> -> memref<1x32x128xf32, #tpu.memory_space<vmem>>
      %dma_start3A_775 = tpu.memref_squeeze %dma_start3A_774 : memref<1x32x128xf32, #tpu.memory_space<vmem>> -> memref<32x128xf32, #tpu.memory_space<vmem>>
      %dma_start3A_776 = arith.constant 0 : i32
      %dma_start3A_777 = tpu.memref_slice %arg6[%dma_start3A_776, %multiple_of3A_764] : memref<32x1000001xf32, #tpu.memory_space<hbm>> -> memref<32x128xf32, #tpu.memory_space<hbm>>
      tpu.enqueue_dma source(%dma_start3A_777 : memref<32x128xf32, #tpu.memory_space<hbm>>) target(%dma_start3A_775 : memref<32x128xf32, #tpu.memory_space<vmem>>) target_semaphore(%arg22 : memref<!tpu.dma_semaphore, #tpu.memory_space<semaphore_mem>>)
      %slice3A_778 = vector.extract_strided_slice %and3A_602 {offsets = [11], sizes = [1], strides = [1]} : vector<16xi32> to vector<1xi32>
      %squeeze3A_779 = vector.extract %slice3A_778[0] : i32 from vector<1xi32>
      %multiple_of3A_780 = tpu.assume_multiple %squeeze3A_779, 128 : i32
      %dma_start3A_781 = arith.constant 11 : i32
      %dma_start3A_782 = arith.constant 0 : i32
      %dma_start3A_783 = arith.constant 0 : i32
      %dma_start3A_784 = tpu.memref_slice %arg14[%dma_start3A_781, %dma_start3A_782, %dma_start3A_783] : memref<16x32x128xf32, #tpu.memory_space<vmem>> -> memref<1x32x128xf32, #tpu.memory_space<vmem>>
      %dma_start3A_785 = tpu.memref_squeeze %dma_start3A_784 : memref<1x32x128xf32, #tpu.memory_space<vmem>> -> memref<32x128xf32, #tpu.memory_space<vmem>>
      %dma_start3A_786 = arith.constant 0 : i32
      %dma_start3A_787 = tpu.memref_slice %arg6[%dma_start3A_786, %multiple_of3A_780] : memref<32x1000001xf32, #tpu.memory_space<hbm>> -> memref<32x128xf32, #tpu.memory_space<hbm>>
      %dma_start3A_788 = arith.constant 0 : i32
      %dma_start3A_789 = arith.constant 0 : i32
      %dma_start3A_790 = tpu.memref_slice %arg14[%dma_start3A_781, %dma_start3A_788, %dma_start3A_789] : memref<16x32x128xf32, #tpu.memory_space<vmem>> -> memref<1x32x128xf32, #tpu.memory_space<vmem>>
      %dma_start3A_791 = tpu.memref_squeeze %dma_start3A_790 : memref<1x32x128xf32, #tpu.memory_space<vmem>> -> memref<32x128xf32, #tpu.memory_space<vmem>>
      %dma_start3A_792 = arith.constant 0 : i32
      %dma_start3A_793 = tpu.memref_slice %arg6[%dma_start3A_792, %multiple_of3A_780] : memref<32x1000001xf32, #tpu.memory_space<hbm>> -> memref<32x128xf32, #tpu.memory_space<hbm>>
      tpu.enqueue_dma source(%dma_start3A_793 : memref<32x128xf32, #tpu.memory_space<hbm>>) target(%dma_start3A_791 : memref<32x128xf32, #tpu.memory_space<vmem>>) target_semaphore(%arg22 : memref<!tpu.dma_semaphore, #tpu.memory_space<semaphore_mem>>)
      %slice3A_794 = vector.extract_strided_slice %and3A_602 {offsets = [12], sizes = [1], strides = [1]} : vector<16xi32> to vector<1xi32>
      %squeeze3A_795 = vector.extract %slice3A_794[0] : i32 from vector<1xi32>
      %multiple_of3A_796 = tpu.assume_multiple %squeeze3A_795, 128 : i32
      %dma_start3A_797 = arith.constant 12 : i32
      %dma_start3A_798 = arith.constant 0 : i32
      %dma_start3A_799 = arith.constant 0 : i32
      %dma_start3A_800 = tpu.memref_slice %arg14[%dma_start3A_797, %dma_start3A_798, %dma_start3A_799] : memref<16x32x128xf32, #tpu.memory_space<vmem>> -> memref<1x32x128xf32, #tpu.memory_space<vmem>>
      %dma_start3A_801 = tpu.memref_squeeze %dma_start3A_800 : memref<1x32x128xf32, #tpu.memory_space<vmem>> -> memref<32x128xf32, #tpu.memory_space<vmem>>
      %dma_start3A_802 = arith.constant 0 : i32
      %dma_start3A_803 = tpu.memref_slice %arg6[%dma_start3A_802, %multiple_of3A_796] : memref<32x1000001xf32, #tpu.memory_space<hbm>> -> memref<32x128xf32, #tpu.memory_space<hbm>>
      %dma_start3A_804 = arith.constant 0 : i32
      %dma_start3A_805 = arith.constant 0 : i32
      %dma_start3A_806 = tpu.memref_slice %arg14[%dma_start3A_797, %dma_start3A_804, %dma_start3A_805] : memref<16x32x128xf32, #tpu.memory_space<vmem>> -> memref<1x32x128xf32, #tpu.memory_space<vmem>>
      %dma_start3A_807 = tpu.memref_squeeze %dma_start3A_806 : memref<1x32x128xf32, #tpu.memory_space<vmem>> -> memref<32x128xf32, #tpu.memory_space<vmem>>
      %dma_start3A_808 = arith.constant 0 : i32
      %dma_start3A_809 = tpu.memref_slice %arg6[%dma_start3A_808, %multiple_of3A_796] : memref<32x1000001xf32, #tpu.memory_space<hbm>> -> memref<32x128xf32, #tpu.memory_space<hbm>>
      tpu.enqueue_dma source(%dma_start3A_809 : memref<32x128xf32, #tpu.memory_space<hbm>>) target(%dma_start3A_807 : memref<32x128xf32, #tpu.memory_space<vmem>>) target_semaphore(%arg22 : memref<!tpu.dma_semaphore, #tpu.memory_space<semaphore_mem>>)
      %slice3A_810 = vector.extract_strided_slice %and3A_602 {offsets = [13], sizes = [1], strides = [1]} : vector<16xi32> to vector<1xi32>
      %squeeze3A_811 = vector.extract %slice3A_810[0] : i32 from vector<1xi32>
      %multiple_of3A_812 = tpu.assume_multiple %squeeze3A_811, 128 : i32
      %dma_start3A_813 = arith.constant 13 : i32
      %dma_start3A_814 = arith.constant 0 : i32
      %dma_start3A_815 = arith.constant 0 : i32
      %dma_start3A_816 = tpu.memref_slice %arg14[%dma_start3A_813, %dma_start3A_814, %dma_start3A_815] : memref<16x32x128xf32, #tpu.memory_space<vmem>> -> memref<1x32x128xf32, #tpu.memory_space<vmem>>
      %dma_start3A_817 = tpu.memref_squeeze %dma_start3A_816 : memref<1x32x128xf32, #tpu.memory_space<vmem>> -> memref<32x128xf32, #tpu.memory_space<vmem>>
      %dma_start3A_818 = arith.constant 0 : i32
      %dma_start3A_819 = tpu.memref_slice %arg6[%dma_start3A_818, %multiple_of3A_812] : memref<32x1000001xf32, #tpu.memory_space<hbm>> -> memref<32x128xf32, #tpu.memory_space<hbm>>
      %dma_start3A_820 = arith.constant 0 : i32
      %dma_start3A_821 = arith.constant 0 : i32
      %dma_start3A_822 = tpu.memref_slice %arg14[%dma_start3A_813, %dma_start3A_820, %dma_start3A_821] : memref<16x32x128xf32, #tpu.memory_space<vmem>> -> memref<1x32x128xf32, #tpu.memory_space<vmem>>
      %dma_start3A_823 = tpu.memref_squeeze %dma_start3A_822 : memref<1x32x128xf32, #tpu.memory_space<vmem>> -> memref<32x128xf32, #tpu.memory_space<vmem>>
      %dma_start3A_824 = arith.constant 0 : i32
      %dma_start3A_825 = tpu.memref_slice %arg6[%dma_start3A_824, %multiple_of3A_812] : memref<32x1000001xf32, #tpu.memory_space<hbm>> -> memref<32x128xf32, #tpu.memory_space<hbm>>
      tpu.enqueue_dma source(%dma_start3A_825 : memref<32x128xf32, #tpu.memory_space<hbm>>) target(%dma_start3A_823 : memref<32x128xf32, #tpu.memory_space<vmem>>) target_semaphore(%arg22 : memref<!tpu.dma_semaphore, #tpu.memory_space<semaphore_mem>>)
      %slice3A_826 = vector.extract_strided_slice %and3A_602 {offsets = [14], sizes = [1], strides = [1]} : vector<16xi32> to vector<1xi32>
      %squeeze3A_827 = vector.extract %slice3A_826[0] : i32 from vector<1xi32>
      %multiple_of3A_828 = tpu.assume_multiple %squeeze3A_827, 128 : i32
      %dma_start3A_829 = arith.constant 14 : i32
      %dma_start3A_830 = arith.constant 0 : i32
      %dma_start3A_831 = arith.constant 0 : i32
      %dma_start3A_832 = tpu.memref_slice %arg14[%dma_start3A_829, %dma_start3A_830, %dma_start3A_831] : memref<16x32x128xf32, #tpu.memory_space<vmem>> -> memref<1x32x128xf32, #tpu.memory_space<vmem>>
      %dma_start3A_833 = tpu.memref_squeeze %dma_start3A_832 : memref<1x32x128xf32, #tpu.memory_space<vmem>> -> memref<32x128xf32, #tpu.memory_space<vmem>>
      %dma_start3A_834 = arith.constant 0 : i32
      %dma_start3A_835 = tpu.memref_slice %arg6[%dma_start3A_834, %multiple_of3A_828] : memref<32x1000001xf32, #tpu.memory_space<hbm>> -> memref<32x128xf32, #tpu.memory_space<hbm>>
      %dma_start3A_836 = arith.constant 0 : i32
      %dma_start3A_837 = arith.constant 0 : i32
      %dma_start3A_838 = tpu.memref_slice %arg14[%dma_start3A_829, %dma_start3A_836, %dma_start3A_837] : memref<16x32x128xf32, #tpu.memory_space<vmem>> -> memref<1x32x128xf32, #tpu.memory_space<vmem>>
      %dma_start3A_839 = tpu.memref_squeeze %dma_start3A_838 : memref<1x32x128xf32, #tpu.memory_space<vmem>> -> memref<32x128xf32, #tpu.memory_space<vmem>>
      %dma_start3A_840 = arith.constant 0 : i32
      %dma_start3A_841 = tpu.memref_slice %arg6[%dma_start3A_840, %multiple_of3A_828] : memref<32x1000001xf32, #tpu.memory_space<hbm>> -> memref<32x128xf32, #tpu.memory_space<hbm>>
      tpu.enqueue_dma source(%dma_start3A_841 : memref<32x128xf32, #tpu.memory_space<hbm>>) target(%dma_start3A_839 : memref<32x128xf32, #tpu.memory_space<vmem>>) target_semaphore(%arg22 : memref<!tpu.dma_semaphore, #tpu.memory_space<semaphore_mem>>)
      %slice3A_842 = vector.extract_strided_slice %and3A_602 {offsets = [15], sizes = [1], strides = [1]} : vector<16xi32> to vector<1xi32>
      %squeeze3A_843 = vector.extract %slice3A_842[0] : i32 from vector<1xi32>
      %multiple_of3A_844 = tpu.assume_multiple %squeeze3A_843, 128 : i32
      %dma_start3A_845 = arith.constant 15 : i32
      %dma_start3A_846 = arith.constant 0 : i32
      %dma_start3A_847 = arith.constant 0 : i32
      %dma_start3A_848 = tpu.memref_slice %arg14[%dma_start3A_845, %dma_start3A_846, %dma_start3A_847] : memref<16x32x128xf32, #tpu.memory_space<vmem>> -> memref<1x32x128xf32, #tpu.memory_space<vmem>>
      %dma_start3A_849 = tpu.memref_squeeze %dma_start3A_848 : memref<1x32x128xf32, #tpu.memory_space<vmem>> -> memref<32x128xf32, #tpu.memory_space<vmem>>
      %dma_start3A_850 = arith.constant 0 : i32
      %dma_start3A_851 = tpu.memref_slice %arg6[%dma_start3A_850, %multiple_of3A_844] : memref<32x1000001xf32, #tpu.memory_space<hbm>> -> memref<32x128xf32, #tpu.memory_space<hbm>>
      %dma_start3A_852 = arith.constant 0 : i32
      %dma_start3A_853 = arith.constant 0 : i32
      %dma_start3A_854 = tpu.memref_slice %arg14[%dma_start3A_845, %dma_start3A_852, %dma_start3A_853] : memref<16x32x128xf32, #tpu.memory_space<vmem>> -> memref<1x32x128xf32, #tpu.memory_space<vmem>>
      %dma_start3A_855 = tpu.memref_squeeze %dma_start3A_854 : memref<1x32x128xf32, #tpu.memory_space<vmem>> -> memref<32x128xf32, #tpu.memory_space<vmem>>
      %dma_start3A_856 = arith.constant 0 : i32
      %dma_start3A_857 = tpu.memref_slice %arg6[%dma_start3A_856, %multiple_of3A_844] : memref<32x1000001xf32, #tpu.memory_space<hbm>> -> memref<32x128xf32, #tpu.memory_space<hbm>>
      tpu.enqueue_dma source(%dma_start3A_857 : memref<32x128xf32, #tpu.memory_space<hbm>>) target(%dma_start3A_855 : memref<32x128xf32, #tpu.memory_space<vmem>>) target_semaphore(%arg22 : memref<!tpu.dma_semaphore, #tpu.memory_space<semaphore_mem>>)
      %while3A = arith.constant 0 : i32
      %while3A_858 = arith.constant 0 : i32
      %while3A_859 = arith.subi %scan3A_595, %while3A_858 : i32
      %while3A_860 = arith.addi %while3A_858, %while3A_859 : i32
      %while3A_861 = arith.constant 1 : i32
      %while3A_862 = arith.divsi %while3A_859, %while3A_861 : i32
      %while3A_863 = arith.muli %while3A_862, %while3A_861 : i32
      %while3A_864 = arith.addi %while3A_858, %while3A_863 : i32
      %while3A_865 = arith.constant 1 : i32
      scf.for %while3A_2497 = %while3A_858 to %while3A_864 step %while3A_865  : i32 {
        %dma_wait3A_2498 = arith.constant 0 : i32
        %dma_wait3A_2499 = arith.constant 0 : i32
        %dma_wait3A_2500 = arith.constant 0 : i32
        %dma_wait3A_2501 = tpu.memref_slice %arg13[%dma_wait3A_2498, %dma_wait3A_2499, %dma_wait3A_2500] : memref<16x16x128xf32, #tpu.memory_space<vmem>> -> memref<1x16x128xf32, #tpu.memory_space<vmem>>
        %dma_wait3A_2502 = tpu.memref_squeeze %dma_wait3A_2501 : memref<1x16x128xf32, #tpu.memory_space<vmem>> -> memref<16x128xf32, #tpu.memory_space<vmem>>
        %dma_wait3A_2503 = arith.constant 0 : i32
        %dma_wait3A_2504 = arith.constant 0 : i32
        %dma_wait3A_2505 = tpu.memref_slice %arg5[%dma_wait3A_2503, %dma_wait3A_2504] : memref<32x1000001xf32, #tpu.memory_space<hbm>> -> memref<16x128xf32, #tpu.memory_space<hbm>>
        %dma_wait3A_2506 = arith.constant 0 : i32
        %dma_wait3A_2507 = arith.constant 0 : i32
        %dma_wait3A_2508 = tpu.memref_slice %arg13[%dma_wait3A_2498, %dma_wait3A_2506, %dma_wait3A_2507] : memref<16x16x128xf32, #tpu.memory_space<vmem>> -> memref<1x16x128xf32, #tpu.memory_space<vmem>>
        %dma_wait3A_2509 = tpu.memref_squeeze %dma_wait3A_2508 : memref<1x16x128xf32, #tpu.memory_space<vmem>> -> memref<16x128xf32, #tpu.memory_space<vmem>>
        %dma_wait3A_2510 = arith.constant 0 : i32
        %dma_wait3A_2511 = arith.constant 0 : i32
        %dma_wait3A_2512 = tpu.memref_slice %arg5[%dma_wait3A_2510, %dma_wait3A_2511] : memref<32x1000001xf32, #tpu.memory_space<hbm>> -> memref<16x128xf32, #tpu.memory_space<hbm>>
        tpu.wait_dma2 semaphore(%arg21 : memref<!tpu.dma_semaphore, #tpu.memory_space<semaphore_mem>>) src(%dma_wait3A_2512 : memref<16x128xf32, #tpu.memory_space<hbm>>) dst(%dma_wait3A_2509 : memref<16x128xf32, #tpu.memory_space<vmem>>)
      }
      %while3A_866 = arith.constant 1 : i32
      scf.for %while3A_2497 = %while3A_864 to %while3A_860 step %while3A_866  : i32 {
        %dma_wait3A_2498 = arith.constant 0 : i32
        %dma_wait3A_2499 = arith.constant 0 : i32
        %dma_wait3A_2500 = arith.constant 0 : i32
        %dma_wait3A_2501 = tpu.memref_slice %arg13[%dma_wait3A_2498, %dma_wait3A_2499, %dma_wait3A_2500] : memref<16x16x128xf32, #tpu.memory_space<vmem>> -> memref<1x16x128xf32, #tpu.memory_space<vmem>>
        %dma_wait3A_2502 = tpu.memref_squeeze %dma_wait3A_2501 : memref<1x16x128xf32, #tpu.memory_space<vmem>> -> memref<16x128xf32, #tpu.memory_space<vmem>>
        %dma_wait3A_2503 = arith.constant 0 : i32
        %dma_wait3A_2504 = arith.constant 0 : i32
        %dma_wait3A_2505 = tpu.memref_slice %arg5[%dma_wait3A_2503, %dma_wait3A_2504] : memref<32x1000001xf32, #tpu.memory_space<hbm>> -> memref<16x128xf32, #tpu.memory_space<hbm>>
        %dma_wait3A_2506 = arith.constant 0 : i32
        %dma_wait3A_2507 = arith.constant 0 : i32
        %dma_wait3A_2508 = tpu.memref_slice %arg13[%dma_wait3A_2498, %dma_wait3A_2506, %dma_wait3A_2507] : memref<16x16x128xf32, #tpu.memory_space<vmem>> -> memref<1x16x128xf32, #tpu.memory_space<vmem>>
        %dma_wait3A_2509 = tpu.memref_squeeze %dma_wait3A_2508 : memref<1x16x128xf32, #tpu.memory_space<vmem>> -> memref<16x128xf32, #tpu.memory_space<vmem>>
        %dma_wait3A_2510 = arith.constant 0 : i32
        %dma_wait3A_2511 = arith.constant 0 : i32
        %dma_wait3A_2512 = tpu.memref_slice %arg5[%dma_wait3A_2510, %dma_wait3A_2511] : memref<32x1000001xf32, #tpu.memory_space<hbm>> -> memref<16x128xf32, #tpu.memory_space<hbm>>
        tpu.wait_dma2 semaphore(%arg21 : memref<!tpu.dma_semaphore, #tpu.memory_space<semaphore_mem>>) src(%dma_wait3A_2512 : memref<16x128xf32, #tpu.memory_space<hbm>>) dst(%dma_wait3A_2509 : memref<16x128xf32, #tpu.memory_space<vmem>>)
      }
      %broadcast_in_dim3A_867 = arith.constant 0 : i32
      %broadcast_in_dim3A_868 = vector.broadcast %broadcast_in_dim3A_867 : i32 to vector<16xi32>
      %slice3A_869 = vector.extract_strided_slice %get3A_10 {offsets = [0], sizes = [1], strides = [1]} : vector<16xf32> to vector<1xf32>
      %squeeze3A_870 = vector.extract %slice3A_869[0] : f32 from vector<1xf32>
      %gather3A = tpu.vector_load_idx %arg13[%scan3A_593, %broadcast_in_dim3A_868, %scan3A_592] : memref<16x16x128xf32, #tpu.memory_space<vmem>>[vector<16xi32>, vector<16xi32>, vector<16xi32>], vector<16xf32>,
      %mul3A_871 = vector.broadcast %squeeze3A_870 : f32 to vector<16xf32>
      %mul3A_872 = arith.mulf %gather3A, %mul3A_871 : vector<16xf32>
      %swap3A = arith.constant 0 : i32
      %swap3A_873 = arith.index_cast %swap3A : i32 to index
      %swap3A_874 = arith.constant 0 : index
      %swap3A_875 = tpu.vector_load %arg15[%swap3A_873, %swap3A_874] {strides = array<i32>} : memref<32x16xf32, #tpu.memory_space<vmem>>, vector<16xf32>,
      tpu.vector_store %arg15[%swap3A_873, %swap3A_874], %mul3A_872 {strides = array<i32>} : memref<32x16xf32, #tpu.memory_space<vmem>>, vector<16xf32>,
      %broadcast_in_dim3A_876 = arith.constant 1 : i32
      %broadcast_in_dim3A_877 = vector.broadcast %broadcast_in_dim3A_876 : i32 to vector<16xi32>
      %slice3A_878 = vector.extract_strided_slice %get3A_10 {offsets = [1], sizes = [1], strides = [1]} : vector<16xf32> to vector<1xf32>
      %squeeze3A_879 = vector.extract %slice3A_878[0] : f32 from vector<1xf32>
      %gather3A_880 = tpu.vector_load_idx %arg13[%scan3A_593, %broadcast_in_dim3A_877, %scan3A_592] : memref<16x16x128xf32, #tpu.memory_space<vmem>>[vector<16xi32>, vector<16xi32>, vector<16xi32>], vector<16xf32>,
      %mul3A_881 = vector.broadcast %squeeze3A_879 : f32 to vector<16xf32>
      %mul3A_882 = arith.mulf %gather3A_880, %mul3A_881 : vector<16xf32>
      %swap3A_883 = arith.constant 1 : i32
      %swap3A_884 = arith.index_cast %swap3A_883 : i32 to index
      %swap3A_885 = arith.constant 0 : index
      %swap3A_886 = tpu.vector_load %arg15[%swap3A_884, %swap3A_885] {strides = array<i32>} : memref<32x16xf32, #tpu.memory_space<vmem>>, vector<16xf32>,
      tpu.vector_store %arg15[%swap3A_884, %swap3A_885], %mul3A_882 {strides = array<i32>} : memref<32x16xf32, #tpu.memory_space<vmem>>, vector<16xf32>,
      %broadcast_in_dim3A_887 = arith.constant 2 : i32
      %broadcast_in_dim3A_888 = vector.broadcast %broadcast_in_dim3A_887 : i32 to vector<16xi32>
      %slice3A_889 = vector.extract_strided_slice %get3A_10 {offsets = [2], sizes = [1], strides = [1]} : vector<16xf32> to vector<1xf32>
      %squeeze3A_890 = vector.extract %slice3A_889[0] : f32 from vector<1xf32>
      %gather3A_891 = tpu.vector_load_idx %arg13[%scan3A_593, %broadcast_in_dim3A_888, %scan3A_592] : memref<16x16x128xf32, #tpu.memory_space<vmem>>[vector<16xi32>, vector<16xi32>, vector<16xi32>], vector<16xf32>,
      %mul3A_892 = vector.broadcast %squeeze3A_890 : f32 to vector<16xf32>
      %mul3A_893 = arith.mulf %gather3A_891, %mul3A_892 : vector<16xf32>
      %swap3A_894 = arith.constant 2 : i32
      %swap3A_895 = arith.index_cast %swap3A_894 : i32 to index
      %swap3A_896 = arith.constant 0 : index
      %swap3A_897 = tpu.vector_load %arg15[%swap3A_895, %swap3A_896] {strides = array<i32>} : memref<32x16xf32, #tpu.memory_space<vmem>>, vector<16xf32>,
      tpu.vector_store %arg15[%swap3A_895, %swap3A_896], %mul3A_893 {strides = array<i32>} : memref<32x16xf32, #tpu.memory_space<vmem>>, vector<16xf32>,
      %broadcast_in_dim3A_898 = arith.constant 3 : i32
      %broadcast_in_dim3A_899 = vector.broadcast %broadcast_in_dim3A_898 : i32 to vector<16xi32>
      %slice3A_900 = vector.extract_strided_slice %get3A_10 {offsets = [3], sizes = [1], strides = [1]} : vector<16xf32> to vector<1xf32>
      %squeeze3A_901 = vector.extract %slice3A_900[0] : f32 from vector<1xf32>
      %gather3A_902 = tpu.vector_load_idx %arg13[%scan3A_593, %broadcast_in_dim3A_899, %scan3A_592] : memref<16x16x128xf32, #tpu.memory_space<vmem>>[vector<16xi32>, vector<16xi32>, vector<16xi32>], vector<16xf32>,
      %mul3A_903 = vector.broadcast %squeeze3A_901 : f32 to vector<16xf32>
      %mul3A_904 = arith.mulf %gather3A_902, %mul3A_903 : vector<16xf32>
      %swap3A_905 = arith.constant 3 : i32
      %swap3A_906 = arith.index_cast %swap3A_905 : i32 to index
      %swap3A_907 = arith.constant 0 : index
      %swap3A_908 = tpu.vector_load %arg15[%swap3A_906, %swap3A_907] {strides = array<i32>} : memref<32x16xf32, #tpu.memory_space<vmem>>, vector<16xf32>,
      tpu.vector_store %arg15[%swap3A_906, %swap3A_907], %mul3A_904 {strides = array<i32>} : memref<32x16xf32, #tpu.memory_space<vmem>>, vector<16xf32>,
      %broadcast_in_dim3A_909 = arith.constant 4 : i32
      %broadcast_in_dim3A_910 = vector.broadcast %broadcast_in_dim3A_909 : i32 to vector<16xi32>
      %slice3A_911 = vector.extract_strided_slice %get3A_10 {offsets = [4], sizes = [1], strides = [1]} : vector<16xf32> to vector<1xf32>
      %squeeze3A_912 = vector.extract %slice3A_911[0] : f32 from vector<1xf32>
      %gather3A_913 = tpu.vector_load_idx %arg13[%scan3A_593, %broadcast_in_dim3A_910, %scan3A_592] : memref<16x16x128xf32, #tpu.memory_space<vmem>>[vector<16xi32>, vector<16xi32>, vector<16xi32>], vector<16xf32>,
      %mul3A_914 = vector.broadcast %squeeze3A_912 : f32 to vector<16xf32>
      %mul3A_915 = arith.mulf %gather3A_913, %mul3A_914 : vector<16xf32>
      %swap3A_916 = arith.constant 4 : i32
      %swap3A_917 = arith.index_cast %swap3A_916 : i32 to index
      %swap3A_918 = arith.constant 0 : index
      %swap3A_919 = tpu.vector_load %arg15[%swap3A_917, %swap3A_918] {strides = array<i32>} : memref<32x16xf32, #tpu.memory_space<vmem>>, vector<16xf32>,
      tpu.vector_store %arg15[%swap3A_917, %swap3A_918], %mul3A_915 {strides = array<i32>} : memref<32x16xf32, #tpu.memory_space<vmem>>, vector<16xf32>,
      %broadcast_in_dim3A_920 = arith.constant 5 : i32
      %broadcast_in_dim3A_921 = vector.broadcast %broadcast_in_dim3A_920 : i32 to vector<16xi32>
      %slice3A_922 = vector.extract_strided_slice %get3A_10 {offsets = [5], sizes = [1], strides = [1]} : vector<16xf32> to vector<1xf32>
      %squeeze3A_923 = vector.extract %slice3A_922[0] : f32 from vector<1xf32>
      %gather3A_924 = tpu.vector_load_idx %arg13[%scan3A_593, %broadcast_in_dim3A_921, %scan3A_592] : memref<16x16x128xf32, #tpu.memory_space<vmem>>[vector<16xi32>, vector<16xi32>, vector<16xi32>], vector<16xf32>,
      %mul3A_925 = vector.broadcast %squeeze3A_923 : f32 to vector<16xf32>
      %mul3A_926 = arith.mulf %gather3A_924, %mul3A_925 : vector<16xf32>
      %swap3A_927 = arith.constant 5 : i32
      %swap3A_928 = arith.index_cast %swap3A_927 : i32 to index
      %swap3A_929 = arith.constant 0 : index
      %swap3A_930 = tpu.vector_load %arg15[%swap3A_928, %swap3A_929] {strides = array<i32>} : memref<32x16xf32, #tpu.memory_space<vmem>>, vector<16xf32>,
      tpu.vector_store %arg15[%swap3A_928, %swap3A_929], %mul3A_926 {strides = array<i32>} : memref<32x16xf32, #tpu.memory_space<vmem>>, vector<16xf32>,
      %broadcast_in_dim3A_931 = arith.constant 6 : i32
      %broadcast_in_dim3A_932 = vector.broadcast %broadcast_in_dim3A_931 : i32 to vector<16xi32>
      %slice3A_933 = vector.extract_strided_slice %get3A_10 {offsets = [6], sizes = [1], strides = [1]} : vector<16xf32> to vector<1xf32>
      %squeeze3A_934 = vector.extract %slice3A_933[0] : f32 from vector<1xf32>
      %gather3A_935 = tpu.vector_load_idx %arg13[%scan3A_593, %broadcast_in_dim3A_932, %scan3A_592] : memref<16x16x128xf32, #tpu.memory_space<vmem>>[vector<16xi32>, vector<16xi32>, vector<16xi32>], vector<16xf32>,
      %mul3A_936 = vector.broadcast %squeeze3A_934 : f32 to vector<16xf32>
      %mul3A_937 = arith.mulf %gather3A_935, %mul3A_936 : vector<16xf32>
      %swap3A_938 = arith.constant 6 : i32
      %swap3A_939 = arith.index_cast %swap3A_938 : i32 to index
      %swap3A_940 = arith.constant 0 : index
      %swap3A_941 = tpu.vector_load %arg15[%swap3A_939, %swap3A_940] {strides = array<i32>} : memref<32x16xf32, #tpu.memory_space<vmem>>, vector<16xf32>,
      tpu.vector_store %arg15[%swap3A_939, %swap3A_940], %mul3A_937 {strides = array<i32>} : memref<32x16xf32, #tpu.memory_space<vmem>>, vector<16xf32>,
      %broadcast_in_dim3A_942 = arith.constant 7 : i32
      %broadcast_in_dim3A_943 = vector.broadcast %broadcast_in_dim3A_942 : i32 to vector<16xi32>
      %slice3A_944 = vector.extract_strided_slice %get3A_10 {offsets = [7], sizes = [1], strides = [1]} : vector<16xf32> to vector<1xf32>
      %squeeze3A_945 = vector.extract %slice3A_944[0] : f32 from vector<1xf32>
      %gather3A_946 = tpu.vector_load_idx %arg13[%scan3A_593, %broadcast_in_dim3A_943, %scan3A_592] : memref<16x16x128xf32, #tpu.memory_space<vmem>>[vector<16xi32>, vector<16xi32>, vector<16xi32>], vector<16xf32>,
      %mul3A_947 = vector.broadcast %squeeze3A_945 : f32 to vector<16xf32>
      %mul3A_948 = arith.mulf %gather3A_946, %mul3A_947 : vector<16xf32>
      %swap3A_949 = arith.constant 7 : i32
      %swap3A_950 = arith.index_cast %swap3A_949 : i32 to index
      %swap3A_951 = arith.constant 0 : index
      %swap3A_952 = tpu.vector_load %arg15[%swap3A_950, %swap3A_951] {strides = array<i32>} : memref<32x16xf32, #tpu.memory_space<vmem>>, vector<16xf32>,
      tpu.vector_store %arg15[%swap3A_950, %swap3A_951], %mul3A_948 {strides = array<i32>} : memref<32x16xf32, #tpu.memory_space<vmem>>, vector<16xf32>,
      %broadcast_in_dim3A_953 = arith.constant 8 : i32
      %broadcast_in_dim3A_954 = vector.broadcast %broadcast_in_dim3A_953 : i32 to vector<16xi32>
      %slice3A_955 = vector.extract_strided_slice %get3A_10 {offsets = [8], sizes = [1], strides = [1]} : vector<16xf32> to vector<1xf32>
      %squeeze3A_956 = vector.extract %slice3A_955[0] : f32 from vector<1xf32>
      %gather3A_957 = tpu.vector_load_idx %arg13[%scan3A_593, %broadcast_in_dim3A_954, %scan3A_592] : memref<16x16x128xf32, #tpu.memory_space<vmem>>[vector<16xi32>, vector<16xi32>, vector<16xi32>], vector<16xf32>,
      %mul3A_958 = vector.broadcast %squeeze3A_956 : f32 to vector<16xf32>
      %mul3A_959 = arith.mulf %gather3A_957, %mul3A_958 : vector<16xf32>
      %swap3A_960 = arith.constant 8 : i32
      %swap3A_961 = arith.index_cast %swap3A_960 : i32 to index
      %swap3A_962 = arith.constant 0 : index
      %swap3A_963 = tpu.vector_load %arg15[%swap3A_961, %swap3A_962] {strides = array<i32>} : memref<32x16xf32, #tpu.memory_space<vmem>>, vector<16xf32>,
      tpu.vector_store %arg15[%swap3A_961, %swap3A_962], %mul3A_959 {strides = array<i32>} : memref<32x16xf32, #tpu.memory_space<vmem>>, vector<16xf32>,
      %broadcast_in_dim3A_964 = arith.constant 9 : i32
      %broadcast_in_dim3A_965 = vector.broadcast %broadcast_in_dim3A_964 : i32 to vector<16xi32>
      %slice3A_966 = vector.extract_strided_slice %get3A_10 {offsets = [9], sizes = [1], strides = [1]} : vector<16xf32> to vector<1xf32>
      %squeeze3A_967 = vector.extract %slice3A_966[0] : f32 from vector<1xf32>
      %gather3A_968 = tpu.vector_load_idx %arg13[%scan3A_593, %broadcast_in_dim3A_965, %scan3A_592] : memref<16x16x128xf32, #tpu.memory_space<vmem>>[vector<16xi32>, vector<16xi32>, vector<16xi32>], vector<16xf32>,
      %mul3A_969 = vector.broadcast %squeeze3A_967 : f32 to vector<16xf32>
      %mul3A_970 = arith.mulf %gather3A_968, %mul3A_969 : vector<16xf32>
      %swap3A_971 = arith.constant 9 : i32
      %swap3A_972 = arith.index_cast %swap3A_971 : i32 to index
      %swap3A_973 = arith.constant 0 : index
      %swap3A_974 = tpu.vector_load %arg15[%swap3A_972, %swap3A_973] {strides = array<i32>} : memref<32x16xf32, #tpu.memory_space<vmem>>, vector<16xf32>,
      tpu.vector_store %arg15[%swap3A_972, %swap3A_973], %mul3A_970 {strides = array<i32>} : memref<32x16xf32, #tpu.memory_space<vmem>>, vector<16xf32>,
      %broadcast_in_dim3A_975 = arith.constant 10 : i32
      %broadcast_in_dim3A_976 = vector.broadcast %broadcast_in_dim3A_975 : i32 to vector<16xi32>
      %slice3A_977 = vector.extract_strided_slice %get3A_10 {offsets = [10], sizes = [1], strides = [1]} : vector<16xf32> to vector<1xf32>
      %squeeze3A_978 = vector.extract %slice3A_977[0] : f32 from vector<1xf32>
      %gather3A_979 = tpu.vector_load_idx %arg13[%scan3A_593, %broadcast_in_dim3A_976, %scan3A_592] : memref<16x16x128xf32, #tpu.memory_space<vmem>>[vector<16xi32>, vector<16xi32>, vector<16xi32>], vector<16xf32>,
      %mul3A_980 = vector.broadcast %squeeze3A_978 : f32 to vector<16xf32>
      %mul3A_981 = arith.mulf %gather3A_979, %mul3A_980 : vector<16xf32>
      %swap3A_982 = arith.constant 10 : i32
      %swap3A_983 = arith.index_cast %swap3A_982 : i32 to index
      %swap3A_984 = arith.constant 0 : index
      %swap3A_985 = tpu.vector_load %arg15[%swap3A_983, %swap3A_984] {strides = array<i32>} : memref<32x16xf32, #tpu.memory_space<vmem>>, vector<16xf32>,
      tpu.vector_store %arg15[%swap3A_983, %swap3A_984], %mul3A_981 {strides = array<i32>} : memref<32x16xf32, #tpu.memory_space<vmem>>, vector<16xf32>,
      %broadcast_in_dim3A_986 = arith.constant 11 : i32
      %broadcast_in_dim3A_987 = vector.broadcast %broadcast_in_dim3A_986 : i32 to vector<16xi32>
      %slice3A_988 = vector.extract_strided_slice %get3A_10 {offsets = [11], sizes = [1], strides = [1]} : vector<16xf32> to vector<1xf32>
      %squeeze3A_989 = vector.extract %slice3A_988[0] : f32 from vector<1xf32>
      %gather3A_990 = tpu.vector_load_idx %arg13[%scan3A_593, %broadcast_in_dim3A_987, %scan3A_592] : memref<16x16x128xf32, #tpu.memory_space<vmem>>[vector<16xi32>, vector<16xi32>, vector<16xi32>], vector<16xf32>,
      %mul3A_991 = vector.broadcast %squeeze3A_989 : f32 to vector<16xf32>
      %mul3A_992 = arith.mulf %gather3A_990, %mul3A_991 : vector<16xf32>
      %swap3A_993 = arith.constant 11 : i32
      %swap3A_994 = arith.index_cast %swap3A_993 : i32 to index
      %swap3A_995 = arith.constant 0 : index
      %swap3A_996 = tpu.vector_load %arg15[%swap3A_994, %swap3A_995] {strides = array<i32>} : memref<32x16xf32, #tpu.memory_space<vmem>>, vector<16xf32>,
      tpu.vector_store %arg15[%swap3A_994, %swap3A_995], %mul3A_992 {strides = array<i32>} : memref<32x16xf32, #tpu.memory_space<vmem>>, vector<16xf32>,
      %broadcast_in_dim3A_997 = arith.constant 12 : i32
      %broadcast_in_dim3A_998 = vector.broadcast %broadcast_in_dim3A_997 : i32 to vector<16xi32>
      %slice3A_999 = vector.extract_strided_slice %get3A_10 {offsets = [12], sizes = [1], strides = [1]} : vector<16xf32> to vector<1xf32>
      %squeeze3A_1000 = vector.extract %slice3A_999[0] : f32 from vector<1xf32>
      %gather3A_1001 = tpu.vector_load_idx %arg13[%scan3A_593, %broadcast_in_dim3A_998, %scan3A_592] : memref<16x16x128xf32, #tpu.memory_space<vmem>>[vector<16xi32>, vector<16xi32>, vector<16xi32>], vector<16xf32>,
      %mul3A_1002 = vector.broadcast %squeeze3A_1000 : f32 to vector<16xf32>
      %mul3A_1003 = arith.mulf %gather3A_1001, %mul3A_1002 : vector<16xf32>
      %swap3A_1004 = arith.constant 12 : i32
      %swap3A_1005 = arith.index_cast %swap3A_1004 : i32 to index
      %swap3A_1006 = arith.constant 0 : index
      %swap3A_1007 = tpu.vector_load %arg15[%swap3A_1005, %swap3A_1006] {strides = array<i32>} : memref<32x16xf32, #tpu.memory_space<vmem>>, vector<16xf32>,
      tpu.vector_store %arg15[%swap3A_1005, %swap3A_1006], %mul3A_1003 {strides = array<i32>} : memref<32x16xf32, #tpu.memory_space<vmem>>, vector<16xf32>,
      %broadcast_in_dim3A_1008 = arith.constant 13 : i32
      %broadcast_in_dim3A_1009 = vector.broadcast %broadcast_in_dim3A_1008 : i32 to vector<16xi32>
      %slice3A_1010 = vector.extract_strided_slice %get3A_10 {offsets = [13], sizes = [1], strides = [1]} : vector<16xf32> to vector<1xf32>
      %squeeze3A_1011 = vector.extract %slice3A_1010[0] : f32 from vector<1xf32>
      %gather3A_1012 = tpu.vector_load_idx %arg13[%scan3A_593, %broadcast_in_dim3A_1009, %scan3A_592] : memref<16x16x128xf32, #tpu.memory_space<vmem>>[vector<16xi32>, vector<16xi32>, vector<16xi32>], vector<16xf32>,
      %mul3A_1013 = vector.broadcast %squeeze3A_1011 : f32 to vector<16xf32>
      %mul3A_1014 = arith.mulf %gather3A_1012, %mul3A_1013 : vector<16xf32>
      %swap3A_1015 = arith.constant 13 : i32
      %swap3A_1016 = arith.index_cast %swap3A_1015 : i32 to index
      %swap3A_1017 = arith.constant 0 : index
      %swap3A_1018 = tpu.vector_load %arg15[%swap3A_1016, %swap3A_1017] {strides = array<i32>} : memref<32x16xf32, #tpu.memory_space<vmem>>, vector<16xf32>,
      tpu.vector_store %arg15[%swap3A_1016, %swap3A_1017], %mul3A_1014 {strides = array<i32>} : memref<32x16xf32, #tpu.memory_space<vmem>>, vector<16xf32>,
      %broadcast_in_dim3A_1019 = arith.constant 14 : i32
      %broadcast_in_dim3A_1020 = vector.broadcast %broadcast_in_dim3A_1019 : i32 to vector<16xi32>
      %slice3A_1021 = vector.extract_strided_slice %get3A_10 {offsets = [14], sizes = [1], strides = [1]} : vector<16xf32> to vector<1xf32>
      %squeeze3A_1022 = vector.extract %slice3A_1021[0] : f32 from vector<1xf32>
      %gather3A_1023 = tpu.vector_load_idx %arg13[%scan3A_593, %broadcast_in_dim3A_1020, %scan3A_592] : memref<16x16x128xf32, #tpu.memory_space<vmem>>[vector<16xi32>, vector<16xi32>, vector<16xi32>], vector<16xf32>,
      %mul3A_1024 = vector.broadcast %squeeze3A_1022 : f32 to vector<16xf32>
      %mul3A_1025 = arith.mulf %gather3A_1023, %mul3A_1024 : vector<16xf32>
      %swap3A_1026 = arith.constant 14 : i32
      %swap3A_1027 = arith.index_cast %swap3A_1026 : i32 to index
      %swap3A_1028 = arith.constant 0 : index
      %swap3A_1029 = tpu.vector_load %arg15[%swap3A_1027, %swap3A_1028] {strides = array<i32>} : memref<32x16xf32, #tpu.memory_space<vmem>>, vector<16xf32>,
      tpu.vector_store %arg15[%swap3A_1027, %swap3A_1028], %mul3A_1025 {strides = array<i32>} : memref<32x16xf32, #tpu.memory_space<vmem>>, vector<16xf32>,
      %broadcast_in_dim3A_1030 = arith.constant 15 : i32
      %broadcast_in_dim3A_1031 = vector.broadcast %broadcast_in_dim3A_1030 : i32 to vector<16xi32>
      %slice3A_1032 = vector.extract_strided_slice %get3A_10 {offsets = [15], sizes = [1], strides = [1]} : vector<16xf32> to vector<1xf32>
      %squeeze3A_1033 = vector.extract %slice3A_1032[0] : f32 from vector<1xf32>
      %gather3A_1034 = tpu.vector_load_idx %arg13[%scan3A_593, %broadcast_in_dim3A_1031, %scan3A_592] : memref<16x16x128xf32, #tpu.memory_space<vmem>>[vector<16xi32>, vector<16xi32>, vector<16xi32>], vector<16xf32>,
      %mul3A_1035 = vector.broadcast %squeeze3A_1033 : f32 to vector<16xf32>
      %mul3A_1036 = arith.mulf %gather3A_1034, %mul3A_1035 : vector<16xf32>
      %swap3A_1037 = arith.constant 15 : i32
      %swap3A_1038 = arith.index_cast %swap3A_1037 : i32 to index
      %swap3A_1039 = arith.constant 0 : index
      %swap3A_1040 = tpu.vector_load %arg15[%swap3A_1038, %swap3A_1039] {strides = array<i32>} : memref<32x16xf32, #tpu.memory_space<vmem>>, vector<16xf32>,
      tpu.vector_store %arg15[%swap3A_1038, %swap3A_1039], %mul3A_1036 {strides = array<i32>} : memref<32x16xf32, #tpu.memory_space<vmem>>, vector<16xf32>,
      %slice3A_1041 = vector.extract_strided_slice %scan3A_591 {offsets = [0], sizes = [1], strides = [1]} : vector<16xi32> to vector<1xi32>
      %squeeze3A_1042 = vector.extract %slice3A_1041[0] : i32 from vector<1xi32>
      %multiple_of3A_1043 = tpu.assume_multiple %squeeze3A_1042, 128 : i32
      %slice3A_1044 = vector.extract_strided_slice %scan3A_594 {offsets = [0], sizes = [1], strides = [1]} : vector<16xi32> to vector<1xi32>
      %squeeze3A_1045 = vector.extract %slice3A_1044[0] : i32 from vector<1xi32>
      %eq3A_1046 = arith.constant 1 : i32
      %eq3A_1047 = arith.cmpi eq, %squeeze3A_1045, %eq3A_1046 : i32
      %and3A_1048 = arith.andi %eq3A_1047, %scan3A_577 : i1
      %convert_element_type3A_1049 = arith.extui %and3A_1048 : i1 to i32
      %cond3A_1050 = arith.constant 0 : i32
      %cond3A_1051 = arith.cmpi ne, %convert_element_type3A_1049, %cond3A_1050 : i32
      scf.if %cond3A_1051 {
        %slice3A_2497 = vector.extract_strided_slice %scan3A_593 {offsets = [0], sizes = [1], strides = [1]} : vector<16xi32> to vector<1xi32>
        %squeeze3A_2498 = vector.extract %slice3A_2497[0] : i32 from vector<1xi32>
        %dma_start3A_2499 = arith.constant 0 : i32
        %dma_start3A_2500 = arith.constant 0 : i32
        %dma_start3A_2501 = tpu.memref_slice %arg13[%squeeze3A_2498, %dma_start3A_2499, %dma_start3A_2500] : memref<16x16x128xf32, #tpu.memory_space<vmem>> -> memref<1x16x128xf32, #tpu.memory_space<vmem>>
        %dma_start3A_2502 = tpu.memref_squeeze %dma_start3A_2501 : memref<1x16x128xf32, #tpu.memory_space<vmem>> -> memref<16x128xf32, #tpu.memory_space<vmem>>
        %dma_start3A_2503 = arith.constant 16 : i32
        %dma_start3A_2504 = tpu.memref_slice %arg5[%dma_start3A_2503, %multiple_of3A_1043] : memref<32x1000001xf32, #tpu.memory_space<hbm>> -> memref<16x128xf32, #tpu.memory_space<hbm>>
        %dma_start3A_2505 = arith.constant 0 : i32
        %dma_start3A_2506 = arith.constant 0 : i32
        %dma_start3A_2507 = tpu.memref_slice %arg13[%squeeze3A_2498, %dma_start3A_2505, %dma_start3A_2506] : memref<16x16x128xf32, #tpu.memory_space<vmem>> -> memref<1x16x128xf32, #tpu.memory_space<vmem>>
        %dma_start3A_2508 = tpu.memref_squeeze %dma_start3A_2507 : memref<1x16x128xf32, #tpu.memory_space<vmem>> -> memref<16x128xf32, #tpu.memory_space<vmem>>
        %dma_start3A_2509 = arith.constant 16 : i32
        %dma_start3A_2510 = tpu.memref_slice %arg5[%dma_start3A_2509, %multiple_of3A_1043] : memref<32x1000001xf32, #tpu.memory_space<hbm>> -> memref<16x128xf32, #tpu.memory_space<hbm>>
        tpu.enqueue_dma source(%dma_start3A_2510 : memref<16x128xf32, #tpu.memory_space<hbm>>) target(%dma_start3A_2508 : memref<16x128xf32, #tpu.memory_space<vmem>>) target_semaphore(%arg21 : memref<!tpu.dma_semaphore, #tpu.memory_space<semaphore_mem>>)
      } else {
      }
      %slice3A_1052 = vector.extract_strided_slice %scan3A_591 {offsets = [1], sizes = [1], strides = [1]} : vector<16xi32> to vector<1xi32>
      %squeeze3A_1053 = vector.extract %slice3A_1052[0] : i32 from vector<1xi32>
      %multiple_of3A_1054 = tpu.assume_multiple %squeeze3A_1053, 128 : i32
      %slice3A_1055 = vector.extract_strided_slice %scan3A_594 {offsets = [1], sizes = [1], strides = [1]} : vector<16xi32> to vector<1xi32>
      %squeeze3A_1056 = vector.extract %slice3A_1055[0] : i32 from vector<1xi32>
      %eq3A_1057 = arith.constant 1 : i32
      %eq3A_1058 = arith.cmpi eq, %squeeze3A_1056, %eq3A_1057 : i32
      %and3A_1059 = arith.andi %eq3A_1058, %scan3A_577 : i1
      %convert_element_type3A_1060 = arith.extui %and3A_1059 : i1 to i32
      %cond3A_1061 = arith.constant 0 : i32
      %cond3A_1062 = arith.cmpi ne, %convert_element_type3A_1060, %cond3A_1061 : i32
      scf.if %cond3A_1062 {
        %slice3A_2497 = vector.extract_strided_slice %scan3A_593 {offsets = [1], sizes = [1], strides = [1]} : vector<16xi32> to vector<1xi32>
        %squeeze3A_2498 = vector.extract %slice3A_2497[0] : i32 from vector<1xi32>
        %dma_start3A_2499 = arith.constant 0 : i32
        %dma_start3A_2500 = arith.constant 0 : i32
        %dma_start3A_2501 = tpu.memref_slice %arg13[%squeeze3A_2498, %dma_start3A_2499, %dma_start3A_2500] : memref<16x16x128xf32, #tpu.memory_space<vmem>> -> memref<1x16x128xf32, #tpu.memory_space<vmem>>
        %dma_start3A_2502 = tpu.memref_squeeze %dma_start3A_2501 : memref<1x16x128xf32, #tpu.memory_space<vmem>> -> memref<16x128xf32, #tpu.memory_space<vmem>>
        %dma_start3A_2503 = arith.constant 16 : i32
        %dma_start3A_2504 = tpu.memref_slice %arg5[%dma_start3A_2503, %multiple_of3A_1054] : memref<32x1000001xf32, #tpu.memory_space<hbm>> -> memref<16x128xf32, #tpu.memory_space<hbm>>
        %dma_start3A_2505 = arith.constant 0 : i32
        %dma_start3A_2506 = arith.constant 0 : i32
        %dma_start3A_2507 = tpu.memref_slice %arg13[%squeeze3A_2498, %dma_start3A_2505, %dma_start3A_2506] : memref<16x16x128xf32, #tpu.memory_space<vmem>> -> memref<1x16x128xf32, #tpu.memory_space<vmem>>
        %dma_start3A_2508 = tpu.memref_squeeze %dma_start3A_2507 : memref<1x16x128xf32, #tpu.memory_space<vmem>> -> memref<16x128xf32, #tpu.memory_space<vmem>>
        %dma_start3A_2509 = arith.constant 16 : i32
        %dma_start3A_2510 = tpu.memref_slice %arg5[%dma_start3A_2509, %multiple_of3A_1054] : memref<32x1000001xf32, #tpu.memory_space<hbm>> -> memref<16x128xf32, #tpu.memory_space<hbm>>
        tpu.enqueue_dma source(%dma_start3A_2510 : memref<16x128xf32, #tpu.memory_space<hbm>>) target(%dma_start3A_2508 : memref<16x128xf32, #tpu.memory_space<vmem>>) target_semaphore(%arg21 : memref<!tpu.dma_semaphore, #tpu.memory_space<semaphore_mem>>)
      } else {
      }
      %slice3A_1063 = vector.extract_strided_slice %scan3A_591 {offsets = [2], sizes = [1], strides = [1]} : vector<16xi32> to vector<1xi32>
      %squeeze3A_1064 = vector.extract %slice3A_1063[0] : i32 from vector<1xi32>
      %multiple_of3A_1065 = tpu.assume_multiple %squeeze3A_1064, 128 : i32
      %slice3A_1066 = vector.extract_strided_slice %scan3A_594 {offsets = [2], sizes = [1], strides = [1]} : vector<16xi32> to vector<1xi32>
      %squeeze3A_1067 = vector.extract %slice3A_1066[0] : i32 from vector<1xi32>
      %eq3A_1068 = arith.constant 1 : i32
      %eq3A_1069 = arith.cmpi eq, %squeeze3A_1067, %eq3A_1068 : i32
      %and3A_1070 = arith.andi %eq3A_1069, %scan3A_577 : i1
      %convert_element_type3A_1071 = arith.extui %and3A_1070 : i1 to i32
      %cond3A_1072 = arith.constant 0 : i32
      %cond3A_1073 = arith.cmpi ne, %convert_element_type3A_1071, %cond3A_1072 : i32
      scf.if %cond3A_1073 {
        %slice3A_2497 = vector.extract_strided_slice %scan3A_593 {offsets = [2], sizes = [1], strides = [1]} : vector<16xi32> to vector<1xi32>
        %squeeze3A_2498 = vector.extract %slice3A_2497[0] : i32 from vector<1xi32>
        %dma_start3A_2499 = arith.constant 0 : i32
        %dma_start3A_2500 = arith.constant 0 : i32
        %dma_start3A_2501 = tpu.memref_slice %arg13[%squeeze3A_2498, %dma_start3A_2499, %dma_start3A_2500] : memref<16x16x128xf32, #tpu.memory_space<vmem>> -> memref<1x16x128xf32, #tpu.memory_space<vmem>>
        %dma_start3A_2502 = tpu.memref_squeeze %dma_start3A_2501 : memref<1x16x128xf32, #tpu.memory_space<vmem>> -> memref<16x128xf32, #tpu.memory_space<vmem>>
        %dma_start3A_2503 = arith.constant 16 : i32
        %dma_start3A_2504 = tpu.memref_slice %arg5[%dma_start3A_2503, %multiple_of3A_1065] : memref<32x1000001xf32, #tpu.memory_space<hbm>> -> memref<16x128xf32, #tpu.memory_space<hbm>>
        %dma_start3A_2505 = arith.constant 0 : i32
        %dma_start3A_2506 = arith.constant 0 : i32
        %dma_start3A_2507 = tpu.memref_slice %arg13[%squeeze3A_2498, %dma_start3A_2505, %dma_start3A_2506] : memref<16x16x128xf32, #tpu.memory_space<vmem>> -> memref<1x16x128xf32, #tpu.memory_space<vmem>>
        %dma_start3A_2508 = tpu.memref_squeeze %dma_start3A_2507 : memref<1x16x128xf32, #tpu.memory_space<vmem>> -> memref<16x128xf32, #tpu.memory_space<vmem>>
        %dma_start3A_2509 = arith.constant 16 : i32
        %dma_start3A_2510 = tpu.memref_slice %arg5[%dma_start3A_2509, %multiple_of3A_1065] : memref<32x1000001xf32, #tpu.memory_space<hbm>> -> memref<16x128xf32, #tpu.memory_space<hbm>>
        tpu.enqueue_dma source(%dma_start3A_2510 : memref<16x128xf32, #tpu.memory_space<hbm>>) target(%dma_start3A_2508 : memref<16x128xf32, #tpu.memory_space<vmem>>) target_semaphore(%arg21 : memref<!tpu.dma_semaphore, #tpu.memory_space<semaphore_mem>>)
      } else {
      }
      %slice3A_1074 = vector.extract_strided_slice %scan3A_591 {offsets = [3], sizes = [1], strides = [1]} : vector<16xi32> to vector<1xi32>
      %squeeze3A_1075 = vector.extract %slice3A_1074[0] : i32 from vector<1xi32>
      %multiple_of3A_1076 = tpu.assume_multiple %squeeze3A_1075, 128 : i32
      %slice3A_1077 = vector.extract_strided_slice %scan3A_594 {offsets = [3], sizes = [1], strides = [1]} : vector<16xi32> to vector<1xi32>
      %squeeze3A_1078 = vector.extract %slice3A_1077[0] : i32 from vector<1xi32>
      %eq3A_1079 = arith.constant 1 : i32
      %eq3A_1080 = arith.cmpi eq, %squeeze3A_1078, %eq3A_1079 : i32
      %and3A_1081 = arith.andi %eq3A_1080, %scan3A_577 : i1
      %convert_element_type3A_1082 = arith.extui %and3A_1081 : i1 to i32
      %cond3A_1083 = arith.constant 0 : i32
      %cond3A_1084 = arith.cmpi ne, %convert_element_type3A_1082, %cond3A_1083 : i32
      scf.if %cond3A_1084 {
        %slice3A_2497 = vector.extract_strided_slice %scan3A_593 {offsets = [3], sizes = [1], strides = [1]} : vector<16xi32> to vector<1xi32>
        %squeeze3A_2498 = vector.extract %slice3A_2497[0] : i32 from vector<1xi32>
        %dma_start3A_2499 = arith.constant 0 : i32
        %dma_start3A_2500 = arith.constant 0 : i32
        %dma_start3A_2501 = tpu.memref_slice %arg13[%squeeze3A_2498, %dma_start3A_2499, %dma_start3A_2500] : memref<16x16x128xf32, #tpu.memory_space<vmem>> -> memref<1x16x128xf32, #tpu.memory_space<vmem>>
        %dma_start3A_2502 = tpu.memref_squeeze %dma_start3A_2501 : memref<1x16x128xf32, #tpu.memory_space<vmem>> -> memref<16x128xf32, #tpu.memory_space<vmem>>
        %dma_start3A_2503 = arith.constant 16 : i32
        %dma_start3A_2504 = tpu.memref_slice %arg5[%dma_start3A_2503, %multiple_of3A_1076] : memref<32x1000001xf32, #tpu.memory_space<hbm>> -> memref<16x128xf32, #tpu.memory_space<hbm>>
        %dma_start3A_2505 = arith.constant 0 : i32
        %dma_start3A_2506 = arith.constant 0 : i32
        %dma_start3A_2507 = tpu.memref_slice %arg13[%squeeze3A_2498, %dma_start3A_2505, %dma_start3A_2506] : memref<16x16x128xf32, #tpu.memory_space<vmem>> -> memref<1x16x128xf32, #tpu.memory_space<vmem>>
        %dma_start3A_2508 = tpu.memref_squeeze %dma_start3A_2507 : memref<1x16x128xf32, #tpu.memory_space<vmem>> -> memref<16x128xf32, #tpu.memory_space<vmem>>
        %dma_start3A_2509 = arith.constant 16 : i32
        %dma_start3A_2510 = tpu.memref_slice %arg5[%dma_start3A_2509, %multiple_of3A_1076] : memref<32x1000001xf32, #tpu.memory_space<hbm>> -> memref<16x128xf32, #tpu.memory_space<hbm>>
        tpu.enqueue_dma source(%dma_start3A_2510 : memref<16x128xf32, #tpu.memory_space<hbm>>) target(%dma_start3A_2508 : memref<16x128xf32, #tpu.memory_space<vmem>>) target_semaphore(%arg21 : memref<!tpu.dma_semaphore, #tpu.memory_space<semaphore_mem>>)
      } else {
      }
      %slice3A_1085 = vector.extract_strided_slice %scan3A_591 {offsets = [4], sizes = [1], strides = [1]} : vector<16xi32> to vector<1xi32>
      %squeeze3A_1086 = vector.extract %slice3A_1085[0] : i32 from vector<1xi32>
      %multiple_of3A_1087 = tpu.assume_multiple %squeeze3A_1086, 128 : i32
      %slice3A_1088 = vector.extract_strided_slice %scan3A_594 {offsets = [4], sizes = [1], strides = [1]} : vector<16xi32> to vector<1xi32>
      %squeeze3A_1089 = vector.extract %slice3A_1088[0] : i32 from vector<1xi32>
      %eq3A_1090 = arith.constant 1 : i32
      %eq3A_1091 = arith.cmpi eq, %squeeze3A_1089, %eq3A_1090 : i32
      %and3A_1092 = arith.andi %eq3A_1091, %scan3A_577 : i1
      %convert_element_type3A_1093 = arith.extui %and3A_1092 : i1 to i32
      %cond3A_1094 = arith.constant 0 : i32
      %cond3A_1095 = arith.cmpi ne, %convert_element_type3A_1093, %cond3A_1094 : i32
      scf.if %cond3A_1095 {
        %slice3A_2497 = vector.extract_strided_slice %scan3A_593 {offsets = [4], sizes = [1], strides = [1]} : vector<16xi32> to vector<1xi32>
        %squeeze3A_2498 = vector.extract %slice3A_2497[0] : i32 from vector<1xi32>
        %dma_start3A_2499 = arith.constant 0 : i32
        %dma_start3A_2500 = arith.constant 0 : i32
        %dma_start3A_2501 = tpu.memref_slice %arg13[%squeeze3A_2498, %dma_start3A_2499, %dma_start3A_2500] : memref<16x16x128xf32, #tpu.memory_space<vmem>> -> memref<1x16x128xf32, #tpu.memory_space<vmem>>
        %dma_start3A_2502 = tpu.memref_squeeze %dma_start3A_2501 : memref<1x16x128xf32, #tpu.memory_space<vmem>> -> memref<16x128xf32, #tpu.memory_space<vmem>>
        %dma_start3A_2503 = arith.constant 16 : i32
        %dma_start3A_2504 = tpu.memref_slice %arg5[%dma_start3A_2503, %multiple_of3A_1087] : memref<32x1000001xf32, #tpu.memory_space<hbm>> -> memref<16x128xf32, #tpu.memory_space<hbm>>
        %dma_start3A_2505 = arith.constant 0 : i32
        %dma_start3A_2506 = arith.constant 0 : i32
        %dma_start3A_2507 = tpu.memref_slice %arg13[%squeeze3A_2498, %dma_start3A_2505, %dma_start3A_2506] : memref<16x16x128xf32, #tpu.memory_space<vmem>> -> memref<1x16x128xf32, #tpu.memory_space<vmem>>
        %dma_start3A_2508 = tpu.memref_squeeze %dma_start3A_2507 : memref<1x16x128xf32, #tpu.memory_space<vmem>> -> memref<16x128xf32, #tpu.memory_space<vmem>>
        %dma_start3A_2509 = arith.constant 16 : i32
        %dma_start3A_2510 = tpu.memref_slice %arg5[%dma_start3A_2509, %multiple_of3A_1087] : memref<32x1000001xf32, #tpu.memory_space<hbm>> -> memref<16x128xf32, #tpu.memory_space<hbm>>
        tpu.enqueue_dma source(%dma_start3A_2510 : memref<16x128xf32, #tpu.memory_space<hbm>>) target(%dma_start3A_2508 : memref<16x128xf32, #tpu.memory_space<vmem>>) target_semaphore(%arg21 : memref<!tpu.dma_semaphore, #tpu.memory_space<semaphore_mem>>)
      } else {
      }
      %slice3A_1096 = vector.extract_strided_slice %scan3A_591 {offsets = [5], sizes = [1], strides = [1]} : vector<16xi32> to vector<1xi32>
      %squeeze3A_1097 = vector.extract %slice3A_1096[0] : i32 from vector<1xi32>
      %multiple_of3A_1098 = tpu.assume_multiple %squeeze3A_1097, 128 : i32
      %slice3A_1099 = vector.extract_strided_slice %scan3A_594 {offsets = [5], sizes = [1], strides = [1]} : vector<16xi32> to vector<1xi32>
      %squeeze3A_1100 = vector.extract %slice3A_1099[0] : i32 from vector<1xi32>
      %eq3A_1101 = arith.constant 1 : i32
      %eq3A_1102 = arith.cmpi eq, %squeeze3A_1100, %eq3A_1101 : i32
      %and3A_1103 = arith.andi %eq3A_1102, %scan3A_577 : i1
      %convert_element_type3A_1104 = arith.extui %and3A_1103 : i1 to i32
      %cond3A_1105 = arith.constant 0 : i32
      %cond3A_1106 = arith.cmpi ne, %convert_element_type3A_1104, %cond3A_1105 : i32
      scf.if %cond3A_1106 {
        %slice3A_2497 = vector.extract_strided_slice %scan3A_593 {offsets = [5], sizes = [1], strides = [1]} : vector<16xi32> to vector<1xi32>
        %squeeze3A_2498 = vector.extract %slice3A_2497[0] : i32 from vector<1xi32>
        %dma_start3A_2499 = arith.constant 0 : i32
        %dma_start3A_2500 = arith.constant 0 : i32
        %dma_start3A_2501 = tpu.memref_slice %arg13[%squeeze3A_2498, %dma_start3A_2499, %dma_start3A_2500] : memref<16x16x128xf32, #tpu.memory_space<vmem>> -> memref<1x16x128xf32, #tpu.memory_space<vmem>>
        %dma_start3A_2502 = tpu.memref_squeeze %dma_start3A_2501 : memref<1x16x128xf32, #tpu.memory_space<vmem>> -> memref<16x128xf32, #tpu.memory_space<vmem>>
        %dma_start3A_2503 = arith.constant 16 : i32
        %dma_start3A_2504 = tpu.memref_slice %arg5[%dma_start3A_2503, %multiple_of3A_1098] : memref<32x1000001xf32, #tpu.memory_space<hbm>> -> memref<16x128xf32, #tpu.memory_space<hbm>>
        %dma_start3A_2505 = arith.constant 0 : i32
        %dma_start3A_2506 = arith.constant 0 : i32
        %dma_start3A_2507 = tpu.memref_slice %arg13[%squeeze3A_2498, %dma_start3A_2505, %dma_start3A_2506] : memref<16x16x128xf32, #tpu.memory_space<vmem>> -> memref<1x16x128xf32, #tpu.memory_space<vmem>>
        %dma_start3A_2508 = tpu.memref_squeeze %dma_start3A_2507 : memref<1x16x128xf32, #tpu.memory_space<vmem>> -> memref<16x128xf32, #tpu.memory_space<vmem>>
        %dma_start3A_2509 = arith.constant 16 : i32
        %dma_start3A_2510 = tpu.memref_slice %arg5[%dma_start3A_2509, %multiple_of3A_1098] : memref<32x1000001xf32, #tpu.memory_space<hbm>> -> memref<16x128xf32, #tpu.memory_space<hbm>>
        tpu.enqueue_dma source(%dma_start3A_2510 : memref<16x128xf32, #tpu.memory_space<hbm>>) target(%dma_start3A_2508 : memref<16x128xf32, #tpu.memory_space<vmem>>) target_semaphore(%arg21 : memref<!tpu.dma_semaphore, #tpu.memory_space<semaphore_mem>>)
      } else {
      }
      %slice3A_1107 = vector.extract_strided_slice %scan3A_591 {offsets = [6], sizes = [1], strides = [1]} : vector<16xi32> to vector<1xi32>
      %squeeze3A_1108 = vector.extract %slice3A_1107[0] : i32 from vector<1xi32>
      %multiple_of3A_1109 = tpu.assume_multiple %squeeze3A_1108, 128 : i32
      %slice3A_1110 = vector.extract_strided_slice %scan3A_594 {offsets = [6], sizes = [1], strides = [1]} : vector<16xi32> to vector<1xi32>
      %squeeze3A_1111 = vector.extract %slice3A_1110[0] : i32 from vector<1xi32>
      %eq3A_1112 = arith.constant 1 : i32
      %eq3A_1113 = arith.cmpi eq, %squeeze3A_1111, %eq3A_1112 : i32
      %and3A_1114 = arith.andi %eq3A_1113, %scan3A_577 : i1
      %convert_element_type3A_1115 = arith.extui %and3A_1114 : i1 to i32
      %cond3A_1116 = arith.constant 0 : i32
      %cond3A_1117 = arith.cmpi ne, %convert_element_type3A_1115, %cond3A_1116 : i32
      scf.if %cond3A_1117 {
        %slice3A_2497 = vector.extract_strided_slice %scan3A_593 {offsets = [6], sizes = [1], strides = [1]} : vector<16xi32> to vector<1xi32>
        %squeeze3A_2498 = vector.extract %slice3A_2497[0] : i32 from vector<1xi32>
        %dma_start3A_2499 = arith.constant 0 : i32
        %dma_start3A_2500 = arith.constant 0 : i32
        %dma_start3A_2501 = tpu.memref_slice %arg13[%squeeze3A_2498, %dma_start3A_2499, %dma_start3A_2500] : memref<16x16x128xf32, #tpu.memory_space<vmem>> -> memref<1x16x128xf32, #tpu.memory_space<vmem>>
        %dma_start3A_2502 = tpu.memref_squeeze %dma_start3A_2501 : memref<1x16x128xf32, #tpu.memory_space<vmem>> -> memref<16x128xf32, #tpu.memory_space<vmem>>
        %dma_start3A_2503 = arith.constant 16 : i32
        %dma_start3A_2504 = tpu.memref_slice %arg5[%dma_start3A_2503, %multiple_of3A_1109] : memref<32x1000001xf32, #tpu.memory_space<hbm>> -> memref<16x128xf32, #tpu.memory_space<hbm>>
        %dma_start3A_2505 = arith.constant 0 : i32
        %dma_start3A_2506 = arith.constant 0 : i32
        %dma_start3A_2507 = tpu.memref_slice %arg13[%squeeze3A_2498, %dma_start3A_2505, %dma_start3A_2506] : memref<16x16x128xf32, #tpu.memory_space<vmem>> -> memref<1x16x128xf32, #tpu.memory_space<vmem>>
        %dma_start3A_2508 = tpu.memref_squeeze %dma_start3A_2507 : memref<1x16x128xf32, #tpu.memory_space<vmem>> -> memref<16x128xf32, #tpu.memory_space<vmem>>
        %dma_start3A_2509 = arith.constant 16 : i32
        %dma_start3A_2510 = tpu.memref_slice %arg5[%dma_start3A_2509, %multiple_of3A_1109] : memref<32x1000001xf32, #tpu.memory_space<hbm>> -> memref<16x128xf32, #tpu.memory_space<hbm>>
        tpu.enqueue_dma source(%dma_start3A_2510 : memref<16x128xf32, #tpu.memory_space<hbm>>) target(%dma_start3A_2508 : memref<16x128xf32, #tpu.memory_space<vmem>>) target_semaphore(%arg21 : memref<!tpu.dma_semaphore, #tpu.memory_space<semaphore_mem>>)
      } else {
      }
      %slice3A_1118 = vector.extract_strided_slice %scan3A_591 {offsets = [7], sizes = [1], strides = [1]} : vector<16xi32> to vector<1xi32>
      %squeeze3A_1119 = vector.extract %slice3A_1118[0] : i32 from vector<1xi32>
      %multiple_of3A_1120 = tpu.assume_multiple %squeeze3A_1119, 128 : i32
      %slice3A_1121 = vector.extract_strided_slice %scan3A_594 {offsets = [7], sizes = [1], strides = [1]} : vector<16xi32> to vector<1xi32>
      %squeeze3A_1122 = vector.extract %slice3A_1121[0] : i32 from vector<1xi32>
      %eq3A_1123 = arith.constant 1 : i32
      %eq3A_1124 = arith.cmpi eq, %squeeze3A_1122, %eq3A_1123 : i32
      %and3A_1125 = arith.andi %eq3A_1124, %scan3A_577 : i1
      %convert_element_type3A_1126 = arith.extui %and3A_1125 : i1 to i32
      %cond3A_1127 = arith.constant 0 : i32
      %cond3A_1128 = arith.cmpi ne, %convert_element_type3A_1126, %cond3A_1127 : i32
      scf.if %cond3A_1128 {
        %slice3A_2497 = vector.extract_strided_slice %scan3A_593 {offsets = [7], sizes = [1], strides = [1]} : vector<16xi32> to vector<1xi32>
        %squeeze3A_2498 = vector.extract %slice3A_2497[0] : i32 from vector<1xi32>
        %dma_start3A_2499 = arith.constant 0 : i32
        %dma_start3A_2500 = arith.constant 0 : i32
        %dma_start3A_2501 = tpu.memref_slice %arg13[%squeeze3A_2498, %dma_start3A_2499, %dma_start3A_2500] : memref<16x16x128xf32, #tpu.memory_space<vmem>> -> memref<1x16x128xf32, #tpu.memory_space<vmem>>
        %dma_start3A_2502 = tpu.memref_squeeze %dma_start3A_2501 : memref<1x16x128xf32, #tpu.memory_space<vmem>> -> memref<16x128xf32, #tpu.memory_space<vmem>>
        %dma_start3A_2503 = arith.constant 16 : i32
        %dma_start3A_2504 = tpu.memref_slice %arg5[%dma_start3A_2503, %multiple_of3A_1120] : memref<32x1000001xf32, #tpu.memory_space<hbm>> -> memref<16x128xf32, #tpu.memory_space<hbm>>
        %dma_start3A_2505 = arith.constant 0 : i32
        %dma_start3A_2506 = arith.constant 0 : i32
        %dma_start3A_2507 = tpu.memref_slice %arg13[%squeeze3A_2498, %dma_start3A_2505, %dma_start3A_2506] : memref<16x16x128xf32, #tpu.memory_space<vmem>> -> memref<1x16x128xf32, #tpu.memory_space<vmem>>
        %dma_start3A_2508 = tpu.memref_squeeze %dma_start3A_2507 : memref<1x16x128xf32, #tpu.memory_space<vmem>> -> memref<16x128xf32, #tpu.memory_space<vmem>>
        %dma_start3A_2509 = arith.constant 16 : i32
        %dma_start3A_2510 = tpu.memref_slice %arg5[%dma_start3A_2509, %multiple_of3A_1120] : memref<32x1000001xf32, #tpu.memory_space<hbm>> -> memref<16x128xf32, #tpu.memory_space<hbm>>
        tpu.enqueue_dma source(%dma_start3A_2510 : memref<16x128xf32, #tpu.memory_space<hbm>>) target(%dma_start3A_2508 : memref<16x128xf32, #tpu.memory_space<vmem>>) target_semaphore(%arg21 : memref<!tpu.dma_semaphore, #tpu.memory_space<semaphore_mem>>)
      } else {
      }
      %slice3A_1129 = vector.extract_strided_slice %scan3A_591 {offsets = [8], sizes = [1], strides = [1]} : vector<16xi32> to vector<1xi32>
      %squeeze3A_1130 = vector.extract %slice3A_1129[0] : i32 from vector<1xi32>
      %multiple_of3A_1131 = tpu.assume_multiple %squeeze3A_1130, 128 : i32
      %slice3A_1132 = vector.extract_strided_slice %scan3A_594 {offsets = [8], sizes = [1], strides = [1]} : vector<16xi32> to vector<1xi32>
      %squeeze3A_1133 = vector.extract %slice3A_1132[0] : i32 from vector<1xi32>
      %eq3A_1134 = arith.constant 1 : i32
      %eq3A_1135 = arith.cmpi eq, %squeeze3A_1133, %eq3A_1134 : i32
      %and3A_1136 = arith.andi %eq3A_1135, %scan3A_577 : i1
      %convert_element_type3A_1137 = arith.extui %and3A_1136 : i1 to i32
      %cond3A_1138 = arith.constant 0 : i32
      %cond3A_1139 = arith.cmpi ne, %convert_element_type3A_1137, %cond3A_1138 : i32
      scf.if %cond3A_1139 {
        %slice3A_2497 = vector.extract_strided_slice %scan3A_593 {offsets = [8], sizes = [1], strides = [1]} : vector<16xi32> to vector<1xi32>
        %squeeze3A_2498 = vector.extract %slice3A_2497[0] : i32 from vector<1xi32>
        %dma_start3A_2499 = arith.constant 0 : i32
        %dma_start3A_2500 = arith.constant 0 : i32
        %dma_start3A_2501 = tpu.memref_slice %arg13[%squeeze3A_2498, %dma_start3A_2499, %dma_start3A_2500] : memref<16x16x128xf32, #tpu.memory_space<vmem>> -> memref<1x16x128xf32, #tpu.memory_space<vmem>>
        %dma_start3A_2502 = tpu.memref_squeeze %dma_start3A_2501 : memref<1x16x128xf32, #tpu.memory_space<vmem>> -> memref<16x128xf32, #tpu.memory_space<vmem>>
        %dma_start3A_2503 = arith.constant 16 : i32
        %dma_start3A_2504 = tpu.memref_slice %arg5[%dma_start3A_2503, %multiple_of3A_1131] : memref<32x1000001xf32, #tpu.memory_space<hbm>> -> memref<16x128xf32, #tpu.memory_space<hbm>>
        %dma_start3A_2505 = arith.constant 0 : i32
        %dma_start3A_2506 = arith.constant 0 : i32
        %dma_start3A_2507 = tpu.memref_slice %arg13[%squeeze3A_2498, %dma_start3A_2505, %dma_start3A_2506] : memref<16x16x128xf32, #tpu.memory_space<vmem>> -> memref<1x16x128xf32, #tpu.memory_space<vmem>>
        %dma_start3A_2508 = tpu.memref_squeeze %dma_start3A_2507 : memref<1x16x128xf32, #tpu.memory_space<vmem>> -> memref<16x128xf32, #tpu.memory_space<vmem>>
        %dma_start3A_2509 = arith.constant 16 : i32
        %dma_start3A_2510 = tpu.memref_slice %arg5[%dma_start3A_2509, %multiple_of3A_1131] : memref<32x1000001xf32, #tpu.memory_space<hbm>> -> memref<16x128xf32, #tpu.memory_space<hbm>>
        tpu.enqueue_dma source(%dma_start3A_2510 : memref<16x128xf32, #tpu.memory_space<hbm>>) target(%dma_start3A_2508 : memref<16x128xf32, #tpu.memory_space<vmem>>) target_semaphore(%arg21 : memref<!tpu.dma_semaphore, #tpu.memory_space<semaphore_mem>>)
      } else {
      }
      %slice3A_1140 = vector.extract_strided_slice %scan3A_591 {offsets = [9], sizes = [1], strides = [1]} : vector<16xi32> to vector<1xi32>
      %squeeze3A_1141 = vector.extract %slice3A_1140[0] : i32 from vector<1xi32>
      %multiple_of3A_1142 = tpu.assume_multiple %squeeze3A_1141, 128 : i32
      %slice3A_1143 = vector.extract_strided_slice %scan3A_594 {offsets = [9], sizes = [1], strides = [1]} : vector<16xi32> to vector<1xi32>
      %squeeze3A_1144 = vector.extract %slice3A_1143[0] : i32 from vector<1xi32>
      %eq3A_1145 = arith.constant 1 : i32
      %eq3A_1146 = arith.cmpi eq, %squeeze3A_1144, %eq3A_1145 : i32
      %and3A_1147 = arith.andi %eq3A_1146, %scan3A_577 : i1
      %convert_element_type3A_1148 = arith.extui %and3A_1147 : i1 to i32
      %cond3A_1149 = arith.constant 0 : i32
      %cond3A_1150 = arith.cmpi ne, %convert_element_type3A_1148, %cond3A_1149 : i32
      scf.if %cond3A_1150 {
        %slice3A_2497 = vector.extract_strided_slice %scan3A_593 {offsets = [9], sizes = [1], strides = [1]} : vector<16xi32> to vector<1xi32>
        %squeeze3A_2498 = vector.extract %slice3A_2497[0] : i32 from vector<1xi32>
        %dma_start3A_2499 = arith.constant 0 : i32
        %dma_start3A_2500 = arith.constant 0 : i32
        %dma_start3A_2501 = tpu.memref_slice %arg13[%squeeze3A_2498, %dma_start3A_2499, %dma_start3A_2500] : memref<16x16x128xf32, #tpu.memory_space<vmem>> -> memref<1x16x128xf32, #tpu.memory_space<vmem>>
        %dma_start3A_2502 = tpu.memref_squeeze %dma_start3A_2501 : memref<1x16x128xf32, #tpu.memory_space<vmem>> -> memref<16x128xf32, #tpu.memory_space<vmem>>
        %dma_start3A_2503 = arith.constant 16 : i32
        %dma_start3A_2504 = tpu.memref_slice %arg5[%dma_start3A_2503, %multiple_of3A_1142] : memref<32x1000001xf32, #tpu.memory_space<hbm>> -> memref<16x128xf32, #tpu.memory_space<hbm>>
        %dma_start3A_2505 = arith.constant 0 : i32
        %dma_start3A_2506 = arith.constant 0 : i32
        %dma_start3A_2507 = tpu.memref_slice %arg13[%squeeze3A_2498, %dma_start3A_2505, %dma_start3A_2506] : memref<16x16x128xf32, #tpu.memory_space<vmem>> -> memref<1x16x128xf32, #tpu.memory_space<vmem>>
        %dma_start3A_2508 = tpu.memref_squeeze %dma_start3A_2507 : memref<1x16x128xf32, #tpu.memory_space<vmem>> -> memref<16x128xf32, #tpu.memory_space<vmem>>
        %dma_start3A_2509 = arith.constant 16 : i32
        %dma_start3A_2510 = tpu.memref_slice %arg5[%dma_start3A_2509, %multiple_of3A_1142] : memref<32x1000001xf32, #tpu.memory_space<hbm>> -> memref<16x128xf32, #tpu.memory_space<hbm>>
        tpu.enqueue_dma source(%dma_start3A_2510 : memref<16x128xf32, #tpu.memory_space<hbm>>) target(%dma_start3A_2508 : memref<16x128xf32, #tpu.memory_space<vmem>>) target_semaphore(%arg21 : memref<!tpu.dma_semaphore, #tpu.memory_space<semaphore_mem>>)
      } else {
      }
      %slice3A_1151 = vector.extract_strided_slice %scan3A_591 {offsets = [10], sizes = [1], strides = [1]} : vector<16xi32> to vector<1xi32>
      %squeeze3A_1152 = vector.extract %slice3A_1151[0] : i32 from vector<1xi32>
      %multiple_of3A_1153 = tpu.assume_multiple %squeeze3A_1152, 128 : i32
      %slice3A_1154 = vector.extract_strided_slice %scan3A_594 {offsets = [10], sizes = [1], strides = [1]} : vector<16xi32> to vector<1xi32>
      %squeeze3A_1155 = vector.extract %slice3A_1154[0] : i32 from vector<1xi32>
      %eq3A_1156 = arith.constant 1 : i32
      %eq3A_1157 = arith.cmpi eq, %squeeze3A_1155, %eq3A_1156 : i32
      %and3A_1158 = arith.andi %eq3A_1157, %scan3A_577 : i1
      %convert_element_type3A_1159 = arith.extui %and3A_1158 : i1 to i32
      %cond3A_1160 = arith.constant 0 : i32
      %cond3A_1161 = arith.cmpi ne, %convert_element_type3A_1159, %cond3A_1160 : i32
      scf.if %cond3A_1161 {
        %slice3A_2497 = vector.extract_strided_slice %scan3A_593 {offsets = [10], sizes = [1], strides = [1]} : vector<16xi32> to vector<1xi32>
        %squeeze3A_2498 = vector.extract %slice3A_2497[0] : i32 from vector<1xi32>
        %dma_start3A_2499 = arith.constant 0 : i32
        %dma_start3A_2500 = arith.constant 0 : i32
        %dma_start3A_2501 = tpu.memref_slice %arg13[%squeeze3A_2498, %dma_start3A_2499, %dma_start3A_2500] : memref<16x16x128xf32, #tpu.memory_space<vmem>> -> memref<1x16x128xf32, #tpu.memory_space<vmem>>
        %dma_start3A_2502 = tpu.memref_squeeze %dma_start3A_2501 : memref<1x16x128xf32, #tpu.memory_space<vmem>> -> memref<16x128xf32, #tpu.memory_space<vmem>>
        %dma_start3A_2503 = arith.constant 16 : i32
        %dma_start3A_2504 = tpu.memref_slice %arg5[%dma_start3A_2503, %multiple_of3A_1153] : memref<32x1000001xf32, #tpu.memory_space<hbm>> -> memref<16x128xf32, #tpu.memory_space<hbm>>
        %dma_start3A_2505 = arith.constant 0 : i32
        %dma_start3A_2506 = arith.constant 0 : i32
        %dma_start3A_2507 = tpu.memref_slice %arg13[%squeeze3A_2498, %dma_start3A_2505, %dma_start3A_2506] : memref<16x16x128xf32, #tpu.memory_space<vmem>> -> memref<1x16x128xf32, #tpu.memory_space<vmem>>
        %dma_start3A_2508 = tpu.memref_squeeze %dma_start3A_2507 : memref<1x16x128xf32, #tpu.memory_space<vmem>> -> memref<16x128xf32, #tpu.memory_space<vmem>>
        %dma_start3A_2509 = arith.constant 16 : i32
        %dma_start3A_2510 = tpu.memref_slice %arg5[%dma_start3A_2509, %multiple_of3A_1153] : memref<32x1000001xf32, #tpu.memory_space<hbm>> -> memref<16x128xf32, #tpu.memory_space<hbm>>
        tpu.enqueue_dma source(%dma_start3A_2510 : memref<16x128xf32, #tpu.memory_space<hbm>>) target(%dma_start3A_2508 : memref<16x128xf32, #tpu.memory_space<vmem>>) target_semaphore(%arg21 : memref<!tpu.dma_semaphore, #tpu.memory_space<semaphore_mem>>)
      } else {
      }
      %slice3A_1162 = vector.extract_strided_slice %scan3A_591 {offsets = [11], sizes = [1], strides = [1]} : vector<16xi32> to vector<1xi32>
      %squeeze3A_1163 = vector.extract %slice3A_1162[0] : i32 from vector<1xi32>
      %multiple_of3A_1164 = tpu.assume_multiple %squeeze3A_1163, 128 : i32
      %slice3A_1165 = vector.extract_strided_slice %scan3A_594 {offsets = [11], sizes = [1], strides = [1]} : vector<16xi32> to vector<1xi32>
      %squeeze3A_1166 = vector.extract %slice3A_1165[0] : i32 from vector<1xi32>
      %eq3A_1167 = arith.constant 1 : i32
      %eq3A_1168 = arith.cmpi eq, %squeeze3A_1166, %eq3A_1167 : i32
      %and3A_1169 = arith.andi %eq3A_1168, %scan3A_577 : i1
      %convert_element_type3A_1170 = arith.extui %and3A_1169 : i1 to i32
      %cond3A_1171 = arith.constant 0 : i32
      %cond3A_1172 = arith.cmpi ne, %convert_element_type3A_1170, %cond3A_1171 : i32
      scf.if %cond3A_1172 {
        %slice3A_2497 = vector.extract_strided_slice %scan3A_593 {offsets = [11], sizes = [1], strides = [1]} : vector<16xi32> to vector<1xi32>
        %squeeze3A_2498 = vector.extract %slice3A_2497[0] : i32 from vector<1xi32>
        %dma_start3A_2499 = arith.constant 0 : i32
        %dma_start3A_2500 = arith.constant 0 : i32
        %dma_start3A_2501 = tpu.memref_slice %arg13[%squeeze3A_2498, %dma_start3A_2499, %dma_start3A_2500] : memref<16x16x128xf32, #tpu.memory_space<vmem>> -> memref<1x16x128xf32, #tpu.memory_space<vmem>>
        %dma_start3A_2502 = tpu.memref_squeeze %dma_start3A_2501 : memref<1x16x128xf32, #tpu.memory_space<vmem>> -> memref<16x128xf32, #tpu.memory_space<vmem>>
        %dma_start3A_2503 = arith.constant 16 : i32
        %dma_start3A_2504 = tpu.memref_slice %arg5[%dma_start3A_2503, %multiple_of3A_1164] : memref<32x1000001xf32, #tpu.memory_space<hbm>> -> memref<16x128xf32, #tpu.memory_space<hbm>>
        %dma_start3A_2505 = arith.constant 0 : i32
        %dma_start3A_2506 = arith.constant 0 : i32
        %dma_start3A_2507 = tpu.memref_slice %arg13[%squeeze3A_2498, %dma_start3A_2505, %dma_start3A_2506] : memref<16x16x128xf32, #tpu.memory_space<vmem>> -> memref<1x16x128xf32, #tpu.memory_space<vmem>>
        %dma_start3A_2508 = tpu.memref_squeeze %dma_start3A_2507 : memref<1x16x128xf32, #tpu.memory_space<vmem>> -> memref<16x128xf32, #tpu.memory_space<vmem>>
        %dma_start3A_2509 = arith.constant 16 : i32
        %dma_start3A_2510 = tpu.memref_slice %arg5[%dma_start3A_2509, %multiple_of3A_1164] : memref<32x1000001xf32, #tpu.memory_space<hbm>> -> memref<16x128xf32, #tpu.memory_space<hbm>>
        tpu.enqueue_dma source(%dma_start3A_2510 : memref<16x128xf32, #tpu.memory_space<hbm>>) target(%dma_start3A_2508 : memref<16x128xf32, #tpu.memory_space<vmem>>) target_semaphore(%arg21 : memref<!tpu.dma_semaphore, #tpu.memory_space<semaphore_mem>>)
      } else {
      }
      %slice3A_1173 = vector.extract_strided_slice %scan3A_591 {offsets = [12], sizes = [1], strides = [1]} : vector<16xi32> to vector<1xi32>
      %squeeze3A_1174 = vector.extract %slice3A_1173[0] : i32 from vector<1xi32>
      %multiple_of3A_1175 = tpu.assume_multiple %squeeze3A_1174, 128 : i32
      %slice3A_1176 = vector.extract_strided_slice %scan3A_594 {offsets = [12], sizes = [1], strides = [1]} : vector<16xi32> to vector<1xi32>
      %squeeze3A_1177 = vector.extract %slice3A_1176[0] : i32 from vector<1xi32>
      %eq3A_1178 = arith.constant 1 : i32
      %eq3A_1179 = arith.cmpi eq, %squeeze3A_1177, %eq3A_1178 : i32
      %and3A_1180 = arith.andi %eq3A_1179, %scan3A_577 : i1
      %convert_element_type3A_1181 = arith.extui %and3A_1180 : i1 to i32
      %cond3A_1182 = arith.constant 0 : i32
      %cond3A_1183 = arith.cmpi ne, %convert_element_type3A_1181, %cond3A_1182 : i32
      scf.if %cond3A_1183 {
        %slice3A_2497 = vector.extract_strided_slice %scan3A_593 {offsets = [12], sizes = [1], strides = [1]} : vector<16xi32> to vector<1xi32>
        %squeeze3A_2498 = vector.extract %slice3A_2497[0] : i32 from vector<1xi32>
        %dma_start3A_2499 = arith.constant 0 : i32
        %dma_start3A_2500 = arith.constant 0 : i32
        %dma_start3A_2501 = tpu.memref_slice %arg13[%squeeze3A_2498, %dma_start3A_2499, %dma_start3A_2500] : memref<16x16x128xf32, #tpu.memory_space<vmem>> -> memref<1x16x128xf32, #tpu.memory_space<vmem>>
        %dma_start3A_2502 = tpu.memref_squeeze %dma_start3A_2501 : memref<1x16x128xf32, #tpu.memory_space<vmem>> -> memref<16x128xf32, #tpu.memory_space<vmem>>
        %dma_start3A_2503 = arith.constant 16 : i32
        %dma_start3A_2504 = tpu.memref_slice %arg5[%dma_start3A_2503, %multiple_of3A_1175] : memref<32x1000001xf32, #tpu.memory_space<hbm>> -> memref<16x128xf32, #tpu.memory_space<hbm>>
        %dma_start3A_2505 = arith.constant 0 : i32
        %dma_start3A_2506 = arith.constant 0 : i32
        %dma_start3A_2507 = tpu.memref_slice %arg13[%squeeze3A_2498, %dma_start3A_2505, %dma_start3A_2506] : memref<16x16x128xf32, #tpu.memory_space<vmem>> -> memref<1x16x128xf32, #tpu.memory_space<vmem>>
        %dma_start3A_2508 = tpu.memref_squeeze %dma_start3A_2507 : memref<1x16x128xf32, #tpu.memory_space<vmem>> -> memref<16x128xf32, #tpu.memory_space<vmem>>
        %dma_start3A_2509 = arith.constant 16 : i32
        %dma_start3A_2510 = tpu.memref_slice %arg5[%dma_start3A_2509, %multiple_of3A_1175] : memref<32x1000001xf32, #tpu.memory_space<hbm>> -> memref<16x128xf32, #tpu.memory_space<hbm>>
        tpu.enqueue_dma source(%dma_start3A_2510 : memref<16x128xf32, #tpu.memory_space<hbm>>) target(%dma_start3A_2508 : memref<16x128xf32, #tpu.memory_space<vmem>>) target_semaphore(%arg21 : memref<!tpu.dma_semaphore, #tpu.memory_space<semaphore_mem>>)
      } else {
      }
      %slice3A_1184 = vector.extract_strided_slice %scan3A_591 {offsets = [13], sizes = [1], strides = [1]} : vector<16xi32> to vector<1xi32>
      %squeeze3A_1185 = vector.extract %slice3A_1184[0] : i32 from vector<1xi32>
      %multiple_of3A_1186 = tpu.assume_multiple %squeeze3A_1185, 128 : i32
      %slice3A_1187 = vector.extract_strided_slice %scan3A_594 {offsets = [13], sizes = [1], strides = [1]} : vector<16xi32> to vector<1xi32>
      %squeeze3A_1188 = vector.extract %slice3A_1187[0] : i32 from vector<1xi32>
      %eq3A_1189 = arith.constant 1 : i32
      %eq3A_1190 = arith.cmpi eq, %squeeze3A_1188, %eq3A_1189 : i32
      %and3A_1191 = arith.andi %eq3A_1190, %scan3A_577 : i1
      %convert_element_type3A_1192 = arith.extui %and3A_1191 : i1 to i32
      %cond3A_1193 = arith.constant 0 : i32
      %cond3A_1194 = arith.cmpi ne, %convert_element_type3A_1192, %cond3A_1193 : i32
      scf.if %cond3A_1194 {
        %slice3A_2497 = vector.extract_strided_slice %scan3A_593 {offsets = [13], sizes = [1], strides = [1]} : vector<16xi32> to vector<1xi32>
        %squeeze3A_2498 = vector.extract %slice3A_2497[0] : i32 from vector<1xi32>
        %dma_start3A_2499 = arith.constant 0 : i32
        %dma_start3A_2500 = arith.constant 0 : i32
        %dma_start3A_2501 = tpu.memref_slice %arg13[%squeeze3A_2498, %dma_start3A_2499, %dma_start3A_2500] : memref<16x16x128xf32, #tpu.memory_space<vmem>> -> memref<1x16x128xf32, #tpu.memory_space<vmem>>
        %dma_start3A_2502 = tpu.memref_squeeze %dma_start3A_2501 : memref<1x16x128xf32, #tpu.memory_space<vmem>> -> memref<16x128xf32, #tpu.memory_space<vmem>>
        %dma_start3A_2503 = arith.constant 16 : i32
        %dma_start3A_2504 = tpu.memref_slice %arg5[%dma_start3A_2503, %multiple_of3A_1186] : memref<32x1000001xf32, #tpu.memory_space<hbm>> -> memref<16x128xf32, #tpu.memory_space<hbm>>
        %dma_start3A_2505 = arith.constant 0 : i32
        %dma_start3A_2506 = arith.constant 0 : i32
        %dma_start3A_2507 = tpu.memref_slice %arg13[%squeeze3A_2498, %dma_start3A_2505, %dma_start3A_2506] : memref<16x16x128xf32, #tpu.memory_space<vmem>> -> memref<1x16x128xf32, #tpu.memory_space<vmem>>
        %dma_start3A_2508 = tpu.memref_squeeze %dma_start3A_2507 : memref<1x16x128xf32, #tpu.memory_space<vmem>> -> memref<16x128xf32, #tpu.memory_space<vmem>>
        %dma_start3A_2509 = arith.constant 16 : i32
        %dma_start3A_2510 = tpu.memref_slice %arg5[%dma_start3A_2509, %multiple_of3A_1186] : memref<32x1000001xf32, #tpu.memory_space<hbm>> -> memref<16x128xf32, #tpu.memory_space<hbm>>
        tpu.enqueue_dma source(%dma_start3A_2510 : memref<16x128xf32, #tpu.memory_space<hbm>>) target(%dma_start3A_2508 : memref<16x128xf32, #tpu.memory_space<vmem>>) target_semaphore(%arg21 : memref<!tpu.dma_semaphore, #tpu.memory_space<semaphore_mem>>)
      } else {
      }
      %slice3A_1195 = vector.extract_strided_slice %scan3A_591 {offsets = [14], sizes = [1], strides = [1]} : vector<16xi32> to vector<1xi32>
      %squeeze3A_1196 = vector.extract %slice3A_1195[0] : i32 from vector<1xi32>
      %multiple_of3A_1197 = tpu.assume_multiple %squeeze3A_1196, 128 : i32
      %slice3A_1198 = vector.extract_strided_slice %scan3A_594 {offsets = [14], sizes = [1], strides = [1]} : vector<16xi32> to vector<1xi32>
      %squeeze3A_1199 = vector.extract %slice3A_1198[0] : i32 from vector<1xi32>
      %eq3A_1200 = arith.constant 1 : i32
      %eq3A_1201 = arith.cmpi eq, %squeeze3A_1199, %eq3A_1200 : i32
      %and3A_1202 = arith.andi %eq3A_1201, %scan3A_577 : i1
      %convert_element_type3A_1203 = arith.extui %and3A_1202 : i1 to i32
      %cond3A_1204 = arith.constant 0 : i32
      %cond3A_1205 = arith.cmpi ne, %convert_element_type3A_1203, %cond3A_1204 : i32
      scf.if %cond3A_1205 {
        %slice3A_2497 = vector.extract_strided_slice %scan3A_593 {offsets = [14], sizes = [1], strides = [1]} : vector<16xi32> to vector<1xi32>
        %squeeze3A_2498 = vector.extract %slice3A_2497[0] : i32 from vector<1xi32>
        %dma_start3A_2499 = arith.constant 0 : i32
        %dma_start3A_2500 = arith.constant 0 : i32
        %dma_start3A_2501 = tpu.memref_slice %arg13[%squeeze3A_2498, %dma_start3A_2499, %dma_start3A_2500] : memref<16x16x128xf32, #tpu.memory_space<vmem>> -> memref<1x16x128xf32, #tpu.memory_space<vmem>>
        %dma_start3A_2502 = tpu.memref_squeeze %dma_start3A_2501 : memref<1x16x128xf32, #tpu.memory_space<vmem>> -> memref<16x128xf32, #tpu.memory_space<vmem>>
        %dma_start3A_2503 = arith.constant 16 : i32
        %dma_start3A_2504 = tpu.memref_slice %arg5[%dma_start3A_2503, %multiple_of3A_1197] : memref<32x1000001xf32, #tpu.memory_space<hbm>> -> memref<16x128xf32, #tpu.memory_space<hbm>>
        %dma_start3A_2505 = arith.constant 0 : i32
        %dma_start3A_2506 = arith.constant 0 : i32
        %dma_start3A_2507 = tpu.memref_slice %arg13[%squeeze3A_2498, %dma_start3A_2505, %dma_start3A_2506] : memref<16x16x128xf32, #tpu.memory_space<vmem>> -> memref<1x16x128xf32, #tpu.memory_space<vmem>>
        %dma_start3A_2508 = tpu.memref_squeeze %dma_start3A_2507 : memref<1x16x128xf32, #tpu.memory_space<vmem>> -> memref<16x128xf32, #tpu.memory_space<vmem>>
        %dma_start3A_2509 = arith.constant 16 : i32
        %dma_start3A_2510 = tpu.memref_slice %arg5[%dma_start3A_2509, %multiple_of3A_1197] : memref<32x1000001xf32, #tpu.memory_space<hbm>> -> memref<16x128xf32, #tpu.memory_space<hbm>>
        tpu.enqueue_dma source(%dma_start3A_2510 : memref<16x128xf32, #tpu.memory_space<hbm>>) target(%dma_start3A_2508 : memref<16x128xf32, #tpu.memory_space<vmem>>) target_semaphore(%arg21 : memref<!tpu.dma_semaphore, #tpu.memory_space<semaphore_mem>>)
      } else {
      }
      %slice3A_1206 = vector.extract_strided_slice %scan3A_591 {offsets = [15], sizes = [1], strides = [1]} : vector<16xi32> to vector<1xi32>
      %squeeze3A_1207 = vector.extract %slice3A_1206[0] : i32 from vector<1xi32>
      %multiple_of3A_1208 = tpu.assume_multiple %squeeze3A_1207, 128 : i32
      %slice3A_1209 = vector.extract_strided_slice %scan3A_594 {offsets = [15], sizes = [1], strides = [1]} : vector<16xi32> to vector<1xi32>
      %squeeze3A_1210 = vector.extract %slice3A_1209[0] : i32 from vector<1xi32>
      %eq3A_1211 = arith.constant 1 : i32
      %eq3A_1212 = arith.cmpi eq, %squeeze3A_1210, %eq3A_1211 : i32
      %and3A_1213 = arith.andi %eq3A_1212, %scan3A_577 : i1
      %convert_element_type3A_1214 = arith.extui %and3A_1213 : i1 to i32
      %cond3A_1215 = arith.constant 0 : i32
      %cond3A_1216 = arith.cmpi ne, %convert_element_type3A_1214, %cond3A_1215 : i32
      scf.if %cond3A_1216 {
        %slice3A_2497 = vector.extract_strided_slice %scan3A_593 {offsets = [15], sizes = [1], strides = [1]} : vector<16xi32> to vector<1xi32>
        %squeeze3A_2498 = vector.extract %slice3A_2497[0] : i32 from vector<1xi32>
        %dma_start3A_2499 = arith.constant 0 : i32
        %dma_start3A_2500 = arith.constant 0 : i32
        %dma_start3A_2501 = tpu.memref_slice %arg13[%squeeze3A_2498, %dma_start3A_2499, %dma_start3A_2500] : memref<16x16x128xf32, #tpu.memory_space<vmem>> -> memref<1x16x128xf32, #tpu.memory_space<vmem>>
        %dma_start3A_2502 = tpu.memref_squeeze %dma_start3A_2501 : memref<1x16x128xf32, #tpu.memory_space<vmem>> -> memref<16x128xf32, #tpu.memory_space<vmem>>
        %dma_start3A_2503 = arith.constant 16 : i32
        %dma_start3A_2504 = tpu.memref_slice %arg5[%dma_start3A_2503, %multiple_of3A_1208] : memref<32x1000001xf32, #tpu.memory_space<hbm>> -> memref<16x128xf32, #tpu.memory_space<hbm>>
        %dma_start3A_2505 = arith.constant 0 : i32
        %dma_start3A_2506 = arith.constant 0 : i32
        %dma_start3A_2507 = tpu.memref_slice %arg13[%squeeze3A_2498, %dma_start3A_2505, %dma_start3A_2506] : memref<16x16x128xf32, #tpu.memory_space<vmem>> -> memref<1x16x128xf32, #tpu.memory_space<vmem>>
        %dma_start3A_2508 = tpu.memref_squeeze %dma_start3A_2507 : memref<1x16x128xf32, #tpu.memory_space<vmem>> -> memref<16x128xf32, #tpu.memory_space<vmem>>
        %dma_start3A_2509 = arith.constant 16 : i32
        %dma_start3A_2510 = tpu.memref_slice %arg5[%dma_start3A_2509, %multiple_of3A_1208] : memref<32x1000001xf32, #tpu.memory_space<hbm>> -> memref<16x128xf32, #tpu.memory_space<hbm>>
        tpu.enqueue_dma source(%dma_start3A_2510 : memref<16x128xf32, #tpu.memory_space<hbm>>) target(%dma_start3A_2508 : memref<16x128xf32, #tpu.memory_space<vmem>>) target_semaphore(%arg21 : memref<!tpu.dma_semaphore, #tpu.memory_space<semaphore_mem>>)
      } else {
      }
      %while3A_1217 = arith.constant 0 : i32
      %while3A_1218 = arith.constant 0 : i32
      %while3A_1219 = arith.subi %scan3A_595, %while3A_1218 : i32
      %while3A_1220 = arith.addi %while3A_1218, %while3A_1219 : i32
      %while3A_1221 = arith.constant 1 : i32
      %while3A_1222 = arith.divsi %while3A_1219, %while3A_1221 : i32
      %while3A_1223 = arith.muli %while3A_1222, %while3A_1221 : i32
      %while3A_1224 = arith.addi %while3A_1218, %while3A_1223 : i32
      %while3A_1225 = arith.constant 1 : i32
      scf.for %while3A_2497 = %while3A_1218 to %while3A_1224 step %while3A_1225  : i32 {
        %dma_wait3A_2498 = arith.constant 0 : i32
        %dma_wait3A_2499 = arith.constant 0 : i32
        %dma_wait3A_2500 = arith.constant 0 : i32
        %dma_wait3A_2501 = tpu.memref_slice %arg13[%dma_wait3A_2498, %dma_wait3A_2499, %dma_wait3A_2500] : memref<16x16x128xf32, #tpu.memory_space<vmem>> -> memref<1x16x128xf32, #tpu.memory_space<vmem>>
        %dma_wait3A_2502 = tpu.memref_squeeze %dma_wait3A_2501 : memref<1x16x128xf32, #tpu.memory_space<vmem>> -> memref<16x128xf32, #tpu.memory_space<vmem>>
        %dma_wait3A_2503 = arith.constant 0 : i32
        %dma_wait3A_2504 = arith.constant 0 : i32
        %dma_wait3A_2505 = tpu.memref_slice %arg5[%dma_wait3A_2503, %dma_wait3A_2504] : memref<32x1000001xf32, #tpu.memory_space<hbm>> -> memref<16x128xf32, #tpu.memory_space<hbm>>
        %dma_wait3A_2506 = arith.constant 0 : i32
        %dma_wait3A_2507 = arith.constant 0 : i32
        %dma_wait3A_2508 = tpu.memref_slice %arg13[%dma_wait3A_2498, %dma_wait3A_2506, %dma_wait3A_2507] : memref<16x16x128xf32, #tpu.memory_space<vmem>> -> memref<1x16x128xf32, #tpu.memory_space<vmem>>
        %dma_wait3A_2509 = tpu.memref_squeeze %dma_wait3A_2508 : memref<1x16x128xf32, #tpu.memory_space<vmem>> -> memref<16x128xf32, #tpu.memory_space<vmem>>
        %dma_wait3A_2510 = arith.constant 0 : i32
        %dma_wait3A_2511 = arith.constant 0 : i32
        %dma_wait3A_2512 = tpu.memref_slice %arg5[%dma_wait3A_2510, %dma_wait3A_2511] : memref<32x1000001xf32, #tpu.memory_space<hbm>> -> memref<16x128xf32, #tpu.memory_space<hbm>>
        tpu.wait_dma2 semaphore(%arg21 : memref<!tpu.dma_semaphore, #tpu.memory_space<semaphore_mem>>) src(%dma_wait3A_2512 : memref<16x128xf32, #tpu.memory_space<hbm>>) dst(%dma_wait3A_2509 : memref<16x128xf32, #tpu.memory_space<vmem>>)
      }
      %while3A_1226 = arith.constant 1 : i32
      scf.for %while3A_2497 = %while3A_1224 to %while3A_1220 step %while3A_1226  : i32 {
        %dma_wait3A_2498 = arith.constant 0 : i32
        %dma_wait3A_2499 = arith.constant 0 : i32
        %dma_wait3A_2500 = arith.constant 0 : i32
        %dma_wait3A_2501 = tpu.memref_slice %arg13[%dma_wait3A_2498, %dma_wait3A_2499, %dma_wait3A_2500] : memref<16x16x128xf32, #tpu.memory_space<vmem>> -> memref<1x16x128xf32, #tpu.memory_space<vmem>>
        %dma_wait3A_2502 = tpu.memref_squeeze %dma_wait3A_2501 : memref<1x16x128xf32, #tpu.memory_space<vmem>> -> memref<16x128xf32, #tpu.memory_space<vmem>>
        %dma_wait3A_2503 = arith.constant 0 : i32
        %dma_wait3A_2504 = arith.constant 0 : i32
        %dma_wait3A_2505 = tpu.memref_slice %arg5[%dma_wait3A_2503, %dma_wait3A_2504] : memref<32x1000001xf32, #tpu.memory_space<hbm>> -> memref<16x128xf32, #tpu.memory_space<hbm>>
        %dma_wait3A_2506 = arith.constant 0 : i32
        %dma_wait3A_2507 = arith.constant 0 : i32
        %dma_wait3A_2508 = tpu.memref_slice %arg13[%dma_wait3A_2498, %dma_wait3A_2506, %dma_wait3A_2507] : memref<16x16x128xf32, #tpu.memory_space<vmem>> -> memref<1x16x128xf32, #tpu.memory_space<vmem>>
        %dma_wait3A_2509 = tpu.memref_squeeze %dma_wait3A_2508 : memref<1x16x128xf32, #tpu.memory_space<vmem>> -> memref<16x128xf32, #tpu.memory_space<vmem>>
        %dma_wait3A_2510 = arith.constant 0 : i32
        %dma_wait3A_2511 = arith.constant 0 : i32
        %dma_wait3A_2512 = tpu.memref_slice %arg5[%dma_wait3A_2510, %dma_wait3A_2511] : memref<32x1000001xf32, #tpu.memory_space<hbm>> -> memref<16x128xf32, #tpu.memory_space<hbm>>
        tpu.wait_dma2 semaphore(%arg21 : memref<!tpu.dma_semaphore, #tpu.memory_space<semaphore_mem>>) src(%dma_wait3A_2512 : memref<16x128xf32, #tpu.memory_space<hbm>>) dst(%dma_wait3A_2509 : memref<16x128xf32, #tpu.memory_space<vmem>>)
      }
      %broadcast_in_dim3A_1227 = arith.constant 0 : i32
      %broadcast_in_dim3A_1228 = vector.broadcast %broadcast_in_dim3A_1227 : i32 to vector<16xi32>
      %slice3A_1229 = vector.extract_strided_slice %get3A_12 {offsets = [0], sizes = [1], strides = [1]} : vector<16xf32> to vector<1xf32>
      %squeeze3A_1230 = vector.extract %slice3A_1229[0] : f32 from vector<1xf32>
      %gather3A_1231 = tpu.vector_load_idx %arg13[%scan3A_593, %broadcast_in_dim3A_1228, %scan3A_592] : memref<16x16x128xf32, #tpu.memory_space<vmem>>[vector<16xi32>, vector<16xi32>, vector<16xi32>], vector<16xf32>,
      %mul3A_1232 = vector.broadcast %squeeze3A_1230 : f32 to vector<16xf32>
      %mul3A_1233 = arith.mulf %gather3A_1231, %mul3A_1232 : vector<16xf32>
      %swap3A_1234 = arith.constant 16 : i32
      %swap3A_1235 = arith.index_cast %swap3A_1234 : i32 to index
      %swap3A_1236 = arith.constant 0 : index
      %swap3A_1237 = tpu.vector_load %arg15[%swap3A_1235, %swap3A_1236] {strides = array<i32>} : memref<32x16xf32, #tpu.memory_space<vmem>>, vector<16xf32>,
      tpu.vector_store %arg15[%swap3A_1235, %swap3A_1236], %mul3A_1233 {strides = array<i32>} : memref<32x16xf32, #tpu.memory_space<vmem>>, vector<16xf32>,
      %broadcast_in_dim3A_1238 = arith.constant 1 : i32
      %broadcast_in_dim3A_1239 = vector.broadcast %broadcast_in_dim3A_1238 : i32 to vector<16xi32>
      %slice3A_1240 = vector.extract_strided_slice %get3A_12 {offsets = [1], sizes = [1], strides = [1]} : vector<16xf32> to vector<1xf32>
      %squeeze3A_1241 = vector.extract %slice3A_1240[0] : f32 from vector<1xf32>
      %gather3A_1242 = tpu.vector_load_idx %arg13[%scan3A_593, %broadcast_in_dim3A_1239, %scan3A_592] : memref<16x16x128xf32, #tpu.memory_space<vmem>>[vector<16xi32>, vector<16xi32>, vector<16xi32>], vector<16xf32>,
      %mul3A_1243 = vector.broadcast %squeeze3A_1241 : f32 to vector<16xf32>
      %mul3A_1244 = arith.mulf %gather3A_1242, %mul3A_1243 : vector<16xf32>
      %swap3A_1245 = arith.constant 17 : i32
      %swap3A_1246 = arith.index_cast %swap3A_1245 : i32 to index
      %swap3A_1247 = arith.constant 0 : index
      %swap3A_1248 = tpu.vector_load %arg15[%swap3A_1246, %swap3A_1247] {strides = array<i32>} : memref<32x16xf32, #tpu.memory_space<vmem>>, vector<16xf32>,
      tpu.vector_store %arg15[%swap3A_1246, %swap3A_1247], %mul3A_1244 {strides = array<i32>} : memref<32x16xf32, #tpu.memory_space<vmem>>, vector<16xf32>,
      %broadcast_in_dim3A_1249 = arith.constant 2 : i32
      %broadcast_in_dim3A_1250 = vector.broadcast %broadcast_in_dim3A_1249 : i32 to vector<16xi32>
      %slice3A_1251 = vector.extract_strided_slice %get3A_12 {offsets = [2], sizes = [1], strides = [1]} : vector<16xf32> to vector<1xf32>
      %squeeze3A_1252 = vector.extract %slice3A_1251[0] : f32 from vector<1xf32>
      %gather3A_1253 = tpu.vector_load_idx %arg13[%scan3A_593, %broadcast_in_dim3A_1250, %scan3A_592] : memref<16x16x128xf32, #tpu.memory_space<vmem>>[vector<16xi32>, vector<16xi32>, vector<16xi32>], vector<16xf32>,
      %mul3A_1254 = vector.broadcast %squeeze3A_1252 : f32 to vector<16xf32>
      %mul3A_1255 = arith.mulf %gather3A_1253, %mul3A_1254 : vector<16xf32>
      %swap3A_1256 = arith.constant 18 : i32
      %swap3A_1257 = arith.index_cast %swap3A_1256 : i32 to index
      %swap3A_1258 = arith.constant 0 : index
      %swap3A_1259 = tpu.vector_load %arg15[%swap3A_1257, %swap3A_1258] {strides = array<i32>} : memref<32x16xf32, #tpu.memory_space<vmem>>, vector<16xf32>,
      tpu.vector_store %arg15[%swap3A_1257, %swap3A_1258], %mul3A_1255 {strides = array<i32>} : memref<32x16xf32, #tpu.memory_space<vmem>>, vector<16xf32>,
      %broadcast_in_dim3A_1260 = arith.constant 3 : i32
      %broadcast_in_dim3A_1261 = vector.broadcast %broadcast_in_dim3A_1260 : i32 to vector<16xi32>
      %slice3A_1262 = vector.extract_strided_slice %get3A_12 {offsets = [3], sizes = [1], strides = [1]} : vector<16xf32> to vector<1xf32>
      %squeeze3A_1263 = vector.extract %slice3A_1262[0] : f32 from vector<1xf32>
      %gather3A_1264 = tpu.vector_load_idx %arg13[%scan3A_593, %broadcast_in_dim3A_1261, %scan3A_592] : memref<16x16x128xf32, #tpu.memory_space<vmem>>[vector<16xi32>, vector<16xi32>, vector<16xi32>], vector<16xf32>,
      %mul3A_1265 = vector.broadcast %squeeze3A_1263 : f32 to vector<16xf32>
      %mul3A_1266 = arith.mulf %gather3A_1264, %mul3A_1265 : vector<16xf32>
      %swap3A_1267 = arith.constant 19 : i32
      %swap3A_1268 = arith.index_cast %swap3A_1267 : i32 to index
      %swap3A_1269 = arith.constant 0 : index
      %swap3A_1270 = tpu.vector_load %arg15[%swap3A_1268, %swap3A_1269] {strides = array<i32>} : memref<32x16xf32, #tpu.memory_space<vmem>>, vector<16xf32>,
      tpu.vector_store %arg15[%swap3A_1268, %swap3A_1269], %mul3A_1266 {strides = array<i32>} : memref<32x16xf32, #tpu.memory_space<vmem>>, vector<16xf32>,
      %broadcast_in_dim3A_1271 = arith.constant 4 : i32
      %broadcast_in_dim3A_1272 = vector.broadcast %broadcast_in_dim3A_1271 : i32 to vector<16xi32>
      %slice3A_1273 = vector.extract_strided_slice %get3A_12 {offsets = [4], sizes = [1], strides = [1]} : vector<16xf32> to vector<1xf32>
      %squeeze3A_1274 = vector.extract %slice3A_1273[0] : f32 from vector<1xf32>
      %gather3A_1275 = tpu.vector_load_idx %arg13[%scan3A_593, %broadcast_in_dim3A_1272, %scan3A_592] : memref<16x16x128xf32, #tpu.memory_space<vmem>>[vector<16xi32>, vector<16xi32>, vector<16xi32>], vector<16xf32>,
      %mul3A_1276 = vector.broadcast %squeeze3A_1274 : f32 to vector<16xf32>
      %mul3A_1277 = arith.mulf %gather3A_1275, %mul3A_1276 : vector<16xf32>
      %swap3A_1278 = arith.constant 20 : i32
      %swap3A_1279 = arith.index_cast %swap3A_1278 : i32 to index
      %swap3A_1280 = arith.constant 0 : index
      %swap3A_1281 = tpu.vector_load %arg15[%swap3A_1279, %swap3A_1280] {strides = array<i32>} : memref<32x16xf32, #tpu.memory_space<vmem>>, vector<16xf32>,
      tpu.vector_store %arg15[%swap3A_1279, %swap3A_1280], %mul3A_1277 {strides = array<i32>} : memref<32x16xf32, #tpu.memory_space<vmem>>, vector<16xf32>,
      %broadcast_in_dim3A_1282 = arith.constant 5 : i32
      %broadcast_in_dim3A_1283 = vector.broadcast %broadcast_in_dim3A_1282 : i32 to vector<16xi32>
      %slice3A_1284 = vector.extract_strided_slice %get3A_12 {offsets = [5], sizes = [1], strides = [1]} : vector<16xf32> to vector<1xf32>
      %squeeze3A_1285 = vector.extract %slice3A_1284[0] : f32 from vector<1xf32>
      %gather3A_1286 = tpu.vector_load_idx %arg13[%scan3A_593, %broadcast_in_dim3A_1283, %scan3A_592] : memref<16x16x128xf32, #tpu.memory_space<vmem>>[vector<16xi32>, vector<16xi32>, vector<16xi32>], vector<16xf32>,
      %mul3A_1287 = vector.broadcast %squeeze3A_1285 : f32 to vector<16xf32>
      %mul3A_1288 = arith.mulf %gather3A_1286, %mul3A_1287 : vector<16xf32>
      %swap3A_1289 = arith.constant 21 : i32
      %swap3A_1290 = arith.index_cast %swap3A_1289 : i32 to index
      %swap3A_1291 = arith.constant 0 : index
      %swap3A_1292 = tpu.vector_load %arg15[%swap3A_1290, %swap3A_1291] {strides = array<i32>} : memref<32x16xf32, #tpu.memory_space<vmem>>, vector<16xf32>,
      tpu.vector_store %arg15[%swap3A_1290, %swap3A_1291], %mul3A_1288 {strides = array<i32>} : memref<32x16xf32, #tpu.memory_space<vmem>>, vector<16xf32>,
      %broadcast_in_dim3A_1293 = arith.constant 6 : i32
      %broadcast_in_dim3A_1294 = vector.broadcast %broadcast_in_dim3A_1293 : i32 to vector<16xi32>
      %slice3A_1295 = vector.extract_strided_slice %get3A_12 {offsets = [6], sizes = [1], strides = [1]} : vector<16xf32> to vector<1xf32>
      %squeeze3A_1296 = vector.extract %slice3A_1295[0] : f32 from vector<1xf32>
      %gather3A_1297 = tpu.vector_load_idx %arg13[%scan3A_593, %broadcast_in_dim3A_1294, %scan3A_592] : memref<16x16x128xf32, #tpu.memory_space<vmem>>[vector<16xi32>, vector<16xi32>, vector<16xi32>], vector<16xf32>,
      %mul3A_1298 = vector.broadcast %squeeze3A_1296 : f32 to vector<16xf32>
      %mul3A_1299 = arith.mulf %gather3A_1297, %mul3A_1298 : vector<16xf32>
      %swap3A_1300 = arith.constant 22 : i32
      %swap3A_1301 = arith.index_cast %swap3A_1300 : i32 to index
      %swap3A_1302 = arith.constant 0 : index
      %swap3A_1303 = tpu.vector_load %arg15[%swap3A_1301, %swap3A_1302] {strides = array<i32>} : memref<32x16xf32, #tpu.memory_space<vmem>>, vector<16xf32>,
      tpu.vector_store %arg15[%swap3A_1301, %swap3A_1302], %mul3A_1299 {strides = array<i32>} : memref<32x16xf32, #tpu.memory_space<vmem>>, vector<16xf32>,
      %broadcast_in_dim3A_1304 = arith.constant 7 : i32
      %broadcast_in_dim3A_1305 = vector.broadcast %broadcast_in_dim3A_1304 : i32 to vector<16xi32>
      %slice3A_1306 = vector.extract_strided_slice %get3A_12 {offsets = [7], sizes = [1], strides = [1]} : vector<16xf32> to vector<1xf32>
      %squeeze3A_1307 = vector.extract %slice3A_1306[0] : f32 from vector<1xf32>
      %gather3A_1308 = tpu.vector_load_idx %arg13[%scan3A_593, %broadcast_in_dim3A_1305, %scan3A_592] : memref<16x16x128xf32, #tpu.memory_space<vmem>>[vector<16xi32>, vector<16xi32>, vector<16xi32>], vector<16xf32>,
      %mul3A_1309 = vector.broadcast %squeeze3A_1307 : f32 to vector<16xf32>
      %mul3A_1310 = arith.mulf %gather3A_1308, %mul3A_1309 : vector<16xf32>
      %swap3A_1311 = arith.constant 23 : i32
      %swap3A_1312 = arith.index_cast %swap3A_1311 : i32 to index
      %swap3A_1313 = arith.constant 0 : index
      %swap3A_1314 = tpu.vector_load %arg15[%swap3A_1312, %swap3A_1313] {strides = array<i32>} : memref<32x16xf32, #tpu.memory_space<vmem>>, vector<16xf32>,
      tpu.vector_store %arg15[%swap3A_1312, %swap3A_1313], %mul3A_1310 {strides = array<i32>} : memref<32x16xf32, #tpu.memory_space<vmem>>, vector<16xf32>,
      %broadcast_in_dim3A_1315 = arith.constant 8 : i32
      %broadcast_in_dim3A_1316 = vector.broadcast %broadcast_in_dim3A_1315 : i32 to vector<16xi32>
      %slice3A_1317 = vector.extract_strided_slice %get3A_12 {offsets = [8], sizes = [1], strides = [1]} : vector<16xf32> to vector<1xf32>
      %squeeze3A_1318 = vector.extract %slice3A_1317[0] : f32 from vector<1xf32>
      %gather3A_1319 = tpu.vector_load_idx %arg13[%scan3A_593, %broadcast_in_dim3A_1316, %scan3A_592] : memref<16x16x128xf32, #tpu.memory_space<vmem>>[vector<16xi32>, vector<16xi32>, vector<16xi32>], vector<16xf32>,
      %mul3A_1320 = vector.broadcast %squeeze3A_1318 : f32 to vector<16xf32>
      %mul3A_1321 = arith.mulf %gather3A_1319, %mul3A_1320 : vector<16xf32>
      %swap3A_1322 = arith.constant 24 : i32
      %swap3A_1323 = arith.index_cast %swap3A_1322 : i32 to index
      %swap3A_1324 = arith.constant 0 : index
      %swap3A_1325 = tpu.vector_load %arg15[%swap3A_1323, %swap3A_1324] {strides = array<i32>} : memref<32x16xf32, #tpu.memory_space<vmem>>, vector<16xf32>,
      tpu.vector_store %arg15[%swap3A_1323, %swap3A_1324], %mul3A_1321 {strides = array<i32>} : memref<32x16xf32, #tpu.memory_space<vmem>>, vector<16xf32>,
      %broadcast_in_dim3A_1326 = arith.constant 9 : i32
      %broadcast_in_dim3A_1327 = vector.broadcast %broadcast_in_dim3A_1326 : i32 to vector<16xi32>
      %slice3A_1328 = vector.extract_strided_slice %get3A_12 {offsets = [9], sizes = [1], strides = [1]} : vector<16xf32> to vector<1xf32>
      %squeeze3A_1329 = vector.extract %slice3A_1328[0] : f32 from vector<1xf32>
      %gather3A_1330 = tpu.vector_load_idx %arg13[%scan3A_593, %broadcast_in_dim3A_1327, %scan3A_592] : memref<16x16x128xf32, #tpu.memory_space<vmem>>[vector<16xi32>, vector<16xi32>, vector<16xi32>], vector<16xf32>,
      %mul3A_1331 = vector.broadcast %squeeze3A_1329 : f32 to vector<16xf32>
      %mul3A_1332 = arith.mulf %gather3A_1330, %mul3A_1331 : vector<16xf32>
      %swap3A_1333 = arith.constant 25 : i32
      %swap3A_1334 = arith.index_cast %swap3A_1333 : i32 to index
      %swap3A_1335 = arith.constant 0 : index
      %swap3A_1336 = tpu.vector_load %arg15[%swap3A_1334, %swap3A_1335] {strides = array<i32>} : memref<32x16xf32, #tpu.memory_space<vmem>>, vector<16xf32>,
      tpu.vector_store %arg15[%swap3A_1334, %swap3A_1335], %mul3A_1332 {strides = array<i32>} : memref<32x16xf32, #tpu.memory_space<vmem>>, vector<16xf32>,
      %broadcast_in_dim3A_1337 = arith.constant 10 : i32
      %broadcast_in_dim3A_1338 = vector.broadcast %broadcast_in_dim3A_1337 : i32 to vector<16xi32>
      %slice3A_1339 = vector.extract_strided_slice %get3A_12 {offsets = [10], sizes = [1], strides = [1]} : vector<16xf32> to vector<1xf32>
      %squeeze3A_1340 = vector.extract %slice3A_1339[0] : f32 from vector<1xf32>
      %gather3A_1341 = tpu.vector_load_idx %arg13[%scan3A_593, %broadcast_in_dim3A_1338, %scan3A_592] : memref<16x16x128xf32, #tpu.memory_space<vmem>>[vector<16xi32>, vector<16xi32>, vector<16xi32>], vector<16xf32>,
      %mul3A_1342 = vector.broadcast %squeeze3A_1340 : f32 to vector<16xf32>
      %mul3A_1343 = arith.mulf %gather3A_1341, %mul3A_1342 : vector<16xf32>
      %swap3A_1344 = arith.constant 26 : i32
      %swap3A_1345 = arith.index_cast %swap3A_1344 : i32 to index
      %swap3A_1346 = arith.constant 0 : index
      %swap3A_1347 = tpu.vector_load %arg15[%swap3A_1345, %swap3A_1346] {strides = array<i32>} : memref<32x16xf32, #tpu.memory_space<vmem>>, vector<16xf32>,
      tpu.vector_store %arg15[%swap3A_1345, %swap3A_1346], %mul3A_1343 {strides = array<i32>} : memref<32x16xf32, #tpu.memory_space<vmem>>, vector<16xf32>,
      %broadcast_in_dim3A_1348 = arith.constant 11 : i32
      %broadcast_in_dim3A_1349 = vector.broadcast %broadcast_in_dim3A_1348 : i32 to vector<16xi32>
      %slice3A_1350 = vector.extract_strided_slice %get3A_12 {offsets = [11], sizes = [1], strides = [1]} : vector<16xf32> to vector<1xf32>
      %squeeze3A_1351 = vector.extract %slice3A_1350[0] : f32 from vector<1xf32>
      %gather3A_1352 = tpu.vector_load_idx %arg13[%scan3A_593, %broadcast_in_dim3A_1349, %scan3A_592] : memref<16x16x128xf32, #tpu.memory_space<vmem>>[vector<16xi32>, vector<16xi32>, vector<16xi32>], vector<16xf32>,
      %mul3A_1353 = vector.broadcast %squeeze3A_1351 : f32 to vector<16xf32>
      %mul3A_1354 = arith.mulf %gather3A_1352, %mul3A_1353 : vector<16xf32>
      %swap3A_1355 = arith.constant 27 : i32
      %swap3A_1356 = arith.index_cast %swap3A_1355 : i32 to index
      %swap3A_1357 = arith.constant 0 : index
      %swap3A_1358 = tpu.vector_load %arg15[%swap3A_1356, %swap3A_1357] {strides = array<i32>} : memref<32x16xf32, #tpu.memory_space<vmem>>, vector<16xf32>,
      tpu.vector_store %arg15[%swap3A_1356, %swap3A_1357], %mul3A_1354 {strides = array<i32>} : memref<32x16xf32, #tpu.memory_space<vmem>>, vector<16xf32>,
      %broadcast_in_dim3A_1359 = arith.constant 12 : i32
      %broadcast_in_dim3A_1360 = vector.broadcast %broadcast_in_dim3A_1359 : i32 to vector<16xi32>
      %slice3A_1361 = vector.extract_strided_slice %get3A_12 {offsets = [12], sizes = [1], strides = [1]} : vector<16xf32> to vector<1xf32>
      %squeeze3A_1362 = vector.extract %slice3A_1361[0] : f32 from vector<1xf32>
      %gather3A_1363 = tpu.vector_load_idx %arg13[%scan3A_593, %broadcast_in_dim3A_1360, %scan3A_592] : memref<16x16x128xf32, #tpu.memory_space<vmem>>[vector<16xi32>, vector<16xi32>, vector<16xi32>], vector<16xf32>,
      %mul3A_1364 = vector.broadcast %squeeze3A_1362 : f32 to vector<16xf32>
      %mul3A_1365 = arith.mulf %gather3A_1363, %mul3A_1364 : vector<16xf32>
      %swap3A_1366 = arith.constant 28 : i32
      %swap3A_1367 = arith.index_cast %swap3A_1366 : i32 to index
      %swap3A_1368 = arith.constant 0 : index
      %swap3A_1369 = tpu.vector_load %arg15[%swap3A_1367, %swap3A_1368] {strides = array<i32>} : memref<32x16xf32, #tpu.memory_space<vmem>>, vector<16xf32>,
      tpu.vector_store %arg15[%swap3A_1367, %swap3A_1368], %mul3A_1365 {strides = array<i32>} : memref<32x16xf32, #tpu.memory_space<vmem>>, vector<16xf32>,
      %broadcast_in_dim3A_1370 = arith.constant 13 : i32
      %broadcast_in_dim3A_1371 = vector.broadcast %broadcast_in_dim3A_1370 : i32 to vector<16xi32>
      %slice3A_1372 = vector.extract_strided_slice %get3A_12 {offsets = [13], sizes = [1], strides = [1]} : vector<16xf32> to vector<1xf32>
      %squeeze3A_1373 = vector.extract %slice3A_1372[0] : f32 from vector<1xf32>
      %gather3A_1374 = tpu.vector_load_idx %arg13[%scan3A_593, %broadcast_in_dim3A_1371, %scan3A_592] : memref<16x16x128xf32, #tpu.memory_space<vmem>>[vector<16xi32>, vector<16xi32>, vector<16xi32>], vector<16xf32>,
      %mul3A_1375 = vector.broadcast %squeeze3A_1373 : f32 to vector<16xf32>
      %mul3A_1376 = arith.mulf %gather3A_1374, %mul3A_1375 : vector<16xf32>
      %swap3A_1377 = arith.constant 29 : i32
      %swap3A_1378 = arith.index_cast %swap3A_1377 : i32 to index
      %swap3A_1379 = arith.constant 0 : index
      %swap3A_1380 = tpu.vector_load %arg15[%swap3A_1378, %swap3A_1379] {strides = array<i32>} : memref<32x16xf32, #tpu.memory_space<vmem>>, vector<16xf32>,
      tpu.vector_store %arg15[%swap3A_1378, %swap3A_1379], %mul3A_1376 {strides = array<i32>} : memref<32x16xf32, #tpu.memory_space<vmem>>, vector<16xf32>,
      %broadcast_in_dim3A_1381 = arith.constant 14 : i32
      %broadcast_in_dim3A_1382 = vector.broadcast %broadcast_in_dim3A_1381 : i32 to vector<16xi32>
      %slice3A_1383 = vector.extract_strided_slice %get3A_12 {offsets = [14], sizes = [1], strides = [1]} : vector<16xf32> to vector<1xf32>
      %squeeze3A_1384 = vector.extract %slice3A_1383[0] : f32 from vector<1xf32>
      %gather3A_1385 = tpu.vector_load_idx %arg13[%scan3A_593, %broadcast_in_dim3A_1382, %scan3A_592] : memref<16x16x128xf32, #tpu.memory_space<vmem>>[vector<16xi32>, vector<16xi32>, vector<16xi32>], vector<16xf32>,
      %mul3A_1386 = vector.broadcast %squeeze3A_1384 : f32 to vector<16xf32>
      %mul3A_1387 = arith.mulf %gather3A_1385, %mul3A_1386 : vector<16xf32>
      %swap3A_1388 = arith.constant 30 : i32
      %swap3A_1389 = arith.index_cast %swap3A_1388 : i32 to index
      %swap3A_1390 = arith.constant 0 : index
      %swap3A_1391 = tpu.vector_load %arg15[%swap3A_1389, %swap3A_1390] {strides = array<i32>} : memref<32x16xf32, #tpu.memory_space<vmem>>, vector<16xf32>,
      tpu.vector_store %arg15[%swap3A_1389, %swap3A_1390], %mul3A_1387 {strides = array<i32>} : memref<32x16xf32, #tpu.memory_space<vmem>>, vector<16xf32>,
      %broadcast_in_dim3A_1392 = arith.constant 15 : i32
      %broadcast_in_dim3A_1393 = vector.broadcast %broadcast_in_dim3A_1392 : i32 to vector<16xi32>
      %slice3A_1394 = vector.extract_strided_slice %get3A_12 {offsets = [15], sizes = [1], strides = [1]} : vector<16xf32> to vector<1xf32>
      %squeeze3A_1395 = vector.extract %slice3A_1394[0] : f32 from vector<1xf32>
      %gather3A_1396 = tpu.vector_load_idx %arg13[%scan3A_593, %broadcast_in_dim3A_1393, %scan3A_592] : memref<16x16x128xf32, #tpu.memory_space<vmem>>[vector<16xi32>, vector<16xi32>, vector<16xi32>], vector<16xf32>,
      %mul3A_1397 = vector.broadcast %squeeze3A_1395 : f32 to vector<16xf32>
      %mul3A_1398 = arith.mulf %gather3A_1396, %mul3A_1397 : vector<16xf32>
      %swap3A_1399 = arith.constant 31 : i32
      %swap3A_1400 = arith.index_cast %swap3A_1399 : i32 to index
      %swap3A_1401 = arith.constant 0 : index
      %swap3A_1402 = tpu.vector_load %arg15[%swap3A_1400, %swap3A_1401] {strides = array<i32>} : memref<32x16xf32, #tpu.memory_space<vmem>>, vector<16xf32>,
      tpu.vector_store %arg15[%swap3A_1400, %swap3A_1401], %mul3A_1398 {strides = array<i32>} : memref<32x16xf32, #tpu.memory_space<vmem>>, vector<16xf32>,
      %add3A_1403 = arith.constant 1 : i32
      %add3A_1404 = arith.addi %scan3A_590, %add3A_1403 : i32
      %min3A = arith.constant 31 : i32
      %min3A_1405 = arith.minsi %add3A_1404, %min3A : i32
      %mul3A_1406 = arith.constant 16 : i32
      %mul3A_1407 = arith.muli %min3A_1405, %mul3A_1406 : i32
      %get3A_1408 = arith.index_cast %mul3A_1407 : i32 to index
      %get3A_1409 = tpu.vector_load %arg10[%get3A_1408] {strides = array<i32>} : memref<512xi32, #tpu.memory_space<vmem>>, vector<16xi32>,
      %and3A_1410 = arith.constant -128 : i32
      %and3A_1411 = vector.broadcast %and3A_1410 : i32 to vector<16xi32>
      %and3A_1412 = arith.andi %get3A_1409, %and3A_1411 : vector<16xi32>
      %and3A_1413 = arith.constant 127 : i32
      %and3A_1414 = vector.broadcast %and3A_1413 : i32 to vector<16xi32>
      %and3A_1415 = arith.andi %get3A_1409, %and3A_1414 : vector<16xi32>
      %broadcast_in_dim3A_1416 = arith.constant 0 : i32
      %broadcast_in_dim3A_1417 = vector.broadcast %broadcast_in_dim3A_1416 : i32 to vector<16xi32>
      %broadcast_in_dim3A_1418 = arith.constant 0 : i32
      %broadcast_in_dim3A_1419 = vector.broadcast %broadcast_in_dim3A_1418 : i32 to vector<16xi32>
      %jit3A_1420 = arith.constant true
      %select_n3A_1421 = arith.select %jit3A_1420, %scan3A_578, %scan3A_578 : i32
      %jit3A_1422 = arith.constant true
      %jit3A_1423 = arith.constant 1 : i32
      %jit3A_1424 = arith.constant 0 : i32
      %select_n3A_1425 = arith.select %jit3A_1422, %jit3A_1423, %jit3A_1424 : i32
      %add3A_1426 = arith.addi %scan3A_578, %select_n3A_1425 : i32
      %eq3A_1427 = arith.constant 0 : i32
      %eq3A_1428 = vector.broadcast %eq3A_1427 : i32 to vector<16xi32>
      %eq3A_1429 = arith.cmpi eq, %iota3A, %eq3A_1428 : vector<16xi32>
      %jit3A_1430 = arith.constant true
      %jit3A_1431 = arith.constant 1 : i32
      %jit3A_1432 = arith.constant 0 : i32
      %select_n3A_1433 = arith.select %jit3A_1430, %jit3A_1431, %jit3A_1432 : i32
      %broadcast_in_dim3A_1434 = vector.broadcast %select_n3A_1433 : i32 to vector<16xi32>
      %select_n3A_1435 = arith.select %eq3A_1429, %broadcast_in_dim3A_1434, %broadcast_in_dim3A_1419 : vector<16xi1>, vector<16xi32>
      %eq3A_1436 = arith.constant 0 : i32
      %eq3A_1437 = vector.broadcast %eq3A_1436 : i32 to vector<16xi32>
      %eq3A_1438 = arith.cmpi eq, %iota3A, %eq3A_1437 : vector<16xi32>
      %broadcast_in_dim3A_1439 = vector.broadcast %select_n3A_1421 : i32 to vector<16xi32>
      %select_n3A_1440 = arith.select %eq3A_1438, %broadcast_in_dim3A_1439, %broadcast_in_dim3A_1417 : vector<16xi1>, vector<16xi32>
      %slice3A_1441 = vector.extract_strided_slice %and3A_1412 {offsets = [1], sizes = [1], strides = [1]} : vector<16xi32> to vector<1xi32>
      %squeeze3A_1442 = vector.extract %slice3A_1441[0] : i32 from vector<1xi32>
      %slice3A_1443 = vector.extract_strided_slice %and3A_1412 {offsets = [0], sizes = [1], strides = [1]} : vector<16xi32> to vector<1xi32>
      %squeeze3A_1444 = vector.extract %slice3A_1443[0] : i32 from vector<1xi32>
      %ne3A_1445 = arith.cmpi ne, %squeeze3A_1442, %squeeze3A_1444 : i32
      %select_n3A_1446 = arith.select %ne3A_1445, %add3A_1426, %select_n3A_1421 : i32
      %jit3A_1447 = arith.constant 1 : i32
      %jit3A_1448 = arith.constant 0 : i32
      %select_n3A_1449 = arith.select %ne3A_1445, %jit3A_1447, %jit3A_1448 : i32
      %add3A_1450 = arith.addi %add3A_1426, %select_n3A_1449 : i32
      %eq3A_1451 = arith.constant 1 : i32
      %eq3A_1452 = vector.broadcast %eq3A_1451 : i32 to vector<16xi32>
      %eq3A_1453 = arith.cmpi eq, %iota3A, %eq3A_1452 : vector<16xi32>
      %jit3A_1454 = arith.constant 1 : i32
      %jit3A_1455 = arith.constant 0 : i32
      %select_n3A_1456 = arith.select %ne3A_1445, %jit3A_1454, %jit3A_1455 : i32
      %broadcast_in_dim3A_1457 = vector.broadcast %select_n3A_1456 : i32 to vector<16xi32>
      %select_n3A_1458 = arith.select %eq3A_1453, %broadcast_in_dim3A_1457, %select_n3A_1435 : vector<16xi1>, vector<16xi32>
      %eq3A_1459 = arith.constant 1 : i32
      %eq3A_1460 = vector.broadcast %eq3A_1459 : i32 to vector<16xi32>
      %eq3A_1461 = arith.cmpi eq, %iota3A, %eq3A_1460 : vector<16xi32>
      %broadcast_in_dim3A_1462 = vector.broadcast %select_n3A_1446 : i32 to vector<16xi32>
      %select_n3A_1463 = arith.select %eq3A_1461, %broadcast_in_dim3A_1462, %select_n3A_1440 : vector<16xi1>, vector<16xi32>
      %slice3A_1464 = vector.extract_strided_slice %and3A_1412 {offsets = [2], sizes = [1], strides = [1]} : vector<16xi32> to vector<1xi32>
      %squeeze3A_1465 = vector.extract %slice3A_1464[0] : i32 from vector<1xi32>
      %slice3A_1466 = vector.extract_strided_slice %and3A_1412 {offsets = [1], sizes = [1], strides = [1]} : vector<16xi32> to vector<1xi32>
      %squeeze3A_1467 = vector.extract %slice3A_1466[0] : i32 from vector<1xi32>
      %ne3A_1468 = arith.cmpi ne, %squeeze3A_1465, %squeeze3A_1467 : i32
      %select_n3A_1469 = arith.select %ne3A_1468, %add3A_1450, %select_n3A_1446 : i32
      %jit3A_1470 = arith.constant 1 : i32
      %jit3A_1471 = arith.constant 0 : i32
      %select_n3A_1472 = arith.select %ne3A_1468, %jit3A_1470, %jit3A_1471 : i32
      %add3A_1473 = arith.addi %add3A_1450, %select_n3A_1472 : i32
      %eq3A_1474 = arith.constant 2 : i32
      %eq3A_1475 = vector.broadcast %eq3A_1474 : i32 to vector<16xi32>
      %eq3A_1476 = arith.cmpi eq, %iota3A, %eq3A_1475 : vector<16xi32>
      %jit3A_1477 = arith.constant 1 : i32
      %jit3A_1478 = arith.constant 0 : i32
      %select_n3A_1479 = arith.select %ne3A_1468, %jit3A_1477, %jit3A_1478 : i32
      %broadcast_in_dim3A_1480 = vector.broadcast %select_n3A_1479 : i32 to vector<16xi32>
      %select_n3A_1481 = arith.select %eq3A_1476, %broadcast_in_dim3A_1480, %select_n3A_1458 : vector<16xi1>, vector<16xi32>
      %eq3A_1482 = arith.constant 2 : i32
      %eq3A_1483 = vector.broadcast %eq3A_1482 : i32 to vector<16xi32>
      %eq3A_1484 = arith.cmpi eq, %iota3A, %eq3A_1483 : vector<16xi32>
      %broadcast_in_dim3A_1485 = vector.broadcast %select_n3A_1469 : i32 to vector<16xi32>
      %select_n3A_1486 = arith.select %eq3A_1484, %broadcast_in_dim3A_1485, %select_n3A_1463 : vector<16xi1>, vector<16xi32>
      %slice3A_1487 = vector.extract_strided_slice %and3A_1412 {offsets = [3], sizes = [1], strides = [1]} : vector<16xi32> to vector<1xi32>
      %squeeze3A_1488 = vector.extract %slice3A_1487[0] : i32 from vector<1xi32>
      %slice3A_1489 = vector.extract_strided_slice %and3A_1412 {offsets = [2], sizes = [1], strides = [1]} : vector<16xi32> to vector<1xi32>
      %squeeze3A_1490 = vector.extract %slice3A_1489[0] : i32 from vector<1xi32>
      %ne3A_1491 = arith.cmpi ne, %squeeze3A_1488, %squeeze3A_1490 : i32
      %select_n3A_1492 = arith.select %ne3A_1491, %add3A_1473, %select_n3A_1469 : i32
      %jit3A_1493 = arith.constant 1 : i32
      %jit3A_1494 = arith.constant 0 : i32
      %select_n3A_1495 = arith.select %ne3A_1491, %jit3A_1493, %jit3A_1494 : i32
      %add3A_1496 = arith.addi %add3A_1473, %select_n3A_1495 : i32
      %eq3A_1497 = arith.constant 3 : i32
      %eq3A_1498 = vector.broadcast %eq3A_1497 : i32 to vector<16xi32>
      %eq3A_1499 = arith.cmpi eq, %iota3A, %eq3A_1498 : vector<16xi32>
      %jit3A_1500 = arith.constant 1 : i32
      %jit3A_1501 = arith.constant 0 : i32
      %select_n3A_1502 = arith.select %ne3A_1491, %jit3A_1500, %jit3A_1501 : i32
      %broadcast_in_dim3A_1503 = vector.broadcast %select_n3A_1502 : i32 to vector<16xi32>
      %select_n3A_1504 = arith.select %eq3A_1499, %broadcast_in_dim3A_1503, %select_n3A_1481 : vector<16xi1>, vector<16xi32>
      %eq3A_1505 = arith.constant 3 : i32
      %eq3A_1506 = vector.broadcast %eq3A_1505 : i32 to vector<16xi32>
      %eq3A_1507 = arith.cmpi eq, %iota3A, %eq3A_1506 : vector<16xi32>
      %broadcast_in_dim3A_1508 = vector.broadcast %select_n3A_1492 : i32 to vector<16xi32>
      %select_n3A_1509 = arith.select %eq3A_1507, %broadcast_in_dim3A_1508, %select_n3A_1486 : vector<16xi1>, vector<16xi32>
      %slice3A_1510 = vector.extract_strided_slice %and3A_1412 {offsets = [4], sizes = [1], strides = [1]} : vector<16xi32> to vector<1xi32>
      %squeeze3A_1511 = vector.extract %slice3A_1510[0] : i32 from vector<1xi32>
      %slice3A_1512 = vector.extract_strided_slice %and3A_1412 {offsets = [3], sizes = [1], strides = [1]} : vector<16xi32> to vector<1xi32>
      %squeeze3A_1513 = vector.extract %slice3A_1512[0] : i32 from vector<1xi32>
      %ne3A_1514 = arith.cmpi ne, %squeeze3A_1511, %squeeze3A_1513 : i32
      %select_n3A_1515 = arith.select %ne3A_1514, %add3A_1496, %select_n3A_1492 : i32
      %jit3A_1516 = arith.constant 1 : i32
      %jit3A_1517 = arith.constant 0 : i32
      %select_n3A_1518 = arith.select %ne3A_1514, %jit3A_1516, %jit3A_1517 : i32
      %add3A_1519 = arith.addi %add3A_1496, %select_n3A_1518 : i32
      %eq3A_1520 = arith.constant 4 : i32
      %eq3A_1521 = vector.broadcast %eq3A_1520 : i32 to vector<16xi32>
      %eq3A_1522 = arith.cmpi eq, %iota3A, %eq3A_1521 : vector<16xi32>
      %jit3A_1523 = arith.constant 1 : i32
      %jit3A_1524 = arith.constant 0 : i32
      %select_n3A_1525 = arith.select %ne3A_1514, %jit3A_1523, %jit3A_1524 : i32
      %broadcast_in_dim3A_1526 = vector.broadcast %select_n3A_1525 : i32 to vector<16xi32>
      %select_n3A_1527 = arith.select %eq3A_1522, %broadcast_in_dim3A_1526, %select_n3A_1504 : vector<16xi1>, vector<16xi32>
      %eq3A_1528 = arith.constant 4 : i32
      %eq3A_1529 = vector.broadcast %eq3A_1528 : i32 to vector<16xi32>
      %eq3A_1530 = arith.cmpi eq, %iota3A, %eq3A_1529 : vector<16xi32>
      %broadcast_in_dim3A_1531 = vector.broadcast %select_n3A_1515 : i32 to vector<16xi32>
      %select_n3A_1532 = arith.select %eq3A_1530, %broadcast_in_dim3A_1531, %select_n3A_1509 : vector<16xi1>, vector<16xi32>
      %slice3A_1533 = vector.extract_strided_slice %and3A_1412 {offsets = [5], sizes = [1], strides = [1]} : vector<16xi32> to vector<1xi32>
      %squeeze3A_1534 = vector.extract %slice3A_1533[0] : i32 from vector<1xi32>
      %slice3A_1535 = vector.extract_strided_slice %and3A_1412 {offsets = [4], sizes = [1], strides = [1]} : vector<16xi32> to vector<1xi32>
      %squeeze3A_1536 = vector.extract %slice3A_1535[0] : i32 from vector<1xi32>
      %ne3A_1537 = arith.cmpi ne, %squeeze3A_1534, %squeeze3A_1536 : i32
      %select_n3A_1538 = arith.select %ne3A_1537, %add3A_1519, %select_n3A_1515 : i32
      %jit3A_1539 = arith.constant 1 : i32
      %jit3A_1540 = arith.constant 0 : i32
      %select_n3A_1541 = arith.select %ne3A_1537, %jit3A_1539, %jit3A_1540 : i32
      %add3A_1542 = arith.addi %add3A_1519, %select_n3A_1541 : i32
      %eq3A_1543 = arith.constant 5 : i32
      %eq3A_1544 = vector.broadcast %eq3A_1543 : i32 to vector<16xi32>
      %eq3A_1545 = arith.cmpi eq, %iota3A, %eq3A_1544 : vector<16xi32>
      %jit3A_1546 = arith.constant 1 : i32
      %jit3A_1547 = arith.constant 0 : i32
      %select_n3A_1548 = arith.select %ne3A_1537, %jit3A_1546, %jit3A_1547 : i32
      %broadcast_in_dim3A_1549 = vector.broadcast %select_n3A_1548 : i32 to vector<16xi32>
      %select_n3A_1550 = arith.select %eq3A_1545, %broadcast_in_dim3A_1549, %select_n3A_1527 : vector<16xi1>, vector<16xi32>
      %eq3A_1551 = arith.constant 5 : i32
      %eq3A_1552 = vector.broadcast %eq3A_1551 : i32 to vector<16xi32>
      %eq3A_1553 = arith.cmpi eq, %iota3A, %eq3A_1552 : vector<16xi32>
      %broadcast_in_dim3A_1554 = vector.broadcast %select_n3A_1538 : i32 to vector<16xi32>
      %select_n3A_1555 = arith.select %eq3A_1553, %broadcast_in_dim3A_1554, %select_n3A_1532 : vector<16xi1>, vector<16xi32>
      %slice3A_1556 = vector.extract_strided_slice %and3A_1412 {offsets = [6], sizes = [1], strides = [1]} : vector<16xi32> to vector<1xi32>
      %squeeze3A_1557 = vector.extract %slice3A_1556[0] : i32 from vector<1xi32>
      %slice3A_1558 = vector.extract_strided_slice %and3A_1412 {offsets = [5], sizes = [1], strides = [1]} : vector<16xi32> to vector<1xi32>
      %squeeze3A_1559 = vector.extract %slice3A_1558[0] : i32 from vector<1xi32>
      %ne3A_1560 = arith.cmpi ne, %squeeze3A_1557, %squeeze3A_1559 : i32
      %select_n3A_1561 = arith.select %ne3A_1560, %add3A_1542, %select_n3A_1538 : i32
      %jit3A_1562 = arith.constant 1 : i32
      %jit3A_1563 = arith.constant 0 : i32
      %select_n3A_1564 = arith.select %ne3A_1560, %jit3A_1562, %jit3A_1563 : i32
      %add3A_1565 = arith.addi %add3A_1542, %select_n3A_1564 : i32
      %eq3A_1566 = arith.constant 6 : i32
      %eq3A_1567 = vector.broadcast %eq3A_1566 : i32 to vector<16xi32>
      %eq3A_1568 = arith.cmpi eq, %iota3A, %eq3A_1567 : vector<16xi32>
      %jit3A_1569 = arith.constant 1 : i32
      %jit3A_1570 = arith.constant 0 : i32
      %select_n3A_1571 = arith.select %ne3A_1560, %jit3A_1569, %jit3A_1570 : i32
      %broadcast_in_dim3A_1572 = vector.broadcast %select_n3A_1571 : i32 to vector<16xi32>
      %select_n3A_1573 = arith.select %eq3A_1568, %broadcast_in_dim3A_1572, %select_n3A_1550 : vector<16xi1>, vector<16xi32>
      %eq3A_1574 = arith.constant 6 : i32
      %eq3A_1575 = vector.broadcast %eq3A_1574 : i32 to vector<16xi32>
      %eq3A_1576 = arith.cmpi eq, %iota3A, %eq3A_1575 : vector<16xi32>
      %broadcast_in_dim3A_1577 = vector.broadcast %select_n3A_1561 : i32 to vector<16xi32>
      %select_n3A_1578 = arith.select %eq3A_1576, %broadcast_in_dim3A_1577, %select_n3A_1555 : vector<16xi1>, vector<16xi32>
      %slice3A_1579 = vector.extract_strided_slice %and3A_1412 {offsets = [7], sizes = [1], strides = [1]} : vector<16xi32> to vector<1xi32>
      %squeeze3A_1580 = vector.extract %slice3A_1579[0] : i32 from vector<1xi32>
      %slice3A_1581 = vector.extract_strided_slice %and3A_1412 {offsets = [6], sizes = [1], strides = [1]} : vector<16xi32> to vector<1xi32>
      %squeeze3A_1582 = vector.extract %slice3A_1581[0] : i32 from vector<1xi32>
      %ne3A_1583 = arith.cmpi ne, %squeeze3A_1580, %squeeze3A_1582 : i32
      %select_n3A_1584 = arith.select %ne3A_1583, %add3A_1565, %select_n3A_1561 : i32
      %jit3A_1585 = arith.constant 1 : i32
      %jit3A_1586 = arith.constant 0 : i32
      %select_n3A_1587 = arith.select %ne3A_1583, %jit3A_1585, %jit3A_1586 : i32
      %add3A_1588 = arith.addi %add3A_1565, %select_n3A_1587 : i32
      %eq3A_1589 = arith.constant 7 : i32
      %eq3A_1590 = vector.broadcast %eq3A_1589 : i32 to vector<16xi32>
      %eq3A_1591 = arith.cmpi eq, %iota3A, %eq3A_1590 : vector<16xi32>
      %jit3A_1592 = arith.constant 1 : i32
      %jit3A_1593 = arith.constant 0 : i32
      %select_n3A_1594 = arith.select %ne3A_1583, %jit3A_1592, %jit3A_1593 : i32
      %broadcast_in_dim3A_1595 = vector.broadcast %select_n3A_1594 : i32 to vector<16xi32>
      %select_n3A_1596 = arith.select %eq3A_1591, %broadcast_in_dim3A_1595, %select_n3A_1573 : vector<16xi1>, vector<16xi32>
      %eq3A_1597 = arith.constant 7 : i32
      %eq3A_1598 = vector.broadcast %eq3A_1597 : i32 to vector<16xi32>
      %eq3A_1599 = arith.cmpi eq, %iota3A, %eq3A_1598 : vector<16xi32>
      %broadcast_in_dim3A_1600 = vector.broadcast %select_n3A_1584 : i32 to vector<16xi32>
      %select_n3A_1601 = arith.select %eq3A_1599, %broadcast_in_dim3A_1600, %select_n3A_1578 : vector<16xi1>, vector<16xi32>
      %slice3A_1602 = vector.extract_strided_slice %and3A_1412 {offsets = [8], sizes = [1], strides = [1]} : vector<16xi32> to vector<1xi32>
      %squeeze3A_1603 = vector.extract %slice3A_1602[0] : i32 from vector<1xi32>
      %slice3A_1604 = vector.extract_strided_slice %and3A_1412 {offsets = [7], sizes = [1], strides = [1]} : vector<16xi32> to vector<1xi32>
      %squeeze3A_1605 = vector.extract %slice3A_1604[0] : i32 from vector<1xi32>
      %ne3A_1606 = arith.cmpi ne, %squeeze3A_1603, %squeeze3A_1605 : i32
      %select_n3A_1607 = arith.select %ne3A_1606, %add3A_1588, %select_n3A_1584 : i32
      %jit3A_1608 = arith.constant 1 : i32
      %jit3A_1609 = arith.constant 0 : i32
      %select_n3A_1610 = arith.select %ne3A_1606, %jit3A_1608, %jit3A_1609 : i32
      %add3A_1611 = arith.addi %add3A_1588, %select_n3A_1610 : i32
      %eq3A_1612 = arith.constant 8 : i32
      %eq3A_1613 = vector.broadcast %eq3A_1612 : i32 to vector<16xi32>
      %eq3A_1614 = arith.cmpi eq, %iota3A, %eq3A_1613 : vector<16xi32>
      %jit3A_1615 = arith.constant 1 : i32
      %jit3A_1616 = arith.constant 0 : i32
      %select_n3A_1617 = arith.select %ne3A_1606, %jit3A_1615, %jit3A_1616 : i32
      %broadcast_in_dim3A_1618 = vector.broadcast %select_n3A_1617 : i32 to vector<16xi32>
      %select_n3A_1619 = arith.select %eq3A_1614, %broadcast_in_dim3A_1618, %select_n3A_1596 : vector<16xi1>, vector<16xi32>
      %eq3A_1620 = arith.constant 8 : i32
      %eq3A_1621 = vector.broadcast %eq3A_1620 : i32 to vector<16xi32>
      %eq3A_1622 = arith.cmpi eq, %iota3A, %eq3A_1621 : vector<16xi32>
      %broadcast_in_dim3A_1623 = vector.broadcast %select_n3A_1607 : i32 to vector<16xi32>
      %select_n3A_1624 = arith.select %eq3A_1622, %broadcast_in_dim3A_1623, %select_n3A_1601 : vector<16xi1>, vector<16xi32>
      %slice3A_1625 = vector.extract_strided_slice %and3A_1412 {offsets = [9], sizes = [1], strides = [1]} : vector<16xi32> to vector<1xi32>
      %squeeze3A_1626 = vector.extract %slice3A_1625[0] : i32 from vector<1xi32>
      %slice3A_1627 = vector.extract_strided_slice %and3A_1412 {offsets = [8], sizes = [1], strides = [1]} : vector<16xi32> to vector<1xi32>
      %squeeze3A_1628 = vector.extract %slice3A_1627[0] : i32 from vector<1xi32>
      %ne3A_1629 = arith.cmpi ne, %squeeze3A_1626, %squeeze3A_1628 : i32
      %select_n3A_1630 = arith.select %ne3A_1629, %add3A_1611, %select_n3A_1607 : i32
      %jit3A_1631 = arith.constant 1 : i32
      %jit3A_1632 = arith.constant 0 : i32
      %select_n3A_1633 = arith.select %ne3A_1629, %jit3A_1631, %jit3A_1632 : i32
      %add3A_1634 = arith.addi %add3A_1611, %select_n3A_1633 : i32
      %eq3A_1635 = arith.constant 9 : i32
      %eq3A_1636 = vector.broadcast %eq3A_1635 : i32 to vector<16xi32>
      %eq3A_1637 = arith.cmpi eq, %iota3A, %eq3A_1636 : vector<16xi32>
      %jit3A_1638 = arith.constant 1 : i32
      %jit3A_1639 = arith.constant 0 : i32
      %select_n3A_1640 = arith.select %ne3A_1629, %jit3A_1638, %jit3A_1639 : i32
      %broadcast_in_dim3A_1641 = vector.broadcast %select_n3A_1640 : i32 to vector<16xi32>
      %select_n3A_1642 = arith.select %eq3A_1637, %broadcast_in_dim3A_1641, %select_n3A_1619 : vector<16xi1>, vector<16xi32>
      %eq3A_1643 = arith.constant 9 : i32
      %eq3A_1644 = vector.broadcast %eq3A_1643 : i32 to vector<16xi32>
      %eq3A_1645 = arith.cmpi eq, %iota3A, %eq3A_1644 : vector<16xi32>
      %broadcast_in_dim3A_1646 = vector.broadcast %select_n3A_1630 : i32 to vector<16xi32>
      %select_n3A_1647 = arith.select %eq3A_1645, %broadcast_in_dim3A_1646, %select_n3A_1624 : vector<16xi1>, vector<16xi32>
      %slice3A_1648 = vector.extract_strided_slice %and3A_1412 {offsets = [10], sizes = [1], strides = [1]} : vector<16xi32> to vector<1xi32>
      %squeeze3A_1649 = vector.extract %slice3A_1648[0] : i32 from vector<1xi32>
      %slice3A_1650 = vector.extract_strided_slice %and3A_1412 {offsets = [9], sizes = [1], strides = [1]} : vector<16xi32> to vector<1xi32>
      %squeeze3A_1651 = vector.extract %slice3A_1650[0] : i32 from vector<1xi32>
      %ne3A_1652 = arith.cmpi ne, %squeeze3A_1649, %squeeze3A_1651 : i32
      %select_n3A_1653 = arith.select %ne3A_1652, %add3A_1634, %select_n3A_1630 : i32
      %jit3A_1654 = arith.constant 1 : i32
      %jit3A_1655 = arith.constant 0 : i32
      %select_n3A_1656 = arith.select %ne3A_1652, %jit3A_1654, %jit3A_1655 : i32
      %add3A_1657 = arith.addi %add3A_1634, %select_n3A_1656 : i32
      %eq3A_1658 = arith.constant 10 : i32
      %eq3A_1659 = vector.broadcast %eq3A_1658 : i32 to vector<16xi32>
      %eq3A_1660 = arith.cmpi eq, %iota3A, %eq3A_1659 : vector<16xi32>
      %jit3A_1661 = arith.constant 1 : i32
      %jit3A_1662 = arith.constant 0 : i32
      %select_n3A_1663 = arith.select %ne3A_1652, %jit3A_1661, %jit3A_1662 : i32
      %broadcast_in_dim3A_1664 = vector.broadcast %select_n3A_1663 : i32 to vector<16xi32>
      %select_n3A_1665 = arith.select %eq3A_1660, %broadcast_in_dim3A_1664, %select_n3A_1642 : vector<16xi1>, vector<16xi32>
      %eq3A_1666 = arith.constant 10 : i32
      %eq3A_1667 = vector.broadcast %eq3A_1666 : i32 to vector<16xi32>
      %eq3A_1668 = arith.cmpi eq, %iota3A, %eq3A_1667 : vector<16xi32>
      %broadcast_in_dim3A_1669 = vector.broadcast %select_n3A_1653 : i32 to vector<16xi32>
      %select_n3A_1670 = arith.select %eq3A_1668, %broadcast_in_dim3A_1669, %select_n3A_1647 : vector<16xi1>, vector<16xi32>
      %slice3A_1671 = vector.extract_strided_slice %and3A_1412 {offsets = [11], sizes = [1], strides = [1]} : vector<16xi32> to vector<1xi32>
      %squeeze3A_1672 = vector.extract %slice3A_1671[0] : i32 from vector<1xi32>
      %slice3A_1673 = vector.extract_strided_slice %and3A_1412 {offsets = [10], sizes = [1], strides = [1]} : vector<16xi32> to vector<1xi32>
      %squeeze3A_1674 = vector.extract %slice3A_1673[0] : i32 from vector<1xi32>
      %ne3A_1675 = arith.cmpi ne, %squeeze3A_1672, %squeeze3A_1674 : i32
      %select_n3A_1676 = arith.select %ne3A_1675, %add3A_1657, %select_n3A_1653 : i32
      %jit3A_1677 = arith.constant 1 : i32
      %jit3A_1678 = arith.constant 0 : i32
      %select_n3A_1679 = arith.select %ne3A_1675, %jit3A_1677, %jit3A_1678 : i32
      %add3A_1680 = arith.addi %add3A_1657, %select_n3A_1679 : i32
      %eq3A_1681 = arith.constant 11 : i32
      %eq3A_1682 = vector.broadcast %eq3A_1681 : i32 to vector<16xi32>
      %eq3A_1683 = arith.cmpi eq, %iota3A, %eq3A_1682 : vector<16xi32>
      %jit3A_1684 = arith.constant 1 : i32
      %jit3A_1685 = arith.constant 0 : i32
      %select_n3A_1686 = arith.select %ne3A_1675, %jit3A_1684, %jit3A_1685 : i32
      %broadcast_in_dim3A_1687 = vector.broadcast %select_n3A_1686 : i32 to vector<16xi32>
      %select_n3A_1688 = arith.select %eq3A_1683, %broadcast_in_dim3A_1687, %select_n3A_1665 : vector<16xi1>, vector<16xi32>
      %eq3A_1689 = arith.constant 11 : i32
      %eq3A_1690 = vector.broadcast %eq3A_1689 : i32 to vector<16xi32>
      %eq3A_1691 = arith.cmpi eq, %iota3A, %eq3A_1690 : vector<16xi32>
      %broadcast_in_dim3A_1692 = vector.broadcast %select_n3A_1676 : i32 to vector<16xi32>
      %select_n3A_1693 = arith.select %eq3A_1691, %broadcast_in_dim3A_1692, %select_n3A_1670 : vector<16xi1>, vector<16xi32>
      %slice3A_1694 = vector.extract_strided_slice %and3A_1412 {offsets = [12], sizes = [1], strides = [1]} : vector<16xi32> to vector<1xi32>
      %squeeze3A_1695 = vector.extract %slice3A_1694[0] : i32 from vector<1xi32>
      %slice3A_1696 = vector.extract_strided_slice %and3A_1412 {offsets = [11], sizes = [1], strides = [1]} : vector<16xi32> to vector<1xi32>
      %squeeze3A_1697 = vector.extract %slice3A_1696[0] : i32 from vector<1xi32>
      %ne3A_1698 = arith.cmpi ne, %squeeze3A_1695, %squeeze3A_1697 : i32
      %select_n3A_1699 = arith.select %ne3A_1698, %add3A_1680, %select_n3A_1676 : i32
      %jit3A_1700 = arith.constant 1 : i32
      %jit3A_1701 = arith.constant 0 : i32
      %select_n3A_1702 = arith.select %ne3A_1698, %jit3A_1700, %jit3A_1701 : i32
      %add3A_1703 = arith.addi %add3A_1680, %select_n3A_1702 : i32
      %eq3A_1704 = arith.constant 12 : i32
      %eq3A_1705 = vector.broadcast %eq3A_1704 : i32 to vector<16xi32>
      %eq3A_1706 = arith.cmpi eq, %iota3A, %eq3A_1705 : vector<16xi32>
      %jit3A_1707 = arith.constant 1 : i32
      %jit3A_1708 = arith.constant 0 : i32
      %select_n3A_1709 = arith.select %ne3A_1698, %jit3A_1707, %jit3A_1708 : i32
      %broadcast_in_dim3A_1710 = vector.broadcast %select_n3A_1709 : i32 to vector<16xi32>
      %select_n3A_1711 = arith.select %eq3A_1706, %broadcast_in_dim3A_1710, %select_n3A_1688 : vector<16xi1>, vector<16xi32>
      %eq3A_1712 = arith.constant 12 : i32
      %eq3A_1713 = vector.broadcast %eq3A_1712 : i32 to vector<16xi32>
      %eq3A_1714 = arith.cmpi eq, %iota3A, %eq3A_1713 : vector<16xi32>
      %broadcast_in_dim3A_1715 = vector.broadcast %select_n3A_1699 : i32 to vector<16xi32>
      %select_n3A_1716 = arith.select %eq3A_1714, %broadcast_in_dim3A_1715, %select_n3A_1693 : vector<16xi1>, vector<16xi32>
      %slice3A_1717 = vector.extract_strided_slice %and3A_1412 {offsets = [13], sizes = [1], strides = [1]} : vector<16xi32> to vector<1xi32>
      %squeeze3A_1718 = vector.extract %slice3A_1717[0] : i32 from vector<1xi32>
      %slice3A_1719 = vector.extract_strided_slice %and3A_1412 {offsets = [12], sizes = [1], strides = [1]} : vector<16xi32> to vector<1xi32>
      %squeeze3A_1720 = vector.extract %slice3A_1719[0] : i32 from vector<1xi32>
      %ne3A_1721 = arith.cmpi ne, %squeeze3A_1718, %squeeze3A_1720 : i32
      %select_n3A_1722 = arith.select %ne3A_1721, %add3A_1703, %select_n3A_1699 : i32
      %jit3A_1723 = arith.constant 1 : i32
      %jit3A_1724 = arith.constant 0 : i32
      %select_n3A_1725 = arith.select %ne3A_1721, %jit3A_1723, %jit3A_1724 : i32
      %add3A_1726 = arith.addi %add3A_1703, %select_n3A_1725 : i32
      %eq3A_1727 = arith.constant 13 : i32
      %eq3A_1728 = vector.broadcast %eq3A_1727 : i32 to vector<16xi32>
      %eq3A_1729 = arith.cmpi eq, %iota3A, %eq3A_1728 : vector<16xi32>
      %jit3A_1730 = arith.constant 1 : i32
      %jit3A_1731 = arith.constant 0 : i32
      %select_n3A_1732 = arith.select %ne3A_1721, %jit3A_1730, %jit3A_1731 : i32
      %broadcast_in_dim3A_1733 = vector.broadcast %select_n3A_1732 : i32 to vector<16xi32>
      %select_n3A_1734 = arith.select %eq3A_1729, %broadcast_in_dim3A_1733, %select_n3A_1711 : vector<16xi1>, vector<16xi32>
      %eq3A_1735 = arith.constant 13 : i32
      %eq3A_1736 = vector.broadcast %eq3A_1735 : i32 to vector<16xi32>
      %eq3A_1737 = arith.cmpi eq, %iota3A, %eq3A_1736 : vector<16xi32>
      %broadcast_in_dim3A_1738 = vector.broadcast %select_n3A_1722 : i32 to vector<16xi32>
      %select_n3A_1739 = arith.select %eq3A_1737, %broadcast_in_dim3A_1738, %select_n3A_1716 : vector<16xi1>, vector<16xi32>
      %slice3A_1740 = vector.extract_strided_slice %and3A_1412 {offsets = [14], sizes = [1], strides = [1]} : vector<16xi32> to vector<1xi32>
      %squeeze3A_1741 = vector.extract %slice3A_1740[0] : i32 from vector<1xi32>
      %slice3A_1742 = vector.extract_strided_slice %and3A_1412 {offsets = [13], sizes = [1], strides = [1]} : vector<16xi32> to vector<1xi32>
      %squeeze3A_1743 = vector.extract %slice3A_1742[0] : i32 from vector<1xi32>
      %ne3A_1744 = arith.cmpi ne, %squeeze3A_1741, %squeeze3A_1743 : i32
      %select_n3A_1745 = arith.select %ne3A_1744, %add3A_1726, %select_n3A_1722 : i32
      %jit3A_1746 = arith.constant 1 : i32
      %jit3A_1747 = arith.constant 0 : i32
      %select_n3A_1748 = arith.select %ne3A_1744, %jit3A_1746, %jit3A_1747 : i32
      %add3A_1749 = arith.addi %add3A_1726, %select_n3A_1748 : i32
      %eq3A_1750 = arith.constant 14 : i32
      %eq3A_1751 = vector.broadcast %eq3A_1750 : i32 to vector<16xi32>
      %eq3A_1752 = arith.cmpi eq, %iota3A, %eq3A_1751 : vector<16xi32>
      %jit3A_1753 = arith.constant 1 : i32
      %jit3A_1754 = arith.constant 0 : i32
      %select_n3A_1755 = arith.select %ne3A_1744, %jit3A_1753, %jit3A_1754 : i32
      %broadcast_in_dim3A_1756 = vector.broadcast %select_n3A_1755 : i32 to vector<16xi32>
      %select_n3A_1757 = arith.select %eq3A_1752, %broadcast_in_dim3A_1756, %select_n3A_1734 : vector<16xi1>, vector<16xi32>
      %eq3A_1758 = arith.constant 14 : i32
      %eq3A_1759 = vector.broadcast %eq3A_1758 : i32 to vector<16xi32>
      %eq3A_1760 = arith.cmpi eq, %iota3A, %eq3A_1759 : vector<16xi32>
      %broadcast_in_dim3A_1761 = vector.broadcast %select_n3A_1745 : i32 to vector<16xi32>
      %select_n3A_1762 = arith.select %eq3A_1760, %broadcast_in_dim3A_1761, %select_n3A_1739 : vector<16xi1>, vector<16xi32>
      %slice3A_1763 = vector.extract_strided_slice %and3A_1412 {offsets = [15], sizes = [1], strides = [1]} : vector<16xi32> to vector<1xi32>
      %squeeze3A_1764 = vector.extract %slice3A_1763[0] : i32 from vector<1xi32>
      %slice3A_1765 = vector.extract_strided_slice %and3A_1412 {offsets = [14], sizes = [1], strides = [1]} : vector<16xi32> to vector<1xi32>
      %squeeze3A_1766 = vector.extract %slice3A_1765[0] : i32 from vector<1xi32>
      %ne3A_1767 = arith.cmpi ne, %squeeze3A_1764, %squeeze3A_1766 : i32
      %select_n3A_1768 = arith.select %ne3A_1767, %add3A_1749, %select_n3A_1745 : i32
      %jit3A_1769 = arith.constant 1 : i32
      %jit3A_1770 = arith.constant 0 : i32
      %select_n3A_1771 = arith.select %ne3A_1767, %jit3A_1769, %jit3A_1770 : i32
      %add3A_1772 = arith.addi %add3A_1749, %select_n3A_1771 : i32
      %eq3A_1773 = arith.constant 15 : i32
      %eq3A_1774 = vector.broadcast %eq3A_1773 : i32 to vector<16xi32>
      %eq3A_1775 = arith.cmpi eq, %iota3A, %eq3A_1774 : vector<16xi32>
      %jit3A_1776 = arith.constant 1 : i32
      %jit3A_1777 = arith.constant 0 : i32
      %select_n3A_1778 = arith.select %ne3A_1767, %jit3A_1776, %jit3A_1777 : i32
      %broadcast_in_dim3A_1779 = vector.broadcast %select_n3A_1778 : i32 to vector<16xi32>
      %select_n3A_1780 = arith.select %eq3A_1775, %broadcast_in_dim3A_1779, %select_n3A_1757 : vector<16xi1>, vector<16xi32>
      %eq3A_1781 = arith.constant 15 : i32
      %eq3A_1782 = vector.broadcast %eq3A_1781 : i32 to vector<16xi32>
      %eq3A_1783 = arith.cmpi eq, %iota3A, %eq3A_1782 : vector<16xi32>
      %broadcast_in_dim3A_1784 = vector.broadcast %select_n3A_1768 : i32 to vector<16xi32>
      %select_n3A_1785 = arith.select %eq3A_1783, %broadcast_in_dim3A_1784, %select_n3A_1762 : vector<16xi1>, vector<16xi32>
      %add3A_1786 = arith.constant 1 : i32
      %add3A_1787 = arith.addi %scan3A_590, %add3A_1786 : i32
      %lt3A = arith.constant 32 : i32
      %lt3A_1788 = arith.cmpi slt, %add3A_1787, %lt3A : i32
      %slice3A_1789 = vector.extract_strided_slice %and3A_1412 {offsets = [0], sizes = [1], strides = [1]} : vector<16xi32> to vector<1xi32>
      %squeeze3A_1790 = vector.extract %slice3A_1789[0] : i32 from vector<1xi32>
      %multiple_of3A_1791 = tpu.assume_multiple %squeeze3A_1790, 128 : i32
      %slice3A_1792 = vector.extract_strided_slice %select_n3A_1780 {offsets = [0], sizes = [1], strides = [1]} : vector<16xi32> to vector<1xi32>
      %squeeze3A_1793 = vector.extract %slice3A_1792[0] : i32 from vector<1xi32>
      %eq3A_1794 = arith.constant 1 : i32
      %eq3A_1795 = arith.cmpi eq, %squeeze3A_1793, %eq3A_1794 : i32
      %and3A_1796 = arith.andi %eq3A_1795, %lt3A_1788 : i1
      %convert_element_type3A_1797 = arith.extui %and3A_1796 : i1 to i32
      %cond3A_1798 = arith.constant 0 : i32
      %cond3A_1799 = arith.cmpi ne, %convert_element_type3A_1797, %cond3A_1798 : i32
      scf.if %cond3A_1799 {
        %slice3A_2497 = vector.extract_strided_slice %select_n3A_1785 {offsets = [0], sizes = [1], strides = [1]} : vector<16xi32> to vector<1xi32>
        %squeeze3A_2498 = vector.extract %slice3A_2497[0] : i32 from vector<1xi32>
        %dma_start3A_2499 = arith.constant 0 : i32
        %dma_start3A_2500 = arith.constant 0 : i32
        %dma_start3A_2501 = tpu.memref_slice %arg13[%squeeze3A_2498, %dma_start3A_2499, %dma_start3A_2500] : memref<16x16x128xf32, #tpu.memory_space<vmem>> -> memref<1x16x128xf32, #tpu.memory_space<vmem>>
        %dma_start3A_2502 = tpu.memref_squeeze %dma_start3A_2501 : memref<1x16x128xf32, #tpu.memory_space<vmem>> -> memref<16x128xf32, #tpu.memory_space<vmem>>
        %dma_start3A_2503 = arith.constant 0 : i32
        %dma_start3A_2504 = tpu.memref_slice %arg5[%dma_start3A_2503, %multiple_of3A_1791] : memref<32x1000001xf32, #tpu.memory_space<hbm>> -> memref<16x128xf32, #tpu.memory_space<hbm>>
        %dma_start3A_2505 = arith.constant 0 : i32
        %dma_start3A_2506 = arith.constant 0 : i32
        %dma_start3A_2507 = tpu.memref_slice %arg13[%squeeze3A_2498, %dma_start3A_2505, %dma_start3A_2506] : memref<16x16x128xf32, #tpu.memory_space<vmem>> -> memref<1x16x128xf32, #tpu.memory_space<vmem>>
        %dma_start3A_2508 = tpu.memref_squeeze %dma_start3A_2507 : memref<1x16x128xf32, #tpu.memory_space<vmem>> -> memref<16x128xf32, #tpu.memory_space<vmem>>
        %dma_start3A_2509 = arith.constant 0 : i32
        %dma_start3A_2510 = tpu.memref_slice %arg5[%dma_start3A_2509, %multiple_of3A_1791] : memref<32x1000001xf32, #tpu.memory_space<hbm>> -> memref<16x128xf32, #tpu.memory_space<hbm>>
        tpu.enqueue_dma source(%dma_start3A_2510 : memref<16x128xf32, #tpu.memory_space<hbm>>) target(%dma_start3A_2508 : memref<16x128xf32, #tpu.memory_space<vmem>>) target_semaphore(%arg21 : memref<!tpu.dma_semaphore, #tpu.memory_space<semaphore_mem>>)
      } else {
      }
      %slice3A_1800 = vector.extract_strided_slice %and3A_1412 {offsets = [1], sizes = [1], strides = [1]} : vector<16xi32> to vector<1xi32>
      %squeeze3A_1801 = vector.extract %slice3A_1800[0] : i32 from vector<1xi32>
      %multiple_of3A_1802 = tpu.assume_multiple %squeeze3A_1801, 128 : i32
      %slice3A_1803 = vector.extract_strided_slice %select_n3A_1780 {offsets = [1], sizes = [1], strides = [1]} : vector<16xi32> to vector<1xi32>
      %squeeze3A_1804 = vector.extract %slice3A_1803[0] : i32 from vector<1xi32>
      %eq3A_1805 = arith.constant 1 : i32
      %eq3A_1806 = arith.cmpi eq, %squeeze3A_1804, %eq3A_1805 : i32
      %and3A_1807 = arith.andi %eq3A_1806, %lt3A_1788 : i1
      %convert_element_type3A_1808 = arith.extui %and3A_1807 : i1 to i32
      %cond3A_1809 = arith.constant 0 : i32
      %cond3A_1810 = arith.cmpi ne, %convert_element_type3A_1808, %cond3A_1809 : i32
      scf.if %cond3A_1810 {
        %slice3A_2497 = vector.extract_strided_slice %select_n3A_1785 {offsets = [1], sizes = [1], strides = [1]} : vector<16xi32> to vector<1xi32>
        %squeeze3A_2498 = vector.extract %slice3A_2497[0] : i32 from vector<1xi32>
        %dma_start3A_2499 = arith.constant 0 : i32
        %dma_start3A_2500 = arith.constant 0 : i32
        %dma_start3A_2501 = tpu.memref_slice %arg13[%squeeze3A_2498, %dma_start3A_2499, %dma_start3A_2500] : memref<16x16x128xf32, #tpu.memory_space<vmem>> -> memref<1x16x128xf32, #tpu.memory_space<vmem>>
        %dma_start3A_2502 = tpu.memref_squeeze %dma_start3A_2501 : memref<1x16x128xf32, #tpu.memory_space<vmem>> -> memref<16x128xf32, #tpu.memory_space<vmem>>
        %dma_start3A_2503 = arith.constant 0 : i32
        %dma_start3A_2504 = tpu.memref_slice %arg5[%dma_start3A_2503, %multiple_of3A_1802] : memref<32x1000001xf32, #tpu.memory_space<hbm>> -> memref<16x128xf32, #tpu.memory_space<hbm>>
        %dma_start3A_2505 = arith.constant 0 : i32
        %dma_start3A_2506 = arith.constant 0 : i32
        %dma_start3A_2507 = tpu.memref_slice %arg13[%squeeze3A_2498, %dma_start3A_2505, %dma_start3A_2506] : memref<16x16x128xf32, #tpu.memory_space<vmem>> -> memref<1x16x128xf32, #tpu.memory_space<vmem>>
        %dma_start3A_2508 = tpu.memref_squeeze %dma_start3A_2507 : memref<1x16x128xf32, #tpu.memory_space<vmem>> -> memref<16x128xf32, #tpu.memory_space<vmem>>
        %dma_start3A_2509 = arith.constant 0 : i32
        %dma_start3A_2510 = tpu.memref_slice %arg5[%dma_start3A_2509, %multiple_of3A_1802] : memref<32x1000001xf32, #tpu.memory_space<hbm>> -> memref<16x128xf32, #tpu.memory_space<hbm>>
        tpu.enqueue_dma source(%dma_start3A_2510 : memref<16x128xf32, #tpu.memory_space<hbm>>) target(%dma_start3A_2508 : memref<16x128xf32, #tpu.memory_space<vmem>>) target_semaphore(%arg21 : memref<!tpu.dma_semaphore, #tpu.memory_space<semaphore_mem>>)
      } else {
      }
      %slice3A_1811 = vector.extract_strided_slice %and3A_1412 {offsets = [2], sizes = [1], strides = [1]} : vector<16xi32> to vector<1xi32>
      %squeeze3A_1812 = vector.extract %slice3A_1811[0] : i32 from vector<1xi32>
      %multiple_of3A_1813 = tpu.assume_multiple %squeeze3A_1812, 128 : i32
      %slice3A_1814 = vector.extract_strided_slice %select_n3A_1780 {offsets = [2], sizes = [1], strides = [1]} : vector<16xi32> to vector<1xi32>
      %squeeze3A_1815 = vector.extract %slice3A_1814[0] : i32 from vector<1xi32>
      %eq3A_1816 = arith.constant 1 : i32
      %eq3A_1817 = arith.cmpi eq, %squeeze3A_1815, %eq3A_1816 : i32
      %and3A_1818 = arith.andi %eq3A_1817, %lt3A_1788 : i1
      %convert_element_type3A_1819 = arith.extui %and3A_1818 : i1 to i32
      %cond3A_1820 = arith.constant 0 : i32
      %cond3A_1821 = arith.cmpi ne, %convert_element_type3A_1819, %cond3A_1820 : i32
      scf.if %cond3A_1821 {
        %slice3A_2497 = vector.extract_strided_slice %select_n3A_1785 {offsets = [2], sizes = [1], strides = [1]} : vector<16xi32> to vector<1xi32>
        %squeeze3A_2498 = vector.extract %slice3A_2497[0] : i32 from vector<1xi32>
        %dma_start3A_2499 = arith.constant 0 : i32
        %dma_start3A_2500 = arith.constant 0 : i32
        %dma_start3A_2501 = tpu.memref_slice %arg13[%squeeze3A_2498, %dma_start3A_2499, %dma_start3A_2500] : memref<16x16x128xf32, #tpu.memory_space<vmem>> -> memref<1x16x128xf32, #tpu.memory_space<vmem>>
        %dma_start3A_2502 = tpu.memref_squeeze %dma_start3A_2501 : memref<1x16x128xf32, #tpu.memory_space<vmem>> -> memref<16x128xf32, #tpu.memory_space<vmem>>
        %dma_start3A_2503 = arith.constant 0 : i32
        %dma_start3A_2504 = tpu.memref_slice %arg5[%dma_start3A_2503, %multiple_of3A_1813] : memref<32x1000001xf32, #tpu.memory_space<hbm>> -> memref<16x128xf32, #tpu.memory_space<hbm>>
        %dma_start3A_2505 = arith.constant 0 : i32
        %dma_start3A_2506 = arith.constant 0 : i32
        %dma_start3A_2507 = tpu.memref_slice %arg13[%squeeze3A_2498, %dma_start3A_2505, %dma_start3A_2506] : memref<16x16x128xf32, #tpu.memory_space<vmem>> -> memref<1x16x128xf32, #tpu.memory_space<vmem>>
        %dma_start3A_2508 = tpu.memref_squeeze %dma_start3A_2507 : memref<1x16x128xf32, #tpu.memory_space<vmem>> -> memref<16x128xf32, #tpu.memory_space<vmem>>
        %dma_start3A_2509 = arith.constant 0 : i32
        %dma_start3A_2510 = tpu.memref_slice %arg5[%dma_start3A_2509, %multiple_of3A_1813] : memref<32x1000001xf32, #tpu.memory_space<hbm>> -> memref<16x128xf32, #tpu.memory_space<hbm>>
        tpu.enqueue_dma source(%dma_start3A_2510 : memref<16x128xf32, #tpu.memory_space<hbm>>) target(%dma_start3A_2508 : memref<16x128xf32, #tpu.memory_space<vmem>>) target_semaphore(%arg21 : memref<!tpu.dma_semaphore, #tpu.memory_space<semaphore_mem>>)
      } else {
      }
      %slice3A_1822 = vector.extract_strided_slice %and3A_1412 {offsets = [3], sizes = [1], strides = [1]} : vector<16xi32> to vector<1xi32>
      %squeeze3A_1823 = vector.extract %slice3A_1822[0] : i32 from vector<1xi32>
      %multiple_of3A_1824 = tpu.assume_multiple %squeeze3A_1823, 128 : i32
      %slice3A_1825 = vector.extract_strided_slice %select_n3A_1780 {offsets = [3], sizes = [1], strides = [1]} : vector<16xi32> to vector<1xi32>
      %squeeze3A_1826 = vector.extract %slice3A_1825[0] : i32 from vector<1xi32>
      %eq3A_1827 = arith.constant 1 : i32
      %eq3A_1828 = arith.cmpi eq, %squeeze3A_1826, %eq3A_1827 : i32
      %and3A_1829 = arith.andi %eq3A_1828, %lt3A_1788 : i1
      %convert_element_type3A_1830 = arith.extui %and3A_1829 : i1 to i32
      %cond3A_1831 = arith.constant 0 : i32
      %cond3A_1832 = arith.cmpi ne, %convert_element_type3A_1830, %cond3A_1831 : i32
      scf.if %cond3A_1832 {
        %slice3A_2497 = vector.extract_strided_slice %select_n3A_1785 {offsets = [3], sizes = [1], strides = [1]} : vector<16xi32> to vector<1xi32>
        %squeeze3A_2498 = vector.extract %slice3A_2497[0] : i32 from vector<1xi32>
        %dma_start3A_2499 = arith.constant 0 : i32
        %dma_start3A_2500 = arith.constant 0 : i32
        %dma_start3A_2501 = tpu.memref_slice %arg13[%squeeze3A_2498, %dma_start3A_2499, %dma_start3A_2500] : memref<16x16x128xf32, #tpu.memory_space<vmem>> -> memref<1x16x128xf32, #tpu.memory_space<vmem>>
        %dma_start3A_2502 = tpu.memref_squeeze %dma_start3A_2501 : memref<1x16x128xf32, #tpu.memory_space<vmem>> -> memref<16x128xf32, #tpu.memory_space<vmem>>
        %dma_start3A_2503 = arith.constant 0 : i32
        %dma_start3A_2504 = tpu.memref_slice %arg5[%dma_start3A_2503, %multiple_of3A_1824] : memref<32x1000001xf32, #tpu.memory_space<hbm>> -> memref<16x128xf32, #tpu.memory_space<hbm>>
        %dma_start3A_2505 = arith.constant 0 : i32
        %dma_start3A_2506 = arith.constant 0 : i32
        %dma_start3A_2507 = tpu.memref_slice %arg13[%squeeze3A_2498, %dma_start3A_2505, %dma_start3A_2506] : memref<16x16x128xf32, #tpu.memory_space<vmem>> -> memref<1x16x128xf32, #tpu.memory_space<vmem>>
        %dma_start3A_2508 = tpu.memref_squeeze %dma_start3A_2507 : memref<1x16x128xf32, #tpu.memory_space<vmem>> -> memref<16x128xf32, #tpu.memory_space<vmem>>
        %dma_start3A_2509 = arith.constant 0 : i32
        %dma_start3A_2510 = tpu.memref_slice %arg5[%dma_start3A_2509, %multiple_of3A_1824] : memref<32x1000001xf32, #tpu.memory_space<hbm>> -> memref<16x128xf32, #tpu.memory_space<hbm>>
        tpu.enqueue_dma source(%dma_start3A_2510 : memref<16x128xf32, #tpu.memory_space<hbm>>) target(%dma_start3A_2508 : memref<16x128xf32, #tpu.memory_space<vmem>>) target_semaphore(%arg21 : memref<!tpu.dma_semaphore, #tpu.memory_space<semaphore_mem>>)
      } else {
      }
      %slice3A_1833 = vector.extract_strided_slice %and3A_1412 {offsets = [4], sizes = [1], strides = [1]} : vector<16xi32> to vector<1xi32>
      %squeeze3A_1834 = vector.extract %slice3A_1833[0] : i32 from vector<1xi32>
      %multiple_of3A_1835 = tpu.assume_multiple %squeeze3A_1834, 128 : i32
      %slice3A_1836 = vector.extract_strided_slice %select_n3A_1780 {offsets = [4], sizes = [1], strides = [1]} : vector<16xi32> to vector<1xi32>
      %squeeze3A_1837 = vector.extract %slice3A_1836[0] : i32 from vector<1xi32>
      %eq3A_1838 = arith.constant 1 : i32
      %eq3A_1839 = arith.cmpi eq, %squeeze3A_1837, %eq3A_1838 : i32
      %and3A_1840 = arith.andi %eq3A_1839, %lt3A_1788 : i1
      %convert_element_type3A_1841 = arith.extui %and3A_1840 : i1 to i32
      %cond3A_1842 = arith.constant 0 : i32
      %cond3A_1843 = arith.cmpi ne, %convert_element_type3A_1841, %cond3A_1842 : i32
      scf.if %cond3A_1843 {
        %slice3A_2497 = vector.extract_strided_slice %select_n3A_1785 {offsets = [4], sizes = [1], strides = [1]} : vector<16xi32> to vector<1xi32>
        %squeeze3A_2498 = vector.extract %slice3A_2497[0] : i32 from vector<1xi32>
        %dma_start3A_2499 = arith.constant 0 : i32
        %dma_start3A_2500 = arith.constant 0 : i32
        %dma_start3A_2501 = tpu.memref_slice %arg13[%squeeze3A_2498, %dma_start3A_2499, %dma_start3A_2500] : memref<16x16x128xf32, #tpu.memory_space<vmem>> -> memref<1x16x128xf32, #tpu.memory_space<vmem>>
        %dma_start3A_2502 = tpu.memref_squeeze %dma_start3A_2501 : memref<1x16x128xf32, #tpu.memory_space<vmem>> -> memref<16x128xf32, #tpu.memory_space<vmem>>
        %dma_start3A_2503 = arith.constant 0 : i32
        %dma_start3A_2504 = tpu.memref_slice %arg5[%dma_start3A_2503, %multiple_of3A_1835] : memref<32x1000001xf32, #tpu.memory_space<hbm>> -> memref<16x128xf32, #tpu.memory_space<hbm>>
        %dma_start3A_2505 = arith.constant 0 : i32
        %dma_start3A_2506 = arith.constant 0 : i32
        %dma_start3A_2507 = tpu.memref_slice %arg13[%squeeze3A_2498, %dma_start3A_2505, %dma_start3A_2506] : memref<16x16x128xf32, #tpu.memory_space<vmem>> -> memref<1x16x128xf32, #tpu.memory_space<vmem>>
        %dma_start3A_2508 = tpu.memref_squeeze %dma_start3A_2507 : memref<1x16x128xf32, #tpu.memory_space<vmem>> -> memref<16x128xf32, #tpu.memory_space<vmem>>
        %dma_start3A_2509 = arith.constant 0 : i32
        %dma_start3A_2510 = tpu.memref_slice %arg5[%dma_start3A_2509, %multiple_of3A_1835] : memref<32x1000001xf32, #tpu.memory_space<hbm>> -> memref<16x128xf32, #tpu.memory_space<hbm>>
        tpu.enqueue_dma source(%dma_start3A_2510 : memref<16x128xf32, #tpu.memory_space<hbm>>) target(%dma_start3A_2508 : memref<16x128xf32, #tpu.memory_space<vmem>>) target_semaphore(%arg21 : memref<!tpu.dma_semaphore, #tpu.memory_space<semaphore_mem>>)
      } else {
      }
      %slice3A_1844 = vector.extract_strided_slice %and3A_1412 {offsets = [5], sizes = [1], strides = [1]} : vector<16xi32> to vector<1xi32>
      %squeeze3A_1845 = vector.extract %slice3A_1844[0] : i32 from vector<1xi32>
      %multiple_of3A_1846 = tpu.assume_multiple %squeeze3A_1845, 128 : i32
      %slice3A_1847 = vector.extract_strided_slice %select_n3A_1780 {offsets = [5], sizes = [1], strides = [1]} : vector<16xi32> to vector<1xi32>
      %squeeze3A_1848 = vector.extract %slice3A_1847[0] : i32 from vector<1xi32>
      %eq3A_1849 = arith.constant 1 : i32
      %eq3A_1850 = arith.cmpi eq, %squeeze3A_1848, %eq3A_1849 : i32
      %and3A_1851 = arith.andi %eq3A_1850, %lt3A_1788 : i1
      %convert_element_type3A_1852 = arith.extui %and3A_1851 : i1 to i32
      %cond3A_1853 = arith.constant 0 : i32
      %cond3A_1854 = arith.cmpi ne, %convert_element_type3A_1852, %cond3A_1853 : i32
      scf.if %cond3A_1854 {
        %slice3A_2497 = vector.extract_strided_slice %select_n3A_1785 {offsets = [5], sizes = [1], strides = [1]} : vector<16xi32> to vector<1xi32>
        %squeeze3A_2498 = vector.extract %slice3A_2497[0] : i32 from vector<1xi32>
        %dma_start3A_2499 = arith.constant 0 : i32
        %dma_start3A_2500 = arith.constant 0 : i32
        %dma_start3A_2501 = tpu.memref_slice %arg13[%squeeze3A_2498, %dma_start3A_2499, %dma_start3A_2500] : memref<16x16x128xf32, #tpu.memory_space<vmem>> -> memref<1x16x128xf32, #tpu.memory_space<vmem>>
        %dma_start3A_2502 = tpu.memref_squeeze %dma_start3A_2501 : memref<1x16x128xf32, #tpu.memory_space<vmem>> -> memref<16x128xf32, #tpu.memory_space<vmem>>
        %dma_start3A_2503 = arith.constant 0 : i32
        %dma_start3A_2504 = tpu.memref_slice %arg5[%dma_start3A_2503, %multiple_of3A_1846] : memref<32x1000001xf32, #tpu.memory_space<hbm>> -> memref<16x128xf32, #tpu.memory_space<hbm>>
        %dma_start3A_2505 = arith.constant 0 : i32
        %dma_start3A_2506 = arith.constant 0 : i32
        %dma_start3A_2507 = tpu.memref_slice %arg13[%squeeze3A_2498, %dma_start3A_2505, %dma_start3A_2506] : memref<16x16x128xf32, #tpu.memory_space<vmem>> -> memref<1x16x128xf32, #tpu.memory_space<vmem>>
        %dma_start3A_2508 = tpu.memref_squeeze %dma_start3A_2507 : memref<1x16x128xf32, #tpu.memory_space<vmem>> -> memref<16x128xf32, #tpu.memory_space<vmem>>
        %dma_start3A_2509 = arith.constant 0 : i32
        %dma_start3A_2510 = tpu.memref_slice %arg5[%dma_start3A_2509, %multiple_of3A_1846] : memref<32x1000001xf32, #tpu.memory_space<hbm>> -> memref<16x128xf32, #tpu.memory_space<hbm>>
        tpu.enqueue_dma source(%dma_start3A_2510 : memref<16x128xf32, #tpu.memory_space<hbm>>) target(%dma_start3A_2508 : memref<16x128xf32, #tpu.memory_space<vmem>>) target_semaphore(%arg21 : memref<!tpu.dma_semaphore, #tpu.memory_space<semaphore_mem>>)
      } else {
      }
      %slice3A_1855 = vector.extract_strided_slice %and3A_1412 {offsets = [6], sizes = [1], strides = [1]} : vector<16xi32> to vector<1xi32>
      %squeeze3A_1856 = vector.extract %slice3A_1855[0] : i32 from vector<1xi32>
      %multiple_of3A_1857 = tpu.assume_multiple %squeeze3A_1856, 128 : i32
      %slice3A_1858 = vector.extract_strided_slice %select_n3A_1780 {offsets = [6], sizes = [1], strides = [1]} : vector<16xi32> to vector<1xi32>
      %squeeze3A_1859 = vector.extract %slice3A_1858[0] : i32 from vector<1xi32>
      %eq3A_1860 = arith.constant 1 : i32
      %eq3A_1861 = arith.cmpi eq, %squeeze3A_1859, %eq3A_1860 : i32
      %and3A_1862 = arith.andi %eq3A_1861, %lt3A_1788 : i1
      %convert_element_type3A_1863 = arith.extui %and3A_1862 : i1 to i32
      %cond3A_1864 = arith.constant 0 : i32
      %cond3A_1865 = arith.cmpi ne, %convert_element_type3A_1863, %cond3A_1864 : i32
      scf.if %cond3A_1865 {
        %slice3A_2497 = vector.extract_strided_slice %select_n3A_1785 {offsets = [6], sizes = [1], strides = [1]} : vector<16xi32> to vector<1xi32>
        %squeeze3A_2498 = vector.extract %slice3A_2497[0] : i32 from vector<1xi32>
        %dma_start3A_2499 = arith.constant 0 : i32
        %dma_start3A_2500 = arith.constant 0 : i32
        %dma_start3A_2501 = tpu.memref_slice %arg13[%squeeze3A_2498, %dma_start3A_2499, %dma_start3A_2500] : memref<16x16x128xf32, #tpu.memory_space<vmem>> -> memref<1x16x128xf32, #tpu.memory_space<vmem>>
        %dma_start3A_2502 = tpu.memref_squeeze %dma_start3A_2501 : memref<1x16x128xf32, #tpu.memory_space<vmem>> -> memref<16x128xf32, #tpu.memory_space<vmem>>
        %dma_start3A_2503 = arith.constant 0 : i32
        %dma_start3A_2504 = tpu.memref_slice %arg5[%dma_start3A_2503, %multiple_of3A_1857] : memref<32x1000001xf32, #tpu.memory_space<hbm>> -> memref<16x128xf32, #tpu.memory_space<hbm>>
        %dma_start3A_2505 = arith.constant 0 : i32
        %dma_start3A_2506 = arith.constant 0 : i32
        %dma_start3A_2507 = tpu.memref_slice %arg13[%squeeze3A_2498, %dma_start3A_2505, %dma_start3A_2506] : memref<16x16x128xf32, #tpu.memory_space<vmem>> -> memref<1x16x128xf32, #tpu.memory_space<vmem>>
        %dma_start3A_2508 = tpu.memref_squeeze %dma_start3A_2507 : memref<1x16x128xf32, #tpu.memory_space<vmem>> -> memref<16x128xf32, #tpu.memory_space<vmem>>
        %dma_start3A_2509 = arith.constant 0 : i32
        %dma_start3A_2510 = tpu.memref_slice %arg5[%dma_start3A_2509, %multiple_of3A_1857] : memref<32x1000001xf32, #tpu.memory_space<hbm>> -> memref<16x128xf32, #tpu.memory_space<hbm>>
        tpu.enqueue_dma source(%dma_start3A_2510 : memref<16x128xf32, #tpu.memory_space<hbm>>) target(%dma_start3A_2508 : memref<16x128xf32, #tpu.memory_space<vmem>>) target_semaphore(%arg21 : memref<!tpu.dma_semaphore, #tpu.memory_space<semaphore_mem>>)
      } else {
      }
      %slice3A_1866 = vector.extract_strided_slice %and3A_1412 {offsets = [7], sizes = [1], strides = [1]} : vector<16xi32> to vector<1xi32>
      %squeeze3A_1867 = vector.extract %slice3A_1866[0] : i32 from vector<1xi32>
      %multiple_of3A_1868 = tpu.assume_multiple %squeeze3A_1867, 128 : i32
      %slice3A_1869 = vector.extract_strided_slice %select_n3A_1780 {offsets = [7], sizes = [1], strides = [1]} : vector<16xi32> to vector<1xi32>
      %squeeze3A_1870 = vector.extract %slice3A_1869[0] : i32 from vector<1xi32>
      %eq3A_1871 = arith.constant 1 : i32
      %eq3A_1872 = arith.cmpi eq, %squeeze3A_1870, %eq3A_1871 : i32
      %and3A_1873 = arith.andi %eq3A_1872, %lt3A_1788 : i1
      %convert_element_type3A_1874 = arith.extui %and3A_1873 : i1 to i32
      %cond3A_1875 = arith.constant 0 : i32
      %cond3A_1876 = arith.cmpi ne, %convert_element_type3A_1874, %cond3A_1875 : i32
      scf.if %cond3A_1876 {
        %slice3A_2497 = vector.extract_strided_slice %select_n3A_1785 {offsets = [7], sizes = [1], strides = [1]} : vector<16xi32> to vector<1xi32>
        %squeeze3A_2498 = vector.extract %slice3A_2497[0] : i32 from vector<1xi32>
        %dma_start3A_2499 = arith.constant 0 : i32
        %dma_start3A_2500 = arith.constant 0 : i32
        %dma_start3A_2501 = tpu.memref_slice %arg13[%squeeze3A_2498, %dma_start3A_2499, %dma_start3A_2500] : memref<16x16x128xf32, #tpu.memory_space<vmem>> -> memref<1x16x128xf32, #tpu.memory_space<vmem>>
        %dma_start3A_2502 = tpu.memref_squeeze %dma_start3A_2501 : memref<1x16x128xf32, #tpu.memory_space<vmem>> -> memref<16x128xf32, #tpu.memory_space<vmem>>
        %dma_start3A_2503 = arith.constant 0 : i32
        %dma_start3A_2504 = tpu.memref_slice %arg5[%dma_start3A_2503, %multiple_of3A_1868] : memref<32x1000001xf32, #tpu.memory_space<hbm>> -> memref<16x128xf32, #tpu.memory_space<hbm>>
        %dma_start3A_2505 = arith.constant 0 : i32
        %dma_start3A_2506 = arith.constant 0 : i32
        %dma_start3A_2507 = tpu.memref_slice %arg13[%squeeze3A_2498, %dma_start3A_2505, %dma_start3A_2506] : memref<16x16x128xf32, #tpu.memory_space<vmem>> -> memref<1x16x128xf32, #tpu.memory_space<vmem>>
        %dma_start3A_2508 = tpu.memref_squeeze %dma_start3A_2507 : memref<1x16x128xf32, #tpu.memory_space<vmem>> -> memref<16x128xf32, #tpu.memory_space<vmem>>
        %dma_start3A_2509 = arith.constant 0 : i32
        %dma_start3A_2510 = tpu.memref_slice %arg5[%dma_start3A_2509, %multiple_of3A_1868] : memref<32x1000001xf32, #tpu.memory_space<hbm>> -> memref<16x128xf32, #tpu.memory_space<hbm>>
        tpu.enqueue_dma source(%dma_start3A_2510 : memref<16x128xf32, #tpu.memory_space<hbm>>) target(%dma_start3A_2508 : memref<16x128xf32, #tpu.memory_space<vmem>>) target_semaphore(%arg21 : memref<!tpu.dma_semaphore, #tpu.memory_space<semaphore_mem>>)
      } else {
      }
      %slice3A_1877 = vector.extract_strided_slice %and3A_1412 {offsets = [8], sizes = [1], strides = [1]} : vector<16xi32> to vector<1xi32>
      %squeeze3A_1878 = vector.extract %slice3A_1877[0] : i32 from vector<1xi32>
      %multiple_of3A_1879 = tpu.assume_multiple %squeeze3A_1878, 128 : i32
      %slice3A_1880 = vector.extract_strided_slice %select_n3A_1780 {offsets = [8], sizes = [1], strides = [1]} : vector<16xi32> to vector<1xi32>
      %squeeze3A_1881 = vector.extract %slice3A_1880[0] : i32 from vector<1xi32>
      %eq3A_1882 = arith.constant 1 : i32
      %eq3A_1883 = arith.cmpi eq, %squeeze3A_1881, %eq3A_1882 : i32
      %and3A_1884 = arith.andi %eq3A_1883, %lt3A_1788 : i1
      %convert_element_type3A_1885 = arith.extui %and3A_1884 : i1 to i32
      %cond3A_1886 = arith.constant 0 : i32
      %cond3A_1887 = arith.cmpi ne, %convert_element_type3A_1885, %cond3A_1886 : i32
      scf.if %cond3A_1887 {
        %slice3A_2497 = vector.extract_strided_slice %select_n3A_1785 {offsets = [8], sizes = [1], strides = [1]} : vector<16xi32> to vector<1xi32>
        %squeeze3A_2498 = vector.extract %slice3A_2497[0] : i32 from vector<1xi32>
        %dma_start3A_2499 = arith.constant 0 : i32
        %dma_start3A_2500 = arith.constant 0 : i32
        %dma_start3A_2501 = tpu.memref_slice %arg13[%squeeze3A_2498, %dma_start3A_2499, %dma_start3A_2500] : memref<16x16x128xf32, #tpu.memory_space<vmem>> -> memref<1x16x128xf32, #tpu.memory_space<vmem>>
        %dma_start3A_2502 = tpu.memref_squeeze %dma_start3A_2501 : memref<1x16x128xf32, #tpu.memory_space<vmem>> -> memref<16x128xf32, #tpu.memory_space<vmem>>
        %dma_start3A_2503 = arith.constant 0 : i32
        %dma_start3A_2504 = tpu.memref_slice %arg5[%dma_start3A_2503, %multiple_of3A_1879] : memref<32x1000001xf32, #tpu.memory_space<hbm>> -> memref<16x128xf32, #tpu.memory_space<hbm>>
        %dma_start3A_2505 = arith.constant 0 : i32
        %dma_start3A_2506 = arith.constant 0 : i32
        %dma_start3A_2507 = tpu.memref_slice %arg13[%squeeze3A_2498, %dma_start3A_2505, %dma_start3A_2506] : memref<16x16x128xf32, #tpu.memory_space<vmem>> -> memref<1x16x128xf32, #tpu.memory_space<vmem>>
        %dma_start3A_2508 = tpu.memref_squeeze %dma_start3A_2507 : memref<1x16x128xf32, #tpu.memory_space<vmem>> -> memref<16x128xf32, #tpu.memory_space<vmem>>
        %dma_start3A_2509 = arith.constant 0 : i32
        %dma_start3A_2510 = tpu.memref_slice %arg5[%dma_start3A_2509, %multiple_of3A_1879] : memref<32x1000001xf32, #tpu.memory_space<hbm>> -> memref<16x128xf32, #tpu.memory_space<hbm>>
        tpu.enqueue_dma source(%dma_start3A_2510 : memref<16x128xf32, #tpu.memory_space<hbm>>) target(%dma_start3A_2508 : memref<16x128xf32, #tpu.memory_space<vmem>>) target_semaphore(%arg21 : memref<!tpu.dma_semaphore, #tpu.memory_space<semaphore_mem>>)
      } else {
      }
      %slice3A_1888 = vector.extract_strided_slice %and3A_1412 {offsets = [9], sizes = [1], strides = [1]} : vector<16xi32> to vector<1xi32>
      %squeeze3A_1889 = vector.extract %slice3A_1888[0] : i32 from vector<1xi32>
      %multiple_of3A_1890 = tpu.assume_multiple %squeeze3A_1889, 128 : i32
      %slice3A_1891 = vector.extract_strided_slice %select_n3A_1780 {offsets = [9], sizes = [1], strides = [1]} : vector<16xi32> to vector<1xi32>
      %squeeze3A_1892 = vector.extract %slice3A_1891[0] : i32 from vector<1xi32>
      %eq3A_1893 = arith.constant 1 : i32
      %eq3A_1894 = arith.cmpi eq, %squeeze3A_1892, %eq3A_1893 : i32
      %and3A_1895 = arith.andi %eq3A_1894, %lt3A_1788 : i1
      %convert_element_type3A_1896 = arith.extui %and3A_1895 : i1 to i32
      %cond3A_1897 = arith.constant 0 : i32
      %cond3A_1898 = arith.cmpi ne, %convert_element_type3A_1896, %cond3A_1897 : i32
      scf.if %cond3A_1898 {
        %slice3A_2497 = vector.extract_strided_slice %select_n3A_1785 {offsets = [9], sizes = [1], strides = [1]} : vector<16xi32> to vector<1xi32>
        %squeeze3A_2498 = vector.extract %slice3A_2497[0] : i32 from vector<1xi32>
        %dma_start3A_2499 = arith.constant 0 : i32
        %dma_start3A_2500 = arith.constant 0 : i32
        %dma_start3A_2501 = tpu.memref_slice %arg13[%squeeze3A_2498, %dma_start3A_2499, %dma_start3A_2500] : memref<16x16x128xf32, #tpu.memory_space<vmem>> -> memref<1x16x128xf32, #tpu.memory_space<vmem>>
        %dma_start3A_2502 = tpu.memref_squeeze %dma_start3A_2501 : memref<1x16x128xf32, #tpu.memory_space<vmem>> -> memref<16x128xf32, #tpu.memory_space<vmem>>
        %dma_start3A_2503 = arith.constant 0 : i32
        %dma_start3A_2504 = tpu.memref_slice %arg5[%dma_start3A_2503, %multiple_of3A_1890] : memref<32x1000001xf32, #tpu.memory_space<hbm>> -> memref<16x128xf32, #tpu.memory_space<hbm>>
        %dma_start3A_2505 = arith.constant 0 : i32
        %dma_start3A_2506 = arith.constant 0 : i32
        %dma_start3A_2507 = tpu.memref_slice %arg13[%squeeze3A_2498, %dma_start3A_2505, %dma_start3A_2506] : memref<16x16x128xf32, #tpu.memory_space<vmem>> -> memref<1x16x128xf32, #tpu.memory_space<vmem>>
        %dma_start3A_2508 = tpu.memref_squeeze %dma_start3A_2507 : memref<1x16x128xf32, #tpu.memory_space<vmem>> -> memref<16x128xf32, #tpu.memory_space<vmem>>
        %dma_start3A_2509 = arith.constant 0 : i32
        %dma_start3A_2510 = tpu.memref_slice %arg5[%dma_start3A_2509, %multiple_of3A_1890] : memref<32x1000001xf32, #tpu.memory_space<hbm>> -> memref<16x128xf32, #tpu.memory_space<hbm>>
        tpu.enqueue_dma source(%dma_start3A_2510 : memref<16x128xf32, #tpu.memory_space<hbm>>) target(%dma_start3A_2508 : memref<16x128xf32, #tpu.memory_space<vmem>>) target_semaphore(%arg21 : memref<!tpu.dma_semaphore, #tpu.memory_space<semaphore_mem>>)
      } else {
      }
      %slice3A_1899 = vector.extract_strided_slice %and3A_1412 {offsets = [10], sizes = [1], strides = [1]} : vector<16xi32> to vector<1xi32>
      %squeeze3A_1900 = vector.extract %slice3A_1899[0] : i32 from vector<1xi32>
      %multiple_of3A_1901 = tpu.assume_multiple %squeeze3A_1900, 128 : i32
      %slice3A_1902 = vector.extract_strided_slice %select_n3A_1780 {offsets = [10], sizes = [1], strides = [1]} : vector<16xi32> to vector<1xi32>
      %squeeze3A_1903 = vector.extract %slice3A_1902[0] : i32 from vector<1xi32>
      %eq3A_1904 = arith.constant 1 : i32
      %eq3A_1905 = arith.cmpi eq, %squeeze3A_1903, %eq3A_1904 : i32
      %and3A_1906 = arith.andi %eq3A_1905, %lt3A_1788 : i1
      %convert_element_type3A_1907 = arith.extui %and3A_1906 : i1 to i32
      %cond3A_1908 = arith.constant 0 : i32
      %cond3A_1909 = arith.cmpi ne, %convert_element_type3A_1907, %cond3A_1908 : i32
      scf.if %cond3A_1909 {
        %slice3A_2497 = vector.extract_strided_slice %select_n3A_1785 {offsets = [10], sizes = [1], strides = [1]} : vector<16xi32> to vector<1xi32>
        %squeeze3A_2498 = vector.extract %slice3A_2497[0] : i32 from vector<1xi32>
        %dma_start3A_2499 = arith.constant 0 : i32
        %dma_start3A_2500 = arith.constant 0 : i32
        %dma_start3A_2501 = tpu.memref_slice %arg13[%squeeze3A_2498, %dma_start3A_2499, %dma_start3A_2500] : memref<16x16x128xf32, #tpu.memory_space<vmem>> -> memref<1x16x128xf32, #tpu.memory_space<vmem>>
        %dma_start3A_2502 = tpu.memref_squeeze %dma_start3A_2501 : memref<1x16x128xf32, #tpu.memory_space<vmem>> -> memref<16x128xf32, #tpu.memory_space<vmem>>
        %dma_start3A_2503 = arith.constant 0 : i32
        %dma_start3A_2504 = tpu.memref_slice %arg5[%dma_start3A_2503, %multiple_of3A_1901] : memref<32x1000001xf32, #tpu.memory_space<hbm>> -> memref<16x128xf32, #tpu.memory_space<hbm>>
        %dma_start3A_2505 = arith.constant 0 : i32
        %dma_start3A_2506 = arith.constant 0 : i32
        %dma_start3A_2507 = tpu.memref_slice %arg13[%squeeze3A_2498, %dma_start3A_2505, %dma_start3A_2506] : memref<16x16x128xf32, #tpu.memory_space<vmem>> -> memref<1x16x128xf32, #tpu.memory_space<vmem>>
        %dma_start3A_2508 = tpu.memref_squeeze %dma_start3A_2507 : memref<1x16x128xf32, #tpu.memory_space<vmem>> -> memref<16x128xf32, #tpu.memory_space<vmem>>
        %dma_start3A_2509 = arith.constant 0 : i32
        %dma_start3A_2510 = tpu.memref_slice %arg5[%dma_start3A_2509, %multiple_of3A_1901] : memref<32x1000001xf32, #tpu.memory_space<hbm>> -> memref<16x128xf32, #tpu.memory_space<hbm>>
        tpu.enqueue_dma source(%dma_start3A_2510 : memref<16x128xf32, #tpu.memory_space<hbm>>) target(%dma_start3A_2508 : memref<16x128xf32, #tpu.memory_space<vmem>>) target_semaphore(%arg21 : memref<!tpu.dma_semaphore, #tpu.memory_space<semaphore_mem>>)
      } else {
      }
      %slice3A_1910 = vector.extract_strided_slice %and3A_1412 {offsets = [11], sizes = [1], strides = [1]} : vector<16xi32> to vector<1xi32>
      %squeeze3A_1911 = vector.extract %slice3A_1910[0] : i32 from vector<1xi32>
      %multiple_of3A_1912 = tpu.assume_multiple %squeeze3A_1911, 128 : i32
      %slice3A_1913 = vector.extract_strided_slice %select_n3A_1780 {offsets = [11], sizes = [1], strides = [1]} : vector<16xi32> to vector<1xi32>
      %squeeze3A_1914 = vector.extract %slice3A_1913[0] : i32 from vector<1xi32>
      %eq3A_1915 = arith.constant 1 : i32
      %eq3A_1916 = arith.cmpi eq, %squeeze3A_1914, %eq3A_1915 : i32
      %and3A_1917 = arith.andi %eq3A_1916, %lt3A_1788 : i1
      %convert_element_type3A_1918 = arith.extui %and3A_1917 : i1 to i32
      %cond3A_1919 = arith.constant 0 : i32
      %cond3A_1920 = arith.cmpi ne, %convert_element_type3A_1918, %cond3A_1919 : i32
      scf.if %cond3A_1920 {
        %slice3A_2497 = vector.extract_strided_slice %select_n3A_1785 {offsets = [11], sizes = [1], strides = [1]} : vector<16xi32> to vector<1xi32>
        %squeeze3A_2498 = vector.extract %slice3A_2497[0] : i32 from vector<1xi32>
        %dma_start3A_2499 = arith.constant 0 : i32
        %dma_start3A_2500 = arith.constant 0 : i32
        %dma_start3A_2501 = tpu.memref_slice %arg13[%squeeze3A_2498, %dma_start3A_2499, %dma_start3A_2500] : memref<16x16x128xf32, #tpu.memory_space<vmem>> -> memref<1x16x128xf32, #tpu.memory_space<vmem>>
        %dma_start3A_2502 = tpu.memref_squeeze %dma_start3A_2501 : memref<1x16x128xf32, #tpu.memory_space<vmem>> -> memref<16x128xf32, #tpu.memory_space<vmem>>
        %dma_start3A_2503 = arith.constant 0 : i32
        %dma_start3A_2504 = tpu.memref_slice %arg5[%dma_start3A_2503, %multiple_of3A_1912] : memref<32x1000001xf32, #tpu.memory_space<hbm>> -> memref<16x128xf32, #tpu.memory_space<hbm>>
        %dma_start3A_2505 = arith.constant 0 : i32
        %dma_start3A_2506 = arith.constant 0 : i32
        %dma_start3A_2507 = tpu.memref_slice %arg13[%squeeze3A_2498, %dma_start3A_2505, %dma_start3A_2506] : memref<16x16x128xf32, #tpu.memory_space<vmem>> -> memref<1x16x128xf32, #tpu.memory_space<vmem>>
        %dma_start3A_2508 = tpu.memref_squeeze %dma_start3A_2507 : memref<1x16x128xf32, #tpu.memory_space<vmem>> -> memref<16x128xf32, #tpu.memory_space<vmem>>
        %dma_start3A_2509 = arith.constant 0 : i32
        %dma_start3A_2510 = tpu.memref_slice %arg5[%dma_start3A_2509, %multiple_of3A_1912] : memref<32x1000001xf32, #tpu.memory_space<hbm>> -> memref<16x128xf32, #tpu.memory_space<hbm>>
        tpu.enqueue_dma source(%dma_start3A_2510 : memref<16x128xf32, #tpu.memory_space<hbm>>) target(%dma_start3A_2508 : memref<16x128xf32, #tpu.memory_space<vmem>>) target_semaphore(%arg21 : memref<!tpu.dma_semaphore, #tpu.memory_space<semaphore_mem>>)
      } else {
      }
      %slice3A_1921 = vector.extract_strided_slice %and3A_1412 {offsets = [12], sizes = [1], strides = [1]} : vector<16xi32> to vector<1xi32>
      %squeeze3A_1922 = vector.extract %slice3A_1921[0] : i32 from vector<1xi32>
      %multiple_of3A_1923 = tpu.assume_multiple %squeeze3A_1922, 128 : i32
      %slice3A_1924 = vector.extract_strided_slice %select_n3A_1780 {offsets = [12], sizes = [1], strides = [1]} : vector<16xi32> to vector<1xi32>
      %squeeze3A_1925 = vector.extract %slice3A_1924[0] : i32 from vector<1xi32>
      %eq3A_1926 = arith.constant 1 : i32
      %eq3A_1927 = arith.cmpi eq, %squeeze3A_1925, %eq3A_1926 : i32
      %and3A_1928 = arith.andi %eq3A_1927, %lt3A_1788 : i1
      %convert_element_type3A_1929 = arith.extui %and3A_1928 : i1 to i32
      %cond3A_1930 = arith.constant 0 : i32
      %cond3A_1931 = arith.cmpi ne, %convert_element_type3A_1929, %cond3A_1930 : i32
      scf.if %cond3A_1931 {
        %slice3A_2497 = vector.extract_strided_slice %select_n3A_1785 {offsets = [12], sizes = [1], strides = [1]} : vector<16xi32> to vector<1xi32>
        %squeeze3A_2498 = vector.extract %slice3A_2497[0] : i32 from vector<1xi32>
        %dma_start3A_2499 = arith.constant 0 : i32
        %dma_start3A_2500 = arith.constant 0 : i32
        %dma_start3A_2501 = tpu.memref_slice %arg13[%squeeze3A_2498, %dma_start3A_2499, %dma_start3A_2500] : memref<16x16x128xf32, #tpu.memory_space<vmem>> -> memref<1x16x128xf32, #tpu.memory_space<vmem>>
        %dma_start3A_2502 = tpu.memref_squeeze %dma_start3A_2501 : memref<1x16x128xf32, #tpu.memory_space<vmem>> -> memref<16x128xf32, #tpu.memory_space<vmem>>
        %dma_start3A_2503 = arith.constant 0 : i32
        %dma_start3A_2504 = tpu.memref_slice %arg5[%dma_start3A_2503, %multiple_of3A_1923] : memref<32x1000001xf32, #tpu.memory_space<hbm>> -> memref<16x128xf32, #tpu.memory_space<hbm>>
        %dma_start3A_2505 = arith.constant 0 : i32
        %dma_start3A_2506 = arith.constant 0 : i32
        %dma_start3A_2507 = tpu.memref_slice %arg13[%squeeze3A_2498, %dma_start3A_2505, %dma_start3A_2506] : memref<16x16x128xf32, #tpu.memory_space<vmem>> -> memref<1x16x128xf32, #tpu.memory_space<vmem>>
        %dma_start3A_2508 = tpu.memref_squeeze %dma_start3A_2507 : memref<1x16x128xf32, #tpu.memory_space<vmem>> -> memref<16x128xf32, #tpu.memory_space<vmem>>
        %dma_start3A_2509 = arith.constant 0 : i32
        %dma_start3A_2510 = tpu.memref_slice %arg5[%dma_start3A_2509, %multiple_of3A_1923] : memref<32x1000001xf32, #tpu.memory_space<hbm>> -> memref<16x128xf32, #tpu.memory_space<hbm>>
        tpu.enqueue_dma source(%dma_start3A_2510 : memref<16x128xf32, #tpu.memory_space<hbm>>) target(%dma_start3A_2508 : memref<16x128xf32, #tpu.memory_space<vmem>>) target_semaphore(%arg21 : memref<!tpu.dma_semaphore, #tpu.memory_space<semaphore_mem>>)
      } else {
      }
      %slice3A_1932 = vector.extract_strided_slice %and3A_1412 {offsets = [13], sizes = [1], strides = [1]} : vector<16xi32> to vector<1xi32>
      %squeeze3A_1933 = vector.extract %slice3A_1932[0] : i32 from vector<1xi32>
      %multiple_of3A_1934 = tpu.assume_multiple %squeeze3A_1933, 128 : i32
      %slice3A_1935 = vector.extract_strided_slice %select_n3A_1780 {offsets = [13], sizes = [1], strides = [1]} : vector<16xi32> to vector<1xi32>
      %squeeze3A_1936 = vector.extract %slice3A_1935[0] : i32 from vector<1xi32>
      %eq3A_1937 = arith.constant 1 : i32
      %eq3A_1938 = arith.cmpi eq, %squeeze3A_1936, %eq3A_1937 : i32
      %and3A_1939 = arith.andi %eq3A_1938, %lt3A_1788 : i1
      %convert_element_type3A_1940 = arith.extui %and3A_1939 : i1 to i32
      %cond3A_1941 = arith.constant 0 : i32
      %cond3A_1942 = arith.cmpi ne, %convert_element_type3A_1940, %cond3A_1941 : i32
      scf.if %cond3A_1942 {
        %slice3A_2497 = vector.extract_strided_slice %select_n3A_1785 {offsets = [13], sizes = [1], strides = [1]} : vector<16xi32> to vector<1xi32>
        %squeeze3A_2498 = vector.extract %slice3A_2497[0] : i32 from vector<1xi32>
        %dma_start3A_2499 = arith.constant 0 : i32
        %dma_start3A_2500 = arith.constant 0 : i32
        %dma_start3A_2501 = tpu.memref_slice %arg13[%squeeze3A_2498, %dma_start3A_2499, %dma_start3A_2500] : memref<16x16x128xf32, #tpu.memory_space<vmem>> -> memref<1x16x128xf32, #tpu.memory_space<vmem>>
        %dma_start3A_2502 = tpu.memref_squeeze %dma_start3A_2501 : memref<1x16x128xf32, #tpu.memory_space<vmem>> -> memref<16x128xf32, #tpu.memory_space<vmem>>
        %dma_start3A_2503 = arith.constant 0 : i32
        %dma_start3A_2504 = tpu.memref_slice %arg5[%dma_start3A_2503, %multiple_of3A_1934] : memref<32x1000001xf32, #tpu.memory_space<hbm>> -> memref<16x128xf32, #tpu.memory_space<hbm>>
        %dma_start3A_2505 = arith.constant 0 : i32
        %dma_start3A_2506 = arith.constant 0 : i32
        %dma_start3A_2507 = tpu.memref_slice %arg13[%squeeze3A_2498, %dma_start3A_2505, %dma_start3A_2506] : memref<16x16x128xf32, #tpu.memory_space<vmem>> -> memref<1x16x128xf32, #tpu.memory_space<vmem>>
        %dma_start3A_2508 = tpu.memref_squeeze %dma_start3A_2507 : memref<1x16x128xf32, #tpu.memory_space<vmem>> -> memref<16x128xf32, #tpu.memory_space<vmem>>
        %dma_start3A_2509 = arith.constant 0 : i32
        %dma_start3A_2510 = tpu.memref_slice %arg5[%dma_start3A_2509, %multiple_of3A_1934] : memref<32x1000001xf32, #tpu.memory_space<hbm>> -> memref<16x128xf32, #tpu.memory_space<hbm>>
        tpu.enqueue_dma source(%dma_start3A_2510 : memref<16x128xf32, #tpu.memory_space<hbm>>) target(%dma_start3A_2508 : memref<16x128xf32, #tpu.memory_space<vmem>>) target_semaphore(%arg21 : memref<!tpu.dma_semaphore, #tpu.memory_space<semaphore_mem>>)
      } else {
      }
      %slice3A_1943 = vector.extract_strided_slice %and3A_1412 {offsets = [14], sizes = [1], strides = [1]} : vector<16xi32> to vector<1xi32>
      %squeeze3A_1944 = vector.extract %slice3A_1943[0] : i32 from vector<1xi32>
      %multiple_of3A_1945 = tpu.assume_multiple %squeeze3A_1944, 128 : i32
      %slice3A_1946 = vector.extract_strided_slice %select_n3A_1780 {offsets = [14], sizes = [1], strides = [1]} : vector<16xi32> to vector<1xi32>
      %squeeze3A_1947 = vector.extract %slice3A_1946[0] : i32 from vector<1xi32>
      %eq3A_1948 = arith.constant 1 : i32
      %eq3A_1949 = arith.cmpi eq, %squeeze3A_1947, %eq3A_1948 : i32
      %and3A_1950 = arith.andi %eq3A_1949, %lt3A_1788 : i1
      %convert_element_type3A_1951 = arith.extui %and3A_1950 : i1 to i32
      %cond3A_1952 = arith.constant 0 : i32
      %cond3A_1953 = arith.cmpi ne, %convert_element_type3A_1951, %cond3A_1952 : i32
      scf.if %cond3A_1953 {
        %slice3A_2497 = vector.extract_strided_slice %select_n3A_1785 {offsets = [14], sizes = [1], strides = [1]} : vector<16xi32> to vector<1xi32>
        %squeeze3A_2498 = vector.extract %slice3A_2497[0] : i32 from vector<1xi32>
        %dma_start3A_2499 = arith.constant 0 : i32
        %dma_start3A_2500 = arith.constant 0 : i32
        %dma_start3A_2501 = tpu.memref_slice %arg13[%squeeze3A_2498, %dma_start3A_2499, %dma_start3A_2500] : memref<16x16x128xf32, #tpu.memory_space<vmem>> -> memref<1x16x128xf32, #tpu.memory_space<vmem>>
        %dma_start3A_2502 = tpu.memref_squeeze %dma_start3A_2501 : memref<1x16x128xf32, #tpu.memory_space<vmem>> -> memref<16x128xf32, #tpu.memory_space<vmem>>
        %dma_start3A_2503 = arith.constant 0 : i32
        %dma_start3A_2504 = tpu.memref_slice %arg5[%dma_start3A_2503, %multiple_of3A_1945] : memref<32x1000001xf32, #tpu.memory_space<hbm>> -> memref<16x128xf32, #tpu.memory_space<hbm>>
        %dma_start3A_2505 = arith.constant 0 : i32
        %dma_start3A_2506 = arith.constant 0 : i32
        %dma_start3A_2507 = tpu.memref_slice %arg13[%squeeze3A_2498, %dma_start3A_2505, %dma_start3A_2506] : memref<16x16x128xf32, #tpu.memory_space<vmem>> -> memref<1x16x128xf32, #tpu.memory_space<vmem>>
        %dma_start3A_2508 = tpu.memref_squeeze %dma_start3A_2507 : memref<1x16x128xf32, #tpu.memory_space<vmem>> -> memref<16x128xf32, #tpu.memory_space<vmem>>
        %dma_start3A_2509 = arith.constant 0 : i32
        %dma_start3A_2510 = tpu.memref_slice %arg5[%dma_start3A_2509, %multiple_of3A_1945] : memref<32x1000001xf32, #tpu.memory_space<hbm>> -> memref<16x128xf32, #tpu.memory_space<hbm>>
        tpu.enqueue_dma source(%dma_start3A_2510 : memref<16x128xf32, #tpu.memory_space<hbm>>) target(%dma_start3A_2508 : memref<16x128xf32, #tpu.memory_space<vmem>>) target_semaphore(%arg21 : memref<!tpu.dma_semaphore, #tpu.memory_space<semaphore_mem>>)
      } else {
      }
      %slice3A_1954 = vector.extract_strided_slice %and3A_1412 {offsets = [15], sizes = [1], strides = [1]} : vector<16xi32> to vector<1xi32>
      %squeeze3A_1955 = vector.extract %slice3A_1954[0] : i32 from vector<1xi32>
      %multiple_of3A_1956 = tpu.assume_multiple %squeeze3A_1955, 128 : i32
      %slice3A_1957 = vector.extract_strided_slice %select_n3A_1780 {offsets = [15], sizes = [1], strides = [1]} : vector<16xi32> to vector<1xi32>
      %squeeze3A_1958 = vector.extract %slice3A_1957[0] : i32 from vector<1xi32>
      %eq3A_1959 = arith.constant 1 : i32
      %eq3A_1960 = arith.cmpi eq, %squeeze3A_1958, %eq3A_1959 : i32
      %and3A_1961 = arith.andi %eq3A_1960, %lt3A_1788 : i1
      %convert_element_type3A_1962 = arith.extui %and3A_1961 : i1 to i32
      %cond3A_1963 = arith.constant 0 : i32
      %cond3A_1964 = arith.cmpi ne, %convert_element_type3A_1962, %cond3A_1963 : i32
      scf.if %cond3A_1964 {
        %slice3A_2497 = vector.extract_strided_slice %select_n3A_1785 {offsets = [15], sizes = [1], strides = [1]} : vector<16xi32> to vector<1xi32>
        %squeeze3A_2498 = vector.extract %slice3A_2497[0] : i32 from vector<1xi32>
        %dma_start3A_2499 = arith.constant 0 : i32
        %dma_start3A_2500 = arith.constant 0 : i32
        %dma_start3A_2501 = tpu.memref_slice %arg13[%squeeze3A_2498, %dma_start3A_2499, %dma_start3A_2500] : memref<16x16x128xf32, #tpu.memory_space<vmem>> -> memref<1x16x128xf32, #tpu.memory_space<vmem>>
        %dma_start3A_2502 = tpu.memref_squeeze %dma_start3A_2501 : memref<1x16x128xf32, #tpu.memory_space<vmem>> -> memref<16x128xf32, #tpu.memory_space<vmem>>
        %dma_start3A_2503 = arith.constant 0 : i32
        %dma_start3A_2504 = tpu.memref_slice %arg5[%dma_start3A_2503, %multiple_of3A_1956] : memref<32x1000001xf32, #tpu.memory_space<hbm>> -> memref<16x128xf32, #tpu.memory_space<hbm>>
        %dma_start3A_2505 = arith.constant 0 : i32
        %dma_start3A_2506 = arith.constant 0 : i32
        %dma_start3A_2507 = tpu.memref_slice %arg13[%squeeze3A_2498, %dma_start3A_2505, %dma_start3A_2506] : memref<16x16x128xf32, #tpu.memory_space<vmem>> -> memref<1x16x128xf32, #tpu.memory_space<vmem>>
        %dma_start3A_2508 = tpu.memref_squeeze %dma_start3A_2507 : memref<1x16x128xf32, #tpu.memory_space<vmem>> -> memref<16x128xf32, #tpu.memory_space<vmem>>
        %dma_start3A_2509 = arith.constant 0 : i32
        %dma_start3A_2510 = tpu.memref_slice %arg5[%dma_start3A_2509, %multiple_of3A_1956] : memref<32x1000001xf32, #tpu.memory_space<hbm>> -> memref<16x128xf32, #tpu.memory_space<hbm>>
        tpu.enqueue_dma source(%dma_start3A_2510 : memref<16x128xf32, #tpu.memory_space<hbm>>) target(%dma_start3A_2508 : memref<16x128xf32, #tpu.memory_space<vmem>>) target_semaphore(%arg21 : memref<!tpu.dma_semaphore, #tpu.memory_space<semaphore_mem>>)
      } else {
      }
      %dma_wait3A = arith.constant 0 : i32
      %dma_wait3A_1965 = arith.constant 0 : i32
      %dma_wait3A_1966 = arith.constant 0 : i32
      %dma_wait3A_1967 = tpu.memref_slice %arg14[%dma_wait3A, %dma_wait3A_1965, %dma_wait3A_1966] : memref<16x32x128xf32, #tpu.memory_space<vmem>> -> memref<1x32x128xf32, #tpu.memory_space<vmem>>
      %dma_wait3A_1968 = tpu.memref_squeeze %dma_wait3A_1967 : memref<1x32x128xf32, #tpu.memory_space<vmem>> -> memref<32x128xf32, #tpu.memory_space<vmem>>
      %dma_wait3A_1969 = arith.constant 0 : i32
      %dma_wait3A_1970 = arith.constant 0 : i32
      %dma_wait3A_1971 = tpu.memref_slice %arg6[%dma_wait3A_1969, %dma_wait3A_1970] : memref<32x1000001xf32, #tpu.memory_space<hbm>> -> memref<32x128xf32, #tpu.memory_space<hbm>>
      %dma_wait3A_1972 = arith.constant 0 : i32
      %dma_wait3A_1973 = arith.constant 0 : i32
      %dma_wait3A_1974 = tpu.memref_slice %arg14[%dma_wait3A, %dma_wait3A_1972, %dma_wait3A_1973] : memref<16x32x128xf32, #tpu.memory_space<vmem>> -> memref<1x32x128xf32, #tpu.memory_space<vmem>>
      %dma_wait3A_1975 = tpu.memref_squeeze %dma_wait3A_1974 : memref<1x32x128xf32, #tpu.memory_space<vmem>> -> memref<32x128xf32, #tpu.memory_space<vmem>>
      %dma_wait3A_1976 = arith.constant 0 : i32
      %dma_wait3A_1977 = arith.constant 0 : i32
      %dma_wait3A_1978 = tpu.memref_slice %arg6[%dma_wait3A_1976, %dma_wait3A_1977] : memref<32x1000001xf32, #tpu.memory_space<hbm>> -> memref<32x128xf32, #tpu.memory_space<hbm>>
      tpu.wait_dma2 semaphore(%arg22 : memref<!tpu.dma_semaphore, #tpu.memory_space<semaphore_mem>>) src(%dma_wait3A_1978 : memref<32x128xf32, #tpu.memory_space<hbm>>) dst(%dma_wait3A_1975 : memref<32x128xf32, #tpu.memory_space<vmem>>)
      %dma_wait3A_1979 = arith.constant 1 : i32
      %dma_wait3A_1980 = arith.constant 0 : i32
      %dma_wait3A_1981 = arith.constant 0 : i32
      %dma_wait3A_1982 = tpu.memref_slice %arg14[%dma_wait3A_1979, %dma_wait3A_1980, %dma_wait3A_1981] : memref<16x32x128xf32, #tpu.memory_space<vmem>> -> memref<1x32x128xf32, #tpu.memory_space<vmem>>
      %dma_wait3A_1983 = tpu.memref_squeeze %dma_wait3A_1982 : memref<1x32x128xf32, #tpu.memory_space<vmem>> -> memref<32x128xf32, #tpu.memory_space<vmem>>
      %dma_wait3A_1984 = arith.constant 0 : i32
      %dma_wait3A_1985 = arith.constant 0 : i32
      %dma_wait3A_1986 = tpu.memref_slice %arg6[%dma_wait3A_1984, %dma_wait3A_1985] : memref<32x1000001xf32, #tpu.memory_space<hbm>> -> memref<32x128xf32, #tpu.memory_space<hbm>>
      %dma_wait3A_1987 = arith.constant 0 : i32
      %dma_wait3A_1988 = arith.constant 0 : i32
      %dma_wait3A_1989 = tpu.memref_slice %arg14[%dma_wait3A_1979, %dma_wait3A_1987, %dma_wait3A_1988] : memref<16x32x128xf32, #tpu.memory_space<vmem>> -> memref<1x32x128xf32, #tpu.memory_space<vmem>>
      %dma_wait3A_1990 = tpu.memref_squeeze %dma_wait3A_1989 : memref<1x32x128xf32, #tpu.memory_space<vmem>> -> memref<32x128xf32, #tpu.memory_space<vmem>>
      %dma_wait3A_1991 = arith.constant 0 : i32
      %dma_wait3A_1992 = arith.constant 0 : i32
      %dma_wait3A_1993 = tpu.memref_slice %arg6[%dma_wait3A_1991, %dma_wait3A_1992] : memref<32x1000001xf32, #tpu.memory_space<hbm>> -> memref<32x128xf32, #tpu.memory_space<hbm>>
      tpu.wait_dma2 semaphore(%arg22 : memref<!tpu.dma_semaphore, #tpu.memory_space<semaphore_mem>>) src(%dma_wait3A_1993 : memref<32x128xf32, #tpu.memory_space<hbm>>) dst(%dma_wait3A_1990 : memref<32x128xf32, #tpu.memory_space<vmem>>)
      %dma_wait3A_1994 = arith.constant 2 : i32
      %dma_wait3A_1995 = arith.constant 0 : i32
      %dma_wait3A_1996 = arith.constant 0 : i32
      %dma_wait3A_1997 = tpu.memref_slice %arg14[%dma_wait3A_1994, %dma_wait3A_1995, %dma_wait3A_1996] : memref<16x32x128xf32, #tpu.memory_space<vmem>> -> memref<1x32x128xf32, #tpu.memory_space<vmem>>
      %dma_wait3A_1998 = tpu.memref_squeeze %dma_wait3A_1997 : memref<1x32x128xf32, #tpu.memory_space<vmem>> -> memref<32x128xf32, #tpu.memory_space<vmem>>
      %dma_wait3A_1999 = arith.constant 0 : i32
      %dma_wait3A_2000 = arith.constant 0 : i32
      %dma_wait3A_2001 = tpu.memref_slice %arg6[%dma_wait3A_1999, %dma_wait3A_2000] : memref<32x1000001xf32, #tpu.memory_space<hbm>> -> memref<32x128xf32, #tpu.memory_space<hbm>>
      %dma_wait3A_2002 = arith.constant 0 : i32
      %dma_wait3A_2003 = arith.constant 0 : i32
      %dma_wait3A_2004 = tpu.memref_slice %arg14[%dma_wait3A_1994, %dma_wait3A_2002, %dma_wait3A_2003] : memref<16x32x128xf32, #tpu.memory_space<vmem>> -> memref<1x32x128xf32, #tpu.memory_space<vmem>>
      %dma_wait3A_2005 = tpu.memref_squeeze %dma_wait3A_2004 : memref<1x32x128xf32, #tpu.memory_space<vmem>> -> memref<32x128xf32, #tpu.memory_space<vmem>>
      %dma_wait3A_2006 = arith.constant 0 : i32
      %dma_wait3A_2007 = arith.constant 0 : i32
      %dma_wait3A_2008 = tpu.memref_slice %arg6[%dma_wait3A_2006, %dma_wait3A_2007] : memref<32x1000001xf32, #tpu.memory_space<hbm>> -> memref<32x128xf32, #tpu.memory_space<hbm>>
      tpu.wait_dma2 semaphore(%arg22 : memref<!tpu.dma_semaphore, #tpu.memory_space<semaphore_mem>>) src(%dma_wait3A_2008 : memref<32x128xf32, #tpu.memory_space<hbm>>) dst(%dma_wait3A_2005 : memref<32x128xf32, #tpu.memory_space<vmem>>)
      %dma_wait3A_2009 = arith.constant 3 : i32
      %dma_wait3A_2010 = arith.constant 0 : i32
      %dma_wait3A_2011 = arith.constant 0 : i32
      %dma_wait3A_2012 = tpu.memref_slice %arg14[%dma_wait3A_2009, %dma_wait3A_2010, %dma_wait3A_2011] : memref<16x32x128xf32, #tpu.memory_space<vmem>> -> memref<1x32x128xf32, #tpu.memory_space<vmem>>
      %dma_wait3A_2013 = tpu.memref_squeeze %dma_wait3A_2012 : memref<1x32x128xf32, #tpu.memory_space<vmem>> -> memref<32x128xf32, #tpu.memory_space<vmem>>
      %dma_wait3A_2014 = arith.constant 0 : i32
      %dma_wait3A_2015 = arith.constant 0 : i32
      %dma_wait3A_2016 = tpu.memref_slice %arg6[%dma_wait3A_2014, %dma_wait3A_2015] : memref<32x1000001xf32, #tpu.memory_space<hbm>> -> memref<32x128xf32, #tpu.memory_space<hbm>>
      %dma_wait3A_2017 = arith.constant 0 : i32
      %dma_wait3A_2018 = arith.constant 0 : i32
      %dma_wait3A_2019 = tpu.memref_slice %arg14[%dma_wait3A_2009, %dma_wait3A_2017, %dma_wait3A_2018] : memref<16x32x128xf32, #tpu.memory_space<vmem>> -> memref<1x32x128xf32, #tpu.memory_space<vmem>>
      %dma_wait3A_2020 = tpu.memref_squeeze %dma_wait3A_2019 : memref<1x32x128xf32, #tpu.memory_space<vmem>> -> memref<32x128xf32, #tpu.memory_space<vmem>>
      %dma_wait3A_2021 = arith.constant 0 : i32
      %dma_wait3A_2022 = arith.constant 0 : i32
      %dma_wait3A_2023 = tpu.memref_slice %arg6[%dma_wait3A_2021, %dma_wait3A_2022] : memref<32x1000001xf32, #tpu.memory_space<hbm>> -> memref<32x128xf32, #tpu.memory_space<hbm>>
      tpu.wait_dma2 semaphore(%arg22 : memref<!tpu.dma_semaphore, #tpu.memory_space<semaphore_mem>>) src(%dma_wait3A_2023 : memref<32x128xf32, #tpu.memory_space<hbm>>) dst(%dma_wait3A_2020 : memref<32x128xf32, #tpu.memory_space<vmem>>)
      %dma_wait3A_2024 = arith.constant 4 : i32
      %dma_wait3A_2025 = arith.constant 0 : i32
      %dma_wait3A_2026 = arith.constant 0 : i32
      %dma_wait3A_2027 = tpu.memref_slice %arg14[%dma_wait3A_2024, %dma_wait3A_2025, %dma_wait3A_2026] : memref<16x32x128xf32, #tpu.memory_space<vmem>> -> memref<1x32x128xf32, #tpu.memory_space<vmem>>
      %dma_wait3A_2028 = tpu.memref_squeeze %dma_wait3A_2027 : memref<1x32x128xf32, #tpu.memory_space<vmem>> -> memref<32x128xf32, #tpu.memory_space<vmem>>
      %dma_wait3A_2029 = arith.constant 0 : i32
      %dma_wait3A_2030 = arith.constant 0 : i32
      %dma_wait3A_2031 = tpu.memref_slice %arg6[%dma_wait3A_2029, %dma_wait3A_2030] : memref<32x1000001xf32, #tpu.memory_space<hbm>> -> memref<32x128xf32, #tpu.memory_space<hbm>>
      %dma_wait3A_2032 = arith.constant 0 : i32
      %dma_wait3A_2033 = arith.constant 0 : i32
      %dma_wait3A_2034 = tpu.memref_slice %arg14[%dma_wait3A_2024, %dma_wait3A_2032, %dma_wait3A_2033] : memref<16x32x128xf32, #tpu.memory_space<vmem>> -> memref<1x32x128xf32, #tpu.memory_space<vmem>>
      %dma_wait3A_2035 = tpu.memref_squeeze %dma_wait3A_2034 : memref<1x32x128xf32, #tpu.memory_space<vmem>> -> memref<32x128xf32, #tpu.memory_space<vmem>>
      %dma_wait3A_2036 = arith.constant 0 : i32
      %dma_wait3A_2037 = arith.constant 0 : i32
      %dma_wait3A_2038 = tpu.memref_slice %arg6[%dma_wait3A_2036, %dma_wait3A_2037] : memref<32x1000001xf32, #tpu.memory_space<hbm>> -> memref<32x128xf32, #tpu.memory_space<hbm>>
      tpu.wait_dma2 semaphore(%arg22 : memref<!tpu.dma_semaphore, #tpu.memory_space<semaphore_mem>>) src(%dma_wait3A_2038 : memref<32x128xf32, #tpu.memory_space<hbm>>) dst(%dma_wait3A_2035 : memref<32x128xf32, #tpu.memory_space<vmem>>)
      %dma_wait3A_2039 = arith.constant 5 : i32
      %dma_wait3A_2040 = arith.constant 0 : i32
      %dma_wait3A_2041 = arith.constant 0 : i32
      %dma_wait3A_2042 = tpu.memref_slice %arg14[%dma_wait3A_2039, %dma_wait3A_2040, %dma_wait3A_2041] : memref<16x32x128xf32, #tpu.memory_space<vmem>> -> memref<1x32x128xf32, #tpu.memory_space<vmem>>
      %dma_wait3A_2043 = tpu.memref_squeeze %dma_wait3A_2042 : memref<1x32x128xf32, #tpu.memory_space<vmem>> -> memref<32x128xf32, #tpu.memory_space<vmem>>
      %dma_wait3A_2044 = arith.constant 0 : i32
      %dma_wait3A_2045 = arith.constant 0 : i32
      %dma_wait3A_2046 = tpu.memref_slice %arg6[%dma_wait3A_2044, %dma_wait3A_2045] : memref<32x1000001xf32, #tpu.memory_space<hbm>> -> memref<32x128xf32, #tpu.memory_space<hbm>>
      %dma_wait3A_2047 = arith.constant 0 : i32
      %dma_wait3A_2048 = arith.constant 0 : i32
      %dma_wait3A_2049 = tpu.memref_slice %arg14[%dma_wait3A_2039, %dma_wait3A_2047, %dma_wait3A_2048] : memref<16x32x128xf32, #tpu.memory_space<vmem>> -> memref<1x32x128xf32, #tpu.memory_space<vmem>>
      %dma_wait3A_2050 = tpu.memref_squeeze %dma_wait3A_2049 : memref<1x32x128xf32, #tpu.memory_space<vmem>> -> memref<32x128xf32, #tpu.memory_space<vmem>>
      %dma_wait3A_2051 = arith.constant 0 : i32
      %dma_wait3A_2052 = arith.constant 0 : i32
      %dma_wait3A_2053 = tpu.memref_slice %arg6[%dma_wait3A_2051, %dma_wait3A_2052] : memref<32x1000001xf32, #tpu.memory_space<hbm>> -> memref<32x128xf32, #tpu.memory_space<hbm>>
      tpu.wait_dma2 semaphore(%arg22 : memref<!tpu.dma_semaphore, #tpu.memory_space<semaphore_mem>>) src(%dma_wait3A_2053 : memref<32x128xf32, #tpu.memory_space<hbm>>) dst(%dma_wait3A_2050 : memref<32x128xf32, #tpu.memory_space<vmem>>)
      %dma_wait3A_2054 = arith.constant 6 : i32
      %dma_wait3A_2055 = arith.constant 0 : i32
      %dma_wait3A_2056 = arith.constant 0 : i32
      %dma_wait3A_2057 = tpu.memref_slice %arg14[%dma_wait3A_2054, %dma_wait3A_2055, %dma_wait3A_2056] : memref<16x32x128xf32, #tpu.memory_space<vmem>> -> memref<1x32x128xf32, #tpu.memory_space<vmem>>
      %dma_wait3A_2058 = tpu.memref_squeeze %dma_wait3A_2057 : memref<1x32x128xf32, #tpu.memory_space<vmem>> -> memref<32x128xf32, #tpu.memory_space<vmem>>
      %dma_wait3A_2059 = arith.constant 0 : i32
      %dma_wait3A_2060 = arith.constant 0 : i32
      %dma_wait3A_2061 = tpu.memref_slice %arg6[%dma_wait3A_2059, %dma_wait3A_2060] : memref<32x1000001xf32, #tpu.memory_space<hbm>> -> memref<32x128xf32, #tpu.memory_space<hbm>>
      %dma_wait3A_2062 = arith.constant 0 : i32
      %dma_wait3A_2063 = arith.constant 0 : i32
      %dma_wait3A_2064 = tpu.memref_slice %arg14[%dma_wait3A_2054, %dma_wait3A_2062, %dma_wait3A_2063] : memref<16x32x128xf32, #tpu.memory_space<vmem>> -> memref<1x32x128xf32, #tpu.memory_space<vmem>>
      %dma_wait3A_2065 = tpu.memref_squeeze %dma_wait3A_2064 : memref<1x32x128xf32, #tpu.memory_space<vmem>> -> memref<32x128xf32, #tpu.memory_space<vmem>>
      %dma_wait3A_2066 = arith.constant 0 : i32
      %dma_wait3A_2067 = arith.constant 0 : i32
      %dma_wait3A_2068 = tpu.memref_slice %arg6[%dma_wait3A_2066, %dma_wait3A_2067] : memref<32x1000001xf32, #tpu.memory_space<hbm>> -> memref<32x128xf32, #tpu.memory_space<hbm>>
      tpu.wait_dma2 semaphore(%arg22 : memref<!tpu.dma_semaphore, #tpu.memory_space<semaphore_mem>>) src(%dma_wait3A_2068 : memref<32x128xf32, #tpu.memory_space<hbm>>) dst(%dma_wait3A_2065 : memref<32x128xf32, #tpu.memory_space<vmem>>)
      %dma_wait3A_2069 = arith.constant 7 : i32
      %dma_wait3A_2070 = arith.constant 0 : i32
      %dma_wait3A_2071 = arith.constant 0 : i32
      %dma_wait3A_2072 = tpu.memref_slice %arg14[%dma_wait3A_2069, %dma_wait3A_2070, %dma_wait3A_2071] : memref<16x32x128xf32, #tpu.memory_space<vmem>> -> memref<1x32x128xf32, #tpu.memory_space<vmem>>
      %dma_wait3A_2073 = tpu.memref_squeeze %dma_wait3A_2072 : memref<1x32x128xf32, #tpu.memory_space<vmem>> -> memref<32x128xf32, #tpu.memory_space<vmem>>
      %dma_wait3A_2074 = arith.constant 0 : i32
      %dma_wait3A_2075 = arith.constant 0 : i32
      %dma_wait3A_2076 = tpu.memref_slice %arg6[%dma_wait3A_2074, %dma_wait3A_2075] : memref<32x1000001xf32, #tpu.memory_space<hbm>> -> memref<32x128xf32, #tpu.memory_space<hbm>>
      %dma_wait3A_2077 = arith.constant 0 : i32
      %dma_wait3A_2078 = arith.constant 0 : i32
      %dma_wait3A_2079 = tpu.memref_slice %arg14[%dma_wait3A_2069, %dma_wait3A_2077, %dma_wait3A_2078] : memref<16x32x128xf32, #tpu.memory_space<vmem>> -> memref<1x32x128xf32, #tpu.memory_space<vmem>>
      %dma_wait3A_2080 = tpu.memref_squeeze %dma_wait3A_2079 : memref<1x32x128xf32, #tpu.memory_space<vmem>> -> memref<32x128xf32, #tpu.memory_space<vmem>>
      %dma_wait3A_2081 = arith.constant 0 : i32
      %dma_wait3A_2082 = arith.constant 0 : i32
      %dma_wait3A_2083 = tpu.memref_slice %arg6[%dma_wait3A_2081, %dma_wait3A_2082] : memref<32x1000001xf32, #tpu.memory_space<hbm>> -> memref<32x128xf32, #tpu.memory_space<hbm>>
      tpu.wait_dma2 semaphore(%arg22 : memref<!tpu.dma_semaphore, #tpu.memory_space<semaphore_mem>>) src(%dma_wait3A_2083 : memref<32x128xf32, #tpu.memory_space<hbm>>) dst(%dma_wait3A_2080 : memref<32x128xf32, #tpu.memory_space<vmem>>)
      %dma_wait3A_2084 = arith.constant 8 : i32
      %dma_wait3A_2085 = arith.constant 0 : i32
      %dma_wait3A_2086 = arith.constant 0 : i32
      %dma_wait3A_2087 = tpu.memref_slice %arg14[%dma_wait3A_2084, %dma_wait3A_2085, %dma_wait3A_2086] : memref<16x32x128xf32, #tpu.memory_space<vmem>> -> memref<1x32x128xf32, #tpu.memory_space<vmem>>
      %dma_wait3A_2088 = tpu.memref_squeeze %dma_wait3A_2087 : memref<1x32x128xf32, #tpu.memory_space<vmem>> -> memref<32x128xf32, #tpu.memory_space<vmem>>
      %dma_wait3A_2089 = arith.constant 0 : i32
      %dma_wait3A_2090 = arith.constant 0 : i32
      %dma_wait3A_2091 = tpu.memref_slice %arg6[%dma_wait3A_2089, %dma_wait3A_2090] : memref<32x1000001xf32, #tpu.memory_space<hbm>> -> memref<32x128xf32, #tpu.memory_space<hbm>>
      %dma_wait3A_2092 = arith.constant 0 : i32
      %dma_wait3A_2093 = arith.constant 0 : i32
      %dma_wait3A_2094 = tpu.memref_slice %arg14[%dma_wait3A_2084, %dma_wait3A_2092, %dma_wait3A_2093] : memref<16x32x128xf32, #tpu.memory_space<vmem>> -> memref<1x32x128xf32, #tpu.memory_space<vmem>>
      %dma_wait3A_2095 = tpu.memref_squeeze %dma_wait3A_2094 : memref<1x32x128xf32, #tpu.memory_space<vmem>> -> memref<32x128xf32, #tpu.memory_space<vmem>>
      %dma_wait3A_2096 = arith.constant 0 : i32
      %dma_wait3A_2097 = arith.constant 0 : i32
      %dma_wait3A_2098 = tpu.memref_slice %arg6[%dma_wait3A_2096, %dma_wait3A_2097] : memref<32x1000001xf32, #tpu.memory_space<hbm>> -> memref<32x128xf32, #tpu.memory_space<hbm>>
      tpu.wait_dma2 semaphore(%arg22 : memref<!tpu.dma_semaphore, #tpu.memory_space<semaphore_mem>>) src(%dma_wait3A_2098 : memref<32x128xf32, #tpu.memory_space<hbm>>) dst(%dma_wait3A_2095 : memref<32x128xf32, #tpu.memory_space<vmem>>)
      %dma_wait3A_2099 = arith.constant 9 : i32
      %dma_wait3A_2100 = arith.constant 0 : i32
      %dma_wait3A_2101 = arith.constant 0 : i32
      %dma_wait3A_2102 = tpu.memref_slice %arg14[%dma_wait3A_2099, %dma_wait3A_2100, %dma_wait3A_2101] : memref<16x32x128xf32, #tpu.memory_space<vmem>> -> memref<1x32x128xf32, #tpu.memory_space<vmem>>
      %dma_wait3A_2103 = tpu.memref_squeeze %dma_wait3A_2102 : memref<1x32x128xf32, #tpu.memory_space<vmem>> -> memref<32x128xf32, #tpu.memory_space<vmem>>
      %dma_wait3A_2104 = arith.constant 0 : i32
      %dma_wait3A_2105 = arith.constant 0 : i32
      %dma_wait3A_2106 = tpu.memref_slice %arg6[%dma_wait3A_2104, %dma_wait3A_2105] : memref<32x1000001xf32, #tpu.memory_space<hbm>> -> memref<32x128xf32, #tpu.memory_space<hbm>>
      %dma_wait3A_2107 = arith.constant 0 : i32
      %dma_wait3A_2108 = arith.constant 0 : i32
      %dma_wait3A_2109 = tpu.memref_slice %arg14[%dma_wait3A_2099, %dma_wait3A_2107, %dma_wait3A_2108] : memref<16x32x128xf32, #tpu.memory_space<vmem>> -> memref<1x32x128xf32, #tpu.memory_space<vmem>>
      %dma_wait3A_2110 = tpu.memref_squeeze %dma_wait3A_2109 : memref<1x32x128xf32, #tpu.memory_space<vmem>> -> memref<32x128xf32, #tpu.memory_space<vmem>>
      %dma_wait3A_2111 = arith.constant 0 : i32
      %dma_wait3A_2112 = arith.constant 0 : i32
      %dma_wait3A_2113 = tpu.memref_slice %arg6[%dma_wait3A_2111, %dma_wait3A_2112] : memref<32x1000001xf32, #tpu.memory_space<hbm>> -> memref<32x128xf32, #tpu.memory_space<hbm>>
      tpu.wait_dma2 semaphore(%arg22 : memref<!tpu.dma_semaphore, #tpu.memory_space<semaphore_mem>>) src(%dma_wait3A_2113 : memref<32x128xf32, #tpu.memory_space<hbm>>) dst(%dma_wait3A_2110 : memref<32x128xf32, #tpu.memory_space<vmem>>)
      %dma_wait3A_2114 = arith.constant 10 : i32
      %dma_wait3A_2115 = arith.constant 0 : i32
      %dma_wait3A_2116 = arith.constant 0 : i32
      %dma_wait3A_2117 = tpu.memref_slice %arg14[%dma_wait3A_2114, %dma_wait3A_2115, %dma_wait3A_2116] : memref<16x32x128xf32, #tpu.memory_space<vmem>> -> memref<1x32x128xf32, #tpu.memory_space<vmem>>
      %dma_wait3A_2118 = tpu.memref_squeeze %dma_wait3A_2117 : memref<1x32x128xf32, #tpu.memory_space<vmem>> -> memref<32x128xf32, #tpu.memory_space<vmem>>
      %dma_wait3A_2119 = arith.constant 0 : i32
      %dma_wait3A_2120 = arith.constant 0 : i32
      %dma_wait3A_2121 = tpu.memref_slice %arg6[%dma_wait3A_2119, %dma_wait3A_2120] : memref<32x1000001xf32, #tpu.memory_space<hbm>> -> memref<32x128xf32, #tpu.memory_space<hbm>>
      %dma_wait3A_2122 = arith.constant 0 : i32
      %dma_wait3A_2123 = arith.constant 0 : i32
      %dma_wait3A_2124 = tpu.memref_slice %arg14[%dma_wait3A_2114, %dma_wait3A_2122, %dma_wait3A_2123] : memref<16x32x128xf32, #tpu.memory_space<vmem>> -> memref<1x32x128xf32, #tpu.memory_space<vmem>>
      %dma_wait3A_2125 = tpu.memref_squeeze %dma_wait3A_2124 : memref<1x32x128xf32, #tpu.memory_space<vmem>> -> memref<32x128xf32, #tpu.memory_space<vmem>>
      %dma_wait3A_2126 = arith.constant 0 : i32
      %dma_wait3A_2127 = arith.constant 0 : i32
      %dma_wait3A_2128 = tpu.memref_slice %arg6[%dma_wait3A_2126, %dma_wait3A_2127] : memref<32x1000001xf32, #tpu.memory_space<hbm>> -> memref<32x128xf32, #tpu.memory_space<hbm>>
      tpu.wait_dma2 semaphore(%arg22 : memref<!tpu.dma_semaphore, #tpu.memory_space<semaphore_mem>>) src(%dma_wait3A_2128 : memref<32x128xf32, #tpu.memory_space<hbm>>) dst(%dma_wait3A_2125 : memref<32x128xf32, #tpu.memory_space<vmem>>)
      %dma_wait3A_2129 = arith.constant 11 : i32
      %dma_wait3A_2130 = arith.constant 0 : i32
      %dma_wait3A_2131 = arith.constant 0 : i32
      %dma_wait3A_2132 = tpu.memref_slice %arg14[%dma_wait3A_2129, %dma_wait3A_2130, %dma_wait3A_2131] : memref<16x32x128xf32, #tpu.memory_space<vmem>> -> memref<1x32x128xf32, #tpu.memory_space<vmem>>
      %dma_wait3A_2133 = tpu.memref_squeeze %dma_wait3A_2132 : memref<1x32x128xf32, #tpu.memory_space<vmem>> -> memref<32x128xf32, #tpu.memory_space<vmem>>
      %dma_wait3A_2134 = arith.constant 0 : i32
      %dma_wait3A_2135 = arith.constant 0 : i32
      %dma_wait3A_2136 = tpu.memref_slice %arg6[%dma_wait3A_2134, %dma_wait3A_2135] : memref<32x1000001xf32, #tpu.memory_space<hbm>> -> memref<32x128xf32, #tpu.memory_space<hbm>>
      %dma_wait3A_2137 = arith.constant 0 : i32
      %dma_wait3A_2138 = arith.constant 0 : i32
      %dma_wait3A_2139 = tpu.memref_slice %arg14[%dma_wait3A_2129, %dma_wait3A_2137, %dma_wait3A_2138] : memref<16x32x128xf32, #tpu.memory_space<vmem>> -> memref<1x32x128xf32, #tpu.memory_space<vmem>>
      %dma_wait3A_2140 = tpu.memref_squeeze %dma_wait3A_2139 : memref<1x32x128xf32, #tpu.memory_space<vmem>> -> memref<32x128xf32, #tpu.memory_space<vmem>>
      %dma_wait3A_2141 = arith.constant 0 : i32
      %dma_wait3A_2142 = arith.constant 0 : i32
      %dma_wait3A_2143 = tpu.memref_slice %arg6[%dma_wait3A_2141, %dma_wait3A_2142] : memref<32x1000001xf32, #tpu.memory_space<hbm>> -> memref<32x128xf32, #tpu.memory_space<hbm>>
      tpu.wait_dma2 semaphore(%arg22 : memref<!tpu.dma_semaphore, #tpu.memory_space<semaphore_mem>>) src(%dma_wait3A_2143 : memref<32x128xf32, #tpu.memory_space<hbm>>) dst(%dma_wait3A_2140 : memref<32x128xf32, #tpu.memory_space<vmem>>)
      %dma_wait3A_2144 = arith.constant 12 : i32
      %dma_wait3A_2145 = arith.constant 0 : i32
      %dma_wait3A_2146 = arith.constant 0 : i32
      %dma_wait3A_2147 = tpu.memref_slice %arg14[%dma_wait3A_2144, %dma_wait3A_2145, %dma_wait3A_2146] : memref<16x32x128xf32, #tpu.memory_space<vmem>> -> memref<1x32x128xf32, #tpu.memory_space<vmem>>
      %dma_wait3A_2148 = tpu.memref_squeeze %dma_wait3A_2147 : memref<1x32x128xf32, #tpu.memory_space<vmem>> -> memref<32x128xf32, #tpu.memory_space<vmem>>
      %dma_wait3A_2149 = arith.constant 0 : i32
      %dma_wait3A_2150 = arith.constant 0 : i32
      %dma_wait3A_2151 = tpu.memref_slice %arg6[%dma_wait3A_2149, %dma_wait3A_2150] : memref<32x1000001xf32, #tpu.memory_space<hbm>> -> memref<32x128xf32, #tpu.memory_space<hbm>>
      %dma_wait3A_2152 = arith.constant 0 : i32
      %dma_wait3A_2153 = arith.constant 0 : i32
      %dma_wait3A_2154 = tpu.memref_slice %arg14[%dma_wait3A_2144, %dma_wait3A_2152, %dma_wait3A_2153] : memref<16x32x128xf32, #tpu.memory_space<vmem>> -> memref<1x32x128xf32, #tpu.memory_space<vmem>>
      %dma_wait3A_2155 = tpu.memref_squeeze %dma_wait3A_2154 : memref<1x32x128xf32, #tpu.memory_space<vmem>> -> memref<32x128xf32, #tpu.memory_space<vmem>>
      %dma_wait3A_2156 = arith.constant 0 : i32
      %dma_wait3A_2157 = arith.constant 0 : i32
      %dma_wait3A_2158 = tpu.memref_slice %arg6[%dma_wait3A_2156, %dma_wait3A_2157] : memref<32x1000001xf32, #tpu.memory_space<hbm>> -> memref<32x128xf32, #tpu.memory_space<hbm>>
      tpu.wait_dma2 semaphore(%arg22 : memref<!tpu.dma_semaphore, #tpu.memory_space<semaphore_mem>>) src(%dma_wait3A_2158 : memref<32x128xf32, #tpu.memory_space<hbm>>) dst(%dma_wait3A_2155 : memref<32x128xf32, #tpu.memory_space<vmem>>)
      %dma_wait3A_2159 = arith.constant 13 : i32
      %dma_wait3A_2160 = arith.constant 0 : i32
      %dma_wait3A_2161 = arith.constant 0 : i32
      %dma_wait3A_2162 = tpu.memref_slice %arg14[%dma_wait3A_2159, %dma_wait3A_2160, %dma_wait3A_2161] : memref<16x32x128xf32, #tpu.memory_space<vmem>> -> memref<1x32x128xf32, #tpu.memory_space<vmem>>
      %dma_wait3A_2163 = tpu.memref_squeeze %dma_wait3A_2162 : memref<1x32x128xf32, #tpu.memory_space<vmem>> -> memref<32x128xf32, #tpu.memory_space<vmem>>
      %dma_wait3A_2164 = arith.constant 0 : i32
      %dma_wait3A_2165 = arith.constant 0 : i32
      %dma_wait3A_2166 = tpu.memref_slice %arg6[%dma_wait3A_2164, %dma_wait3A_2165] : memref<32x1000001xf32, #tpu.memory_space<hbm>> -> memref<32x128xf32, #tpu.memory_space<hbm>>
      %dma_wait3A_2167 = arith.constant 0 : i32
      %dma_wait3A_2168 = arith.constant 0 : i32
      %dma_wait3A_2169 = tpu.memref_slice %arg14[%dma_wait3A_2159, %dma_wait3A_2167, %dma_wait3A_2168] : memref<16x32x128xf32, #tpu.memory_space<vmem>> -> memref<1x32x128xf32, #tpu.memory_space<vmem>>
      %dma_wait3A_2170 = tpu.memref_squeeze %dma_wait3A_2169 : memref<1x32x128xf32, #tpu.memory_space<vmem>> -> memref<32x128xf32, #tpu.memory_space<vmem>>
      %dma_wait3A_2171 = arith.constant 0 : i32
      %dma_wait3A_2172 = arith.constant 0 : i32
      %dma_wait3A_2173 = tpu.memref_slice %arg6[%dma_wait3A_2171, %dma_wait3A_2172] : memref<32x1000001xf32, #tpu.memory_space<hbm>> -> memref<32x128xf32, #tpu.memory_space<hbm>>
      tpu.wait_dma2 semaphore(%arg22 : memref<!tpu.dma_semaphore, #tpu.memory_space<semaphore_mem>>) src(%dma_wait3A_2173 : memref<32x128xf32, #tpu.memory_space<hbm>>) dst(%dma_wait3A_2170 : memref<32x128xf32, #tpu.memory_space<vmem>>)
      %dma_wait3A_2174 = arith.constant 14 : i32
      %dma_wait3A_2175 = arith.constant 0 : i32
      %dma_wait3A_2176 = arith.constant 0 : i32
      %dma_wait3A_2177 = tpu.memref_slice %arg14[%dma_wait3A_2174, %dma_wait3A_2175, %dma_wait3A_2176] : memref<16x32x128xf32, #tpu.memory_space<vmem>> -> memref<1x32x128xf32, #tpu.memory_space<vmem>>
      %dma_wait3A_2178 = tpu.memref_squeeze %dma_wait3A_2177 : memref<1x32x128xf32, #tpu.memory_space<vmem>> -> memref<32x128xf32, #tpu.memory_space<vmem>>
      %dma_wait3A_2179 = arith.constant 0 : i32
      %dma_wait3A_2180 = arith.constant 0 : i32
      %dma_wait3A_2181 = tpu.memref_slice %arg6[%dma_wait3A_2179, %dma_wait3A_2180] : memref<32x1000001xf32, #tpu.memory_space<hbm>> -> memref<32x128xf32, #tpu.memory_space<hbm>>
      %dma_wait3A_2182 = arith.constant 0 : i32
      %dma_wait3A_2183 = arith.constant 0 : i32
      %dma_wait3A_2184 = tpu.memref_slice %arg14[%dma_wait3A_2174, %dma_wait3A_2182, %dma_wait3A_2183] : memref<16x32x128xf32, #tpu.memory_space<vmem>> -> memref<1x32x128xf32, #tpu.memory_space<vmem>>
      %dma_wait3A_2185 = tpu.memref_squeeze %dma_wait3A_2184 : memref<1x32x128xf32, #tpu.memory_space<vmem>> -> memref<32x128xf32, #tpu.memory_space<vmem>>
      %dma_wait3A_2186 = arith.constant 0 : i32
      %dma_wait3A_2187 = arith.constant 0 : i32
      %dma_wait3A_2188 = tpu.memref_slice %arg6[%dma_wait3A_2186, %dma_wait3A_2187] : memref<32x1000001xf32, #tpu.memory_space<hbm>> -> memref<32x128xf32, #tpu.memory_space<hbm>>
      tpu.wait_dma2 semaphore(%arg22 : memref<!tpu.dma_semaphore, #tpu.memory_space<semaphore_mem>>) src(%dma_wait3A_2188 : memref<32x128xf32, #tpu.memory_space<hbm>>) dst(%dma_wait3A_2185 : memref<32x128xf32, #tpu.memory_space<vmem>>)
      %dma_wait3A_2189 = arith.constant 15 : i32
      %dma_wait3A_2190 = arith.constant 0 : i32
      %dma_wait3A_2191 = arith.constant 0 : i32
      %dma_wait3A_2192 = tpu.memref_slice %arg14[%dma_wait3A_2189, %dma_wait3A_2190, %dma_wait3A_2191] : memref<16x32x128xf32, #tpu.memory_space<vmem>> -> memref<1x32x128xf32, #tpu.memory_space<vmem>>
      %dma_wait3A_2193 = tpu.memref_squeeze %dma_wait3A_2192 : memref<1x32x128xf32, #tpu.memory_space<vmem>> -> memref<32x128xf32, #tpu.memory_space<vmem>>
      %dma_wait3A_2194 = arith.constant 0 : i32
      %dma_wait3A_2195 = arith.constant 0 : i32
      %dma_wait3A_2196 = tpu.memref_slice %arg6[%dma_wait3A_2194, %dma_wait3A_2195] : memref<32x1000001xf32, #tpu.memory_space<hbm>> -> memref<32x128xf32, #tpu.memory_space<hbm>>
      %dma_wait3A_2197 = arith.constant 0 : i32
      %dma_wait3A_2198 = arith.constant 0 : i32
      %dma_wait3A_2199 = tpu.memref_slice %arg14[%dma_wait3A_2189, %dma_wait3A_2197, %dma_wait3A_2198] : memref<16x32x128xf32, #tpu.memory_space<vmem>> -> memref<1x32x128xf32, #tpu.memory_space<vmem>>
      %dma_wait3A_2200 = tpu.memref_squeeze %dma_wait3A_2199 : memref<1x32x128xf32, #tpu.memory_space<vmem>> -> memref<32x128xf32, #tpu.memory_space<vmem>>
      %dma_wait3A_2201 = arith.constant 0 : i32
      %dma_wait3A_2202 = arith.constant 0 : i32
      %dma_wait3A_2203 = tpu.memref_slice %arg6[%dma_wait3A_2201, %dma_wait3A_2202] : memref<32x1000001xf32, #tpu.memory_space<hbm>> -> memref<32x128xf32, #tpu.memory_space<hbm>>
      tpu.wait_dma2 semaphore(%arg22 : memref<!tpu.dma_semaphore, #tpu.memory_space<semaphore_mem>>) src(%dma_wait3A_2203 : memref<32x128xf32, #tpu.memory_space<hbm>>) dst(%dma_wait3A_2200 : memref<32x128xf32, #tpu.memory_space<vmem>>)
      %and3A_2204 = arith.constant 127 : i32
      %and3A_2205 = vector.broadcast %and3A_2204 : i32 to vector<16xi32>
      %and3A_2206 = arith.andi %get3A_599, %and3A_2205 : vector<16xi32>
      %broadcast_in_dim3A_2207 = arith.constant 0 : i32
      %broadcast_in_dim3A_2208 = vector.broadcast %broadcast_in_dim3A_2207 : i32 to vector<16xi32>
      %get3A_2209 = arith.constant 0 : i32
      %get3A_2210 = arith.index_cast %get3A_2209 : i32 to index
      %get3A_2211 = arith.constant 0 : index
      %get3A_2212 = tpu.vector_load %arg15[%get3A_2210, %get3A_2211] {strides = array<i32>} : memref<32x16xf32, #tpu.memory_space<vmem>>, vector<16xf32>,
      %gather3A_2213 = tpu.vector_load_idx %arg14[%iota3A, %broadcast_in_dim3A_2208, %and3A_2206] : memref<16x32x128xf32, #tpu.memory_space<vmem>>[vector<16xi32>, vector<16xi32>, vector<16xi32>], vector<16xf32>,
      %mul3A_2214 = arith.mulf %get3A_2212, %gather3A_2213 : vector<16xf32>
      %add3A_2215 = arith.addf %get3A_14, %mul3A_2214 : vector<16xf32>
      %broadcast_in_dim3A_2216 = arith.constant 1 : i32
      %broadcast_in_dim3A_2217 = vector.broadcast %broadcast_in_dim3A_2216 : i32 to vector<16xi32>
      %get3A_2218 = arith.constant 1 : i32
      %get3A_2219 = arith.index_cast %get3A_2218 : i32 to index
      %get3A_2220 = arith.constant 0 : index
      %get3A_2221 = tpu.vector_load %arg15[%get3A_2219, %get3A_2220] {strides = array<i32>} : memref<32x16xf32, #tpu.memory_space<vmem>>, vector<16xf32>,
      %gather3A_2222 = tpu.vector_load_idx %arg14[%iota3A, %broadcast_in_dim3A_2217, %and3A_2206] : memref<16x32x128xf32, #tpu.memory_space<vmem>>[vector<16xi32>, vector<16xi32>, vector<16xi32>], vector<16xf32>,
      %mul3A_2223 = arith.mulf %get3A_2221, %gather3A_2222 : vector<16xf32>
      %add3A_2224 = arith.addf %add3A_2215, %mul3A_2223 : vector<16xf32>
      %broadcast_in_dim3A_2225 = arith.constant 2 : i32
      %broadcast_in_dim3A_2226 = vector.broadcast %broadcast_in_dim3A_2225 : i32 to vector<16xi32>
      %get3A_2227 = arith.constant 2 : i32
      %get3A_2228 = arith.index_cast %get3A_2227 : i32 to index
      %get3A_2229 = arith.constant 0 : index
      %get3A_2230 = tpu.vector_load %arg15[%get3A_2228, %get3A_2229] {strides = array<i32>} : memref<32x16xf32, #tpu.memory_space<vmem>>, vector<16xf32>,
      %gather3A_2231 = tpu.vector_load_idx %arg14[%iota3A, %broadcast_in_dim3A_2226, %and3A_2206] : memref<16x32x128xf32, #tpu.memory_space<vmem>>[vector<16xi32>, vector<16xi32>, vector<16xi32>], vector<16xf32>,
      %mul3A_2232 = arith.mulf %get3A_2230, %gather3A_2231 : vector<16xf32>
      %add3A_2233 = arith.addf %add3A_2224, %mul3A_2232 : vector<16xf32>
      %broadcast_in_dim3A_2234 = arith.constant 3 : i32
      %broadcast_in_dim3A_2235 = vector.broadcast %broadcast_in_dim3A_2234 : i32 to vector<16xi32>
      %get3A_2236 = arith.constant 3 : i32
      %get3A_2237 = arith.index_cast %get3A_2236 : i32 to index
      %get3A_2238 = arith.constant 0 : index
      %get3A_2239 = tpu.vector_load %arg15[%get3A_2237, %get3A_2238] {strides = array<i32>} : memref<32x16xf32, #tpu.memory_space<vmem>>, vector<16xf32>,
      %gather3A_2240 = tpu.vector_load_idx %arg14[%iota3A, %broadcast_in_dim3A_2235, %and3A_2206] : memref<16x32x128xf32, #tpu.memory_space<vmem>>[vector<16xi32>, vector<16xi32>, vector<16xi32>], vector<16xf32>,
      %mul3A_2241 = arith.mulf %get3A_2239, %gather3A_2240 : vector<16xf32>
      %add3A_2242 = arith.addf %add3A_2233, %mul3A_2241 : vector<16xf32>
      %broadcast_in_dim3A_2243 = arith.constant 4 : i32
      %broadcast_in_dim3A_2244 = vector.broadcast %broadcast_in_dim3A_2243 : i32 to vector<16xi32>
      %get3A_2245 = arith.constant 4 : i32
      %get3A_2246 = arith.index_cast %get3A_2245 : i32 to index
      %get3A_2247 = arith.constant 0 : index
      %get3A_2248 = tpu.vector_load %arg15[%get3A_2246, %get3A_2247] {strides = array<i32>} : memref<32x16xf32, #tpu.memory_space<vmem>>, vector<16xf32>,
      %gather3A_2249 = tpu.vector_load_idx %arg14[%iota3A, %broadcast_in_dim3A_2244, %and3A_2206] : memref<16x32x128xf32, #tpu.memory_space<vmem>>[vector<16xi32>, vector<16xi32>, vector<16xi32>], vector<16xf32>,
      %mul3A_2250 = arith.mulf %get3A_2248, %gather3A_2249 : vector<16xf32>
      %add3A_2251 = arith.addf %add3A_2242, %mul3A_2250 : vector<16xf32>
      %broadcast_in_dim3A_2252 = arith.constant 5 : i32
      %broadcast_in_dim3A_2253 = vector.broadcast %broadcast_in_dim3A_2252 : i32 to vector<16xi32>
      %get3A_2254 = arith.constant 5 : i32
      %get3A_2255 = arith.index_cast %get3A_2254 : i32 to index
      %get3A_2256 = arith.constant 0 : index
      %get3A_2257 = tpu.vector_load %arg15[%get3A_2255, %get3A_2256] {strides = array<i32>} : memref<32x16xf32, #tpu.memory_space<vmem>>, vector<16xf32>,
      %gather3A_2258 = tpu.vector_load_idx %arg14[%iota3A, %broadcast_in_dim3A_2253, %and3A_2206] : memref<16x32x128xf32, #tpu.memory_space<vmem>>[vector<16xi32>, vector<16xi32>, vector<16xi32>], vector<16xf32>,
      %mul3A_2259 = arith.mulf %get3A_2257, %gather3A_2258 : vector<16xf32>
      %add3A_2260 = arith.addf %add3A_2251, %mul3A_2259 : vector<16xf32>
      %broadcast_in_dim3A_2261 = arith.constant 6 : i32
      %broadcast_in_dim3A_2262 = vector.broadcast %broadcast_in_dim3A_2261 : i32 to vector<16xi32>
      %get3A_2263 = arith.constant 6 : i32
      %get3A_2264 = arith.index_cast %get3A_2263 : i32 to index
      %get3A_2265 = arith.constant 0 : index
      %get3A_2266 = tpu.vector_load %arg15[%get3A_2264, %get3A_2265] {strides = array<i32>} : memref<32x16xf32, #tpu.memory_space<vmem>>, vector<16xf32>,
      %gather3A_2267 = tpu.vector_load_idx %arg14[%iota3A, %broadcast_in_dim3A_2262, %and3A_2206] : memref<16x32x128xf32, #tpu.memory_space<vmem>>[vector<16xi32>, vector<16xi32>, vector<16xi32>], vector<16xf32>,
      %mul3A_2268 = arith.mulf %get3A_2266, %gather3A_2267 : vector<16xf32>
      %add3A_2269 = arith.addf %add3A_2260, %mul3A_2268 : vector<16xf32>
      %broadcast_in_dim3A_2270 = arith.constant 7 : i32
      %broadcast_in_dim3A_2271 = vector.broadcast %broadcast_in_dim3A_2270 : i32 to vector<16xi32>
      %get3A_2272 = arith.constant 7 : i32
      %get3A_2273 = arith.index_cast %get3A_2272 : i32 to index
      %get3A_2274 = arith.constant 0 : index
      %get3A_2275 = tpu.vector_load %arg15[%get3A_2273, %get3A_2274] {strides = array<i32>} : memref<32x16xf32, #tpu.memory_space<vmem>>, vector<16xf32>,
      %gather3A_2276 = tpu.vector_load_idx %arg14[%iota3A, %broadcast_in_dim3A_2271, %and3A_2206] : memref<16x32x128xf32, #tpu.memory_space<vmem>>[vector<16xi32>, vector<16xi32>, vector<16xi32>], vector<16xf32>,
      %mul3A_2277 = arith.mulf %get3A_2275, %gather3A_2276 : vector<16xf32>
      %add3A_2278 = arith.addf %add3A_2269, %mul3A_2277 : vector<16xf32>
      %broadcast_in_dim3A_2279 = arith.constant 8 : i32
      %broadcast_in_dim3A_2280 = vector.broadcast %broadcast_in_dim3A_2279 : i32 to vector<16xi32>
      %get3A_2281 = arith.constant 8 : i32
      %get3A_2282 = arith.index_cast %get3A_2281 : i32 to index
      %get3A_2283 = arith.constant 0 : index
      %get3A_2284 = tpu.vector_load %arg15[%get3A_2282, %get3A_2283] {strides = array<i32>} : memref<32x16xf32, #tpu.memory_space<vmem>>, vector<16xf32>,
      %gather3A_2285 = tpu.vector_load_idx %arg14[%iota3A, %broadcast_in_dim3A_2280, %and3A_2206] : memref<16x32x128xf32, #tpu.memory_space<vmem>>[vector<16xi32>, vector<16xi32>, vector<16xi32>], vector<16xf32>,
      %mul3A_2286 = arith.mulf %get3A_2284, %gather3A_2285 : vector<16xf32>
      %add3A_2287 = arith.addf %add3A_2278, %mul3A_2286 : vector<16xf32>
      %broadcast_in_dim3A_2288 = arith.constant 9 : i32
      %broadcast_in_dim3A_2289 = vector.broadcast %broadcast_in_dim3A_2288 : i32 to vector<16xi32>
      %get3A_2290 = arith.constant 9 : i32
      %get3A_2291 = arith.index_cast %get3A_2290 : i32 to index
      %get3A_2292 = arith.constant 0 : index
      %get3A_2293 = tpu.vector_load %arg15[%get3A_2291, %get3A_2292] {strides = array<i32>} : memref<32x16xf32, #tpu.memory_space<vmem>>, vector<16xf32>,
      %gather3A_2294 = tpu.vector_load_idx %arg14[%iota3A, %broadcast_in_dim3A_2289, %and3A_2206] : memref<16x32x128xf32, #tpu.memory_space<vmem>>[vector<16xi32>, vector<16xi32>, vector<16xi32>], vector<16xf32>,
      %mul3A_2295 = arith.mulf %get3A_2293, %gather3A_2294 : vector<16xf32>
      %add3A_2296 = arith.addf %add3A_2287, %mul3A_2295 : vector<16xf32>
      %broadcast_in_dim3A_2297 = arith.constant 10 : i32
      %broadcast_in_dim3A_2298 = vector.broadcast %broadcast_in_dim3A_2297 : i32 to vector<16xi32>
      %get3A_2299 = arith.constant 10 : i32
      %get3A_2300 = arith.index_cast %get3A_2299 : i32 to index
      %get3A_2301 = arith.constant 0 : index
      %get3A_2302 = tpu.vector_load %arg15[%get3A_2300, %get3A_2301] {strides = array<i32>} : memref<32x16xf32, #tpu.memory_space<vmem>>, vector<16xf32>,
      %gather3A_2303 = tpu.vector_load_idx %arg14[%iota3A, %broadcast_in_dim3A_2298, %and3A_2206] : memref<16x32x128xf32, #tpu.memory_space<vmem>>[vector<16xi32>, vector<16xi32>, vector<16xi32>], vector<16xf32>,
      %mul3A_2304 = arith.mulf %get3A_2302, %gather3A_2303 : vector<16xf32>
      %add3A_2305 = arith.addf %add3A_2296, %mul3A_2304 : vector<16xf32>
      %broadcast_in_dim3A_2306 = arith.constant 11 : i32
      %broadcast_in_dim3A_2307 = vector.broadcast %broadcast_in_dim3A_2306 : i32 to vector<16xi32>
      %get3A_2308 = arith.constant 11 : i32
      %get3A_2309 = arith.index_cast %get3A_2308 : i32 to index
      %get3A_2310 = arith.constant 0 : index
      %get3A_2311 = tpu.vector_load %arg15[%get3A_2309, %get3A_2310] {strides = array<i32>} : memref<32x16xf32, #tpu.memory_space<vmem>>, vector<16xf32>,
      %gather3A_2312 = tpu.vector_load_idx %arg14[%iota3A, %broadcast_in_dim3A_2307, %and3A_2206] : memref<16x32x128xf32, #tpu.memory_space<vmem>>[vector<16xi32>, vector<16xi32>, vector<16xi32>], vector<16xf32>,
      %mul3A_2313 = arith.mulf %get3A_2311, %gather3A_2312 : vector<16xf32>
      %add3A_2314 = arith.addf %add3A_2305, %mul3A_2313 : vector<16xf32>
      %broadcast_in_dim3A_2315 = arith.constant 12 : i32
      %broadcast_in_dim3A_2316 = vector.broadcast %broadcast_in_dim3A_2315 : i32 to vector<16xi32>
      %get3A_2317 = arith.constant 12 : i32
      %get3A_2318 = arith.index_cast %get3A_2317 : i32 to index
      %get3A_2319 = arith.constant 0 : index
      %get3A_2320 = tpu.vector_load %arg15[%get3A_2318, %get3A_2319] {strides = array<i32>} : memref<32x16xf32, #tpu.memory_space<vmem>>, vector<16xf32>,
      %gather3A_2321 = tpu.vector_load_idx %arg14[%iota3A, %broadcast_in_dim3A_2316, %and3A_2206] : memref<16x32x128xf32, #tpu.memory_space<vmem>>[vector<16xi32>, vector<16xi32>, vector<16xi32>], vector<16xf32>,
      %mul3A_2322 = arith.mulf %get3A_2320, %gather3A_2321 : vector<16xf32>
      %add3A_2323 = arith.addf %add3A_2314, %mul3A_2322 : vector<16xf32>
      %broadcast_in_dim3A_2324 = arith.constant 13 : i32
      %broadcast_in_dim3A_2325 = vector.broadcast %broadcast_in_dim3A_2324 : i32 to vector<16xi32>
      %get3A_2326 = arith.constant 13 : i32
      %get3A_2327 = arith.index_cast %get3A_2326 : i32 to index
      %get3A_2328 = arith.constant 0 : index
      %get3A_2329 = tpu.vector_load %arg15[%get3A_2327, %get3A_2328] {strides = array<i32>} : memref<32x16xf32, #tpu.memory_space<vmem>>, vector<16xf32>,
      %gather3A_2330 = tpu.vector_load_idx %arg14[%iota3A, %broadcast_in_dim3A_2325, %and3A_2206] : memref<16x32x128xf32, #tpu.memory_space<vmem>>[vector<16xi32>, vector<16xi32>, vector<16xi32>], vector<16xf32>,
      %mul3A_2331 = arith.mulf %get3A_2329, %gather3A_2330 : vector<16xf32>
      %add3A_2332 = arith.addf %add3A_2323, %mul3A_2331 : vector<16xf32>
      %broadcast_in_dim3A_2333 = arith.constant 14 : i32
      %broadcast_in_dim3A_2334 = vector.broadcast %broadcast_in_dim3A_2333 : i32 to vector<16xi32>
      %get3A_2335 = arith.constant 14 : i32
      %get3A_2336 = arith.index_cast %get3A_2335 : i32 to index
      %get3A_2337 = arith.constant 0 : index
      %get3A_2338 = tpu.vector_load %arg15[%get3A_2336, %get3A_2337] {strides = array<i32>} : memref<32x16xf32, #tpu.memory_space<vmem>>, vector<16xf32>,
      %gather3A_2339 = tpu.vector_load_idx %arg14[%iota3A, %broadcast_in_dim3A_2334, %and3A_2206] : memref<16x32x128xf32, #tpu.memory_space<vmem>>[vector<16xi32>, vector<16xi32>, vector<16xi32>], vector<16xf32>,
      %mul3A_2340 = arith.mulf %get3A_2338, %gather3A_2339 : vector<16xf32>
      %add3A_2341 = arith.addf %add3A_2332, %mul3A_2340 : vector<16xf32>
      %broadcast_in_dim3A_2342 = arith.constant 15 : i32
      %broadcast_in_dim3A_2343 = vector.broadcast %broadcast_in_dim3A_2342 : i32 to vector<16xi32>
      %get3A_2344 = arith.constant 15 : i32
      %get3A_2345 = arith.index_cast %get3A_2344 : i32 to index
      %get3A_2346 = arith.constant 0 : index
      %get3A_2347 = tpu.vector_load %arg15[%get3A_2345, %get3A_2346] {strides = array<i32>} : memref<32x16xf32, #tpu.memory_space<vmem>>, vector<16xf32>,
      %gather3A_2348 = tpu.vector_load_idx %arg14[%iota3A, %broadcast_in_dim3A_2343, %and3A_2206] : memref<16x32x128xf32, #tpu.memory_space<vmem>>[vector<16xi32>, vector<16xi32>, vector<16xi32>], vector<16xf32>,
      %mul3A_2349 = arith.mulf %get3A_2347, %gather3A_2348 : vector<16xf32>
      %add3A_2350 = arith.addf %add3A_2341, %mul3A_2349 : vector<16xf32>
      %broadcast_in_dim3A_2351 = arith.constant 16 : i32
      %broadcast_in_dim3A_2352 = vector.broadcast %broadcast_in_dim3A_2351 : i32 to vector<16xi32>
      %get3A_2353 = arith.constant 16 : i32
      %get3A_2354 = arith.index_cast %get3A_2353 : i32 to index
      %get3A_2355 = arith.constant 0 : index
      %get3A_2356 = tpu.vector_load %arg15[%get3A_2354, %get3A_2355] {strides = array<i32>} : memref<32x16xf32, #tpu.memory_space<vmem>>, vector<16xf32>,
      %gather3A_2357 = tpu.vector_load_idx %arg14[%iota3A, %broadcast_in_dim3A_2352, %and3A_2206] : memref<16x32x128xf32, #tpu.memory_space<vmem>>[vector<16xi32>, vector<16xi32>, vector<16xi32>], vector<16xf32>,
      %mul3A_2358 = arith.mulf %get3A_2356, %gather3A_2357 : vector<16xf32>
      %add3A_2359 = arith.addf %add3A_2350, %mul3A_2358 : vector<16xf32>
      %broadcast_in_dim3A_2360 = arith.constant 17 : i32
      %broadcast_in_dim3A_2361 = vector.broadcast %broadcast_in_dim3A_2360 : i32 to vector<16xi32>
      %get3A_2362 = arith.constant 17 : i32
      %get3A_2363 = arith.index_cast %get3A_2362 : i32 to index
      %get3A_2364 = arith.constant 0 : index
      %get3A_2365 = tpu.vector_load %arg15[%get3A_2363, %get3A_2364] {strides = array<i32>} : memref<32x16xf32, #tpu.memory_space<vmem>>, vector<16xf32>,
      %gather3A_2366 = tpu.vector_load_idx %arg14[%iota3A, %broadcast_in_dim3A_2361, %and3A_2206] : memref<16x32x128xf32, #tpu.memory_space<vmem>>[vector<16xi32>, vector<16xi32>, vector<16xi32>], vector<16xf32>,
      %mul3A_2367 = arith.mulf %get3A_2365, %gather3A_2366 : vector<16xf32>
      %add3A_2368 = arith.addf %add3A_2359, %mul3A_2367 : vector<16xf32>
      %broadcast_in_dim3A_2369 = arith.constant 18 : i32
      %broadcast_in_dim3A_2370 = vector.broadcast %broadcast_in_dim3A_2369 : i32 to vector<16xi32>
      %get3A_2371 = arith.constant 18 : i32
      %get3A_2372 = arith.index_cast %get3A_2371 : i32 to index
      %get3A_2373 = arith.constant 0 : index
      %get3A_2374 = tpu.vector_load %arg15[%get3A_2372, %get3A_2373] {strides = array<i32>} : memref<32x16xf32, #tpu.memory_space<vmem>>, vector<16xf32>,
      %gather3A_2375 = tpu.vector_load_idx %arg14[%iota3A, %broadcast_in_dim3A_2370, %and3A_2206] : memref<16x32x128xf32, #tpu.memory_space<vmem>>[vector<16xi32>, vector<16xi32>, vector<16xi32>], vector<16xf32>,
      %mul3A_2376 = arith.mulf %get3A_2374, %gather3A_2375 : vector<16xf32>
      %add3A_2377 = arith.addf %add3A_2368, %mul3A_2376 : vector<16xf32>
      %broadcast_in_dim3A_2378 = arith.constant 19 : i32
      %broadcast_in_dim3A_2379 = vector.broadcast %broadcast_in_dim3A_2378 : i32 to vector<16xi32>
      %get3A_2380 = arith.constant 19 : i32
      %get3A_2381 = arith.index_cast %get3A_2380 : i32 to index
      %get3A_2382 = arith.constant 0 : index
      %get3A_2383 = tpu.vector_load %arg15[%get3A_2381, %get3A_2382] {strides = array<i32>} : memref<32x16xf32, #tpu.memory_space<vmem>>, vector<16xf32>,
      %gather3A_2384 = tpu.vector_load_idx %arg14[%iota3A, %broadcast_in_dim3A_2379, %and3A_2206] : memref<16x32x128xf32, #tpu.memory_space<vmem>>[vector<16xi32>, vector<16xi32>, vector<16xi32>], vector<16xf32>,
      %mul3A_2385 = arith.mulf %get3A_2383, %gather3A_2384 : vector<16xf32>
      %add3A_2386 = arith.addf %add3A_2377, %mul3A_2385 : vector<16xf32>
      %broadcast_in_dim3A_2387 = arith.constant 20 : i32
      %broadcast_in_dim3A_2388 = vector.broadcast %broadcast_in_dim3A_2387 : i32 to vector<16xi32>
      %get3A_2389 = arith.constant 20 : i32
      %get3A_2390 = arith.index_cast %get3A_2389 : i32 to index
      %get3A_2391 = arith.constant 0 : index
      %get3A_2392 = tpu.vector_load %arg15[%get3A_2390, %get3A_2391] {strides = array<i32>} : memref<32x16xf32, #tpu.memory_space<vmem>>, vector<16xf32>,
      %gather3A_2393 = tpu.vector_load_idx %arg14[%iota3A, %broadcast_in_dim3A_2388, %and3A_2206] : memref<16x32x128xf32, #tpu.memory_space<vmem>>[vector<16xi32>, vector<16xi32>, vector<16xi32>], vector<16xf32>,
      %mul3A_2394 = arith.mulf %get3A_2392, %gather3A_2393 : vector<16xf32>
      %add3A_2395 = arith.addf %add3A_2386, %mul3A_2394 : vector<16xf32>
      %broadcast_in_dim3A_2396 = arith.constant 21 : i32
      %broadcast_in_dim3A_2397 = vector.broadcast %broadcast_in_dim3A_2396 : i32 to vector<16xi32>
      %get3A_2398 = arith.constant 21 : i32
      %get3A_2399 = arith.index_cast %get3A_2398 : i32 to index
      %get3A_2400 = arith.constant 0 : index
      %get3A_2401 = tpu.vector_load %arg15[%get3A_2399, %get3A_2400] {strides = array<i32>} : memref<32x16xf32, #tpu.memory_space<vmem>>, vector<16xf32>,
      %gather3A_2402 = tpu.vector_load_idx %arg14[%iota3A, %broadcast_in_dim3A_2397, %and3A_2206] : memref<16x32x128xf32, #tpu.memory_space<vmem>>[vector<16xi32>, vector<16xi32>, vector<16xi32>], vector<16xf32>,
      %mul3A_2403 = arith.mulf %get3A_2401, %gather3A_2402 : vector<16xf32>
      %add3A_2404 = arith.addf %add3A_2395, %mul3A_2403 : vector<16xf32>
      %broadcast_in_dim3A_2405 = arith.constant 22 : i32
      %broadcast_in_dim3A_2406 = vector.broadcast %broadcast_in_dim3A_2405 : i32 to vector<16xi32>
      %get3A_2407 = arith.constant 22 : i32
      %get3A_2408 = arith.index_cast %get3A_2407 : i32 to index
      %get3A_2409 = arith.constant 0 : index
      %get3A_2410 = tpu.vector_load %arg15[%get3A_2408, %get3A_2409] {strides = array<i32>} : memref<32x16xf32, #tpu.memory_space<vmem>>, vector<16xf32>,
      %gather3A_2411 = tpu.vector_load_idx %arg14[%iota3A, %broadcast_in_dim3A_2406, %and3A_2206] : memref<16x32x128xf32, #tpu.memory_space<vmem>>[vector<16xi32>, vector<16xi32>, vector<16xi32>], vector<16xf32>,
      %mul3A_2412 = arith.mulf %get3A_2410, %gather3A_2411 : vector<16xf32>
      %add3A_2413 = arith.addf %add3A_2404, %mul3A_2412 : vector<16xf32>
      %broadcast_in_dim3A_2414 = arith.constant 23 : i32
      %broadcast_in_dim3A_2415 = vector.broadcast %broadcast_in_dim3A_2414 : i32 to vector<16xi32>
      %get3A_2416 = arith.constant 23 : i32
      %get3A_2417 = arith.index_cast %get3A_2416 : i32 to index
      %get3A_2418 = arith.constant 0 : index
      %get3A_2419 = tpu.vector_load %arg15[%get3A_2417, %get3A_2418] {strides = array<i32>} : memref<32x16xf32, #tpu.memory_space<vmem>>, vector<16xf32>,
      %gather3A_2420 = tpu.vector_load_idx %arg14[%iota3A, %broadcast_in_dim3A_2415, %and3A_2206] : memref<16x32x128xf32, #tpu.memory_space<vmem>>[vector<16xi32>, vector<16xi32>, vector<16xi32>], vector<16xf32>,
      %mul3A_2421 = arith.mulf %get3A_2419, %gather3A_2420 : vector<16xf32>
      %add3A_2422 = arith.addf %add3A_2413, %mul3A_2421 : vector<16xf32>
      %broadcast_in_dim3A_2423 = arith.constant 24 : i32
      %broadcast_in_dim3A_2424 = vector.broadcast %broadcast_in_dim3A_2423 : i32 to vector<16xi32>
      %get3A_2425 = arith.constant 24 : i32
      %get3A_2426 = arith.index_cast %get3A_2425 : i32 to index
      %get3A_2427 = arith.constant 0 : index
      %get3A_2428 = tpu.vector_load %arg15[%get3A_2426, %get3A_2427] {strides = array<i32>} : memref<32x16xf32, #tpu.memory_space<vmem>>, vector<16xf32>,
      %gather3A_2429 = tpu.vector_load_idx %arg14[%iota3A, %broadcast_in_dim3A_2424, %and3A_2206] : memref<16x32x128xf32, #tpu.memory_space<vmem>>[vector<16xi32>, vector<16xi32>, vector<16xi32>], vector<16xf32>,
      %mul3A_2430 = arith.mulf %get3A_2428, %gather3A_2429 : vector<16xf32>
      %add3A_2431 = arith.addf %add3A_2422, %mul3A_2430 : vector<16xf32>
      %broadcast_in_dim3A_2432 = arith.constant 25 : i32
      %broadcast_in_dim3A_2433 = vector.broadcast %broadcast_in_dim3A_2432 : i32 to vector<16xi32>
      %get3A_2434 = arith.constant 25 : i32
      %get3A_2435 = arith.index_cast %get3A_2434 : i32 to index
      %get3A_2436 = arith.constant 0 : index
      %get3A_2437 = tpu.vector_load %arg15[%get3A_2435, %get3A_2436] {strides = array<i32>} : memref<32x16xf32, #tpu.memory_space<vmem>>, vector<16xf32>,
      %gather3A_2438 = tpu.vector_load_idx %arg14[%iota3A, %broadcast_in_dim3A_2433, %and3A_2206] : memref<16x32x128xf32, #tpu.memory_space<vmem>>[vector<16xi32>, vector<16xi32>, vector<16xi32>], vector<16xf32>,
      %mul3A_2439 = arith.mulf %get3A_2437, %gather3A_2438 : vector<16xf32>
      %add3A_2440 = arith.addf %add3A_2431, %mul3A_2439 : vector<16xf32>
      %broadcast_in_dim3A_2441 = arith.constant 26 : i32
      %broadcast_in_dim3A_2442 = vector.broadcast %broadcast_in_dim3A_2441 : i32 to vector<16xi32>
      %get3A_2443 = arith.constant 26 : i32
      %get3A_2444 = arith.index_cast %get3A_2443 : i32 to index
      %get3A_2445 = arith.constant 0 : index
      %get3A_2446 = tpu.vector_load %arg15[%get3A_2444, %get3A_2445] {strides = array<i32>} : memref<32x16xf32, #tpu.memory_space<vmem>>, vector<16xf32>,
      %gather3A_2447 = tpu.vector_load_idx %arg14[%iota3A, %broadcast_in_dim3A_2442, %and3A_2206] : memref<16x32x128xf32, #tpu.memory_space<vmem>>[vector<16xi32>, vector<16xi32>, vector<16xi32>], vector<16xf32>,
      %mul3A_2448 = arith.mulf %get3A_2446, %gather3A_2447 : vector<16xf32>
      %add3A_2449 = arith.addf %add3A_2440, %mul3A_2448 : vector<16xf32>
      %broadcast_in_dim3A_2450 = arith.constant 27 : i32
      %broadcast_in_dim3A_2451 = vector.broadcast %broadcast_in_dim3A_2450 : i32 to vector<16xi32>
      %get3A_2452 = arith.constant 27 : i32
      %get3A_2453 = arith.index_cast %get3A_2452 : i32 to index
      %get3A_2454 = arith.constant 0 : index
      %get3A_2455 = tpu.vector_load %arg15[%get3A_2453, %get3A_2454] {strides = array<i32>} : memref<32x16xf32, #tpu.memory_space<vmem>>, vector<16xf32>,
      %gather3A_2456 = tpu.vector_load_idx %arg14[%iota3A, %broadcast_in_dim3A_2451, %and3A_2206] : memref<16x32x128xf32, #tpu.memory_space<vmem>>[vector<16xi32>, vector<16xi32>, vector<16xi32>], vector<16xf32>,
      %mul3A_2457 = arith.mulf %get3A_2455, %gather3A_2456 : vector<16xf32>
      %add3A_2458 = arith.addf %add3A_2449, %mul3A_2457 : vector<16xf32>
      %broadcast_in_dim3A_2459 = arith.constant 28 : i32
      %broadcast_in_dim3A_2460 = vector.broadcast %broadcast_in_dim3A_2459 : i32 to vector<16xi32>
      %get3A_2461 = arith.constant 28 : i32
      %get3A_2462 = arith.index_cast %get3A_2461 : i32 to index
      %get3A_2463 = arith.constant 0 : index
      %get3A_2464 = tpu.vector_load %arg15[%get3A_2462, %get3A_2463] {strides = array<i32>} : memref<32x16xf32, #tpu.memory_space<vmem>>, vector<16xf32>,
      %gather3A_2465 = tpu.vector_load_idx %arg14[%iota3A, %broadcast_in_dim3A_2460, %and3A_2206] : memref<16x32x128xf32, #tpu.memory_space<vmem>>[vector<16xi32>, vector<16xi32>, vector<16xi32>], vector<16xf32>,
      %mul3A_2466 = arith.mulf %get3A_2464, %gather3A_2465 : vector<16xf32>
      %add3A_2467 = arith.addf %add3A_2458, %mul3A_2466 : vector<16xf32>
      %broadcast_in_dim3A_2468 = arith.constant 29 : i32
      %broadcast_in_dim3A_2469 = vector.broadcast %broadcast_in_dim3A_2468 : i32 to vector<16xi32>
      %get3A_2470 = arith.constant 29 : i32
      %get3A_2471 = arith.index_cast %get3A_2470 : i32 to index
      %get3A_2472 = arith.constant 0 : index
      %get3A_2473 = tpu.vector_load %arg15[%get3A_2471, %get3A_2472] {strides = array<i32>} : memref<32x16xf32, #tpu.memory_space<vmem>>, vector<16xf32>,
      %gather3A_2474 = tpu.vector_load_idx %arg14[%iota3A, %broadcast_in_dim3A_2469, %and3A_2206] : memref<16x32x128xf32, #tpu.memory_space<vmem>>[vector<16xi32>, vector<16xi32>, vector<16xi32>], vector<16xf32>,
      %mul3A_2475 = arith.mulf %get3A_2473, %gather3A_2474 : vector<16xf32>
      %add3A_2476 = arith.addf %add3A_2467, %mul3A_2475 : vector<16xf32>
      %broadcast_in_dim3A_2477 = arith.constant 30 : i32
      %broadcast_in_dim3A_2478 = vector.broadcast %broadcast_in_dim3A_2477 : i32 to vector<16xi32>
      %get3A_2479 = arith.constant 30 : i32
      %get3A_2480 = arith.index_cast %get3A_2479 : i32 to index
      %get3A_2481 = arith.constant 0 : index
      %get3A_2482 = tpu.vector_load %arg15[%get3A_2480, %get3A_2481] {strides = array<i32>} : memref<32x16xf32, #tpu.memory_space<vmem>>, vector<16xf32>,
      %gather3A_2483 = tpu.vector_load_idx %arg14[%iota3A, %broadcast_in_dim3A_2478, %and3A_2206] : memref<16x32x128xf32, #tpu.memory_space<vmem>>[vector<16xi32>, vector<16xi32>, vector<16xi32>], vector<16xf32>,
      %mul3A_2484 = arith.mulf %get3A_2482, %gather3A_2483 : vector<16xf32>
      %add3A_2485 = arith.addf %add3A_2476, %mul3A_2484 : vector<16xf32>
      %broadcast_in_dim3A_2486 = arith.constant 31 : i32
      %broadcast_in_dim3A_2487 = vector.broadcast %broadcast_in_dim3A_2486 : i32 to vector<16xi32>
      %get3A_2488 = arith.constant 31 : i32
      %get3A_2489 = arith.index_cast %get3A_2488 : i32 to index
      %get3A_2490 = arith.constant 0 : index
      %get3A_2491 = tpu.vector_load %arg15[%get3A_2489, %get3A_2490] {strides = array<i32>} : memref<32x16xf32, #tpu.memory_space<vmem>>, vector<16xf32>,
      %gather3A_2492 = tpu.vector_load_idx %arg14[%iota3A, %broadcast_in_dim3A_2487, %and3A_2206] : memref<16x32x128xf32, #tpu.memory_space<vmem>>[vector<16xi32>, vector<16xi32>, vector<16xi32>], vector<16xf32>,
      %mul3A_2493 = arith.mulf %get3A_2491, %gather3A_2492 : vector<16xf32>
      %add3A_2494 = arith.addf %add3A_2485, %mul3A_2493 : vector<16xf32>
      %swap3A_2495 = arith.constant 0 : index
      %swap3A_2496 = tpu.vector_load %arg18[%swap3A_2495] {strides = array<i32>} : memref<16xf32, #tpu.memory_space<vmem>>, vector<16xf32>,
      tpu.vector_store %arg18[%swap3A_2495], %add3A_2494 {strides = array<i32>} : memref<16xf32, #tpu.memory_space<vmem>>, vector<16xf32>,
      "tpu.region"() ({
        %run_scoped3A = tpu.sem_alloc : memref<!tpu.dma_semaphore, #tpu.memory_space<semaphore_mem>>
        %dma_start3A_2497 = arith.constant 0 : i32
        %dma_start3A_2498 = tpu.memref_slice %arg12[%scan3A_590, %dma_start3A_2497] : memref<32x16xi32, #tpu.memory_space<vmem>> -> memref<1x16xi32, #tpu.memory_space<vmem>>
        %dma_start3A_2499 = tpu.memref_squeeze %dma_start3A_2498 : memref<1x16xi32, #tpu.memory_space<vmem>> -> memref<16xi32, #tpu.memory_space<vmem>>
        %dma_start3A_2500 = arith.constant 0 : i32
        %dma_start3A_2501 = tpu.memref_slice %arg20[%dma_start3A_2500] : memref<16384xf32, #tpu.memory_space<vmem_shared>> -> memref<16384xf32, #tpu.memory_space<vmem_shared>>
        tpu.enqueue_indirect_dma source(%arg18 : memref<16xf32, #tpu.memory_space<vmem>>) target(%dma_start3A_2501 : memref<16384xf32, #tpu.memory_space<vmem_shared>>) offsets(%dma_start3A_2499 : memref<16xi32, #tpu.memory_space<vmem>>) semaphore(%run_scoped3A : memref<!tpu.dma_semaphore, #tpu.memory_space<semaphore_mem>>)
        %dma_wait3A_2502 = arith.constant 0 : i32
        %dma_wait3A_2503 = tpu.memref_slice %arg12[%scan3A_590, %dma_wait3A_2502] : memref<32x16xi32, #tpu.memory_space<vmem>> -> memref<1x16xi32, #tpu.memory_space<vmem>>
        %dma_wait3A_2504 = tpu.memref_squeeze %dma_wait3A_2503 : memref<1x16xi32, #tpu.memory_space<vmem>> -> memref<16xi32, #tpu.memory_space<vmem>>
        %dma_wait3A_2505 = arith.constant 0 : i32
        %dma_wait3A_2506 = tpu.memref_slice %arg20[%dma_wait3A_2505] : memref<16384xf32, #tpu.memory_space<vmem_shared>> -> memref<16384xf32, #tpu.memory_space<vmem_shared>>
        tpu.wait_indirect_dma semaphore(%run_scoped3A : memref<!tpu.dma_semaphore, #tpu.memory_space<semaphore_mem>>) src(%arg18 : memref<16xf32, #tpu.memory_space<vmem>>) dst(%dma_wait3A_2506 : memref<16384xf32, #tpu.memory_space<vmem_shared>>)
        tpu.yield
      }) : () -> ()
      scf.yield %and3A_1412, %and3A_1415, %select_n3A_1785, %select_n3A_1780, %add3A_1772 : vector<16xi32>, vector<16xi32>, vector<16xi32>, vector<16xi32>, i32
    }
    %scan3A_584 = arith.constant 32 : i32
    %barrier3A_585 = arith.constant 0 : index
    tpu.barrier barrier_id(%barrier3A_585)
    %mul3A_586 = arith.constant 1024 : i32
    %mul3A_587 = arith.muli %arg1, %mul3A_586 : i32
    %mul3A_588 = arith.constant 1024 : i32
    %mul3A_589 = arith.muli %arg1, %mul3A_588 : i32
    "tpu.region"() ({
      %run_scoped3A = tpu.sem_alloc : memref<!tpu.dma_semaphore, #tpu.memory_space<semaphore_mem>>
      %dma_start3A = tpu.memref_slice %arg9[%arg0, %mul3A_589] : memref<2x16384xf32, #tpu.memory_space<hbm>> -> memref<1x1024xf32, #tpu.memory_space<hbm>>
      %dma_start3A_590 = tpu.memref_squeeze %dma_start3A : memref<1x1024xf32, #tpu.memory_space<hbm>> -> memref<1024xf32, #tpu.memory_space<hbm>>
      %dma_start3A_591 = tpu.memref_slice %arg20[%mul3A_587] : memref<16384xf32, #tpu.memory_space<vmem_shared>> -> memref<1024xf32, #tpu.memory_space<vmem_shared>>
      tpu.enqueue_dma source(%dma_start3A_591 : memref<1024xf32, #tpu.memory_space<vmem_shared>>) target(%dma_start3A_590 : memref<1024xf32, #tpu.memory_space<hbm>>) target_semaphore(%run_scoped3A : memref<!tpu.dma_semaphore, #tpu.memory_space<semaphore_mem>>)
      %dma_wait3A = tpu.memref_slice %arg9[%arg0, %mul3A_589] : memref<2x16384xf32, #tpu.memory_space<hbm>> -> memref<1x1024xf32, #tpu.memory_space<hbm>>
      %dma_wait3A_592 = tpu.memref_squeeze %dma_wait3A : memref<1x1024xf32, #tpu.memory_space<hbm>> -> memref<1024xf32, #tpu.memory_space<hbm>>
      %dma_wait3A_593 = tpu.memref_slice %arg20[%mul3A_587] : memref<16384xf32, #tpu.memory_space<vmem_shared>> -> memref<1024xf32, #tpu.memory_space<vmem_shared>>
      tpu.wait_dma2 semaphore(%run_scoped3A : memref<!tpu.dma_semaphore, #tpu.memory_space<semaphore_mem>>) src(%dma_wait3A_593 : memref<1024xf32, #tpu.memory_space<vmem_shared>>) dst(%dma_wait3A_592 : memref<1024xf32, #tpu.memory_space<hbm>>)
      tpu.yield
    }) : () -> ()
    return
  }
}

</mosaic_0001>

<sc_bundles>
// kernel: gather_offload_async_start
scs
__scs_entry_jumppad:
0x0: {  	(pc) =	sbr.rel $0x88, $3  }
0x1: {  	(tag) =	ssettag $0x0;
	lr =	simm.s32 $0x1  }
0x2: {  	[smem:$0x3F9B] =	sst lr;
	_ =	strace $0xD0000000  }
0x3: {  	_ = 	snop  }
0x4: {  	_ = 	snop  }
0x5: {  	_ = 	snop  }
0x6: {  	_ = 	snop  }
0x7: {  	_ = 	snop  }
__scs_overlays_trampoline_lowered:
0x8: {  	[smem:$0x3FAA] =	sst s0  }
0x9: {  	[smem:$0x3FAB] =	sst s1  }
0xa: {  	[smem:$0x3FAC] =	sst s2  }
0xb: {  	[smem:$0x3FAD] =	sst s3  }
0xc: {  	[smem:$0x3FAE] =	sst s4  }
0xd: {  	[smem:$0x3FAF] =	sst s5  }
0xe: {  	[smem:$0x3FB0] =	sst s6  }
0xf: {  	[smem:$0x3FB1] =	sst s7  }
0x10: {  	[smem:$0x3FB2] =	sst s8  }
0x11: {  	[smem:$0x3FB3] =	sst s9;
	s0 =	simm.s32 @!p0 $0x0  }
0x12: {  	s1 =	sld [smem:$0x3F99];
	s0 =	simm.s32 @p0 $0x1  }
0x13: {  	[smem:$0x3FB4] =	sst s0;
	s0 =	simm.s32 @!p1 $0x0  }
0x14: {  	s2 =	sld [smem:$0x3F98];
	s0 =	simm.s32 @p1 $0x1  }
0x15: {  	[smem:$0x3FB5] =	sst s0;
	s0 =	simm.s32 @!p2 $0x0  }
0x16: {  	s3 =	sld [smem:$0x3FDB];
	s0 =	simm.s32 @p2 $0x1  }
0x17: {  	s4 =	simm.s32 $0x1BF5;
	[smem:$0x3FB7] =	sst s0  }
0x18: {  	s0 =	sld [smem:$0x3F9A];
	_ =	swait.ge [sflag:s4], $0x0  }
0x19: {  	s7 =	sld [smem:$0x3F9B]  }
0x1a: {  	s8 =	sadd.s32 $0xFFFFE003, lr  }
0x1b: {  	s9 =	sadd.s32 $0xFFFFFEF7, lr;
	s5 =	simm.s32 $0xFFFFFFFF;
	p2 =	slt.u32 s8, $0xFFFFF086  }
0x1c: {  	p1 =	slt.u32 s9, $0xF7A;
	s5 =	simm.s32 @!p2 $0x0  }
0x1d: {  	s5 =	simm.s32 @p1 $0x1;
	p0 =	seq.s32 s7, s2  }
0x1e: {  	s7 =	smul.u32 @!p0 $0xF7A, s2;
	p2 =	seq.s32 @!p0 s5, $0x0  }
0x1f: {  	s9 =	smul.u32 $0xF7A, s1;
	s8 =	simm.s32 @!p0 $0x1BF5;
	p2 =	por !p2, p0  }
0x20: {  	[sflag:s8] =	ssyncset.s32 @!p0 $0xFFFFF086;
	s6 =	sadd.s32 @!p0 s3, s7;
	s7 =	simm.s32 @!p0 $0x108  }
0x21: {  	s3 =	sadd.s32 s3, s9;
	s6 =	sadd.s32 @!p0 $0x88, s6;
	s7 =	simm.s32 @p2 $0x1082  }
0x22: {  	[simem:s7], [sflag:s8] =	dma.local @!p0 [hbm:s6], $0xF7A  }
0x23: {  	s9 =	sor.u32 $0xD0000000, s2;
	s6 =	simm.s32 $0x108;
	_ =	swait.ge @!p0 [sflag:s8], $0x0  }
0x24: {  	s3 =	sadd.s32 $0x88, s3;
	s6 =	simm.s32 @!p1 $0x1082;
	[sflag:s4] =	ssyncset.s32 $0xFFFFF086  }
0x25: {  	[simem:s6], [sflag:s4] =	dma.local [hbm:s3], $0xF7A  }
0x26: {  	[smem:$0x3F9B] =	sst s1;
	(tag) =	ssettag s2;
	_ =	strace s9  }
0x27: {  	s1 =	sld [smem:$0x3FAB]  }
0x28: {  	s2 =	sld [smem:$0x3FAC]  }
0x29: {  	s4 =	sld [smem:$0x3FAE]  }
0x2a: {  	p0 =	seq.s32 s5, $0x0;
	s5 =	sld [smem:$0x3FAF]  }
0x2b: {  	s6 =	sld [smem:$0x3FB0]  }
0x2c: {  	s7 =	sld [smem:$0x3FB1]  }
0x2d: {  	s3 =	simm.s32 $0x108;
	s8 =	sld [smem:$0x3FB2]  }
0x2e: {  	s3 =	simm.s32 @!p0 $0x1082;
	s9 =	sld [smem:$0x3FB3]  }
0x2f: {  	lr =	sadd.s32 s0, s3;
	s0 =	sld [smem:$0x3FAA]  }
0x30: {  	s3 =	sld [smem:$0x3FAD]  }
0x31: {  	[smem:$0x3FB6] =	sst s10  }
0x32: {  	s10 =	sld [smem:$0x3FB4];
	_ =	sdelay $0x3  }
0x33: {  	p0 =	seq.s32 s10, $0x1;
	s10 =	sld [smem:$0x3FB6];
	_ =	sdelay $0x3  }
0x34: {  	[smem:$0x3FB6] =	sst s10  }
0x35: {  	s10 =	sld [smem:$0x3FB5];
	_ =	sdelay $0x3  }
0x36: {  	p1 =	seq.s32 s10, $0x1;
	s10 =	sld [smem:$0x3FB6];
	_ =	sdelay $0x3  }
0x37: {  	[smem:$0x3FB6] =	sst s10  }
0x38: {  	s10 =	sld [smem:$0x3FB7]  }
0x39: {  	_ = 	snop;
	(pc) =	sbr.ind lr, $3  }
0x3a: {  	_ = 	snop  }
0x3b: {  	_ = 	snop  }
0x3c: {  	p2 =	seq.s32 s10, $0x1;
	s10 =	sld [smem:$0x3FB6]  }
0x3d: {  	_ =	shalt  }
0x3e: {  	_ =	shalt  }
0x3f: {  	_ =	shalt  }
0x40: {  	_ =	shalt  }
0x41: {  	_ =	shalt  }
0x42: {  	_ =	shalt  }
0x43: {  	_ =	shalt  }
0x44: {  	_ =	shalt  }
0x45: {  	_ =	shalt  }
0x46: {  	_ =	shalt  }
0x47: {  	_ =	shalt  }
0x48: {  	_ =	shalt  }
0x49: {  	_ =	shalt  }
0x4a: {  	_ =	shalt  }
0x4b: {  	_ =	shalt  }
0x4c: {  	_ =	shalt  }
0x4d: {  	_ =	shalt  }
0x4e: {  	_ =	shalt  }
0x4f: {  	_ =	shalt  }
0x50: {  	_ =	shalt  }
0x51: {  	_ =	shalt  }
0x52: {  	_ =	shalt  }
0x53: {  	_ =	shalt  }
0x54: {  	_ =	shalt  }
0x55: {  	_ =	shalt  }
0x56: {  	_ =	shalt  }
0x57: {  	_ =	shalt  }
0x58: {  	_ =	shalt  }
0x59: {  	_ =	shalt  }
0x5a: {  	_ =	shalt  }
0x5b: {  	_ =	shalt  }
0x5c: {  	_ =	shalt  }
0x5d: {  	_ =	shalt  }
0x5e: {  	_ =	shalt  }
0x5f: {  	_ =	shalt  }
0x60: {  	_ =	shalt  }
0x61: {  	_ =	shalt  }
0x62: {  	_ =	shalt  }
0x63: {  	_ =	shalt  }
0x64: {  	_ =	shalt  }
0x65: {  	_ =	shalt  }
0x66: {  	_ =	shalt  }
0x67: {  	_ =	shalt  }
0x68: {  	_ =	shalt  }
0x69: {  	_ =	shalt  }
0x6a: {  	_ =	shalt  }
0x6b: {  	_ =	shalt  }
0x6c: {  	_ =	shalt  }
0x6d: {  	_ =	shalt  }
0x6e: {  	_ =	shalt  }
0x6f: {  	_ =	shalt  }
0x70: {  	_ =	shalt  }
0x71: {  	_ =	shalt  }
0x72: {  	_ =	shalt  }
0x73: {  	_ =	shalt  }
0x74: {  	_ =	shalt  }
0x75: {  	_ =	shalt  }
0x76: {  	_ =	shalt  }
0x77: {  	_ =	shalt  }
0x78: {  	_ =	shalt  }
0x79: {  	_ =	shalt  }
0x7a: {  	_ =	shalt  }
0x7b: {  	_ =	shalt  }
0x7c: {  	_ =	shalt  }
0x7d: {  	_ =	shalt  }
0x7e: {  	_ =	shalt  }
0x7f: {  	_ =	shalt  }
0x80: {  	_ =	shalt  }
0x81: {  	_ =	shalt  }
0x82: {  	_ =	shalt  }
0x83: {  	_ =	shalt  }
0x84: {  	_ =	shalt  }
0x85: {  	_ =	shalt  }
0x86: {  	_ =	shalt  }
0x87: {  	_ =	shalt  }
.Lfunc_end0:
.L_simem_size_0:
called_computation_lowered:
.L_overlay_start_0:
0x88: {  	s2 =	sld [smem:$0x3FD9]  }
0x89: {  	s3 =	sld [smem:$0x3FFE];
	_ =	sdelay $0x1  }
0x8a: {  	s1 =	srdreg.scid  }
0x8b: {  	s0 =	sand.u32 $0x1, s1  }
0x8c: {  	s17 =	sshll.u32 s0, $0xA;
	s2 =	sadd.s32 s3, s2  }
0x8d: {  	s2 =	sadd.s32 s2, s17  }
0x8e: {  	[smem:$0x3FC2] =	sst s2  }
0x8f: {  	_ = 	snop  }
0x90: {  	s2 =	sld [smem:$0x3FC8];
	(tm) =	ssettm $0x1  }
0x91: {  	s18 =	sld [smem:$0x3FFB];
	_ =	sdelay $0x3  }
0x92: {  	_ =	strace s18  }
0x93: {  	s3 =	sld [smem:$0x3FFC];
	_ =	sdelay $0x3  }
0x94: {  	_ =	strace s3  }
0x95: {  	s3 =	sld [smem:$0x3FFD];
	_ =	sdelay $0x3  }
0x96: {  	_ =	strace s3  }
0x97: {  	_ =	strace $0x8FFFFFFF  }
0x98: {  	s19 =	sld [smem:$0x3FDB];
	_ =	sdelay $0x1  }
0x99: {  	s4 =	simm.s32 $_scs_section_size  }
0x9a: {  	s5 =	simm.s32 $_size__tile_overlayer_lowered;
	s6 =	simm.s32 $_tile_overlayer_lowered  }
0x9b: {  	s22 =	simm.s32 $0x1BFF;
	s21 =	sshll.u32 s6, $0x1;
	s3 =	sadd.s32 s4, s19  }
0x9c: {  	s7 =	simm.s32 $0x0;
	s20 =	sshll.u32 s5, $0x1;
	s5 =	sadd.s32 s21, s3  }
0x9d: {  	[timem:s7], [sflag:s22] =	dma.local [hbm:s5], s20  }
0x9e: {  	_ =	swait.ge [sflag:s22], s20  }
0x9f: {  	s4 =	ssub.s32 $0x0, s20;
	[sflag:s22] =	ssyncset.done $0x0  }
0xa0: {  	[sflag:s22] =	ssyncadd.s32 s4;
	_ =	sdelay $0x1  }
0xa1: {  	s23 =	simm.s32 $0x1B8B  }
0xa2: {  	_ =	swait.ge [sflag:s23], $0x1  }
0xa3: {  	[sflag:s23] =	ssyncset.done $0x0  }
0xa4: {  	s25 =	simm.s32 $0x1B8E;
	s24 =	sld [smem:$0x3FFE];
	[sflag:s23] =	ssyncadd.s32 $0xFFFFFFFF  }
0xa5: {  	s26 =	simm.s32 $execute0_lowered;
	[smem:$0x3FD2] =	sst s25  }
0xa6: {  	s5 =	sshll.u32 s26, $0x1;
	_ =	strace $0x80000046;
	[dreg:$0x1] =	wrdreg $0xFFFFFFFF  }
0xa7: {  	s28 =	simm.s32 $_size_execute0_lowered;
	s3 =	sadd.s32 s3, s5;
	[dreg:$0x0] =	wrdreg $0x0  }
0xa8: {  	s5 =	sshll.u32 s28, $0x1;
	[dreg:$0x2] =	wrdreg s3  }
0xa9: {  	[dreg:$0x3] =	wrdreg s5  }
0xaa: {  	[dreg:$0x4] =	wrdreg $0xC0  }
0xab: {  	_ =	task [dreg:s7], $0x5FFFF  }
0xac: {  	[dreg:$0x1] =	wrdreg $0xFFFFFFFF  }
0xad: {  	[dreg:$0x0] =	wrdreg $0x60  }
0xae: {  	[dreg:$0x2] =	wrdreg s2  }
0xaf: {  	[dreg:$0x3] =	wrdreg s24  }
0xb0: {  	[dreg:$0x4] =	wrdreg $0x9  }
0xb1: {  	_ =	task.clear_ibuf [dreg:s7], $0x5FFFF;
	_ =	strace $0x90000046  }
0xb2: {  	s29 =	simm.s32 $0x9;
	_ =	strace $0x80000048  }
0xb3: {  	_ =	swait.ge [sflag:s29], $0x1  }
0xb4: {  	[sflag:s29] =	ssyncadd.s32 $0xFFFFFFFF  }
0xb5: {  	_ =	strace $0x90000048  }
0xb6: {  	_ =	sfence  }
0xb7: {  	s30 =	sld [smem:$0x0];
	_ =	sdelay $0x2  }
0xb8: {  	s31 =	sshll.u32 s1, $0xD;
	s1 =	sshrl.u32 s1, $0x2  }
0xb9: {  	s3 =	sand.u32 $0x4000, s31;
	s1 =	sadd.s32 s1, s30  }
0xba: {  	s0 =	sor.u32 s3, s0;
	s1 =	sshll.u32 s1, $0x11  }
0xbb: {  	s0 =	sor.u32 s1, s0  }
0xbc: {  	s0 =	sadd.s32 $0x8F2B, s0  }
0xbd: {  	[sflag:s0] =	ssyncadd.remote.s32 $0x1  }
0xbe: {  	_ =	sfence.sel $0xFFFF  }
0xbf: {  	[dreg:$0x0] =	wrdreg $0xFFFFFFFF;
	(pc) =	sbr.abs _section_cstart, $3  }
0xc0: {  	[dreg:$0x1] =	wrdreg $0xFFFFFFFF  }
0xc1: {  	_ =	task.clear_ibuf [dreg:s7], $0x2FFFF;
	_ =	strace $0x9FFFFFFF  }
0xc2: {  	(tm) =	ssettm $0x7FFFFFFF  }
0xc3: {  	_ =	shalt  }
tec
execute0_lowered:
.L_overlay_start_1:
0x0: {  	(tag) =	ssettag $0x1  }
0x1: {  	s1 =	srdreg.scid;
	s2 =	rddreg [dreg:$0x0]  }
0x2: {  	s0 =	stileid.u32;
	s3 =	rddreg [dreg:$0x1]  }
0x3: {  	s6 =	simm.s32 $0x1;
	s9 =	simm.s32 $0x1;
	s1 =	sshll.u32 s1, $0x8  }
0x4: {  	s10 =	simm.s32 $0x3;
	s4 =	sshll.u32 s0, $0x9;
	s5 =	sand.u32 $0x100, s1  }
0x5: {  	s13 =	simm.s32 $0x0;
	s12 =	simm.s32 $0x0;
	s4 =	sor.u32 s4, s5  }
0x6: {  	s1 =	rddreg [dreg:$0x2];
	_ =	strace $0x80000047;
	s8 =	ssub.s32 $0x4000, s4  }
.Ltmp0:
0x7: {  	s5 =	sadd.s32 $0x4800, s3;
	s7 =	sand.u32 $0x1F00, s8;
	(pc) =	sbr.rel .LBB2_1-.Ltmp0, $4  }
0x8: {  	[sflag:s6] =	ssyncpa.u1 $0x0;
	s11 =	smov.u32 s4;
	p0 =	sne.s32 s7, $0x0  }
0x9: {  	s8 =	sshrl.u32 s8, $0xD;
	s7 =	simm.s32 $0x2;
	s9 =	simm.s32 @!p0 $0x0  }
0xa: {  	[sflag:s7] =	ssyncpa.u1 $0x0;
	p0 =	por $0x0, $0x0;
	s8 =	sadd.s32 s9, s8  }
0xb: {  	vm0 =	vmmov $0xffff;
	[sflag:s10] =	ssyncpa.u1 $0x0;
	s10 =	simm.s32 $0x0;
	s9 =	sadd.s32 $0x1, s8  }
.LBB2_4:
0xc: {  	v2 =	vnsel vm1, $0x0, v2  }
0xd: {  	vm1 =	vgt.s32 v0, $0x0;
	v2 =	vmin.u32 v2, $0x3FFF  }
0xe: {  	v0 =	vnsel vm1, $0x0, v0  }
0xf: {  	v0 =	vmin.u32 v0, $0x3FFF  }
0x10: {  	[tilespmem:s15], [sflag:$0x1] =	stream.indirect_vreg.gather [hbm4b:s2+s10], $0x1, v1, vm0, $0x4038;
	[tilespmem:$0x400] =	vst v63  }
0x11: {  	(ifvalue) =	ssetifvalue $0x7FFFFFFF  }
0x12: {  	[tilespmem:s16], [sflag:$0x1] =	stream.indirect_vreg.gather [hbm4b:s2+s10], $0x1, v2, vm0, $0x4038;
	[tilespmem:$0x400] =	vst v63  }
0x13: {  	s29 =	sadd.s32 $0x10, s16;
	(ifvalue) =	ssetifvalue $0x7FFFFFFF  }
0x14: {  	[tilespmem:s29], [sflag:$0x1] =	stream.indirect_vreg.gather [hbm4b:s2+s10], $0x1, v0, vm0, $0x4038;
	[tilespmem:$0x400] =	vst v63  }
0x15: {  	_ =	swait.ge [sflag:s6], $0x100  }
0x16: {  	s30 =	sshrl.u32 s13, $0x3;
	[sflag:s6] =	ssyncset.done $0x0  }
0x17: {  	s31 =	sand.u32 $0x7, s13;
	s15 =	sadd.s32 s5, s30;
	[sflag:s6] =	ssyncadd.s32 $0xFFFFFF00  }
0x18: {  	[hbm4b:s15+s31] =	stream.linear.scatter [tilespmem:s14], [sflag:$0x3], $0x100, $0x38;
	[tilespmem:$0x400] =	vst v63  }
.LBB2_5:
0x19: {  	s15 =	sadd.s32 $0x2000, s11  }
0x1a: {  	p2 =	sgt.s32 s15, $0x3FFF  }
0x1b: {  	s15 =	smov.u32 @p2 s4;
	p2 =	sne.s32 s12, s9  }
.Ltmp1:
0x1c: {  	p1 =	slt.u32 s12, $0x2;
	(pc) =	sbr.rel @!p2 .LBB2_6-.Ltmp1, $4  }
0x1d: {  	s14 =	simm.s32 @!p1 $0x3  }
0x1e: {  	s16 =	sadd.s32 $0x1, s12;
	_ =	swait.ge @!p1 [sflag:s14], $0x100  }
0x1f: {  	s13 =	smov.u32 s11;
	p0 =	por !p0, !p0;
	[sflag:s14] =	ssyncset.done @!p1 $0x0  }
0x20: {  	s12 =	smov.u32 s16;
	s11 =	smov.u32 s15;
	[sflag:s14] =	ssyncadd.s32 @!p1 $0xFFFFFF00  }
.LBB2_1:
0x21: {  	p1 =	sge.u32 s12, s8  }
0x22: {  	s14 =	sxor.u32 @!p1 $0xFFFFFFFF, s12  }
0x23: {  	s31 =	sadd.s32 $0xFFFFFFFF, s12;
	s15 =	sshrl.u32 @!p1 s11, $0x3;
	s14 =	sshll.u32 @!p1 s14, $0x8  }
0x24: {  	s16 =	sand.u32 @!p1 $0x7, s11;
	s15 =	sadd.s32 @!p1 s3, s15;
	s14 =	sand.u32 @!p1 $0x100, s14  }
0x25: {  	[tilespmem:s14], [sflag:$0x2] =	stream.linear.gather @!p1 [hbm4b:s15+s16], $0x100, $0x38;
	[tilespmem:$0x400] =	vst v63  }
0x26: {  	p1 =	sge.u32 s31, s8  }
.Ltmp2:
0x27: {  	_ = 	snop;
	(pc) =	sbr.rel @p1 .LBB2_5-.Ltmp2, $1  }
0x28: {  	_ =	sdelay $0x3  }
0x29: {  	s14 =	simm.s32 $0x1  }
0x2a: {  	_ =	swait.ge [sflag:s7], $0x100;
	s14 =	simm.s32 @!p0 $0x0  }
0x2b: {  	[sflag:s7] =	ssyncset.done $0x0;
	s14 =	sshll.u32 s14, $0x8  }
0x2c: {  	[sflag:s7] =	ssyncadd.s32 $0xFFFFFF00;
	(ifvalue) =	ssetifvalue $0x7FFFFFFF;
	v0 =	vld.msk [tilespmem:s14+$0x0 ss:$0x1], $0xffff;
	_ =	sdelay $0x4  }
0x2d: {  	s15 =	sadd.s32 $0x10, s14;
	vm1 =	vgt.s32 v0, $0x0  }
0x2e: {  	v2 =	vld.msk [tilespmem:s15+$0x0 ss:$0x1], $0xffff;
	v1 =	vnsel vm1, $0x0, v0  }
0x2f: {  	v1 =	vmin.u32 v1, $0x3FFF;
	_ =	sdelay $0x1  }
0x30: {  	s16 =	sshll.u32 s12, $0x8;
	s18 =	simm.s32 $0x20  }
0x31: {  	s16 =	sand.u32 $0x100, s16;
	s17 =	sadd.s32 $0x10, s15;
	s15 =	sor.u32 $0x200, s14  }
0x32: {  	s14 =	sor.u32 $0x200, s16;
	s16 =	sadd.s32 $0x10, s15;
	v0 =	vld.msk [tilespmem:s17+$0x0 ss:$0x1], $0xffff;
	vm1 =	vgt.s32 v2, $0x0;
	(ifvalue) =	ssetifvalue $0x7FFFFFFF  }
.LBB2_3:
0x33: {  	[tilespmem:s15], [sflag:$0x1] =	stream.indirect_vreg.gather [hbm4b:s2+s10], $0x1, v1, vm0, $0x4038;
	[tilespmem:$0x400] =	vst v63  }
0x34: {  	s18 =	sadd.s32 $0x10, s18  }
0x35: {  	v2 =	vnsel vm1, $0x0, v2;
	p1 =	slt.u32 s18, $0xF0  }
.Ltmp3:
0x36: {  	s15 =	smov.u32 s16;
	v1 =	vmin.u32 v2, $0x3FFF;
	(pc) =	sbr.rel @p1 .LBB2_3-.Ltmp3, $3  }
0x37: {  	_ =	sdelay $0x1  }
0x38: {  	s17 =	sadd.s32 $0x10, s17  }
0x39: {  	vm1 =	vgt.s32 v0, $0x0;
	s16 =	sadd.s32 $0x10, s16;
	v2 =	vmov v0;
	(ifvalue) =	ssetifvalue $0x7FFFFFFF;
	v0 =	vld.msk [tilespmem:s17+$0x0 ss:$0x1], $0xffff  }
.Ltmp4:
0x3a: {  	_ = 	snop;
	(pc) =	sbr.rel .LBB2_4-.Ltmp4, $1  }
0x3b: {  	_ =	sdelay $0x3  }
.LBB2_6:
0x3c: {  	_ =	sfence.sel $0x180000  }
0x3d: {  	s2 =	simm.s32 $0x2;
	[bflag:$0x0] =	sbarrier.arrive $0xFFFF  }
0x3e: {  	s30 =	simm.s32 $0x3;
	[sflag:s2] =	ssyncpa.u1 $0x1  }
0x3f: {  	s31 =	simm.s32 $0x1;
	[sflag:s30] =	ssyncpa.u1 $0x1  }
0x40: {  	[sflag:s31] =	ssyncpa.u1 $0x1  }
0x41: {  	p0 =	sne.s32 s0, $0x0;
	_ =	strace $0x90000047  }
0x42: {  	s0 =	sadd.s32 @!p0 $0x100000, s1;
	[bflag:$0x2] =	sbarrier.arrive $0xFFFF  }
0x43: {  	[sflag:s0] =	ssyncadd.tile.s32 @!p0 $0x1;
	_ =	shalt  }
.Lfunc_end2:
_tile_overlayer_lowered:
.L_overlay_start_2:
0x44: {  	(tag) =	ssettag $0x2  }
0x45: {  	s0 =	rddreg [dreg:$0x0];
	s2 =	stileid.u32  }
0x46: {  	s1 =	rddreg [dreg:$0x1];
	p0 =	sne.s32 s2, $0x0  }
0x47: {  	s3 =	rddreg [dreg:$0x2];
	[bflag:$0x3] =	sbarrier.arrive $0xFFFF;
	s2 =	simm.s32 @!p0 $0x1C01  }
0x48: {  	[timem:s3], [sflag:s2] =	dma.local @!p0 [hbm:s0], s1  }
0x49: {  	s0 =	simm.s32 @!p0 $0x1  }
0x4a: {  	_ =	swait.ge @!p0 [sflag:s0], s1  }
0x4b: {  	s1 =	ssub.s32 @!p0 $0x0, s1;
	[sflag:s0] =	ssyncset.done @!p0 $0x0  }
0x4c: {  	[sflag:s0] =	ssyncadd.s32 @!p0 s1  }
0x4d: {  	[bflag:$0x3] =	sbarrier.arrive $0xFFFF  }
0x4e: {  	_ =	shalt  }

// kernel: kernel.3.cloned.1.call-start
scs
__scs_entry_jumppad:
0x0: {  	(pc) =	sbr.rel $0x88, $3  }
0x1: {  	(tag) =	ssettag $0x0;
	lr =	simm.s32 $0x1  }
0x2: {  	[smem:$0x3F9B] =	sst lr;
	_ =	strace $0xD0000000  }
0x3: {  	_ = 	snop  }
0x4: {  	_ = 	snop  }
0x5: {  	_ = 	snop  }
0x6: {  	_ = 	snop  }
0x7: {  	_ = 	snop  }
__scs_overlays_trampoline_lowered:
0x8: {  	[smem:$0x3FAA] =	sst s0  }
0x9: {  	[smem:$0x3FAB] =	sst s1  }
0xa: {  	[smem:$0x3FAC] =	sst s2  }
0xb: {  	[smem:$0x3FAD] =	sst s3  }
0xc: {  	[smem:$0x3FAE] =	sst s4  }
0xd: {  	[smem:$0x3FAF] =	sst s5  }
0xe: {  	[smem:$0x3FB0] =	sst s6  }
0xf: {  	[smem:$0x3FB1] =	sst s7  }
0x10: {  	[smem:$0x3FB2] =	sst s8  }
0x11: {  	[smem:$0x3FB3] =	sst s9;
	s0 =	simm.s32 @!p0 $0x0  }
0x12: {  	s1 =	sld [smem:$0x3F99];
	s0 =	simm.s32 @p0 $0x1  }
0x13: {  	[smem:$0x3FB4] =	sst s0;
	s0 =	simm.s32 @!p1 $0x0  }
0x14: {  	s2 =	sld [smem:$0x3F98];
	s0 =	simm.s32 @p1 $0x1  }
0x15: {  	[smem:$0x3FB5] =	sst s0;
	s0 =	simm.s32 @!p2 $0x0  }
0x16: {  	s3 =	sld [smem:$0x3FDB];
	s0 =	simm.s32 @p2 $0x1  }
0x17: {  	s4 =	simm.s32 $0x1BF5;
	[smem:$0x3FB7] =	sst s0  }
0x18: {  	s0 =	sld [smem:$0x3F9A];
	_ =	swait.ge [sflag:s4], $0x0  }
0x19: {  	s7 =	sld [smem:$0x3F9B]  }
0x1a: {  	s8 =	sadd.s32 $0xFFFFE003, lr  }
0x1b: {  	s9 =	sadd.s32 $0xFFFFFEF7, lr;
	s5 =	simm.s32 $0xFFFFFFFF;
	p2 =	slt.u32 s8, $0xFFFFF086  }
0x1c: {  	p1 =	slt.u32 s9, $0xF7A;
	s5 =	simm.s32 @!p2 $0x0  }
0x1d: {  	s5 =	simm.s32 @p1 $0x1;
	p0 =	seq.s32 s7, s2  }
0x1e: {  	s7 =	smul.u32 @!p0 $0xF7A, s2;
	p2 =	seq.s32 @!p0 s5, $0x0  }
0x1f: {  	s9 =	smul.u32 $0xF7A, s1;
	s8 =	simm.s32 @!p0 $0x1BF5;
	p2 =	por !p2, p0  }
0x20: {  	[sflag:s8] =	ssyncset.s32 @!p0 $0xFFFFF086;
	s6 =	sadd.s32 @!p0 s3, s7;
	s7 =	simm.s32 @!p0 $0x108  }
0x21: {  	s3 =	sadd.s32 s3, s9;
	s6 =	sadd.s32 @!p0 $0x88, s6;
	s7 =	simm.s32 @p2 $0x1082  }
0x22: {  	[simem:s7], [sflag:s8] =	dma.local @!p0 [hbm:s6], $0xF7A  }
0x23: {  	s9 =	sor.u32 $0xD0000000, s2;
	s6 =	simm.s32 $0x108;
	_ =	swait.ge @!p0 [sflag:s8], $0x0  }
0x24: {  	s3 =	sadd.s32 $0x88, s3;
	s6 =	simm.s32 @!p1 $0x1082;
	[sflag:s4] =	ssyncset.s32 $0xFFFFF086  }
0x25: {  	[simem:s6], [sflag:s4] =	dma.local [hbm:s3], $0xF7A  }
0x26: {  	[smem:$0x3F9B] =	sst s1;
	(tag) =	ssettag s2;
	_ =	strace s9  }
0x27: {  	s1 =	sld [smem:$0x3FAB]  }
0x28: {  	s2 =	sld [smem:$0x3FAC]  }
0x29: {  	s4 =	sld [smem:$0x3FAE]  }
0x2a: {  	p0 =	seq.s32 s5, $0x0;
	s5 =	sld [smem:$0x3FAF]  }
0x2b: {  	s6 =	sld [smem:$0x3FB0]  }
0x2c: {  	s7 =	sld [smem:$0x3FB1]  }
0x2d: {  	s3 =	simm.s32 $0x108;
	s8 =	sld [smem:$0x3FB2]  }
0x2e: {  	s3 =	simm.s32 @!p0 $0x1082;
	s9 =	sld [smem:$0x3FB3]  }
0x2f: {  	lr =	sadd.s32 s0, s3;
	s0 =	sld [smem:$0x3FAA]  }
0x30: {  	s3 =	sld [smem:$0x3FAD]  }
0x31: {  	[smem:$0x3FB6] =	sst s10  }
0x32: {  	s10 =	sld [smem:$0x3FB4];
	_ =	sdelay $0x3  }
0x33: {  	p0 =	seq.s32 s10, $0x1;
	s10 =	sld [smem:$0x3FB6];
	_ =	sdelay $0x3  }
0x34: {  	[smem:$0x3FB6] =	sst s10  }
0x35: {  	s10 =	sld [smem:$0x3FB5];
	_ =	sdelay $0x3  }
0x36: {  	p1 =	seq.s32 s10, $0x1;
	s10 =	sld [smem:$0x3FB6];
	_ =	sdelay $0x3  }
0x37: {  	[smem:$0x3FB6] =	sst s10  }
0x38: {  	s10 =	sld [smem:$0x3FB7]  }
0x39: {  	_ = 	snop;
	(pc) =	sbr.ind lr, $3  }
0x3a: {  	_ = 	snop  }
0x3b: {  	_ = 	snop  }
0x3c: {  	p2 =	seq.s32 s10, $0x1;
	s10 =	sld [smem:$0x3FB6]  }
0x3d: {  	_ =	shalt  }
0x3e: {  	_ =	shalt  }
0x3f: {  	_ =	shalt  }
0x40: {  	_ =	shalt  }
0x41: {  	_ =	shalt  }
0x42: {  	_ =	shalt  }
0x43: {  	_ =	shalt  }
0x44: {  	_ =	shalt  }
0x45: {  	_ =	shalt  }
0x46: {  	_ =	shalt  }
0x47: {  	_ =	shalt  }
0x48: {  	_ =	shalt  }
0x49: {  	_ =	shalt  }
0x4a: {  	_ =	shalt  }
0x4b: {  	_ =	shalt  }
0x4c: {  	_ =	shalt  }
0x4d: {  	_ =	shalt  }
0x4e: {  	_ =	shalt  }
0x4f: {  	_ =	shalt  }
0x50: {  	_ =	shalt  }
0x51: {  	_ =	shalt  }
0x52: {  	_ =	shalt  }
0x53: {  	_ =	shalt  }
0x54: {  	_ =	shalt  }
0x55: {  	_ =	shalt  }
0x56: {  	_ =	shalt  }
0x57: {  	_ =	shalt  }
0x58: {  	_ =	shalt  }
0x59: {  	_ =	shalt  }
0x5a: {  	_ =	shalt  }
0x5b: {  	_ =	shalt  }
0x5c: {  	_ =	shalt  }
0x5d: {  	_ =	shalt  }
0x5e: {  	_ =	shalt  }
0x5f: {  	_ =	shalt  }
0x60: {  	_ =	shalt  }
0x61: {  	_ =	shalt  }
0x62: {  	_ =	shalt  }
0x63: {  	_ =	shalt  }
0x64: {  	_ =	shalt  }
0x65: {  	_ =	shalt  }
0x66: {  	_ =	shalt  }
0x67: {  	_ =	shalt  }
0x68: {  	_ =	shalt  }
0x69: {  	_ =	shalt  }
0x6a: {  	_ =	shalt  }
0x6b: {  	_ =	shalt  }
0x6c: {  	_ =	shalt  }
0x6d: {  	_ =	shalt  }
0x6e: {  	_ =	shalt  }
0x6f: {  	_ =	shalt  }
0x70: {  	_ =	shalt  }
0x71: {  	_ =	shalt  }
0x72: {  	_ =	shalt  }
0x73: {  	_ =	shalt  }
0x74: {  	_ =	shalt  }
0x75: {  	_ =	shalt  }
0x76: {  	_ =	shalt  }
0x77: {  	_ =	shalt  }
0x78: {  	_ =	shalt  }
0x79: {  	_ =	shalt  }
0x7a: {  	_ =	shalt  }
0x7b: {  	_ =	shalt  }
0x7c: {  	_ =	shalt  }
0x7d: {  	_ =	shalt  }
0x7e: {  	_ =	shalt  }
0x7f: {  	_ =	shalt  }
0x80: {  	_ =	shalt  }
0x81: {  	_ =	shalt  }
0x82: {  	_ =	shalt  }
0x83: {  	_ =	shalt  }
0x84: {  	_ =	shalt  }
0x85: {  	_ =	shalt  }
0x86: {  	_ =	shalt  }
0x87: {  	_ =	shalt  }
.Lfunc_end0:
.L_simem_size_0:
called_computation.1_lowered:
.L_overlay_start_0:
0x88: {  	s2 =	sld [smem:$0x3FD9]  }
0x89: {  	s3 =	sld [smem:$0x3FFE];
	_ =	sdelay $0x1  }
0x8a: {  	s1 =	srdreg.scid  }
0x8b: {  	s0 =	sand.u32 $0x1, s1  }
0x8c: {  	s17 =	sshll.u32 s0, $0xA;
	s2 =	sadd.s32 s3, s2  }
0x8d: {  	s2 =	sadd.s32 s2, s17  }
0x8e: {  	[smem:$0x3FC2] =	sst s2  }
0x8f: {  	_ = 	snop  }
0x90: {  	s2 =	sld [smem:$0x3FC7]  }
0x91: {  	s18 =	sld [smem:$0x3FC6]  }
0x92: {  	s4 =	sld [smem:$0x3FC5]  }
0x93: {  	s5 =	sld [smem:$0x3FD0];
	(tm) =	ssettm $0x1  }
0x94: {  	s6 =	sld [smem:$0x3FFB];
	_ =	sdelay $0x3  }
0x95: {  	_ =	strace s6  }
0x96: {  	s6 =	sld [smem:$0x3FFC];
	_ =	sdelay $0x3  }
0x97: {  	_ =	strace s6  }
0x98: {  	s6 =	sld [smem:$0x3FFD];
	_ =	sdelay $0x3  }
0x99: {  	_ =	strace s6  }
0x9a: {  	_ =	strace $0x8FFFFFFF  }
0x9b: {  	s19 =	sld [smem:$0x3FDB];
	_ =	sdelay $0x1  }
0x9c: {  	s7 =	simm.s32 $_scs_section_size  }
0x9d: {  	s8 =	simm.s32 $_size__tile_overlayer_lowered;
	s9 =	simm.s32 $_tile_overlayer_lowered  }
0x9e: {  	s22 =	simm.s32 $0x1BFF;
	s21 =	sshll.u32 s9, $0x1;
	s6 =	sadd.s32 s7, s19  }
0x9f: {  	s10 =	simm.s32 $0x0;
	s20 =	sshll.u32 s8, $0x1;
	s8 =	sadd.s32 s21, s6  }
0xa0: {  	[timem:s10], [sflag:s22] =	dma.local [hbm:s8], s20  }
0xa1: {  	_ =	swait.ge [sflag:s22], s20  }
0xa2: {  	s7 =	ssub.s32 $0x0, s20;
	[sflag:s22] =	ssyncset.done $0x0  }
0xa3: {  	[sflag:s22] =	ssyncadd.s32 s7;
	_ =	sdelay $0x1  }
0xa4: {  	s23 =	simm.s32 $0x1B8B  }
0xa5: {  	_ =	swait.ge [sflag:s23], $0x1  }
0xa6: {  	[sflag:s23] =	ssyncset.done $0x0  }
0xa7: {  	s25 =	simm.s32 $0x1B8E;
	s24 =	sld [smem:$0x3FFE];
	[sflag:s23] =	ssyncadd.s32 $0xFFFFFFFF  }
0xa8: {  	s26 =	simm.s32 $execute0_lowered;
	[smem:$0x3FD2] =	sst s25  }
0xa9: {  	s8 =	sshll.u32 s26, $0x1;
	_ =	strace $0x80000049;
	[dreg:$0x1] =	wrdreg $0xFFFFFFFF  }
0xaa: {  	s28 =	simm.s32 $_size_execute0_lowered;
	s6 =	sadd.s32 s6, s8;
	[dreg:$0x0] =	wrdreg $0x0  }
0xab: {  	s8 =	sshll.u32 s28, $0x1;
	[dreg:$0x2] =	wrdreg s6  }
0xac: {  	[dreg:$0x3] =	wrdreg s8  }
0xad: {  	[dreg:$0x4] =	wrdreg $0xC0  }
0xae: {  	_ =	task [dreg:s10], $0x5FFFF  }
0xaf: {  	[dreg:$0x1] =	wrdreg $0xFFFFFFFF  }
0xb0: {  	[dreg:$0x0] =	wrdreg $0x60  }
0xb1: {  	[dreg:$0x2] =	wrdreg s5  }
0xb2: {  	[dreg:$0x3] =	wrdreg s24  }
0xb3: {  	[dreg:$0x4] =	wrdreg s2  }
0xb4: {  	[dreg:$0x5] =	wrdreg s18  }
0xb5: {  	[dreg:$0x6] =	wrdreg s4  }
0xb6: {  	[dreg:$0x7] =	wrdreg $0x1A9800  }
0xb7: {  	[dreg:$0x8] =	wrdreg $0x9  }
0xb8: {  	_ =	task.clear_ibuf [dreg:s10], $0x9FFFF;
	_ =	strace $0x90000049  }
0xb9: {  	s29 =	simm.s32 $0x9;
	_ =	strace $0x8000004B  }
0xba: {  	_ =	swait.ge [sflag:s29], $0x1  }
0xbb: {  	[sflag:s29] =	ssyncadd.s32 $0xFFFFFFFF  }
0xbc: {  	_ =	strace $0x9000004B  }
0xbd: {  	_ =	sfence  }
0xbe: {  	s30 =	sld [smem:$0x0];
	_ =	sdelay $0x2  }
0xbf: {  	s31 =	sshll.u32 s1, $0xD;
	s1 =	sshrl.u32 s1, $0x2  }
0xc0: {  	s3 =	sand.u32 $0x4000, s31;
	s1 =	sadd.s32 s1, s30  }
0xc1: {  	s0 =	sor.u32 s3, s0;
	s1 =	sshll.u32 s1, $0x11  }
0xc2: {  	s0 =	sor.u32 s1, s0  }
0xc3: {  	s0 =	sadd.s32 $0x8F2B, s0  }
0xc4: {  	[sflag:s0] =	ssyncadd.remote.s32 $0x1  }
0xc5: {  	_ =	sfence.sel $0xFFFF  }
0xc6: {  	[dreg:$0x0] =	wrdreg $0xFFFFFFFF;
	(pc) =	sbr.abs _section_cstart, $3  }
0xc7: {  	[dreg:$0x1] =	wrdreg $0xFFFFFFFF  }
0xc8: {  	_ =	task.clear_ibuf [dreg:s10], $0x2FFFF;
	_ =	strace $0x9FFFFFFF  }
0xc9: {  	(tm) =	ssettm $0x7FFFFFFF  }
tec
execute0_lowered:
.L_overlay_start_1:
0x0: {  	(tag) =	ssettag $0x1  }
0x1: {  	s0 =	rddreg [dreg:$0x0]  }
0x2: {  	s1 =	rddreg [dreg:$0x1]  }
0x3: {  	s7 =	rddreg [dreg:$0x2]  }
0x4: {  	s9 =	rddreg [dreg:$0x5]  }
0x5: {  	s2 =	srdreg.scid;
	s8 =	stileid.u32  }
0x6: {  	s4 =	simm.s32 $0x0;
	v0 =	vlaneseq.u32;
	s21 =	simm.s32 $0x1;
	s22 =	simm.s32 $0x2  }
0x7: {  	s2 =	sand.u32 $0x1, s2;
	s3 =	sshll.u32 s8, $0x1;
	[smem:$0x7FF] =	sst s4;
	v1 =	vmul.u32 $0x1000, v0  }
0x8: {  	s5 =	sadd.s32 $0x4800, s1;
	s28 =	sshll.u32 s8, $0x8;
	s29 =	sshll.u32 s8, $0xA  }
0x9: {  	s12 =	sadd.s32 $0x1E8500, s7;
	s3 =	sor.u32 s2, s3;
	_ =	strace $0x8000004A;
	v3 =	vor.u32 $0x80, v1  }
0xa: {  	[dreg:$0x7] =	wrdreg s5;
	s25 =	ssub.s32 $0x2, s2;
	s2 =	sshll.u32 s2, $0x4;
	[tilespmem:$0x1FF70] =	vst v3;
	v3 =	vor.u32 $0x100, v1  }
0xb: {  	s24 =	sshll.u32 s3, $0x9;
	s6 =	sshrl.u32 s25, $0x1;
	s3 =	sshll.u32 s3, $0x6;
	[tilespmem:$0x1FF80] =	vst v3;
	v3 =	vor.u32 $0x180, v1  }
0xc: {  	s2 =	sadd.s32 s2, s1;
	s4 =	sadd.s32 s24, s1;
	s0 =	sadd.s32 s0, s3;
	[tilespmem:$0x1FF90] =	vst v3;
	v3 =	vor.u32 $0x200, v1  }
0xd: {  	s5 =	ssub.s32 s25, s6;
	s26 =	sadd.s32 s1, s3;
	[dreg:$0x8] =	wrdreg s0;
	[tilespmem:$0x1FFA0] =	vst v3;
	v3 =	vor.u32 $0x280, v1  }
.Ltmp0:
0xe: {  	s3 =	sadd.s32 s29, s9;
	[dreg:$0x9] =	wrdreg s26;
	[tilespmem:$0x1FFB0] =	vst v3;
	v3 =	vor.u32 $0x300, v1;
	(pc) =	sbr.rel .LBB2_1-.Ltmp0, $4  }
0xf: {  	v2 =	vimm.f32 $0.0e+00;
	s24 =	simm.s32 $0x1400;
	s30 =	sadd.s32 $0x800, s4;
	[dreg:$0xb] =	wrdreg s3;
	[tilespmem:$0x1FFC0] =	vst v3;
	v3 =	vor.u32 $0x380, v1  }
0x10: {  	v12 =	vor.u32 $0x500, v1;
	v13 =	vor.u32 $0x580, v1;
	s0 =	sadd.s32 s28, s2;
	s31 =	smax.u32 s5, $0x1;
	[dreg:$0xa] =	wrdreg s30;
	[tilespmem:$0x1FFD0] =	vst v3;
	v3 =	vor.u32 $0x400, v1  }
0x11: {  	v14 =	vor.u32 $0x600, v1;
	v15 =	vor.u32 $0x680, v1;
	s25 =	simm.s32 $0x9400;
	s0 =	sadd.s32 $0x4A00, s0;
	[dreg:$0xd] =	wrdreg s31;
	[tilespmem:$0x1FFE0] =	vst v3;
	v3 =	vor.u32 $0x480, v1  }
0x12: {  	v16 =	vor.u32 $0x700, v1;
	v17 =	vor.u32 $0x780, v1;
	v18 =	vor.u32 $0x800, v1;
	s1 =	simm.s32 $0x0;
	s4 =	simm.s32 $0x3;
	[dreg:$0xc] =	wrdreg s0;
	[tilespmem:$0x1FFF0] =	vst v3  }
.LBB2_11:
0x13: {  	s0 =	stileid.u32;
	[bflag:$0x0] =	sbarrier.arrive $0xFFFF;
	s5 =	simm.s32 $0x10  }
0x14: {  	s6 =	simm.s32 $0x20;
	s0 =	sshll.u32 s0, $0x6;
	s3 =	rddreg [dreg:$0xb]  }
0x15: {  	s2 =	rddreg [dreg:$0xc];
	s0 =	sor.u32 $0x1C03, s0;
	s1 =	sshrl.u32 s3, $0x3  }
0x16: {  	[hbm:s2@s6], [sflag:s0] =	dma.strided [spmem:s1@s5], $0x80, s21, $0x10   }
0x17: {  	_ =	swait.ge [sflag:s4], $0x80  }
0x18: {  	s30 =	rddreg [dreg:$0xe]  }
0x19: {  	s31 =	rddreg [dreg:$0xd];
	s1 =	sadd.s32 $0x1, s30  }
0x1a: {  	p0 =	sne.s32 s1, s31  }
.Ltmp1:
0x1b: {  	_ = 	snop;
	(pc) =	sbr.rel @!p0 .LBB2_12-.Ltmp1, $3  }
0x1c: {  	_ =	sdelay $0x1  }
0x1d: {  	[sflag:s4] =	ssyncset.done $0x0  }
0x1e: {  	[sflag:s4] =	ssyncadd.s32 $0xFFFFFF80  }
.LBB2_1:
0x1f: {  	[dreg:$0xe] =	wrdreg s1  }
0x20: {  	s19 =	simm.s32 $0x0;
	s0 =	rddreg [dreg:$0x8]  }
0x21: {  	[tilespmem:s19], [sflag:$0x3] =	stream.linear.gather [hbm4b:s0+s19], $0x200, $0x38;
	[tilespmem:$0x1AD80] =	vst v63  }
0x22: {  	_ =	swait.ge [sflag:s4], $0x200  }
0x23: {  	[sflag:s4] =	ssyncset.done $0x0  }
0x24: {  	s2 =	simm.s32 $0x200;
	s20 =	rddreg [dreg:$0x9];
	[sflag:s4] =	ssyncadd.s32 $0xFFFFFE00  }
0x25: {  	[tilespmem:s2], [sflag:$0x3] =	stream.linear.gather [hbm4b:s20+s19], $0x200, $0x38;
	[tilespmem:$0x1AD80] =	vst v63  }
0x26: {  	_ =	swait.ge [sflag:s4], $0x200  }
0x27: {  	[sflag:s4] =	ssyncset.done $0x0  }
0x28: {  	s26 =	simm.s32 $0x400;
	s23 =	rddreg [dreg:$0xa];
	[sflag:s4] =	ssyncadd.s32 $0xFFFFFE00  }
0x29: {  	[tilespmem:s26], [sflag:$0x3] =	stream.linear.gather [hbm4b:s23+s19], $0x1000, $0x38;
	[tilespmem:$0x1AD80] =	vst v63  }
0x2a: {  	_ =	swait.ge [sflag:s4], $0x1000  }
0x2b: {  	[sflag:s4] =	ssyncset.done $0x0  }
0x2c: {  	[sflag:s4] =	ssyncadd.s32 $0xFFFFF000  }
0x2d: {  	s29 =	simm.s32 $0x1A400;
	s28 =	rddreg [dreg:$0x4]  }
0x2e: {  	[tilespmem:s29], [sflag:$0x3] =	stream.linear.gather [hbm4b:s28+s19], $0x80, $0x38;
	[tilespmem:$0x1AD80] =	vst v63  }
0x2f: {  	_ =	swait.ge [sflag:s4], $0x80  }
0x30: {  	[sflag:s4] =	ssyncset.done $0x0  }
0x31: {  	s31 =	simm.s32 $0x1A480;
	s30 =	rddreg [dreg:$0x7];
	[sflag:s4] =	ssyncadd.s32 $0xFFFFFF80  }
0x32: {  	[tilespmem:s31], [sflag:$0x3] =	stream.linear.gather [hbm4b:s30+s19], $0x80, $0x38;
	[tilespmem:$0x1AD80] =	vst v63  }
0x33: {  	_ =	swait.ge [sflag:s4], $0x80  }
0x34: {  	[sflag:s4] =	ssyncset.done $0x0  }
0x35: {  	s1 =	simm.s32 $0x0;
	s0 =	simm.s32 $0x40;
	[sflag:s4] =	ssyncadd.s32 $0xFFFFFF80  }
.LBB2_2:
0x36: {  	p0 =	sne.s32 s0, $0xFC0;
	[tilespmem:s1+$0x1A580] =	vst v2;
	s1 =	smov.u32 s0;
	s0 =	sadd.s32 $0x40, s0  }
.Ltmp2:
0x37: {  	(pc) =	sbr.rel @p0 .LBB2_2-.Ltmp2, $2  }
0x38: {  	_ =	sdelay $0x2  }
0x39: {  	s1 =	sshra.s32 s1, $0x2  }
0x3a: {  	[tilespmem:s1+$0x1A580] =	vst v2;
	s0 =	simm.s32 $0x1A580  }
0x3b: {  	[spmem:s3] =	stream.linear.scatter [tilespmem:s0], [sflag:$0x3], $0x400, $0x38;
	[tilespmem:$0x1AD80] =	vst v63  }
0x3c: {  	_ =	swait.ge [sflag:s4], $0x400  }
0x3d: {  	[sflag:s4] =	ssyncset.done $0x0  }
0x3e: {  	[sflag:s4] =	ssyncadd.s32 $0xFFFFFC00  }
0x3f: {  	[bflag:$0x0] =	sbarrier.arrive $0xFFFF  }
0x40: {  	v53 =	vld [tilespmem:$0x0];
	_ =	sdelay $0x4  }
0x41: {  	v20 =	vand.u32 $0xFFFFFF80, v53  }
0x42: {  	(v2sf) =	vpush v20, $0x1  }
0x43: {  	(v2sf) =	vpush v20, $0x0;
	_ =	sdelay $0x2  }
0x44: {  	(v2sf) =	vpush v20, $0x2;
	_ =	sdelay $0x3  }
0x45: {  	(v2sf) =	vpush v20, $0x3;
	_ =	sdelay $0x4  }
0x46: {  	(v2sf) =	vpush v20, $0x4;
	_ =	sdelay $0x1  }
0x47: {  	s2 =	simm.s32 $0x400;
	s28 =	simm.s32 $0x7A1400;
	s0 =	spop (v2sf)  }
0x48: {  	s6 =	simm.s32 $0x2;
	v36 =	vld [tilespmem:$0x1A400];
	s26 =	rddreg [dreg:$0x2];
	s23 =	spop (v2sf)  }
0x49: {  	v52 =	vld [tilespmem:$0x1A410];
	p0 =	seq.s32 s0, s23;
	p1 =	sne.s32 s0, s23;
	s1 =	sadd.s32 s26, s23  }
0x4a: {  	v19 =	vld [tilespmem:$0x1A480];
	[tilespmem:s24], [sflag:$0x1] =	stream.strided.gather [hbm4b:s1+s2], $0x800, s28, s2, $0x38  }
0x4b: {  	s1 =	spop (v2sf);
	s2 =	sadd.s32 @!p0 s26, s0;
	s3 =	simm.s32 @!p0 $0x400  }
0x4c: {  	s4 =	simm.s32 @!p0 $0x7A1400;
	s5 =	simm.s32 @!p0 $0x1C00;
	p2 =	sne.s32 s1, s0  }
0x4d: {  	[tilespmem:s5], [sflag:$0x1] =	stream.strided.gather @!p0 [hbm4b:s2+s3], $0x800, s4, s3, $0x38;
	[tilespmem:$0x1AD80] =	vst v63  }
0x4e: {  	(v2sf) =	vpush v20, $0x5;
	s6 =	simm.s32 @!p1 $0x1;
	p0 =	seq.s32 s1, s0;
	s0 =	simm.s32 @!p2 $0x0  }
0x4f: {  	s3 =	spop (v2sf);
	s0 =	simm.s32 @p2 $0x1;
	s2 =	sshll.u32 @!p0 s6, $0xB  }
0x50: {  	s4 =	sadd.s32 @!p0 s26, s1;
	s5 =	simm.s32 @!p0 $0x400;
	s7 =	simm.s32 @!p0 $0x7A1400  }
0x51: {  	(v2sf) =	vpush v20, $0x6;
	[smem:$0x7F8] =	sst s0;
	s0 =	simm.s32 $0x1;
	s2 =	sadd.s32 @!p0 $0x1400, s2  }
0x52: {  	[tilespmem:s2], [sflag:$0x1] =	stream.strided.gather @!p0 [hbm4b:s4+s5], $0x800, s7, s5, $0x38;
	[tilespmem:$0x1AD80] =	vst v63  }
0x53: {  	s0 =	simm.s32 @!p2 $0x0;
	p0 =	seq.s32 s3, s1  }
0x54: {  	p2 =	sne.s32 s3, s1;
	s4 =	spop (v2sf);
	s7 =	sadd.s32 s0, s6  }
0x55: {  	s1 =	simm.s32 @!p2 $0x0;
	s5 =	sadd.s32 @!p0 s26, s3;
	s8 =	simm.s32 @!p0 $0x400  }
0x56: {  	s9 =	simm.s32 @!p0 $0x7A1400;
	s1 =	simm.s32 @p2 $0x1;
	s2 =	sshll.u32 @!p0 s7, $0xB  }
0x57: {  	[smem:$0x7F9] =	sst s1;
	s1 =	simm.s32 $0x1;
	s2 =	sadd.s32 @!p0 $0x1400, s2  }
0x58: {  	(v2sf) =	vpush v20, $0x7;
	[tilespmem:s2], [sflag:$0x1] =	stream.strided.gather @!p0 [hbm4b:s5+s8], $0x800, s9, s8, $0x38;
	[tilespmem:$0x1AD80] =	vst v63  }
0x59: {  	s1 =	simm.s32 @!p2 $0x0;
	p2 =	sne.s32 s4, s3  }
0x5a: {  	p0 =	seq.s32 s4, s3;
	s9 =	sadd.s32 s1, s7;
	s2 =	simm.s32 @!p2 $0x0  }
0x5b: {  	s8 =	sadd.s32 @!p0 s26, s4;
	s10 =	simm.s32 @!p0 $0x400;
	s2 =	simm.s32 @p2 $0x1  }
0x5c: {  	s11 =	simm.s32 @!p0 $0x7A1400;
	s3 =	sshll.u32 @!p0 s9, $0xB;
	[smem:$0x7FA] =	sst s2  }
0x5d: {  	s2 =	simm.s32 $0x1;
	s5 =	spop (v2sf);
	s3 =	sadd.s32 @!p0 $0x1400, s3  }
0x5e: {  	[tilespmem:s3], [sflag:$0x1] =	stream.strided.gather @!p0 [hbm4b:s8+s10], $0x800, s11, s10, $0x38;
	[tilespmem:$0x1AD80] =	vst v63  }
0x5f: {  	s2 =	simm.s32 @!p2 $0x0;
	p0 =	seq.s32 s5, s4;
	p2 =	sne.s32 s5, s4  }
0x60: {  	s4 =	simm.s32 $0x1;
	s8 =	spop (v2sf);
	s3 =	simm.s32 @!p2 $0x0  }
0x61: {  	s11 =	sadd.s32 s2, s9;
	s4 =	simm.s32 @!p2 $0x0;
	s3 =	simm.s32 @p2 $0x1  }
0x62: {  	s10 =	sadd.s32 @!p0 s26, s5;
	[smem:$0x7FB] =	sst s3;
	s3 =	sshll.u32 @!p0 s11, $0xB  }
0x63: {  	(v2sf) =	vpush v20, $0x8;
	s13 =	simm.s32 @!p0 $0x400;
	s14 =	simm.s32 @!p0 $0x7A1400;
	s3 =	sadd.s32 @!p0 $0x1400, s3  }
0x64: {  	[tilespmem:s3], [sflag:$0x1] =	stream.strided.gather @!p0 [hbm4b:s10+s13], $0x800, s14, s13, $0x38;
	[tilespmem:$0x1AD80] =	vst v63  }
0x65: {  	p2 =	sne.s32 s8, s5;
	s14 =	sadd.s32 s4, s11  }
0x66: {  	p0 =	seq.s32 s8, s5;
	s3 =	simm.s32 @!p2 $0x0;
	s5 =	simm.s32 $0x1  }
0x67: {  	s13 =	spop (v2sf);
	s3 =	simm.s32 @p2 $0x1;
	s5 =	simm.s32 @!p2 $0x0  }
0x68: {  	s10 =	sadd.s32 @!p0 s26, s8;
	[smem:$0x7FC] =	sst s3;
	s3 =	sshll.u32 @!p0 s14, $0xB  }
0x69: {  	s15 =	simm.s32 @!p0 $0x400;
	s16 =	simm.s32 @!p0 $0x7A1400;
	s3 =	sadd.s32 @!p0 $0x1400, s3  }
0x6a: {  	(v2sf) =	vpush v20, $0x9;
	[tilespmem:s3], [sflag:$0x1] =	stream.strided.gather @!p0 [hbm4b:s10+s15], $0x800, s16, s15, $0x38;
	[tilespmem:$0x1AD80] =	vst v63  }
0x6b: {  	s16 =	sadd.s32 s5, s14;
	p0 =	seq.s32 s13, s8  }
0x6c: {  	s3 =	sshll.u32 @!p0 s16, $0xB;
	s10 =	sadd.s32 @!p0 s26, s13  }
0x6d: {  	s15 =	simm.s32 @!p0 $0x400;
	s17 =	simm.s32 @!p0 $0x7A1400;
	s3 =	sadd.s32 @!p0 $0x1400, s3  }
0x6e: {  	[tilespmem:s3], [sflag:$0x1] =	stream.strided.gather @!p0 [hbm4b:s10+s15], $0x800, s17, s15, $0x38;
	[tilespmem:$0x1AD80] =	vst v63  }
0x6f: {  	p0 =	sne.s32 s13, s8  }
0x70: {  	s3 =	simm.s32 @!p0 $0x0  }
0x71: {  	s3 =	simm.s32 @p0 $0x1  }
0x72: {  	s8 =	simm.s32 $0x1;
	[smem:$0x7FD] =	sst s3;
	s3 =	spop (v2sf);
	(v2sf) =	vpush v20, $0xA  }
0x73: {  	s8 =	simm.s32 @!p0 $0x0  }
0x74: {  	s17 =	sadd.s32 s8, s16;
	p0 =	seq.s32 s3, s13  }
0x75: {  	s10 =	sshll.u32 @!p0 s17, $0xB  }
0x76: {  	s15 =	sadd.s32 @!p0 s26, s3;
	s10 =	sand.u32 @!p0 $0x3FFFF800, s10  }
0x77: {  	s18 =	simm.s32 @!p0 $0x400;
	s19 =	simm.s32 @!p0 $0x7A1400;
	s10 =	sadd.s32 @!p0 $0x1400, s10  }
0x78: {  	[tilespmem:s10], [sflag:$0x1] =	stream.strided.gather @!p0 [hbm4b:s15+s18], $0x800, s19, s18, $0x38;
	[tilespmem:$0x1AD80] =	vst v63  }
0x79: {  	p3 =	sne.s32 s3, s13;
	s10 =	simm.s32 $0x1;
	s19 =	spop (v2sf);
	(v2sf) =	vpush v20, $0xB  }
0x7a: {  	s10 =	simm.s32 @!p3 $0x0  }
0x7b: {  	p0 =	seq.s32 s19, s3;
	s18 =	sadd.s32 s10, s17  }
0x7c: {  	s13 =	sshll.u32 @!p0 s18, $0xB  }
0x7d: {  	s15 =	sadd.s32 @!p0 s26, s19;
	s13 =	sand.u32 @!p0 $0x3FFFF800, s13  }
0x7e: {  	s20 =	simm.s32 @!p0 $0x400;
	s23 =	simm.s32 @!p0 $0x7A1400;
	s13 =	sadd.s32 @!p0 $0x1400, s13  }
0x7f: {  	[tilespmem:s13], [sflag:$0x1] =	stream.strided.gather @!p0 [hbm4b:s15+s20], $0x800, s23, s20, $0x38;
	[tilespmem:$0x1AD80] =	vst v63  }
0x80: {  	p6 =	sne.s32 s19, s3;
	s13 =	simm.s32 $0x1  }
0x81: {  	s13 =	simm.s32 @!p6 $0x0;
	s23 =	spop (v2sf)  }
0x82: {  	s20 =	sadd.s32 s13, s18;
	p0 =	seq.s32 s23, s19  }
0x83: {  	s3 =	sshll.u32 @!p0 s20, $0xB  }
0x84: {  	s29 =	smov.u32 s26;
	(v2sf) =	vpush v20, $0xC;
	s15 =	sadd.s32 @!p0 s26, s23;
	s3 =	sand.u32 @!p0 $0x3FFFF800, s3  }
0x85: {  	s26 =	simm.s32 @!p0 $0x400;
	s28 =	simm.s32 @!p0 $0x7A1400;
	s3 =	sadd.s32 @!p0 $0x1400, s3  }
0x86: {  	[tilespmem:s3], [sflag:$0x1] =	stream.strided.gather @!p0 [hbm4b:s15+s26], $0x800, s28, s26, $0x38;
	[tilespmem:$0x1AD80] =	vst v63  }
0x87: {  	p2 =	sne.s32 s23, s19;
	s15 =	simm.s32 $0x1  }
0x88: {  	s26 =	spop (v2sf);
	s15 =	simm.s32 @!p2 $0x0  }
0x89: {  	p0 =	seq.s32 s26, s23;
	s19 =	sadd.s32 s15, s20  }
0x8a: {  	s28 =	sshll.u32 @!p0 s19, $0xB  }
0x8b: {  	s29 =	sadd.s32 @!p0 s29, s26;
	s28 =	sand.u32 @!p0 $0x3FFFF800, s28  }
0x8c: {  	(v2sf) =	vpush v20, $0xD;
	s30 =	simm.s32 @!p0 $0x400;
	s31 =	simm.s32 @!p0 $0x7A1400;
	s28 =	sadd.s32 @!p0 $0x1400, s28  }
0x8d: {  	[tilespmem:s28], [sflag:$0x1] =	stream.strided.gather @!p0 [hbm4b:s29+s30], $0x800, s31, s30, $0x38;
	[tilespmem:$0x1AD80] =	vst v63  }
0x8e: {  	s29 =	sld [smem:$0x7F8];
	_ =	sdelay $0x1  }
0x8f: {  	s3 =	simm.s32 $0x1;
	s30 =	sld [smem:$0x7F9]  }
0x90: {  	s3 =	simm.s32 @!p1 $0x0;
	p1 =	sne.s32 s26, s23;
	p0 =	seq.s32 s29, $0x1  }
0x91: {  	vm1 =	veq.s32 v0, $0x0;
	v3 =	vmov s3;
	s31 =	sld [smem:$0x7FA];
	s3 =	smov.u32 @p0 s6;
	s6 =	simm.s32 $0x1  }
0x92: {  	vm0 =	veq.s32 v0, $0x2;
	v4 =	vsel vm1, $0x0, v3;
	p4 =	seq.s32 s30, $0x1;
	s28 =	spop (v2sf);
	s6 =	simm.s32 @!p1 $0x0  }
0x93: {  	(v2sf) =	vpush v20, $0xE;
	v4 =	vsel vm0, s3, v4;
	p0 =	seq.s32 s28, s26;
	s3 =	smov.u32 @p4 s7;
	s23 =	sadd.s32 s6, s19  }
0x94: {  	vm2 =	veq.s32 v0, $0x3;
	p4 =	seq.s32 s31, $0x1;
	s31 =	rddreg [dreg:$0x2];
	s7 =	sshll.u32 @!p0 s23, $0xB  }
0x95: {  	v4 =	vsel vm2, s3, v4;
	s3 =	smov.u32 @p4 s9;
	s9 =	sadd.s32 @!p0 s31, s28;
	s7 =	sand.u32 @!p0 $0x3FFFF800, s7  }
0x96: {  	s29 =	simm.s32 @!p0 $0x400;
	s30 =	simm.s32 @!p0 $0x7A1400;
	s7 =	sadd.s32 @!p0 $0x1400, s7  }
0x97: {  	[tilespmem:s7], [sflag:$0x1] =	stream.strided.gather @!p0 [hbm4b:s9+s29], $0x800, s30, s29, $0x38;
	[tilespmem:$0x1AD80] =	vst v63  }
0x98: {  	s9 =	sld [smem:$0x7FB]  }
0x99: {  	vm3 =	veq.s32 v0, $0x4;
	p4 =	sne.s32 s28, s26;
	s7 =	simm.s32 $0x1;
	s29 =	sld [smem:$0x7FC]  }
0x9a: {  	vm4 =	veq.s32 v0, $0x5;
	vm5 =	veq.s32 v0, $0x6;
	s26 =	spop (v2sf);
	(v2sf) =	vpush v20, $0xF;
	s30 =	sld [smem:$0x7FD];
	s7 =	simm.s32 @!p4 $0x0  }
0x9b: {  	vm7 =	veq.s32 v0, $0x7;
	vm8 =	veq.s32 v0, $0x8;
	vm9 =	veq.s32 v0, $0x9;
	p0 =	seq.s32 s9, $0x1;
	s9 =	sadd.s32 s7, s23  }
0x9c: {  	vm10 =	veq.s32 v0, $0xA;
	vm11 =	veq.s32 v0, $0xB;
	v4 =	vsel vm3, s3, v4;
	p5 =	seq.s32 s29, $0x1;
	s3 =	smov.u32 @p0 s11;
	p0 =	seq.s32 s26, s28  }
0x9d: {  	vm12 =	veq.s32 v0, $0xC;
	v21 =	vbroadcast v36, $0x0;
	v4 =	vsel vm4, s3, v4;
	s3 =	smov.u32 @p5 s14;
	s11 =	sshll.u32 @!p0 s9, $0xB;
	p5 =	seq.s32 s30, $0x1  }
0x9e: {  	vm13 =	veq.s32 v0, $0xD;
	v22 =	vbroadcast v36, $0x1;
	v23 =	vbroadcast v36, $0x2;
	s14 =	sadd.s32 @!p0 s31, s26;
	s29 =	simm.s32 @!p0 $0x7A1400;
	s11 =	sand.u32 @!p0 $0x3FFFF800, s11  }
0x9f: {  	v24 =	vbroadcast v36, $0x3;
	v25 =	vbroadcast v36, $0x4;
	v4 =	vsel vm5, s3, v4;
	s3 =	smov.u32 @p5 s16;
	s16 =	simm.s32 @!p0 $0x400;
	s11 =	sadd.s32 @!p0 $0x1400, s11  }
0xa0: {  	v26 =	vbroadcast v36, $0x5;
	v27 =	vbroadcast v36, $0x6;
	v3 =	vsel vm1, $0x1, v3;
	[tilespmem:s11], [sflag:$0x1] =	stream.strided.gather @!p0 [hbm4b:s14+s16], $0x800, s29, s16, $0x38;
	[tilespmem:$0x1AD80] =	vst v63  }
0xa1: {  	v28 =	vbroadcast v36, $0x7;
	v3 =	vsel vm0, s0, v3;
	v4 =	vsel vm7, s3, v4;
	s3 =	smov.u32 @p3 s17;
	p3 =	sne.s32 s26, s28;
	s11 =	simm.s32 $0x1  }
0xa2: {  	v29 =	vbroadcast v36, $0x8;
	v30 =	vbroadcast v36, $0x9;
	v3 =	vsel vm2, s1, v3;
	s0 =	spop (v2sf);
	s11 =	simm.s32 @!p3 $0x0  }
0xa3: {  	v31 =	vbroadcast v36, $0xA;
	v32 =	vbroadcast v36, $0xB;
	v3 =	vsel vm3, s2, v3;
	s1 =	sadd.s32 s11, s9;
	p5 =	seq.s32 s0, s26  }
0xa4: {  	v33 =	vbroadcast v36, $0xC;
	v34 =	vbroadcast v36, $0xD;
	v3 =	vsel vm4, s4, v3;
	s2 =	sshll.u32 @!p5 s1, $0xB  }
0xa5: {  	v35 =	vbroadcast v36, $0xE;
	v3 =	vsel vm5, s5, v3;
	v4 =	vsel vm8, s3, v4;
	s3 =	smov.u32 @p6 s18;
	s4 =	sadd.s32 @!p5 s31, s0;
	s2 =	sand.u32 @!p5 $0x3FFFF800, s2  }
0xa6: {  	v36 =	vbroadcast v36, $0xF;
	v37 =	vbroadcast v52, $0x0;
	v3 =	vsel vm7, s8, v3;
	s5 =	simm.s32 @!p5 $0x400;
	s8 =	simm.s32 @!p5 $0x7A1400;
	s2 =	sadd.s32 @!p5 $0x1400, s2  }
0xa7: {  	vm14 =	veq.s32 v0, $0xE;
	v38 =	vbroadcast v52, $0x1;
	v39 =	vbroadcast v52, $0x2;
	[tilespmem:s2], [sflag:$0x1] =	stream.strided.gather @!p5 [hbm4b:s4+s5], $0x800, s8, s5, $0x38;
	[tilespmem:$0x1AD80] =	vst v63  }
0xa8: {  	v40 =	vbroadcast v52, $0x3;
	v3 =	vsel vm8, s10, v3;
	v4 =	vsel vm9, s3, v4;
	s3 =	smov.u32 @p2 s20;
	p0 =	sne.s32 s0, s26;
	s2 =	simm.s32 $0x1  }
0xa9: {  	v41 =	vbroadcast v52, $0x4;
	v3 =	vsel vm9, s13, v3;
	v4 =	vsel vm10, s3, v4;
	s3 =	smov.u32 @p1 s19;
	s4 =	spop (v2sf);
	s2 =	simm.s32 @!p0 $0x0  }
0xaa: {  	v42 =	vbroadcast v52, $0x5;
	v3 =	vsel vm10, s15, v3;
	v4 =	vsel vm11, s3, v4;
	s3 =	smov.u32 @p4 s23;
	p1 =	seq.s32 s4, s0;
	s5 =	sadd.s32 s2, s1  }
0xab: {  	v43 =	vbroadcast v52, $0x6;
	v3 =	vsel vm11, s6, v3;
	v4 =	vsel vm12, s3, v4;
	s3 =	smov.u32 @p3 s9;
	s6 =	sshll.u32 @!p1 s5, $0xB  }
0xac: {  	v44 =	vbroadcast v52, $0x7;
	v45 =	vbroadcast v52, $0x8;
	v3 =	vsel vm12, s7, v3;
	s7 =	sadd.s32 @!p1 s31, s4;
	s8 =	simm.s32 @!p1 $0x400;
	s6 =	sand.u32 @!p1 $0x3FFFF800, s6  }
.Ltmp3:
0xad: {  	v46 =	vbroadcast v52, $0x9;
	v47 =	vbroadcast v52, $0xA;
	s9 =	simm.s32 @!p1 $0x7A1400;
	s6 =	sadd.s32 @!p1 $0x1400, s6;
	(pc) =	sbr.rel .LBB2_4-.Ltmp3, $4  }
0xae: {  	vm15 =	veq.s32 v0, $0xF;
	v48 =	vbroadcast v52, $0xB;
	v49 =	vbroadcast v52, $0xC;
	[tilespmem:s6], [sflag:$0x1] =	stream.strided.gather @!p1 [hbm4b:s7+s8], $0x800, s9, s8, $0x38;
	[tilespmem:$0x1AD80] =	vst v63  }
0xaf: {  	v50 =	vbroadcast v52, $0xD;
	v3 =	vsel vm13, s11, v3;
	v4 =	vsel vm13, s3, v4;
	s3 =	smov.u32 @p0 s1;
	p1 =	sne.s32 s4, s0;
	s0 =	simm.s32 $0x1  }
0xb0: {  	v51 =	vbroadcast v52, $0xE;
	v4 =	vsel vm14, s3, v4;
	v3 =	vsel vm14, s2, v3;
	s0 =	simm.s32 @!p1 $0x0;
	s3 =	smov.u32 @p1 s5  }
0xb1: {  	v52 =	vbroadcast v52, $0xF;
	s1 =	simm.s32 $0x0;
	v56 =	vsel vm15, s0, v3;
	s0 =	sadd.s32 s0, s5;
	v55 =	vsel vm15, s3, v4  }
.LBB2_10:
0xb2: {  	_ =	swait.ge [sflag:s22], $0x1000  }
0xb3: {  	[sflag:s22] =	ssyncset.done $0x0  }
0xb4: {  	[sflag:s22] =	ssyncadd.s32 $0xFFFFF000  }
0xb5: {  	_ =	swait.ge [sflag:s22], $0x1000  }
0xb6: {  	[sflag:s22] =	ssyncset.done $0x0  }
0xb7: {  	[sflag:s22] =	ssyncadd.s32 $0xFFFFF000  }
0xb8: {  	_ =	swait.ge [sflag:s22], $0x1000  }
0xb9: {  	[sflag:s22] =	ssyncset.done $0x0  }
0xba: {  	[sflag:s22] =	ssyncadd.s32 $0xFFFFF000  }
0xbb: {  	_ =	swait.ge [sflag:s22], $0x1000  }
0xbc: {  	[sflag:s22] =	ssyncset.done $0x0  }
0xbd: {  	[sflag:s22] =	ssyncadd.s32 $0xFFFFF000  }
0xbe: {  	_ =	swait.ge [sflag:s22], $0x1000  }
0xbf: {  	[sflag:s22] =	ssyncset.done $0x0  }
0xc0: {  	[sflag:s22] =	ssyncadd.s32 $0xFFFFF000  }
0xc1: {  	_ =	swait.ge [sflag:s22], $0x1000  }
0xc2: {  	[sflag:s22] =	ssyncset.done $0x0  }
0xc3: {  	[sflag:s22] =	ssyncadd.s32 $0xFFFFF000  }
0xc4: {  	_ =	swait.ge [sflag:s22], $0x1000  }
0xc5: {  	[sflag:s22] =	ssyncset.done $0x0  }
0xc6: {  	[sflag:s22] =	ssyncadd.s32 $0xFFFFF000  }
0xc7: {  	_ =	swait.ge [sflag:s22], $0x1000  }
0xc8: {  	[sflag:s22] =	ssyncset.done $0x0  }
0xc9: {  	[sflag:s22] =	ssyncadd.s32 $0xFFFFF000  }
0xca: {  	_ =	swait.ge [sflag:s22], $0x1000  }
0xcb: {  	[sflag:s22] =	ssyncset.done $0x0  }
0xcc: {  	[sflag:s22] =	ssyncadd.s32 $0xFFFFF000  }
0xcd: {  	_ =	swait.ge [sflag:s22], $0x1000  }
0xce: {  	[sflag:s22] =	ssyncset.done $0x0  }
0xcf: {  	[sflag:s22] =	ssyncadd.s32 $0xFFFFF000  }
0xd0: {  	_ =	swait.ge [sflag:s22], $0x1000  }
0xd1: {  	[sflag:s22] =	ssyncset.done $0x0  }
0xd2: {  	[sflag:s22] =	ssyncadd.s32 $0xFFFFF000  }
0xd3: {  	_ =	swait.ge [sflag:s22], $0x1000  }
0xd4: {  	[sflag:s22] =	ssyncset.done $0x0  }
0xd5: {  	[sflag:s22] =	ssyncadd.s32 $0xFFFFF000  }
0xd6: {  	_ =	swait.ge [sflag:s22], $0x1000  }
0xd7: {  	[sflag:s22] =	ssyncset.done $0x0  }
0xd8: {  	[sflag:s22] =	ssyncadd.s32 $0xFFFFF000  }
0xd9: {  	_ =	swait.ge [sflag:s22], $0x1000  }
0xda: {  	[sflag:s22] =	ssyncset.done $0x0  }
0xdb: {  	[sflag:s22] =	ssyncadd.s32 $0xFFFFF000  }
0xdc: {  	_ =	swait.ge [sflag:s22], $0x1000  }
0xdd: {  	[sflag:s22] =	ssyncset.done $0x0  }
0xde: {  	[sflag:s22] =	ssyncadd.s32 $0xFFFFF000  }
0xdf: {  	_ =	swait.ge [sflag:s22], $0x1000  }
0xe0: {  	v5 =	vld [tilespmem:$0x1FF70]  }
0xe1: {  	v7 =	vld [tilespmem:$0x1FF80]  }
0xe2: {  	v3 =	vand.u32 $0x7F, v54;
	v9 =	vld [tilespmem:$0x1FF90]  }
0xe3: {  	v4 =	vor.u32 v1, v3;
	v11 =	vld [tilespmem:$0x1FFA0]  }
0xe4: {  	v60 =	vld [tilespmem:$0x1FFB0]  }
0xe5: {  	[sflag:s22] =	ssyncset.done $0x0;
	v55 =	vld [tilespmem:$0x1FFC0]  }
0xe6: {  	v56 =	vld [tilespmem:$0x1FFD0];
	[sflag:s22] =	ssyncadd.s32 $0xFFFFF000  }
0xe7: {  	v6 =	vld [tilespmem:$0x19400]  }
0xe8: {  	v4 =	vld.idx.msk [tilespmem:v4+s25+$0x0], $0xffff;
	v5 =	vor.u32 v5, v3  }
0xe9: {  	v8 =	vld [tilespmem:$0x19480];
	v7 =	vor.u32 v7, v3  }
0xea: {  	v10 =	vld [tilespmem:$0x19500];
	v9 =	vor.u32 v9, v3  }
0xeb: {  	v59 =	vld [tilespmem:$0x19580];
	v11 =	vor.u32 v11, v3  }
0xec: {  	v61 =	vld [tilespmem:$0x19600]  }
0xed: {  	v5 =	vld.idx.msk [tilespmem:v5+s25+$0x0], $0xffff  }
0xee: {  	v7 =	vld.idx.msk [tilespmem:v7+s25+$0x0], $0xffff  }
0xef: {  	v9 =	vld.idx.msk [tilespmem:v9+s25+$0x0], $0xffff  }
0xf0: {  	v11 =	vld.idx.msk [tilespmem:v11+s25+$0x0], $0xffff;
	_ =	sdelay $0x1  }
0xf1: {  	v54 =	vor.u32 v60, v3;
	v4 =	vmul.f32 v4, v6  }
0xf2: {  	v58 =	vld [tilespmem:$0x1FFE0];
	v55 =	vor.u32 v55, v3  }
0xf3: {  	v63 =	vld [tilespmem:$0x19680];
	v4 =	vadd.f32 v4, v19;
	v5 =	vmul.f32 v5, v8;
	v62 =	vmul.f32 v7, v10  }
0xf4: {  	v10 =	vor.u32 v56, v3;
	v57 =	vmul.f32 v9, v59;
	v59 =	vmul.f32 v11, v61;
	v61 =	vld [tilespmem:$0x1FFF0]  }
0xf5: {  	v60 =	vld [tilespmem:$0x19780];
	v4 =	vadd.f32 v5, v4  }
0xf6: {  	v54 =	vld.idx.msk [tilespmem:v54+s25+$0x0], $0xffff  }
0xf7: {  	v6 =	vld [tilespmem:$0x19700];
	v9 =	vor.u32 v58, v3;
	v4 =	vadd.f32 v62, v4  }
0xf8: {  	v55 =	vld.idx.msk [tilespmem:v55+s25+$0x0], $0xffff  }
0xf9: {  	v11 =	vor.u32 v61, v3;
	v10 =	vld.idx.msk [tilespmem:v10+s25+$0x0], $0xffff;
	v4 =	vadd.f32 v57, v4;
	_ =	sdelay $0x1  }
0xfa: {  	v62 =	vmul.f32 v54, v63;
	v63 =	vld [tilespmem:$0x19800];
	v57 =	vor.u32 v12, v3;
	v4 =	vadd.f32 v59, v4  }
0xfb: {  	v9 =	vld.idx.msk [tilespmem:v9+s25+$0x0], $0xffff  }
0xfc: {  	v61 =	vmul.f32 v55, v6;
	v6 =	vld [tilespmem:$0x19880];
	v4 =	vadd.f32 v62, v4;
	v62 =	vor.u32 v13, v3  }
0xfd: {  	v11 =	vld.idx.msk [tilespmem:v11+s25+$0x0], $0xffff;
	v58 =	vmul.f32 v10, v60;
	v60 =	vor.u32 v14, v3  }
0xfe: {  	v59 =	vld [tilespmem:$0x19900];
	v4 =	vadd.f32 v61, v4  }
0xff: {  	v54 =	vld.idx.msk [tilespmem:v57+s25+$0x0], $0xffff  }
0x100: {  	v63 =	vmul.f32 v9, v63;
	v57 =	vld [tilespmem:$0x19980];
	v61 =	vor.u32 v15, v3;
	v4 =	vadd.f32 v58, v4  }
0x101: {  	v55 =	vld.idx.msk [tilespmem:v62+s25+$0x0], $0xffff  }
0x102: {  	v58 =	vor.u32 v16, v3;
	v62 =	vmul.f32 v11, v6;
	v10 =	vld.idx.msk [tilespmem:v60+s25+$0x0], $0xffff;
	v4 =	vadd.f32 v63, v4  }
0x103: {  	v63 =	vld [tilespmem:$0x19A00]  }
0x104: {  	v8 =	vld [tilespmem:$0x19A80];
	v60 =	vor.u32 v17, v3;
	v59 =	vmul.f32 v54, v59;
	v4 =	vadd.f32 v62, v4  }
0x105: {  	v9 =	vld.idx.msk [tilespmem:v61+s25+$0x0], $0xffff  }
0x106: {  	v7 =	vld [tilespmem:$0x19B00];
	v62 =	vor.u32 v18, v3;
	v4 =	vadd.f32 v59, v4;
	v61 =	vmul.f32 v55, v57  }
0x107: {  	v56 =	vor.u32 $0x880, v1;
	v11 =	vld.idx.msk [tilespmem:v58+s25+$0x0], $0xffff  }
0x108: {  	v6 =	vld [tilespmem:$0x19B80];
	v63 =	vmul.f32 v10, v63;
	v10 =	vor.u32 v56, v3;
	v4 =	vadd.f32 v61, v4  }
0x109: {  	v54 =	vld.idx.msk [tilespmem:v60+s25+$0x0], $0xffff;
	v60 =	vor.u32 $0x900, v1  }
0x10a: {  	v61 =	vmul.f32 v9, v8;
	v8 =	vld [tilespmem:$0x19C00];
	v9 =	vor.u32 v60, v3;
	v4 =	vadd.f32 v63, v4  }
0x10b: {  	v55 =	vld.idx.msk [tilespmem:v62+s25+$0x0], $0xffff;
	v62 =	vor.u32 $0x980, v1  }
0x10c: {  	v63 =	vmul.f32 v11, v7;
	v7 =	vld [tilespmem:$0x19C80];
	v11 =	vor.u32 v62, v3;
	v4 =	vadd.f32 v61, v4  }
0x10d: {  	v60 =	vor.u32 $0xA00, v1;
	v10 =	vld.idx.msk [tilespmem:v10+s25+$0x0], $0xffff  }
0x10e: {  	v61 =	vmul.f32 v54, v6;
	v6 =	vld [tilespmem:$0x19D00];
	v54 =	vor.u32 v60, v3;
	v4 =	vadd.f32 v63, v4  }
0x10f: {  	v62 =	vor.u32 $0xA80, v1;
	v9 =	vld.idx.msk [tilespmem:v9+s25+$0x0], $0xffff  }
0x110: {  	v63 =	vmul.f32 v55, v8;
	v8 =	vld [tilespmem:$0x19D80];
	v55 =	vor.u32 v62, v3;
	v4 =	vadd.f32 v61, v4  }
0x111: {  	v60 =	vor.u32 $0xB00, v1;
	v11 =	vld.idx.msk [tilespmem:v11+s25+$0x0], $0xffff  }
0x112: {  	v61 =	vmul.f32 v10, v7;
	v7 =	vld [tilespmem:$0x19E00];
	v10 =	vor.u32 v60, v3;
	v4 =	vadd.f32 v63, v4  }
0x113: {  	v62 =	vor.u32 $0xB80, v1;
	v54 =	vld.idx.msk [tilespmem:v54+s25+$0x0], $0xffff;
	v60 =	vor.u32 $0xC00, v1  }
0x114: {  	v63 =	vmul.f32 v9, v6;
	v6 =	vld [tilespmem:$0x19E80];
	v9 =	vor.u32 v62, v3;
	v4 =	vadd.f32 v61, v4  }
0x115: {  	s1 =	sld [smem:$0x7E1];
	v62 =	vor.u32 v60, v3;
	v55 =	vld.idx.msk [tilespmem:v55+s25+$0x0], $0xffff  }
0x116: {  	s28 =	sld [smem:$0x7E4];
	v61 =	vmul.f32 v11, v8;
	v8 =	vld [tilespmem:$0x19F00];
	v4 =	vadd.f32 v63, v4  }
0x117: {  	s13 =	simm.s32 $0x1;
	vm0 =	veq.s32 v0, $0x0;
	s2 =	sld [smem:$0x7E5];
	v57 =	vor.u32 $0xC80, v1;
	v10 =	vld.idx.msk [tilespmem:v10+s25+$0x0], $0xffff  }
0x118: {  	s13 =	simm.s32 @!p6 $0x0;
	s3 =	sld [smem:$0x7E6];
	v63 =	vmul.f32 v54, v7;
	v7 =	vld [tilespmem:$0x19F80];
	v54 =	vor.u32 v57, v3;
	v4 =	vadd.f32 v61, v4  }
0x119: {  	vm1 =	veq.s32 v0, $0x2;
	s7 =	sld [smem:$0x7E7];
	v58 =	vor.u32 $0xD00, v1;
	v56 =	vmov s13;
	v9 =	vld.idx.msk [tilespmem:v9+s25+$0x0], $0xffff  }
0x11a: {  	s13 =	smov.u32 @p5 s1;
	s1 =	sld [smem:$0x7E2];
	v11 =	vld.idx.msk [tilespmem:v62+s25+$0x0], $0xffff;
	v61 =	vmul.f32 v55, v6;
	v55 =	vor.u32 v58, v3;
	v4 =	vadd.f32 v63, v4  }
0x11b: {  	vm2 =	veq.s32 v0, $0x3;
	s8 =	rddreg [dreg:$0x1e];
	v60 =	vsel vm0, $0x0, v56;
	v62 =	vor.u32 $0xD80, v1;
	v6 =	vld [tilespmem:$0x1A000]  }
0x11c: {  	s9 =	sld [smem:$0x7E8];
	v63 =	vmul.f32 v10, v8;
	v8 =	vld [tilespmem:$0x1A080];
	v10 =	vor.u32 v62, v3;
	v4 =	vadd.f32 v61, v4  }
0x11d: {  	vm3 =	veq.s32 v0, $0x4;
	v57 =	vsel vm1, s13, v60;
	s13 =	smov.u32 @p4 s1;
	v60 =	vor.u32 $0xE00, v1;
	s1 =	sld [smem:$0x7E3];
	v54 =	vld.idx.msk [tilespmem:v54+s25+$0x0], $0xffff  }
0x11e: {  	s10 =	rddreg [dreg:$0x12];
	v61 =	vmul.f32 v9, v7;
	v7 =	vld [tilespmem:$0x1A100];
	v9 =	vor.u32 v60, v3;
	v4 =	vadd.f32 v63, v4  }
0x11f: {  	vm4 =	veq.s32 v0, $0x5;
	s11 =	sld [smem:$0x7EA];
	v57 =	vsel vm2, s13, v57;
	v62 =	vor.u32 $0xE80, v1;
	v55 =	vld.idx.msk [tilespmem:v55+s25+$0x0], $0xffff  }
0x120: {  	s13 =	smov.u32 @p3 s1;
	s1 =	rddreg [dreg:$0x1f];
	v63 =	vmul.f32 v11, v6;
	v6 =	vld [tilespmem:$0x1A180];
	v11 =	vor.u32 v62, v3;
	v4 =	vadd.f32 v61, v4  }
0x121: {  	v56 =	vsel vm0, $0x1, v56;
	v57 =	vsel vm3, s13, v57;
	s13 =	smov.u32 @p2 s1;
	s1 =	sld [smem:$0x7E9];
	v60 =	vor.u32 $0xF00, v1;
	v10 =	vld.idx.msk [tilespmem:v10+s25+$0x0], $0xffff  }
0x122: {  	s14 =	rddreg [dreg:$0x11];
	v61 =	vmul.f32 v54, v8;
	v8 =	vld [tilespmem:$0x1A200];
	v54 =	vor.u32 v60, v3;
	v4 =	vadd.f32 v63, v4  }
0x123: {  	s15 =	sld [smem:$0x7ED];
	p0 =	seq.s32 s28, $0x1;
	v5 =	vsel vm1, s8, v56;
	v57 =	vsel vm4, s13, v57;
	v62 =	vor.u32 $0xF80, v1;
	v9 =	vld.idx.msk [tilespmem:v9+s25+$0x0], $0xffff  }
0x124: {  	v59 =	vld [tilespmem:$0x1A280];
	s13 =	smov.u32 @p0 s1;
	s1 =	sld [smem:$0x7EB];
	v3 =	vor.u32 v62, v3;
	v63 =	vmul.f32 v55, v7;
	v4 =	vadd.f32 v61, v4  }
0x125: {  	vm5 =	veq.s32 v0, $0x6;
	s17 =	rddreg [dreg:$0xf];
	v5 =	vsel vm2, s30, v5;
	v11 =	vld.idx.msk [tilespmem:v11+s25+$0x0], $0xffff  }
0x126: {  	s19 =	rddreg [dreg:$0x17];
	v5 =	vsel vm3, s0, v5;
	p0 =	seq.s32 s2, $0x1;
	v62 =	vld [tilespmem:$0x1A300];
	v61 =	vmul.f32 v10, v6;
	v4 =	vadd.f32 v63, v4  }
0x127: {  	vm6 =	veq.s32 v0, $0x7;
	s23 =	sld [smem:$0x7F0];
	v5 =	vsel vm4, s10, v5;
	v57 =	vsel vm5, s13, v57;
	s13 =	smov.u32 @p0 s1;
	v54 =	vld.idx.msk [tilespmem:v54+s25+$0x0], $0xffff  }
0x128: {  	s28 =	rddreg [dreg:$0x5];
	v60 =	vsel vm6, s13, v57;
	v57 =	vld [tilespmem:$0x1A380];
	v8 =	vmul.f32 v9, v8;
	v4 =	vadd.f32 v61, v4  }
0x129: {  	vm7 =	veq.s32 v0, $0x8;
	s0 =	rddreg [dreg:$0x1b];
	v5 =	vsel vm5, s16, v5;
	v3 =	vld.idx.msk [tilespmem:v3+s25+$0x0], $0xffff  }
0x12a: {  	v5 =	vsel vm6, s14, v5;
	s1 =	sld [smem:$0x7EC];
	v7 =	vmul.f32 v11, v59;
	v4 =	vadd.f32 v8, v4  }
0x12b: {  	vm9 =	veq.s32 v0, $0x9;
	p1 =	seq.s32 s23, $0x1;
	s16 =	sld [smem:$0x7EE];
	v5 =	vsel vm7, s4, v5;
	s4 =	simm.s32 $0x3  }
0x12c: {  	v5 =	vsel vm9, s18, v5;
	s18 =	sshll.u32 s17, $0x7;
	s2 =	simm.s32 $0x10;
	p0 =	seq.s32 s3, $0x1;
	v6 =	vmul.f32 v54, v62;
	v4 =	vadd.f32 v7, v4  }
0x12d: {  	s13 =	smov.u32 @p0 s1;
	p0 =	seq.s32 s7, $0x1;
	s1 =	rddreg [dreg:$0x1d]  }
0x12e: {  	v63 =	vsel vm7, s13, v60;
	s13 =	smov.u32 @p0 s1;
	p0 =	seq.s32 s9, $0x1;
	s1 =	rddreg [dreg:$0x1c];
	v3 =	vmul.f32 v3, v57;
	v4 =	vadd.f32 v6, v4  }
0x12f: {  	vm10 =	veq.s32 v0, $0xA;
	s3 =	simm.s32 $0x1A500;
	v10 =	vsel vm9, s13, v63;
	s13 =	smov.u32 @p0 s1;
	p0 =	seq.s32 s11, $0x1  }
0x130: {  	s1 =	sand.u32 $0x3FFFFF80, s18;
	v58 =	vsel vm10, s13, v10;
	s13 =	smov.u32 @p0 s0;
	s0 =	rddreg [dreg:$0x1a];
	v3 =	vadd.f32 v3, v4  }
0x131: {  	vm11 =	veq.s32 v0, $0xB;
	p0 =	seq.s32 s15, $0x1;
	v61 =	vsel vm10, s29, v5;
	s1 =	sadd.s32 $0x400, s1;
	s29 =	rddreg [dreg:$0x13]  }
0x132: {  	v59 =	vsel vm11, s13, v58;
	s13 =	smov.u32 @p0 s0;
	p0 =	seq.s32 s16, $0x1;
	s0 =	rddreg [dreg:$0x18];
	[tilespmem:$0x1A500] =	vst v3  }
0x133: {  	vm12 =	veq.s32 v0, $0xC;
	[spmem:s28] =	stream.indirect.scatter [tilespmem:s3], [sflag:$0x3], $0x1, s1, s2, $0xb8;
	[tilespmem:$0x1AD80] =	vst v63  }
0x134: {  	vm13 =	veq.s32 v0, $0xD;
	v60 =	vsel vm12, s13, v59;
	s13 =	smov.u32 @p0 s6;
	p0 =	sne.s32 s5, s19;
	v4 =	vsel vm11, s20, v61;
	_ =	swait.ge [sflag:s4], $0x10  }
0x135: {  	vm14 =	veq.s32 v0, $0xE;
	v62 =	vsel vm13, s13, v60;
	s13 =	smov.u32 @p1 s0;
	v3 =	vsel vm12, s31, v4;
	s1 =	simm.s32 $0x1;
	s31 =	rddreg [dreg:$0x16]  }
0x136: {  	v63 =	vsel vm14, s13, v62;
	s13 =	smov.u32 @p0 s26;
	s1 =	simm.s32 @!p0 $0x0;
	p0 =	sne.s32 s31, $0x20  }
.Ltmp4:
0x137: {  	_ = 	snop;
	(pc) =	sbr.rel @!p0 .LBB2_11-.Ltmp4, $4  }
0x138: {  	_ = 	snop  }
0x139: {  	v3 =	vsel vm13, s29, v3;
	s30 =	rddreg [dreg:$0x15]  }
0x13a: {  	vm15 =	veq.s32 v0, $0xF;
	[sflag:s4] =	ssyncset.done $0x0;
	v3 =	vsel vm14, s30, v3  }
0x13b: {  	v55 =	vsel vm15, s13, v63;
	s0 =	sadd.s32 s1, s26;
	[sflag:s4] =	ssyncadd.s32 $0xFFFFFFF0;
	v56 =	vsel vm15, s1, v3;
	s1 =	smov.u32 s31  }
.LBB2_4:
0x13c: {  	s17 =	sshll.u32 s1, $0x4  }
0x13d: {  	[dreg:$0xf] =	wrdreg s1;
	s1 =	sand.u32 $0x3FFFFFF0, s17  }
0x13e: {  	v54 =	vld [tilespmem:s1+$0x200];
	_ =	sdelay $0x4  }
0x13f: {  	s18 =	rddreg [dreg:$0x3];
	v3 =	vand.u32 $0xFFFFFF80, v54  }
0x140: {  	v3 =	vadd.s32 s18, v3  }
0x141: {  	(v2sf) =	vpush v3, $0x0;
	_ =	sdelay $0x1  }
0x142: {  	(v2sf) =	vpush v3, $0x1;
	_ =	sdelay $0x1  }
0x143: {  	(v2sf) =	vpush v3, $0x2;
	_ =	sdelay $0x1  }
0x144: {  	(v2sf) =	vpush v3, $0x3;
	_ =	sdelay $0x1  }
0x145: {  	(v2sf) =	vpush v3, $0x4;
	_ =	sdelay $0x1  }
0x146: {  	(v2sf) =	vpush v3, $0x5;
	_ =	sdelay $0x1  }
0x147: {  	(v2sf) =	vpush v3, $0x6;
	_ =	sdelay $0x1  }
0x148: {  	(v2sf) =	vpush v3, $0x7  }
0x149: {  	s2 =	simm.s32 $0x400;
	s3 =	simm.s32 $0x7A1400;
	s19 =	spop (v2sf)  }
0x14a: {  	(v2sf) =	vpush v3, $0x8;
	[tilespmem:s25], [sflag:$0x2] =	stream.strided.gather [hbm4b:s19+s2], $0x1000, s3, s2, $0x38;
	[tilespmem:$0x1AD80] =	vst v63  }
0x14b: {  	s4 =	simm.s32 $0xA400;
	s20 =	spop (v2sf)  }
0x14c: {  	(v2sf) =	vpush v3, $0x9;
	[tilespmem:s4], [sflag:$0x2] =	stream.strided.gather [hbm4b:s20+s2], $0x1000, s3, s2, $0x38;
	[tilespmem:$0x1AD80] =	vst v63  }
0x14d: {  	s26 =	simm.s32 $0xB400;
	s23 =	spop (v2sf)  }
0x14e: {  	(v2sf) =	vpush v3, $0xA;
	[tilespmem:s26], [sflag:$0x2] =	stream.strided.gather [hbm4b:s23+s2], $0x1000, s3, s2, $0x38;
	[tilespmem:$0x1AD80] =	vst v63  }
0x14f: {  	s29 =	simm.s32 $0xC400;
	s28 =	spop (v2sf)  }
0x150: {  	(v2sf) =	vpush v3, $0xB;
	[tilespmem:s29], [sflag:$0x2] =	stream.strided.gather [hbm4b:s28+s2], $0x1000, s3, s2, $0x38;
	[tilespmem:$0x1AD80] =	vst v63  }
0x151: {  	s31 =	simm.s32 $0xD400;
	s30 =	spop (v2sf)  }
0x152: {  	(v2sf) =	vpush v3, $0xC;
	[tilespmem:s31], [sflag:$0x2] =	stream.strided.gather [hbm4b:s30+s2], $0x1000, s3, s2, $0x38;
	[tilespmem:$0x1AD80] =	vst v63  }
0x153: {  	s5 =	simm.s32 $0xE400;
	s4 =	spop (v2sf)  }
0x154: {  	(v2sf) =	vpush v3, $0xD;
	[tilespmem:s5], [sflag:$0x2] =	stream.strided.gather [hbm4b:s4+s2], $0x1000, s3, s2, $0x38;
	[tilespmem:$0x1AD80] =	vst v63  }
0x155: {  	s7 =	simm.s32 $0xF400;
	s6 =	spop (v2sf)  }
0x156: {  	(v2sf) =	vpush v3, $0xE;
	[tilespmem:s7], [sflag:$0x2] =	stream.strided.gather [hbm4b:s6+s2], $0x1000, s3, s2, $0x38;
	[tilespmem:$0x1AD80] =	vst v63  }
0x157: {  	s9 =	simm.s32 $0x10400;
	s8 =	spop (v2sf)  }
0x158: {  	(v2sf) =	vpush v3, $0xF;
	[tilespmem:s9], [sflag:$0x2] =	stream.strided.gather [hbm4b:s8+s2], $0x1000, s3, s2, $0x38;
	[tilespmem:$0x1AD80] =	vst v63  }
0x159: {  	s11 =	simm.s32 $0x11400;
	s10 =	spop (v2sf)  }
0x15a: {  	[tilespmem:s11], [sflag:$0x2] =	stream.strided.gather [hbm4b:s10+s2], $0x1000, s3, s2, $0x38;
	[tilespmem:$0x1AD80] =	vst v63  }
0x15b: {  	s14 =	simm.s32 $0x12400;
	s13 =	spop (v2sf)  }
0x15c: {  	[tilespmem:s14], [sflag:$0x2] =	stream.strided.gather [hbm4b:s13+s2], $0x1000, s3, s2, $0x38;
	[tilespmem:$0x1AD80] =	vst v63  }
0x15d: {  	s16 =	simm.s32 $0x13400;
	s15 =	spop (v2sf)  }
0x15e: {  	[tilespmem:s16], [sflag:$0x2] =	stream.strided.gather [hbm4b:s15+s2], $0x1000, s3, s2, $0x38;
	[tilespmem:$0x1AD80] =	vst v63  }
0x15f: {  	s18 =	simm.s32 $0x14400;
	s17 =	spop (v2sf)  }
0x160: {  	[tilespmem:s18], [sflag:$0x2] =	stream.strided.gather [hbm4b:s17+s2], $0x1000, s3, s2, $0x38;
	[tilespmem:$0x1AD80] =	vst v63  }
0x161: {  	s20 =	simm.s32 $0x15400;
	s19 =	spop (v2sf)  }
0x162: {  	[tilespmem:s20], [sflag:$0x2] =	stream.strided.gather [hbm4b:s19+s2], $0x1000, s3, s2, $0x38;
	[tilespmem:$0x1AD80] =	vst v63  }
0x163: {  	s26 =	simm.s32 $0x16400;
	s23 =	spop (v2sf)  }
0x164: {  	[tilespmem:s26], [sflag:$0x2] =	stream.strided.gather [hbm4b:s23+s2], $0x1000, s3, s2, $0x38;
	[tilespmem:$0x1AD80] =	vst v63  }
0x165: {  	p0 =	sne.s32 s0, $0x1;
	s29 =	simm.s32 $0x17400;
	s28 =	spop (v2sf)  }
0x166: {  	[tilespmem:s29], [sflag:$0x2] =	stream.strided.gather [hbm4b:s28+s2], $0x1000, s3, s2, $0x38;
	[tilespmem:$0x1AD80] =	vst v63  }
.Ltmp5:
0x167: {  	s31 =	simm.s32 $0x18400;
	s30 =	spop (v2sf);
	(pc) =	sbr.rel @!p0 .LBB2_6-.Ltmp5, $4  }
0x168: {  	[tilespmem:s31], [sflag:$0x2] =	stream.strided.gather [hbm4b:s30+s2], $0x1000, s3, s2, $0x38;
	[tilespmem:$0x1AD80] =	vst v63  }
0x169: {  	s2 =	simm.s32 @!p0 $0x0  }
0x16a: {  	_ =	swait.ge [sflag:s21], $0x800;
	s2 =	simm.s32 @p0 $0x1  }
0x16b: {  	s1 =	sadd.s32 $0xFFFFFFFF, s0;
	v3 =	vand.u32 $0x7F, v53;
	[sflag:s21] =	ssyncset.done $0x0;
	[smem:$0x7F7] =	sst s2  }
.LBB2_5:
0x16c: {  	p0 =	sne.s32 s1, $0x1;
	s1 =	sadd.s32 $0xFFFFFFFF, s1;
	[sflag:s21] =	ssyncadd.s32 $0xFFFFF800  }
.Ltmp6:
0x16d: {  	(pc) =	sbr.rel @p0 .LBB2_5-.Ltmp6, $3  }
0x16e: {  	_ =	sdelay $0x1  }
0x16f: {  	_ =	swait.ge [sflag:s21], $0x800  }
0x170: {  	[sflag:s21] =	ssyncset.done $0x0  }
.LBB2_6:
0x171: {  	(v2sf) =	vpush v56, $0x0;
	_ =	sdelay $0xe  }
0x172: {  	s1 =	spop (v2sf)  }
0x173: {  	p0 =	sne.s32 s1, $0x1  }
0x174: {  	(v2sf) =	vpush @!p0 v20, $0x0  }
0x175: {  	(v2sf) =	vpush @!p0 v55, $0x0  }
0x176: {  	(v2sf) =	vpush v56, $0x1;
	_ =	sdelay $0xc  }
0x177: {  	s3 =	spop @!p0 (v2sf)  }
0x178: {  	s10 =	spop @!p0 (v2sf)  }
0x179: {  	s28 =	spop (v2sf)  }
0x17a: {  	p3 =	sne.s32 s28, $0x1  }
0x17b: {  	(v2sf) =	vpush @!p3 v20, $0x1  }
0x17c: {  	(v2sf) =	vpush @!p3 v55, $0x1  }
0x17d: {  	(v2sf) =	vpush v56, $0x2;
	_ =	sdelay $0xc  }
0x17e: {  	s4 =	spop @!p3 (v2sf)  }
0x17f: {  	s7 =	spop @!p3 (v2sf)  }
0x180: {  	s1 =	simm.s32 @!p0 $0x0;
	s29 =	spop (v2sf)  }
0x181: {  	s1 =	simm.s32 @p0 $0x1;
	p0 =	sne.s32 s29, $0x1  }
0x182: {  	(v2sf) =	vpush @!p0 v20, $0x2  }
0x183: {  	(v2sf) =	vpush @!p0 v55, $0x2  }
0x184: {  	(v2sf) =	vpush v56, $0x3;
	_ =	sdelay $0xc  }
0x185: {  	s5 =	spop @!p0 (v2sf)  }
0x186: {  	s8 =	spop @!p0 (v2sf)  }
0x187: {  	[smem:$0x7F1] =	sst s1;
	s1 =	simm.s32 @!p0 $0x0;
	s30 =	spop (v2sf)  }
0x188: {  	s1 =	simm.s32 @p0 $0x1;
	p0 =	sne.s32 s30, $0x1  }
0x189: {  	(v2sf) =	vpush @!p0 v20, $0x3  }
0x18a: {  	(v2sf) =	vpush @!p0 v55, $0x3  }
0x18b: {  	(v2sf) =	vpush v56, $0x4;
	_ =	sdelay $0xc  }
0x18c: {  	[smem:$0x7F2] =	sst s1;
	s1 =	spop @!p0 (v2sf)  }
0x18d: {  	s6 =	spop @!p0 (v2sf)  }
0x18e: {  	s2 =	spop (v2sf)  }
0x18f: {  	p1 =	sne.s32 s2, $0x1  }
0x190: {  	(v2sf) =	vpush @!p1 v20, $0x4  }
0x191: {  	v4 =	vshll.u32 v55, $0xB;
	(v2sf) =	vpush @!p1 v55, $0x4  }
0x192: {  	v53 =	vor.u32 v3, v4;
	(v2sf) =	vpush v56, $0x5;
	_ =	sdelay $0x3  }
0x193: {  	[sflag:s21] =	ssyncadd.s32 $0xFFFFF800  }
0x194: {  	v3 =	vld.idx.msk [tilespmem:v53+s24+$0x0], $0xffff;
	_ =	sdelay $0x2  }
0x195: {  	v57 =	vor.u32 $0x80, v53;
	_ =	sdelay $0x1  }
0x196: {  	v3 =	vmul.f32 v3, v21  }
0x197: {  	s2 =	simm.s32 @!p1 $0x0  }
0x198: {  	[tilespmem:$0x19400] =	vst v3;
	s2 =	simm.s32 @p1 $0x1  }
0x199: {  	v3 =	vld.idx.msk [tilespmem:v57+s24+$0x0], $0xffff;
	[smem:$0x7F3] =	sst s2;
	s2 =	spop @!p1 (v2sf)  }
0x19a: {  	s9 =	spop @!p1 (v2sf)  }
0x19b: {  	s11 =	spop (v2sf)  }
0x19c: {  	v58 =	vor.u32 $0x100, v53;
	p1 =	sne.s32 s11, $0x1  }
0x19d: {  	(v2sf) =	vpush @!p1 v20, $0x5  }
0x19e: {  	v3 =	vmul.f32 v3, v22;
	(v2sf) =	vpush @!p1 v55, $0x5  }
0x19f: {  	(v2sf) =	vpush v56, $0x6  }
0x1a0: {  	[tilespmem:$0x19480] =	vst v3  }
0x1a1: {  	v3 =	vld.idx.msk [tilespmem:v58+s24+$0x0], $0xffff;
	_ =	sdelay $0x2  }
0x1a2: {  	v59 =	vor.u32 $0x180, v53;
	_ =	sdelay $0x1  }
0x1a3: {  	v3 =	vmul.f32 v3, v23;
	_ =	sdelay $0x1  }
0x1a4: {  	[tilespmem:$0x19500] =	vst v3  }
0x1a5: {  	v3 =	vld.idx.msk [tilespmem:v59+s24+$0x0], $0xffff  }
0x1a6: {  	s11 =	simm.s32 @!p1 $0x0  }
0x1a7: {  	s11 =	simm.s32 @p1 $0x1  }
0x1a8: {  	v60 =	vor.u32 $0x200, v53;
	[smem:$0x7F4] =	sst s11;
	s11 =	spop @!p1 (v2sf)  }
0x1a9: {  	s14 =	spop @!p1 (v2sf)  }
0x1aa: {  	v3 =	vmul.f32 v3, v24;
	s13 =	spop (v2sf)  }
0x1ab: {  	p1 =	sne.s32 s13, $0x1  }
0x1ac: {  	[tilespmem:$0x19580] =	vst v3;
	(v2sf) =	vpush @!p1 v20, $0x6  }
0x1ad: {  	v3 =	vld.idx.msk [tilespmem:v60+s24+$0x0], $0xffff;
	(v2sf) =	vpush @!p1 v55, $0x6  }
0x1ae: {  	(v2sf) =	vpush v56, $0x7;
	_ =	sdelay $0x1  }
0x1af: {  	v61 =	vor.u32 $0x280, v53;
	_ =	sdelay $0x1  }
0x1b0: {  	v3 =	vmul.f32 v3, v25;
	_ =	sdelay $0x1  }
0x1b1: {  	[tilespmem:$0x19600] =	vst v3  }
0x1b2: {  	v3 =	vld.idx.msk [tilespmem:v61+s24+$0x0], $0xffff;
	_ =	sdelay $0x2  }
0x1b3: {  	v62 =	vor.u32 $0x300, v53  }
0x1b4: {  	s13 =	simm.s32 @!p1 $0x0  }
0x1b5: {  	v3 =	vmul.f32 v3, v26;
	s13 =	simm.s32 @p1 $0x1  }
0x1b6: {  	[smem:$0x7F5] =	sst s13;
	s13 =	spop @!p1 (v2sf)  }
0x1b7: {  	[tilespmem:$0x19680] =	vst v3;
	s15 =	spop @!p1 (v2sf)  }
0x1b8: {  	v3 =	vld.idx.msk [tilespmem:v62+s24+$0x0], $0xffff;
	s16 =	spop (v2sf)  }
0x1b9: {  	p1 =	sne.s32 s16, $0x1  }
0x1ba: {  	(v2sf) =	vpush @!p1 v20, $0x7  }
0x1bb: {  	v63 =	vor.u32 $0x380, v53;
	(v2sf) =	vpush @!p1 v55, $0x7  }
0x1bc: {  	(v2sf) =	vpush v56, $0x8  }
0x1bd: {  	v3 =	vmul.f32 v3, v27;
	_ =	sdelay $0x1  }
0x1be: {  	[tilespmem:$0x19700] =	vst v3  }
0x1bf: {  	v4 =	vld.idx.msk [tilespmem:v63+s24+$0x0], $0xffff;
	_ =	sdelay $0x2  }
0x1c0: {  	v3 =	vor.u32 $0x400, v53;
	_ =	sdelay $0x1  }
0x1c1: {  	v4 =	vmul.f32 v4, v28;
	_ =	sdelay $0x1  }
0x1c2: {  	[tilespmem:$0x19780] =	vst v4;
	s16 =	simm.s32 @!p1 $0x0  }
0x1c3: {  	v5 =	vld.idx.msk [tilespmem:v3+s24+$0x0], $0xffff;
	s16 =	simm.s32 @p1 $0x1  }
0x1c4: {  	[smem:$0x7F6] =	sst s16;
	s16 =	spop @!p1 (v2sf)  }
0x1c5: {  	s17 =	spop @!p1 (v2sf)  }
0x1c6: {  	v4 =	vor.u32 $0x480, v53;
	s18 =	spop (v2sf)  }
0x1c7: {  	p5 =	sne.s32 s18, $0x1  }
0x1c8: {  	v5 =	vmul.f32 v5, v29;
	(v2sf) =	vpush @!p5 v20, $0x8  }
0x1c9: {  	(v2sf) =	vpush @!p5 v55, $0x8  }
0x1ca: {  	[tilespmem:$0x19800] =	vst v5;
	(v2sf) =	vpush v56, $0x9  }
0x1cb: {  	v6 =	vld.idx.msk [tilespmem:v4+s24+$0x0], $0xffff;
	_ =	sdelay $0x2  }
0x1cc: {  	v5 =	vor.u32 $0x500, v53;
	_ =	sdelay $0x1  }
0x1cd: {  	v6 =	vmul.f32 v6, v30;
	_ =	sdelay $0x1  }
0x1ce: {  	[tilespmem:$0x19880] =	vst v6  }
0x1cf: {  	v7 =	vld.idx.msk [tilespmem:v5+s24+$0x0], $0xffff;
	_ =	sdelay $0x2  }
0x1d0: {  	v6 =	vor.u32 $0x580, v53  }
0x1d1: {  	s18 =	spop @!p5 (v2sf)  }
0x1d2: {  	v7 =	vmul.f32 v7, v31;
	s20 =	spop @!p5 (v2sf)  }
0x1d3: {  	s19 =	spop (v2sf)  }
0x1d4: {  	[tilespmem:$0x19900] =	vst v7;
	p6 =	sne.s32 s19, $0x1  }
0x1d5: {  	v8 =	vld.idx.msk [tilespmem:v6+s24+$0x0], $0xffff;
	(v2sf) =	vpush @!p6 v20, $0x9  }
0x1d6: {  	(v2sf) =	vpush @!p6 v55, $0x9  }
0x1d7: {  	(v2sf) =	vpush v56, $0xA  }
0x1d8: {  	v7 =	vor.u32 $0x600, v53;
	_ =	sdelay $0x1  }
0x1d9: {  	v8 =	vmul.f32 v8, v32;
	_ =	sdelay $0x1  }
0x1da: {  	[tilespmem:$0x19980] =	vst v8  }
0x1db: {  	v9 =	vld.idx.msk [tilespmem:v7+s24+$0x0], $0xffff;
	_ =	sdelay $0x2  }
0x1dc: {  	v8 =	vor.u32 $0x680, v53;
	_ =	sdelay $0x1  }
0x1dd: {  	v9 =	vmul.f32 v9, v33;
	_ =	sdelay $0x1  }
0x1de: {  	[tilespmem:$0x19A00] =	vst v9;
	s19 =	spop @!p6 (v2sf)  }
0x1df: {  	v10 =	vld.idx.msk [tilespmem:v8+s24+$0x0], $0xffff;
	s23 =	spop @!p6 (v2sf)  }
0x1e0: {  	s26 =	spop (v2sf)  }
0x1e1: {  	p4 =	sne.s32 s26, $0x1  }
0x1e2: {  	v9 =	vor.u32 $0x700, v53;
	(v2sf) =	vpush @!p4 v20, $0xA  }
0x1e3: {  	(v2sf) =	vpush @!p4 v55, $0xA  }
0x1e4: {  	v10 =	vmul.f32 v10, v34;
	(v2sf) =	vpush v56, $0xB;
	_ =	sdelay $0x1  }
0x1e5: {  	[tilespmem:$0x19A80] =	vst v10  }
0x1e6: {  	v11 =	vld.idx.msk [tilespmem:v9+s24+$0x0], $0xffff;
	_ =	sdelay $0x2  }
0x1e7: {  	v10 =	vor.u32 $0x780, v53;
	_ =	sdelay $0x1  }
0x1e8: {  	v11 =	vmul.f32 v11, v35;
	_ =	sdelay $0x1  }
0x1e9: {  	[tilespmem:$0x19B00] =	vst v11  }
0x1ea: {  	v11 =	vld.idx.msk [tilespmem:v10+s24+$0x0], $0xffff  }
0x1eb: {  	s31 =	sld [smem:$0x7F1]  }
0x1ec: {  	s26 =	spop @!p4 (v2sf)  }
0x1ed: {  	s28 =	spop @!p4 (v2sf)  }
0x1ee: {  	p1 =	seq.s32 s31, $0x1;
	s29 =	spop (v2sf)  }
0x1ef: {  	v11 =	vmul.f32 v11, v36;
	s10 =	sshll.u32 @!p1 s10, $0xD;
	p2 =	sne.s32 s29, $0x1  }
0x1f0: {  	s3 =	sadd.s32 @!p1 s3, s12;
	s10 =	sshra.s32 @!p1 s10, $0x2;
	(v2sf) =	vpush @!p2 v20, $0xB  }
0x1f1: {  	[tilespmem:$0x19B80] =	vst v11;
	s30 =	simm.s32 @!p1 $0x7A1400;
	s10 =	sadd.s32 @!p1 $0x1400, s10;
	s29 =	simm.s32 @!p1 $0x400;
	(v2sf) =	vpush @!p2 v55, $0xB  }
0x1f2: {  	[tilespmem:s10], [sflag:$0x1] =	stream.strided.gather @!p1 [hbm4b:s3+s29], $0x800, s30, s29, $0x38;
	(v2sf) =	vpush v56, $0xC;
	[tilespmem:$0x1AD80] =	vst v63  }
0x1f3: {  	s3 =	sshll.u32 @!p3 s7, $0xD  }
0x1f4: {  	s4 =	sadd.s32 @!p3 s4, s12;
	s3 =	sshra.s32 @!p3 s3, $0x2  }
0x1f5: {  	s7 =	simm.s32 @!p3 $0x400;
	s10 =	simm.s32 @!p3 $0x7A1400;
	s3 =	sadd.s32 @!p3 $0x1400, s3  }
0x1f6: {  	[tilespmem:s3], [sflag:$0x1] =	stream.strided.gather @!p3 [hbm4b:s4+s7], $0x800, s10, s7, $0x38;
	[tilespmem:$0x1AD80] =	vst v63  }
0x1f7: {  	s4 =	sld [smem:$0x7F2];
	_ =	sdelay $0x2  }
0x1f8: {  	p1 =	seq.s32 s4, $0x1  }
0x1f9: {  	s3 =	sshll.u32 @!p1 s8, $0xD  }
0x1fa: {  	s4 =	sadd.s32 @!p1 s5, s12;
	s3 =	sshra.s32 @!p1 s3, $0x2  }
0x1fb: {  	s5 =	simm.s32 @!p1 $0x400;
	s7 =	simm.s32 @!p1 $0x7A1400;
	s3 =	sadd.s32 @!p1 $0x1400, s3  }
0x1fc: {  	[tilespmem:s3], [sflag:$0x1] =	stream.strided.gather @!p1 [hbm4b:s4+s5], $0x800, s7, s5, $0x38;
	[tilespmem:$0x1AD80] =	vst v63  }
0x1fd: {  	s3 =	spop @!p2 (v2sf)  }
0x1fe: {  	s4 =	spop @!p2 (v2sf)  }
0x1ff: {  	s7 =	spop (v2sf)  }
0x200: {  	p3 =	sne.s32 s7, $0x1  }
0x201: {  	(v2sf) =	vpush @!p3 v20, $0xC  }
0x202: {  	s5 =	sshll.u32 @!p0 s6, $0xD;
	(v2sf) =	vpush @!p3 v55, $0xC  }
0x203: {  	s1 =	sadd.s32 @!p0 s1, s12;
	s8 =	sld [smem:$0x7F3];
	s5 =	sshra.s32 @!p0 s5, $0x2;
	(v2sf) =	vpush v56, $0xD  }
0x204: {  	s6 =	simm.s32 @!p0 $0x400;
	s5 =	sadd.s32 @!p0 $0x1400, s5;
	s7 =	simm.s32 @!p0 $0x7A1400  }
0x205: {  	[tilespmem:s5], [sflag:$0x1] =	stream.strided.gather @!p0 [hbm4b:s1+s6], $0x800, s7, s6, $0x38;
	[tilespmem:$0x1AD80] =	vst v63  }
0x206: {  	p0 =	seq.s32 s8, $0x1  }
0x207: {  	s1 =	sshll.u32 @!p0 s9, $0xD  }
0x208: {  	s10 =	sld [smem:$0x7F4];
	s2 =	sadd.s32 @!p0 s2, s12;
	s1 =	sshra.s32 @!p0 s1, $0x2  }
0x209: {  	s5 =	simm.s32 @!p0 $0x400;
	s6 =	simm.s32 @!p0 $0x7A1400;
	s1 =	sadd.s32 @!p0 $0x1400, s1  }
0x20a: {  	[tilespmem:s1], [sflag:$0x1] =	stream.strided.gather @!p0 [hbm4b:s2+s5], $0x800, s6, s5, $0x38;
	[tilespmem:$0x1AD80] =	vst v63  }
0x20b: {  	p0 =	seq.s32 s10, $0x1  }
0x20c: {  	s1 =	sshll.u32 @!p0 s14, $0xD  }
0x20d: {  	s2 =	sadd.s32 @!p0 s11, s12;
	s1 =	sshra.s32 @!p0 s1, $0x2  }
0x20e: {  	s5 =	simm.s32 @!p0 $0x400;
	s6 =	simm.s32 @!p0 $0x7A1400;
	s1 =	sadd.s32 @!p0 $0x1400, s1  }
0x20f: {  	[tilespmem:s1], [sflag:$0x1] =	stream.strided.gather @!p0 [hbm4b:s2+s5], $0x800, s6, s5, $0x38;
	[tilespmem:$0x1AD80] =	vst v63  }
0x210: {  	s1 =	spop @!p3 (v2sf)  }
0x211: {  	s2 =	spop @!p3 (v2sf)  }
0x212: {  	s14 =	sld [smem:$0x7F5];
	s11 =	spop (v2sf)  }
0x213: {  	p1 =	sne.s32 s11, $0x1  }
0x214: {  	(v2sf) =	vpush @!p1 v20, $0xD  }
0x215: {  	p0 =	seq.s32 s14, $0x1;
	(v2sf) =	vpush @!p1 v55, $0xD  }
0x216: {  	s5 =	sshll.u32 @!p0 s15, $0xD;
	(v2sf) =	vpush v56, $0xE  }
0x217: {  	s6 =	sadd.s32 @!p0 s13, s12;
	s15 =	sld [smem:$0x7F6];
	s5 =	sshra.s32 @!p0 s5, $0x2  }
0x218: {  	s7 =	simm.s32 @!p0 $0x400;
	s8 =	simm.s32 @!p0 $0x7A1400;
	s5 =	sadd.s32 @!p0 $0x1400, s5  }
0x219: {  	[tilespmem:s5], [sflag:$0x1] =	stream.strided.gather @!p0 [hbm4b:s6+s7], $0x800, s8, s7, $0x38;
	[tilespmem:$0x1AD80] =	vst v63  }
0x21a: {  	p0 =	seq.s32 s15, $0x1  }
0x21b: {  	s5 =	sshll.u32 @!p0 s17, $0xD  }
0x21c: {  	s6 =	sadd.s32 @!p0 s16, s12;
	s5 =	sshra.s32 @!p0 s5, $0x2  }
0x21d: {  	s7 =	simm.s32 @!p0 $0x400;
	s8 =	simm.s32 @!p0 $0x7A1400;
	s5 =	sadd.s32 @!p0 $0x1400, s5  }
0x21e: {  	[tilespmem:s5], [sflag:$0x1] =	stream.strided.gather @!p0 [hbm4b:s6+s7], $0x800, s8, s7, $0x38;
	[tilespmem:$0x1AD80] =	vst v63  }
0x21f: {  	s5 =	sshll.u32 @!p5 s20, $0xD  }
0x220: {  	s6 =	sadd.s32 @!p5 s18, s12;
	s5 =	sshra.s32 @!p5 s5, $0x2  }
0x221: {  	s7 =	simm.s32 @!p5 $0x400;
	s8 =	simm.s32 @!p5 $0x7A1400;
	s5 =	sadd.s32 @!p5 $0x1400, s5  }
0x222: {  	[tilespmem:s5], [sflag:$0x1] =	stream.strided.gather @!p5 [hbm4b:s6+s7], $0x800, s8, s7, $0x38;
	[tilespmem:$0x1AD80] =	vst v63  }
0x223: {  	s5 =	spop @!p1 (v2sf)  }
0x224: {  	s6 =	spop @!p1 (v2sf)  }
0x225: {  	s29 =	spop (v2sf)  }
0x226: {  	p5 =	sne.s32 s29, $0x1  }
0x227: {  	(v2sf) =	vpush @!p5 v20, $0xE  }
0x228: {  	(v2sf) =	vpush @!p5 v55, $0xE  }
0x229: {  	(v2sf) =	vpush v56, $0xF;
	_ =	sdelay $0x2  }
0x22a: {  	s7 =	sshll.u32 @!p6 s23, $0xD  }
0x22b: {  	s9 =	simm.s32 @!p6 $0x400;
	s7 =	sshra.s32 @!p6 s7, $0x2  }
0x22c: {  	s10 =	simm.s32 @!p6 $0x7A1400;
	s8 =	sadd.s32 @!p6 s19, s12;
	s7 =	sadd.s32 @!p6 $0x1400, s7  }
0x22d: {  	[tilespmem:s7], [sflag:$0x1] =	stream.strided.gather @!p6 [hbm4b:s8+s9], $0x800, s10, s9, $0x38;
	[tilespmem:$0x1AD80] =	vst v63  }
0x22e: {  	s3 =	sadd.s32 @!p2 s3, s12;
	s4 =	sshll.u32 @!p2 s4, $0xD;
	s7 =	sshll.u32 @!p4 s28, $0xD  }
0x22f: {  	s4 =	sshra.s32 @!p2 s4, $0x2;
	s8 =	sadd.s32 @!p4 s26, s12;
	s7 =	sshra.s32 @!p4 s7, $0x2  }
0x230: {  	s9 =	simm.s32 @!p4 $0x400;
	s10 =	simm.s32 @!p4 $0x7A1400;
	s7 =	sadd.s32 @!p4 $0x1400, s7  }
0x231: {  	[tilespmem:s7], [sflag:$0x1] =	stream.strided.gather @!p4 [hbm4b:s8+s9], $0x800, s10, s9, $0x38;
	[tilespmem:$0x1AD80] =	vst v63  }
0x232: {  	s4 =	sadd.s32 @!p2 $0x1400, s4;
	s7 =	simm.s32 @!p2 $0x400;
	s8 =	simm.s32 @!p2 $0x7A1400  }
0x233: {  	[tilespmem:s4], [sflag:$0x1] =	stream.strided.gather @!p2 [hbm4b:s3+s7], $0x800, s8, s7, $0x38;
	[tilespmem:$0x1AD80] =	vst v63  }
0x234: {  	s3 =	spop @!p5 (v2sf)  }
0x235: {  	s4 =	spop @!p5 (v2sf)  }
0x236: {  	s30 =	spop (v2sf)  }
0x237: {  	p2 =	sne.s32 s30, $0x1  }
0x238: {  	(v2sf) =	vpush @!p2 v20, $0xF  }
0x239: {  	(v2sf) =	vpush @!p2 v55, $0xF;
	_ =	sdelay $0x1  }
0x23a: {  	s2 =	sshll.u32 @!p3 s2, $0xD  }
0x23b: {  	s1 =	sadd.s32 @!p3 s1, s12;
	s2 =	sshra.s32 @!p3 s2, $0x2  }
0x23c: {  	s2 =	sadd.s32 @!p3 $0x1400, s2;
	s7 =	simm.s32 @!p3 $0x400;
	s8 =	simm.s32 @!p3 $0x7A1400  }
0x23d: {  	[tilespmem:s2], [sflag:$0x1] =	stream.strided.gather @!p3 [hbm4b:s1+s7], $0x800, s8, s7, $0x38;
	[tilespmem:$0x1AD80] =	vst v63  }
0x23e: {  	s1 =	sshll.u32 @!p1 s6, $0xD  }
0x23f: {  	s2 =	sadd.s32 @!p1 s5, s12;
	s1 =	sshra.s32 @!p1 s1, $0x2  }
0x240: {  	s5 =	simm.s32 @!p1 $0x400;
	s6 =	simm.s32 @!p1 $0x7A1400;
	s1 =	sadd.s32 @!p1 $0x1400, s1  }
0x241: {  	[tilespmem:s1], [sflag:$0x1] =	stream.strided.gather @!p1 [hbm4b:s2+s5], $0x800, s6, s5, $0x38;
	[tilespmem:$0x1AD80] =	vst v63  }
0x242: {  	s1 =	sshll.u32 @!p5 s4, $0xD  }
0x243: {  	s2 =	sadd.s32 @!p5 s3, s12;
	s1 =	sshra.s32 @!p5 s1, $0x2  }
0x244: {  	s3 =	simm.s32 @!p5 $0x400;
	s4 =	simm.s32 @!p5 $0x7A1400;
	s1 =	sadd.s32 @!p5 $0x1400, s1  }
0x245: {  	[tilespmem:s1], [sflag:$0x1] =	stream.strided.gather @!p5 [hbm4b:s2+s3], $0x800, s4, s3, $0x38;
	[tilespmem:$0x1AD80] =	vst v63  }
0x246: {  	s1 =	spop @!p2 (v2sf)  }
0x247: {  	s2 =	spop @!p2 (v2sf)  }
0x248: {  	s2 =	sshll.u32 @!p2 s2, $0xD  }
0x249: {  	s3 =	simm.s32 @!p2 $0x400;
	s2 =	sshra.s32 @!p2 s2, $0x2  }
0x24a: {  	s4 =	simm.s32 @!p2 $0x7A1400;
	s1 =	sadd.s32 @!p2 s1, s12;
	s2 =	sadd.s32 @!p2 $0x1400, s2  }
0x24b: {  	[tilespmem:s2], [sflag:$0x1] =	stream.strided.gather @!p2 [hbm4b:s1+s3], $0x800, s4, s3, $0x38;
	[tilespmem:$0x1AD80] =	vst v63  }
0x24c: {  	_ =	swait.ge [sflag:s21], $0x800  }
0x24d: {  	s31 =	sld [smem:$0x7F7];
	_ =	sdelay $0x2  }
0x24e: {  	p0 =	seq.s32 s31, $0x1  }
.Ltmp7:
0x24f: {  	_ = 	snop;
	(pc) =	sbr.rel @!p0 .LBB2_8-.Ltmp7, $2  }
0x250: {  	_ =	sdelay $0x2  }
0x251: {  	s0 =	sadd.s32 $0xFFFFFFFF, s0;
	[sflag:s21] =	ssyncset.done $0x0  }
.LBB2_7:
0x252: {  	p0 =	sne.s32 s0, $0x1;
	s0 =	sadd.s32 $0xFFFFFFFF, s0;
	[sflag:s21] =	ssyncadd.s32 $0xFFFFF800  }
.Ltmp8:
0x253: {  	(pc) =	sbr.rel @p0 .LBB2_7-.Ltmp8, $3  }
0x254: {  	_ =	sdelay $0x1  }
0x255: {  	_ =	swait.ge [sflag:s21], $0x800  }
0x256: {  	[sflag:s21] =	ssyncset.done $0x0  }
.LBB2_8:
0x257: {  	_ =	sdelay $0x2  }
0x258: {  	[sflag:s21] =	ssyncadd.s32 $0xFFFFF800  }
0x259: {  	v11 =	vld.idx.msk [tilespmem:v53+s24+$0x0], $0xffff;
	_ =	sdelay $0x4  }
0x25a: {  	v11 =	vmul.f32 v11, v37;
	_ =	sdelay $0x1  }
0x25b: {  	[tilespmem:$0x19C00] =	vst v11  }
0x25c: {  	v11 =	vld.idx.msk [tilespmem:v57+s24+$0x0], $0xffff;
	_ =	sdelay $0x4  }
0x25d: {  	v11 =	vmul.f32 v11, v38;
	_ =	sdelay $0x1  }
0x25e: {  	[tilespmem:$0x19C80] =	vst v11  }
0x25f: {  	v11 =	vld.idx.msk [tilespmem:v58+s24+$0x0], $0xffff;
	_ =	sdelay $0x4  }
0x260: {  	v11 =	vmul.f32 v11, v39;
	_ =	sdelay $0x1  }
0x261: {  	[tilespmem:$0x19D00] =	vst v11  }
0x262: {  	v11 =	vld.idx.msk [tilespmem:v59+s24+$0x0], $0xffff;
	_ =	sdelay $0x4  }
0x263: {  	v11 =	vmul.f32 v11, v40;
	_ =	sdelay $0x1  }
0x264: {  	[tilespmem:$0x19D80] =	vst v11  }
0x265: {  	v11 =	vld.idx.msk [tilespmem:v60+s24+$0x0], $0xffff;
	_ =	sdelay $0x4  }
0x266: {  	v11 =	vmul.f32 v11, v41;
	_ =	sdelay $0x1  }
0x267: {  	[tilespmem:$0x19E00] =	vst v11  }
0x268: {  	v11 =	vld.idx.msk [tilespmem:v61+s24+$0x0], $0xffff;
	_ =	sdelay $0x4  }
0x269: {  	v11 =	vmul.f32 v11, v42;
	_ =	sdelay $0x1  }
0x26a: {  	[tilespmem:$0x19E80] =	vst v11  }
0x26b: {  	v11 =	vld.idx.msk [tilespmem:v62+s24+$0x0], $0xffff;
	_ =	sdelay $0x4  }
0x26c: {  	v11 =	vmul.f32 v11, v43;
	_ =	sdelay $0x1  }
0x26d: {  	[tilespmem:$0x19F00] =	vst v11  }
0x26e: {  	v11 =	vld.idx.msk [tilespmem:v63+s24+$0x0], $0xffff;
	_ =	sdelay $0x4  }
0x26f: {  	v11 =	vmul.f32 v11, v44;
	_ =	sdelay $0x1  }
0x270: {  	[tilespmem:$0x19F80] =	vst v11  }
0x271: {  	v3 =	vld.idx.msk [tilespmem:v3+s24+$0x0], $0xffff;
	_ =	sdelay $0x4  }
0x272: {  	v3 =	vmul.f32 v3, v45;
	_ =	sdelay $0x1  }
0x273: {  	[tilespmem:$0x1A000] =	vst v3  }
0x274: {  	v3 =	vld.idx.msk [tilespmem:v4+s24+$0x0], $0xffff;
	_ =	sdelay $0x4  }
0x275: {  	v3 =	vmul.f32 v3, v46;
	_ =	sdelay $0x1  }
0x276: {  	[tilespmem:$0x1A080] =	vst v3  }
0x277: {  	v3 =	vld.idx.msk [tilespmem:v5+s24+$0x0], $0xffff;
	_ =	sdelay $0x4  }
0x278: {  	v3 =	vmul.f32 v3, v47;
	_ =	sdelay $0x1  }
0x279: {  	[tilespmem:$0x1A100] =	vst v3  }
0x27a: {  	v3 =	vld.idx.msk [tilespmem:v6+s24+$0x0], $0xffff;
	_ =	sdelay $0x4  }
0x27b: {  	v3 =	vmul.f32 v3, v48;
	_ =	sdelay $0x1  }
0x27c: {  	[tilespmem:$0x1A180] =	vst v3  }
0x27d: {  	v3 =	vld.idx.msk [tilespmem:v7+s24+$0x0], $0xffff;
	_ =	sdelay $0x4  }
0x27e: {  	v3 =	vmul.f32 v3, v49;
	_ =	sdelay $0x1  }
0x27f: {  	[tilespmem:$0x1A200] =	vst v3  }
0x280: {  	v3 =	vld.idx.msk [tilespmem:v8+s24+$0x0], $0xffff;
	_ =	sdelay $0x4  }
0x281: {  	v3 =	vmul.f32 v3, v50;
	_ =	sdelay $0x1  }
0x282: {  	[tilespmem:$0x1A280] =	vst v3  }
0x283: {  	v3 =	vld.idx.msk [tilespmem:v9+s24+$0x0], $0xffff;
	_ =	sdelay $0x4  }
0x284: {  	v3 =	vmul.f32 v3, v51;
	_ =	sdelay $0x1  }
0x285: {  	[tilespmem:$0x1A300] =	vst v3  }
0x286: {  	v3 =	vld.idx.msk [tilespmem:v10+s24+$0x0], $0xffff;
	_ =	sdelay $0x1  }
0x287: {  	s28 =	rddreg [dreg:$0xf]  }
0x288: {  	s0 =	sadd.s32 $0x1, s28  }
0x289: {  	p0 =	slt.s32 s0, $0x1F  }
0x28a: {  	[dreg:$0x16] =	wrdreg s0;
	s0 =	simm.s32 @!p0 $0x1F;
	v3 =	vmul.f32 v3, v52  }
0x28b: {  	s0 =	sshll.u32 s0, $0x4  }
0x28c: {  	s0 =	sand.u32 $0x3FFFFFF0, s0;
	[tilespmem:$0x1A380] =	vst v3  }
0x28d: {  	v53 =	vld [tilespmem:s0+$0x0];
	_ =	sdelay $0x4  }
0x28e: {  	v20 =	vand.u32 $0xFFFFFF80, v53  }
0x28f: {  	(v2sf) =	vpush v20, $0x1  }
0x290: {  	(v2sf) =	vpush v20, $0x0  }
0x291: {  	(v2sf) =	vpush v20, $0x2  }
0x292: {  	(v2sf) =	vpush v20, $0x3  }
0x293: {  	(v2sf) =	vpush v20, $0x4  }
0x294: {  	(v2sf) =	vpush v20, $0x5;
	_ =	sdelay $0x1  }
0x295: {  	(v2sf) =	vpush v20, $0x6;
	_ =	sdelay $0x1  }
0x296: {  	(v2sf) =	vpush v20, $0x7;
	_ =	sdelay $0x1  }
0x297: {  	(v2sf) =	vpush v20, $0x8;
	_ =	sdelay $0x1  }
0x298: {  	s4 =	simm.s32 $0x2;
	(v2sf) =	vpush v20, $0x9  }
0x299: {  	s30 =	simm.s32 $0x1;
	s8 =	simm.s32 $0x1;
	s16 =	simm.s32 $0x1  }
0x29a: {  	s17 =	simm.s32 $0x1;
	s18 =	simm.s32 $0x1;
	s14 =	spop (v2sf)  }
0x29b: {  	s29 =	simm.s32 $0x1;
	s20 =	simm.s32 $0x1;
	(v2sf) =	vpush v20, $0xA;
	s2 =	spop (v2sf)  }
0x29c: {  	s31 =	simm.s32 $0x1;
	s0 =	simm.s32 $0x1;
	s3 =	spop (v2sf)  }
0x29d: {  	(v2sf) =	vpush v20, $0xB;
	p6 =	sne.s32 s14, s2;
	s11 =	spop (v2sf);
	p5 =	sne.s32 s3, s14  }
0x29e: {  	s4 =	simm.s32 @!p6 $0x1;
	s9 =	spop (v2sf);
	s0 =	simm.s32 @!p5 $0x0  }
0x29f: {  	[smem:$0x7E1] =	sst s4;
	p4 =	sne.s32 s11, s3;
	s19 =	spop (v2sf)  }
0x2a0: {  	[dreg:$0x1e] =	wrdreg s0;
	s4 =	sadd.s32 s0, s4;
	s30 =	simm.s32 @!p4 $0x0  }
0x2a1: {  	p3 =	sne.s32 s9, s11;
	s0 =	simm.s32 $0x1;
	s7 =	spop (v2sf)  }
0x2a2: {  	[smem:$0x7E2] =	sst s4;
	s4 =	sadd.s32 s30, s4;
	s0 =	simm.s32 @!p3 $0x0  }
0x2a3: {  	p2 =	sne.s32 s19, s9;
	s23 =	spop (v2sf);
	[smem:$0x7E3] =	sst s4  }
0x2a4: {  	(v2sf) =	vpush v20, $0xC;
	s5 =	sadd.s32 s0, s4;
	p0 =	sne.s32 s7, s19;
	s8 =	simm.s32 @!p2 $0x0  }
0x2a5: {  	s1 =	spop (v2sf);
	s4 =	simm.s32 @!p0 $0x0;
	[dreg:$0x12] =	wrdreg s8  }
0x2a6: {  	(v2sf) =	vpush v20, $0xD;
	s16 =	simm.s32 @!p0 $0x0;
	p1 =	sne.s32 s23, s7;
	[dreg:$0x1f] =	wrdreg s5  }
0x2a7: {  	s5 =	sadd.s32 s8, s5;
	s15 =	spop (v2sf);
	s4 =	simm.s32 @p0 $0x1  }
0x2a8: {  	p0 =	sne.s32 s1, s23;
	s6 =	simm.s32 @!p1 $0x0;
	[smem:$0x7E9] =	sst s5  }
0x2a9: {  	s17 =	simm.s32 @!p1 $0x0;
	s5 =	sadd.s32 s16, s5;
	[smem:$0x7E4] =	sst s4  }
0x2aa: {  	s10 =	spop (v2sf);
	s4 =	simm.s32 $0x1;
	[dreg:$0x11] =	wrdreg s17  }
0x2ab: {  	(v2sf) =	vpush v20, $0xE;
	s6 =	simm.s32 @p1 $0x1;
	p1 =	sne.s32 s15, s1;
	[smem:$0x7EB] =	sst s5  }
0x2ac: {  	s5 =	sadd.s32 s17, s5;
	s13 =	spop (v2sf);
	[smem:$0x7E5] =	sst s6  }
0x2ad: {  	s6 =	simm.s32 @!p0 $0x0;
	s4 =	simm.s32 @!p0 $0x0;
	s18 =	simm.s32 @!p1 $0x0  }
0x2ae: {  	[smem:$0x7EC] =	sst s5;
	s6 =	simm.s32 @p0 $0x1;
	p0 =	sne.s32 s10, s15  }
0x2af: {  	s5 =	sadd.s32 s4, s5;
	[smem:$0x7E6] =	sst s6;
	s6 =	simm.s32 @!p1 $0x0  }
0x2b0: {  	s29 =	simm.s32 @!p0 $0x0;
	[dreg:$0x1d] =	wrdreg s5;
	s6 =	simm.s32 @p1 $0x1  }
0x2b1: {  	s5 =	sadd.s32 s18, s5;
	[smem:$0x7E7] =	sst s6;
	s6 =	simm.s32 @!p0 $0x0  }
0x2b2: {  	[dreg:$0x1c] =	wrdreg s5;
	s6 =	simm.s32 @p0 $0x1;
	p0 =	sne.s32 s13, s10  }
0x2b3: {  	(v2sf) =	vpush v20, $0xF;
	s8 =	spop (v2sf);
	[smem:$0x7E8] =	sst s6;
	s6 =	simm.s32 @!p0 $0x0  }
0x2b4: {  	s20 =	simm.s32 @!p0 $0x0;
	s6 =	simm.s32 @p0 $0x1;
	p0 =	sne.s32 s8, s13  }
0x2b5: {  	s17 =	spop (v2sf);
	[smem:$0x7EA] =	sst s6;
	s6 =	simm.s32 @!p0 $0x0  }
0x2b6: {  	s31 =	simm.s32 @!p0 $0x0;
	s6 =	simm.s32 @p0 $0x1;
	p0 =	sne.s32 s17, s8  }
0x2b7: {  	[smem:$0x7ED] =	sst s6;
	s6 =	sadd.s32 s29, s5;
	s26 =	simm.s32 @!p0 $0x0  }
0x2b8: {  	s26 =	simm.s32 @p0 $0x1;
	[dreg:$0x1b] =	wrdreg s6  }
0x2b9: {  	s6 =	sadd.s32 s20, s6;
	[smem:$0x7EE] =	sst s26  }
0x2ba: {  	s5 =	simm.s32 $0x1;
	s26 =	spop (v2sf);
	[dreg:$0x1a] =	wrdreg s6  }
0x2bb: {  	s5 =	simm.s32 @!p0 $0x0;
	[dreg:$0x17] =	wrdreg s26;
	p0 =	sne.s32 s26, s17  }
0x2bc: {  	s26 =	simm.s32 $0x1;
	[smem:$0x7EF] =	sst s0;
	s0 =	simm.s32 @!p0 $0x0  }
0x2bd: {  	s26 =	simm.s32 @!p0 $0x0;
	s0 =	simm.s32 @p0 $0x1;
	p0 =	seq.s32 s28, $0x1F  }
.Ltmp9:
0x2be: {  	[smem:$0x7F0] =	sst s0;
	(pc) =	sbr.rel @p0 .LBB2_10-.Ltmp9, $4  }
0x2bf: {  	s0 =	sld [smem:$0x7EF]  }
0x2c0: {  	s6 =	sadd.s32 s31, s6;
	[dreg:$0x13] =	wrdreg s5  }
0x2c1: {  	s5 =	sadd.s32 s5, s6;
	[dreg:$0x15] =	wrdreg s26  }
0x2c2: {  	[dreg:$0x18] =	wrdreg s5;
	s26 =	sadd.s32 s26, s5;
	s5 =	spop (v2sf)  }
0x2c3: {  	[dreg:$0x10] =	wrdreg s29  }
0x2c4: {  	s29 =	rddreg [dreg:$0x2]  }
0x2c5: {  	[dreg:$0x14] =	wrdreg s26  }
0x2c6: {  	p0 =	seq.s32 s14, s2;
	[dreg:$0x19] =	wrdreg s6;
	s6 =	smov.u32 s5  }
0x2c7: {  	s26 =	simm.s32 $0x400;
	s25 =	smov.u32 s31;
	s31 =	simm.s32 $0x1400  }
0x2c8: {  	s28 =	simm.s32 $0x7A1400;
	s24 =	sadd.s32 s29, s2;
	s2 =	sadd.s32 @!p0 s29, s14  }
0x2c9: {  	[tilespmem:s31], [sflag:$0x1] =	stream.strided.gather [hbm4b:s24+s26], $0x800, s28, s26, $0x38;
	[tilespmem:$0x1AD80] =	vst v63  }
0x2ca: {  	s5 =	simm.s32 @!p0 $0x400;
	s26 =	simm.s32 @!p0 $0x7A1400;
	s28 =	simm.s32 @!p0 $0x1C00  }
0x2cb: {  	[tilespmem:s28], [sflag:$0x1] =	stream.strided.gather @!p0 [hbm4b:s2+s5], $0x800, s26, s5, $0x38;
	[tilespmem:$0x1AD80] =	vst v63  }
0x2cc: {  	s2 =	sld [smem:$0x7E1];
	_ =	sdelay $0x1  }
0x2cd: {  	p0 =	seq.s32 s3, s14  }
0x2ce: {  	s5 =	sadd.s32 @!p0 s29, s3;
	s2 =	sshll.u32 @!p0 s2, $0xB  }
0x2cf: {  	s14 =	simm.s32 @!p0 $0x400;
	s26 =	simm.s32 @!p0 $0x7A1400;
	s2 =	sadd.s32 @!p0 $0x1400, s2  }
0x2d0: {  	[tilespmem:s2], [sflag:$0x1] =	stream.strided.gather @!p0 [hbm4b:s5+s14], $0x800, s26, s14, $0x38;
	[tilespmem:$0x1AD80] =	vst v63  }
0x2d1: {  	s2 =	sld [smem:$0x7E2];
	_ =	sdelay $0x1  }
0x2d2: {  	p0 =	seq.s32 s11, s3  }
0x2d3: {  	s3 =	sadd.s32 @!p0 s29, s11;
	s2 =	sshll.u32 @!p0 s2, $0xB  }
0x2d4: {  	s5 =	simm.s32 @!p0 $0x400;
	s14 =	simm.s32 @!p0 $0x7A1400;
	s2 =	sadd.s32 @!p0 $0x1400, s2  }
0x2d5: {  	[tilespmem:s2], [sflag:$0x1] =	stream.strided.gather @!p0 [hbm4b:s3+s5], $0x800, s14, s5, $0x38;
	[tilespmem:$0x1AD80] =	vst v63  }
0x2d6: {  	s2 =	sld [smem:$0x7E3];
	_ =	sdelay $0x1  }
0x2d7: {  	p0 =	seq.s32 s9, s11  }
0x2d8: {  	s3 =	sadd.s32 @!p0 s29, s9;
	s2 =	sshll.u32 @!p0 s2, $0xB  }
0x2d9: {  	s5 =	simm.s32 @!p0 $0x400;
	s11 =	simm.s32 @!p0 $0x7A1400;
	s2 =	sadd.s32 @!p0 $0x1400, s2  }
0x2da: {  	[tilespmem:s2], [sflag:$0x1] =	stream.strided.gather @!p0 [hbm4b:s3+s5], $0x800, s11, s5, $0x38;
	[tilespmem:$0x1AD80] =	vst v63  }
0x2db: {  	p0 =	seq.s32 s19, s9;
	s2 =	rddreg [dreg:$0x1f]  }
0x2dc: {  	s2 =	sshll.u32 @!p0 s2, $0xB;
	s3 =	sadd.s32 @!p0 s29, s19  }
0x2dd: {  	s5 =	simm.s32 @!p0 $0x400;
	s9 =	simm.s32 @!p0 $0x7A1400;
	s2 =	sadd.s32 @!p0 $0x1400, s2  }
0x2de: {  	[tilespmem:s2], [sflag:$0x1] =	stream.strided.gather @!p0 [hbm4b:s3+s5], $0x800, s9, s5, $0x38;
	[tilespmem:$0x1AD80] =	vst v63  }
0x2df: {  	s2 =	sld [smem:$0x7E9];
	_ =	sdelay $0x1  }
0x2e0: {  	p0 =	seq.s32 s7, s19  }
0x2e1: {  	s3 =	sadd.s32 @!p0 s29, s7;
	s2 =	sshll.u32 @!p0 s2, $0xB  }
0x2e2: {  	s5 =	simm.s32 @!p0 $0x400;
	s9 =	simm.s32 @!p0 $0x7A1400;
	s2 =	sadd.s32 @!p0 $0x1400, s2  }
0x2e3: {  	[tilespmem:s2], [sflag:$0x1] =	stream.strided.gather @!p0 [hbm4b:s3+s5], $0x800, s9, s5, $0x38;
	[tilespmem:$0x1AD80] =	vst v63  }
0x2e4: {  	s2 =	sld [smem:$0x7EB];
	_ =	sdelay $0x1  }
0x2e5: {  	p0 =	seq.s32 s23, s7  }
0x2e6: {  	s3 =	sadd.s32 @!p0 s29, s23;
	s2 =	sshll.u32 @!p0 s2, $0xB  }
0x2e7: {  	s5 =	simm.s32 @!p0 $0x400;
	s7 =	simm.s32 @!p0 $0x7A1400;
	s2 =	sadd.s32 @!p0 $0x1400, s2  }
0x2e8: {  	[tilespmem:s2], [sflag:$0x1] =	stream.strided.gather @!p0 [hbm4b:s3+s5], $0x800, s7, s5, $0x38;
	[tilespmem:$0x1AD80] =	vst v63  }
0x2e9: {  	s2 =	sld [smem:$0x7EC];
	_ =	sdelay $0x1  }
0x2ea: {  	p0 =	seq.s32 s1, s23  }
0x2eb: {  	s2 =	sshll.u32 @!p0 s2, $0xB  }
0x2ec: {  	s3 =	sadd.s32 @!p0 s29, s1;
	s2 =	sand.u32 @!p0 $0x3FFFF800, s2  }
0x2ed: {  	s5 =	simm.s32 @!p0 $0x400;
	s7 =	simm.s32 @!p0 $0x7A1400;
	s2 =	sadd.s32 @!p0 $0x1400, s2  }
0x2ee: {  	[tilespmem:s2], [sflag:$0x1] =	stream.strided.gather @!p0 [hbm4b:s3+s5], $0x800, s7, s5, $0x38;
	[tilespmem:$0x1AD80] =	vst v63  }
0x2ef: {  	p0 =	seq.s32 s15, s1;
	s1 =	rddreg [dreg:$0x1d]  }
0x2f0: {  	s1 =	sshll.u32 @!p0 s1, $0xB  }
0x2f1: {  	s2 =	sadd.s32 @!p0 s29, s15;
	s1 =	sand.u32 @!p0 $0x3FFFF800, s1  }
0x2f2: {  	s3 =	simm.s32 @!p0 $0x400;
	s5 =	simm.s32 @!p0 $0x7A1400;
	s1 =	sadd.s32 @!p0 $0x1400, s1  }
0x2f3: {  	[tilespmem:s1], [sflag:$0x1] =	stream.strided.gather @!p0 [hbm4b:s2+s3], $0x800, s5, s3, $0x38;
	[tilespmem:$0x1AD80] =	vst v63  }
0x2f4: {  	p0 =	seq.s32 s10, s15;
	s1 =	rddreg [dreg:$0x1c]  }
0x2f5: {  	s1 =	sshll.u32 @!p0 s1, $0xB  }
0x2f6: {  	s2 =	sadd.s32 @!p0 s29, s10;
	s1 =	sand.u32 @!p0 $0x3FFFF800, s1  }
0x2f7: {  	s3 =	simm.s32 @!p0 $0x400;
	s5 =	simm.s32 @!p0 $0x7A1400;
	s1 =	sadd.s32 @!p0 $0x1400, s1  }
0x2f8: {  	[tilespmem:s1], [sflag:$0x1] =	stream.strided.gather @!p0 [hbm4b:s2+s3], $0x800, s5, s3, $0x38;
	[tilespmem:$0x1AD80] =	vst v63  }
0x2f9: {  	p0 =	seq.s32 s13, s10;
	s1 =	rddreg [dreg:$0x1b]  }
0x2fa: {  	s1 =	sshll.u32 @!p0 s1, $0xB  }
0x2fb: {  	s2 =	sadd.s32 @!p0 s29, s13;
	s1 =	sand.u32 @!p0 $0x3FFFF800, s1  }
0x2fc: {  	s3 =	simm.s32 @!p0 $0x400;
	s5 =	simm.s32 @!p0 $0x7A1400;
	s1 =	sadd.s32 @!p0 $0x1400, s1  }
0x2fd: {  	[tilespmem:s1], [sflag:$0x1] =	stream.strided.gather @!p0 [hbm4b:s2+s3], $0x800, s5, s3, $0x38;
	[tilespmem:$0x1AD80] =	vst v63  }
0x2fe: {  	p0 =	seq.s32 s8, s13;
	s1 =	rddreg [dreg:$0x1a]  }
0x2ff: {  	s1 =	sshll.u32 @!p0 s1, $0xB  }
0x300: {  	s2 =	sadd.s32 @!p0 s29, s8;
	s1 =	sand.u32 @!p0 $0x3FFFF800, s1  }
0x301: {  	s3 =	simm.s32 @!p0 $0x400;
	s5 =	simm.s32 @!p0 $0x7A1400;
	s1 =	sadd.s32 @!p0 $0x1400, s1  }
0x302: {  	[tilespmem:s1], [sflag:$0x1] =	stream.strided.gather @!p0 [hbm4b:s2+s3], $0x800, s5, s3, $0x38;
	[tilespmem:$0x1AD80] =	vst v63  }
0x303: {  	p0 =	seq.s32 s17, s8;
	s1 =	rddreg [dreg:$0x19]  }
0x304: {  	s1 =	sshll.u32 @!p0 s1, $0xB  }
0x305: {  	s7 =	rddreg [dreg:$0x17];
	s2 =	sadd.s32 @!p0 s29, s17;
	s1 =	sand.u32 @!p0 $0x3FFFF800, s1  }
0x306: {  	s3 =	simm.s32 @!p0 $0x400;
	s5 =	simm.s32 @!p0 $0x7A1400;
	s1 =	sadd.s32 @!p0 $0x1400, s1  }
0x307: {  	[tilespmem:s1], [sflag:$0x1] =	stream.strided.gather @!p0 [hbm4b:s2+s3], $0x800, s5, s3, $0x38;
	[tilespmem:$0x1AD80] =	vst v63  }
0x308: {  	s26 =	rddreg [dreg:$0x18];
	p0 =	seq.s32 s7, s17  }
0x309: {  	s1 =	sshll.u32 @!p0 s26, $0xB  }
0x30a: {  	s31 =	smov.u32 s25;
	s2 =	sadd.s32 @!p0 s29, s7;
	s1 =	sand.u32 @!p0 $0x3FFFF800, s1  }
0x30b: {  	s3 =	simm.s32 @!p0 $0x400;
	s5 =	simm.s32 @!p0 $0x7A1400;
	s1 =	sadd.s32 @!p0 $0x1400, s1  }
0x30c: {  	[tilespmem:s1], [sflag:$0x1] =	stream.strided.gather @!p0 [hbm4b:s2+s3], $0x800, s5, s3, $0x38;
	[tilespmem:$0x1AD80] =	vst v63  }
0x30d: {  	s25 =	simm.s32 $0x9400;
	p0 =	seq.s32 s6, s7;
	s1 =	rddreg [dreg:$0x14]  }
.Ltmp10:
0x30e: {  	s26 =	rddreg [dreg:$0x14];
	s1 =	sshll.u32 @!p0 s1, $0xB;
	(pc) =	sbr.rel .LBB2_10-.Ltmp10, $4  }
0x30f: {  	s2 =	sadd.s32 @!p0 s29, s6;
	s29 =	rddreg [dreg:$0x10];
	s1 =	sand.u32 @!p0 $0x3FFFF800, s1  }
0x310: {  	s3 =	simm.s32 @!p0 $0x400;
	s5 =	simm.s32 @!p0 $0x7A1400;
	s1 =	sadd.s32 @!p0 $0x1400, s1  }
0x311: {  	[tilespmem:s1], [sflag:$0x1] =	stream.strided.gather @!p0 [hbm4b:s2+s3], $0x800, s5, s3, $0x38;
	[tilespmem:$0x1AD80] =	vst v63  }
0x312: {  	s24 =	simm.s32 $0x1400;
	s5 =	smov.u32 s6;
	s6 =	rddreg [dreg:$0x19]  }
.LBB2_12:
0x313: {  	_ =	sfence.sel $0x180000  }
0x314: {  	[bflag:$0x0] =	sbarrier.arrive $0xFFFF  }
0x315: {  	_ =	strace $0x9000004A  }
0x316: {  	s0 =	stileid.u32;
	[bflag:$0x2] =	sbarrier.arrive $0xFFFF  }
0x317: {  	p0 =	sne.s32 s0, $0x0;
	s0 =	rddreg [dreg:$0x6]  }
0x318: {  	s0 =	sadd.s32 @!p0 $0x100000, s0  }
0x319: {  	[sflag:s0] =	ssyncadd.tile.s32 @!p0 $0x1;
	_ =	shalt  }
.Lfunc_end2:
_tile_overlayer_lowered:
.L_overlay_start_2:
0x31a: {  	(tag) =	ssettag $0x2  }
0x31b: {  	s0 =	rddreg [dreg:$0x0];
	s2 =	stileid.u32  }
0x31c: {  	s1 =	rddreg [dreg:$0x1];
	p0 =	sne.s32 s2, $0x0  }
0x31d: {  	s3 =	rddreg [dreg:$0x2];
	[bflag:$0x3] =	sbarrier.arrive $0xFFFF;
	s2 =	simm.s32 @!p0 $0x1C03  }
0x31e: {  	[timem:s3], [sflag:s2] =	dma.local @!p0 [hbm:s0], s1  }
0x31f: {  	s0 =	simm.s32 @!p0 $0x3  }
0x320: {  	_ =	swait.ge @!p0 [sflag:s0], s1  }
0x321: {  	s1 =	ssub.s32 @!p0 $0x0, s1;
	[sflag:s0] =	ssyncset.done @!p0 $0x0  }
0x322: {  	[sflag:s0] =	ssyncadd.s32 @!p0 s1  }
0x323: {  	[bflag:$0x3] =	sbarrier.arrive $0xFFFF  }
0x324: {  	_ =	shalt  }

</sc_bundles>
